<compile_context>
chip_gen: v7x
topology: tpu7x:2x2x1
jax: 0.10.2.dev20260603
libtpu: 0.0.44.dev20260713+nightly
codegen_flags: <defaults>
</compile_context>

<pallas_src>
import functools

import jax
import jax.numpy as jnp
from jax import lax
from jax.experimental import pallas as pl
from jax.experimental.pallas import tpu as pltpu
from jax.experimental.pallas import tpu_sc as plsc

N = 10000
NP = 10240
D = 128
E = 320000
NT = 16
STEPS = 160
CH = 40
EPT = STEPS * 128
EPAD = NT * EPT
RPT = NP // NT
TRASH = N
BR = 512

_mesh = plsc.VectorSubcoreMesh(
    core_axis_name="c", subcore_axis_name="s", num_cores=2, num_subcores=NT)



@functools.partial(
    pl.kernel,
    out_type=jax.ShapeDtypeStruct((2 * NP, 16), jnp.float32),
    mesh=_mesh,
    scratch_types=[
        pltpu.VMEM_SHARED((NP, 16), jnp.float32),
        pltpu.VMEM((STEPS, 128), jnp.int32),
        pltpu.VMEM((128, 16), jnp.float32),
        pltpu.VMEM((128, 16), jnp.float32),
    ],
    compiler_params=pltpu.CompilerParams(use_tc_tiling_on_sc=False),
)
def _sc_degree(sidx_hbm, z_hbm, o_hbm, deg_hbm, acc, si, ones_v, zv):
    c = lax.axis_index("c")
    s = lax.axis_index("s")
    r0 = s * RPT
    pltpu.sync_copy(z_hbm, zv)
    pltpu.sync_copy(o_hbm, ones_v)
    pltpu.sync_copy(sidx_hbm.at[c, s], si)
    for k in range(RPT // 128):
        pltpu.sync_copy(zv, acc.at[pl.ds(r0 + k * 128, 128)])
    plsc.subcore_barrier()

    def body(j, carry):
        pltpu.sync_copy(ones_v, acc.at[si.at[j]], add=True)
        return carry

    lax.fori_loop(0, STEPS, body, 0)
    plsc.subcore_barrier()
    for k in range(RPT // 128):
        pltpu.sync_copy(acc.at[pl.ds(r0 + k * 128, 128)], zv)
        pltpu.sync_copy(zv, deg_hbm.at[pl.ds(c * NP + r0 + k * 128, 128)])



@functools.partial(
    pl.kernel,
    out_type=jax.ShapeDtypeStruct((2 * NP, D), jnp.float32),
    mesh=_mesh,
    scratch_types=[
        pltpu.VMEM_SHARED((NP, D), jnp.float32),
        pltpu.VMEM((CH, 128), jnp.int32),
        pltpu.VMEM((CH, 128), jnp.int32),
        pltpu.VMEM((128, D), jnp.float32),
        pltpu.SemaphoreType.DMA,
    ],
    compiler_params=pltpu.CompilerParams(use_tc_tiling_on_sc=False),
)
def _sc_aggregate(g_hbm, gidx_hbm, sidx_hbm, agg_hbm, acc, gi, si, buf, sem):
    c = lax.axis_index("c")
    s = lax.axis_index("s")
    r0 = s * RPT
    for k in range(RPT // 128):
        pltpu.sync_copy(g_hbm.at[pl.ds(c * NP + r0 + k * 128, 128)], buf)
        pltpu.sync_copy(buf, acc.at[pl.ds(r0 + k * 128, 128)])
    plsc.subcore_barrier()

    def body(j, carry):
        pltpu.async_copy(g_hbm.at[gi.at[j]], buf, sem).wait()
        pltpu.sync_copy(buf, acc.at[si.at[j]], add=True)
        return carry

    for ch in range(STEPS // CH):
        pltpu.sync_copy(gidx_hbm.at[c, s, pl.ds(ch * CH, CH)], gi)
        pltpu.sync_copy(sidx_hbm.at[c, s, pl.ds(ch * CH, CH)], si)
        lax.fori_loop(0, CH, body, 0)
    plsc.subcore_barrier()
    for k in range(RPT // 128):
        pltpu.sync_copy(acc.at[pl.ds(r0 + k * 128, 128)], buf)
        pltpu.sync_copy(buf, agg_hbm.at[pl.ds(c * NP + r0 + k * 128, 128)])



def _dinv(deg_ref):
    dvf = lax.rsqrt(deg_ref[0, :, 0:1] + 1.0)
    dvb = lax.rsqrt(deg_ref[1, :, 0:1] + 1.0)
    return dvf, dvb


def _prep_body(x_ref, deg_ref, wf_ref, wb_ref, g_ref):
    dvf, dvb = _dinv(deg_ref)
    h = x_ref[...]
    g_ref[0] = dvf * jnp.dot(h, wf_ref[...], preferred_element_type=jnp.float32)
    g_ref[1] = dvb * jnp.dot(h, wb_ref[...], preferred_element_type=jnp.float32)


def _layer_body(agg_ref, deg_ref, wf_ref, wb_ref, bf_ref, bb_ref, g_ref):
    dvf, dvb = _dinv(deg_ref)
    hf = jnp.maximum(dvf * agg_ref[0] + bf_ref[...], 0.0)
    hb = jnp.maximum(dvb * agg_ref[1] + bb_ref[...], 0.0)
    h = jnp.concatenate([hf, hb], axis=1)
    g_ref[0] = dvf * jnp.dot(h, wf_ref[...], preferred_element_type=jnp.float32)
    g_ref[1] = dvb * jnp.dot(h, wb_ref[...], preferred_element_type=jnp.float32)


def _final_body(agg_ref, deg_ref, bf_ref, bb_ref, o_ref):
    dvf, dvb = _dinv(deg_ref)
    o_ref[:, 0:D] = dvf * agg_ref[0] + bf_ref[...]
    o_ref[:, D : 2 * D] = dvb * agg_ref[1] + bb_ref[...]


_G_SPEC = pl.BlockSpec((2, BR, D), lambda i: (0, i, 0))
_DEG_SPEC = pl.BlockSpec((2, BR, 16), lambda i: (0, i, 0))
_BIAS_SPEC = pl.BlockSpec((1, D), lambda i: (0, 0))


def _tc_prep(x_pad, deg, Wf, Wb):
    return pl.pallas_call(
        _prep_body,
        grid=(NP // BR,),
        in_specs=[
            pl.BlockSpec((BR, D), lambda i: (i, 0)),
            _DEG_SPEC,
            pl.BlockSpec((D, D), lambda i: (0, 0)),
            pl.BlockSpec((D, D), lambda i: (0, 0)),
        ],
        out_specs=_G_SPEC,
        out_shape=jax.ShapeDtypeStruct((2, NP, D), jnp.float32),
    )(x_pad, deg, Wf, Wb)


def _tc_layer(agg, deg, Wf, Wb, bf, bb):
    return pl.pallas_call(
        _layer_body,
        grid=(NP // BR,),
        in_specs=[
            _G_SPEC,
            _DEG_SPEC,
            pl.BlockSpec((2 * D, D), lambda i: (0, 0)),
            pl.BlockSpec((2 * D, D), lambda i: (0, 0)),
            _BIAS_SPEC,
            _BIAS_SPEC,
        ],
        out_specs=_G_SPEC,
        out_shape=jax.ShapeDtypeStruct((2, NP, D), jnp.float32),
    )(agg, deg, Wf, Wb, bf, bb)


def _tc_final(agg, deg, bf, bb):
    return pl.pallas_call(
        _final_body,
        grid=(NP // BR,),
        in_specs=[_G_SPEC, _DEG_SPEC, _BIAS_SPEC, _BIAS_SPEC],
        out_specs=pl.BlockSpec((BR, 2 * D), lambda i: (i, 0)),
        out_shape=jax.ShapeDtypeStruct((NP, 2 * D), jnp.float32),
    )(agg, deg, bf, bb)



def kernel(x, edge_index, Wf0, bf0, Wb0, bb0, Wf1, bf1, Wb1, bb1,
           Wf2, bf2, Wb2, bb2):
    pads = EPAD - E
    fill = N + (jnp.arange(pads, dtype=jnp.int32) % (NP - N))
    src = jnp.concatenate([edge_index[0], fill])
    dst = jnp.concatenate([edge_index[1], fill])
    gidx = jnp.stack([src, dst + NP]).reshape(2, NT, STEPS, 128)
    sidx = jnp.stack([dst, src]).reshape(2, NT, STEPS, 128)

    x_pad = jnp.pad(x, ((0, NP - N), (0, 0)))
    zeros16 = jnp.zeros((128, 16), jnp.float32)
    ones16 = jnp.ones((128, 16), jnp.float32)

    deg = _sc_degree(sidx, zeros16, ones16).reshape(2, NP, 16)

    g = _tc_prep(x_pad, deg, Wf0, Wb0)
    bf_prev, bb_prev = bf0.reshape(1, D), bb0.reshape(1, D)
    for Wf, bf, Wb, bb in ((Wf1, bf1, Wb1, bb1), (Wf2, bf2, Wb2, bb2)):
        agg = _sc_aggregate(g.reshape(2 * NP, D), gidx, sidx).reshape(2, NP, D)
        g = _tc_layer(agg, deg, Wf, Wb, bf_prev, bb_prev)
        bf_prev, bb_prev = bf.reshape(1, D), bb.reshape(1, D)
    agg = _sc_aggregate(g.reshape(2 * NP, D), gidx, sidx).reshape(2, NP, D)
    out = _tc_final(agg, deg, bf_prev, bb_prev)
    return out[:N]

# --- scband reference (transcript-rebuilt; emitter-appended) ---
"""Pipeline reference for scband-dgcn-6811818131849 (READ-ONLY COPY).

The authoritative reference and input builder live on the scoring server;
editing this copy changes nothing except your own understanding.
"""

import jax, jax.numpy as jnp
import numpy as np

N = 10000
E = 320000
D = 128
H = 128


def setup_inputs(seed: int = 0) -> dict:
    key = jax.random.key(seed)
    ks = jax.random.split(key, 16)
    x = jax.random.normal(ks[0], (N, D), dtype=jnp.float32)
    edge_index = jax.random.randint(ks[1], (2, E), 0, N, dtype=jnp.int32)
    def w(k, i, o):
        return jax.random.normal(k, (i, o), dtype=jnp.float32) * 0.05
    inp = {
        "x": x,
        "edge_index": edge_index,
        "Wf0": w(ks[2], D, H),      "bf0": jnp.zeros((H,), jnp.float32),
        "Wb0": w(ks[3], D, H),      "bb0": jnp.zeros((H,), jnp.float32),
        "Wf1": w(ks[4], 2 * H, H),  "bf1": jnp.zeros((H,), jnp.float32),
        "Wb1": w(ks[5], 2 * H, H),  "bb1": jnp.zeros((H,), jnp.float32),
        "Wf2": w(ks[6], 2 * H, H),  "bf2": jnp.zeros((H,), jnp.float32),
        "Wb2": w(ks[7], 2 * H, H),  "bb2": jnp.zeros((H,), jnp.float32),
    }
    return inp


def gcn_conv(x, edge_index, W, b):
    # PyG GCNConv semantics: add self-loops, symmetric normalization, scatter-add aggregation
    n = x.shape[0]
    loop = jnp.arange(n, dtype=edge_index.dtype)
    row = jnp.concatenate([edge_index[0], loop])  # source
    col = jnp.concatenate([edge_index[1], loop])  # target
    deg = jnp.zeros((n,), x.dtype).at[col].add(1.0)
    dinv = jnp.where(deg > 0, jax.lax.rsqrt(jnp.maximum(deg, 1e-12)), 0.0)
    norm = dinv[row] * dinv[col]
    h = x @ W
    msg = h[row] * norm[:, None]
    out = jnp.zeros((n, W.shape[1]), x.dtype).at[col].add(msg)
    return out + b


def reference(x, edge_index, Wf0, bf0, Wb0, bb0, Wf1, bf1, Wb1, bb1, Wf2, bf2, Wb2, bb2):
    ei_f = edge_index
    ei_b = jnp.stack([edge_index[1], edge_index[0]], axis=0)
    fw = [(Wf0, bf0), (Wf1, bf1), (Wf2, bf2)]
    bw = [(Wb0, bb0), (Wb1, bb1), (Wb2, bb2)]
    h = x
    num_layers = 3
    for i in range(num_layers):
        hf = gcn_conv(h, ei_f, fw[i][0], fw[i][1])
        hb = gcn_conv(h, ei_b, bw[i][0], bw[i][1])
        h = jnp.concatenate([hf, hb], axis=1)
        if i != num_layers - 1:
            h = jax.nn.relu(h)
            # dropout disabled (eval mode) for deterministic reference
    return h

if __name__ == "__main__":
    import jax
    _d = setup_inputs()
    print(jax.jit(kernel)(*tuple(_d.values())))

</pallas_src>

<mosaic_0001>
#map = affine_map<(d0, d1) -> (0, 0)>
#map1 = affine_map<(d0, d1) -> (0, 0, 0, 0)>
module attributes {stable_mosaic.version = 14 : i64} {
  func.func @_sc_aggregate(%arg0: i32, %arg1: i32, %arg2: memref<20480x128xf32, #tpu.memory_space<hbm>>, %arg3: memref<2x16x160x128xi32, #tpu.memory_space<hbm>>, %arg4: memref<2x16x160x128xi32, #tpu.memory_space<hbm>>, %arg5: memref<20480x128xf32, #tpu.memory_space<hbm>>, %arg6: memref<10240x128xf32, #tpu.memory_space<vmem_shared>>, %arg7: memref<40x128xi32, #tpu.memory_space<vmem>>, %arg8: memref<40x128xi32, #tpu.memory_space<vmem>>, %arg9: memref<128x128xf32, #tpu.memory_space<vmem>>, %arg10: memref<!tpu.dma_semaphore, #tpu.memory_space<semaphore_mem>>) attributes {dimension_semantics = [#tpu.dimension_semantics<core_parallel>, #tpu.dimension_semantics<subcore_parallel>], iteration_bounds = array<i64: 2, 16>, scalar_prefetch = 0 : i64, scratch_operands = 5 : i64, tpu.core_type = #tpu.core_type<sc_vector_subcore>, window_params = [{transform_indices = #map}, {transform_indices = #map1}, {transform_indices = #map1}, {transform_indices = #map}]} {
    %mul3A = arith.constant 640 : i32
    %mul3A_0 = arith.muli %arg1, %mul3A : i32
    %mul3A_1 = arith.constant 10240 : i32
    %mul3A_2 = arith.muli %arg0, %mul3A_1 : i32
    %add3A = arith.addi %mul3A_2, %mul3A_0 : i32
    %add3A_3 = arith.constant 0 : i32
    %add3A_4 = arith.addi %add3A, %add3A_3 : i32
    "tpu.region"() ({
      %run_scoped3A = tpu.sem_alloc : memref<!tpu.dma_semaphore, #tpu.memory_space<semaphore_mem>>
      %dma_start3A = arith.constant 0 : i32
      %dma_start3A_94 = tpu.memref_slice %arg2[%add3A_4, %dma_start3A] : memref<20480x128xf32, #tpu.memory_space<hbm>> -> memref<128x128xf32, #tpu.memory_space<hbm>>
      %dma_start3A_95 = arith.constant 0 : i32
      %dma_start3A_96 = tpu.memref_slice %arg2[%add3A_4, %dma_start3A_95] : memref<20480x128xf32, #tpu.memory_space<hbm>> -> memref<128x128xf32, #tpu.memory_space<hbm>>
      tpu.enqueue_dma source(%dma_start3A_96 : memref<128x128xf32, #tpu.memory_space<hbm>>) target(%arg9 : memref<128x128xf32, #tpu.memory_space<vmem>>) target_semaphore(%run_scoped3A : memref<!tpu.dma_semaphore, #tpu.memory_space<semaphore_mem>>)
      %dma_wait3A = arith.constant 0 : i32
      %dma_wait3A_97 = tpu.memref_slice %arg2[%add3A_4, %dma_wait3A] : memref<20480x128xf32, #tpu.memory_space<hbm>> -> memref<128x128xf32, #tpu.memory_space<hbm>>
      %dma_wait3A_98 = arith.constant 0 : i32
      %dma_wait3A_99 = tpu.memref_slice %arg2[%add3A_4, %dma_wait3A_98] : memref<20480x128xf32, #tpu.memory_space<hbm>> -> memref<128x128xf32, #tpu.memory_space<hbm>>
      tpu.wait_dma2 semaphore(%run_scoped3A : memref<!tpu.dma_semaphore, #tpu.memory_space<semaphore_mem>>) src(%dma_wait3A_99 : memref<128x128xf32, #tpu.memory_space<hbm>>) dst(%arg9 : memref<128x128xf32, #tpu.memory_space<vmem>>)
      tpu.yield
    }) : () -> ()
    %add3A_5 = arith.constant 0 : i32
    %add3A_6 = arith.addi %mul3A_0, %add3A_5 : i32
    "tpu.region"() ({
      %run_scoped3A = tpu.sem_alloc : memref<!tpu.dma_semaphore, #tpu.memory_space<semaphore_mem>>
      %dma_start3A = arith.constant 0 : i32
      %dma_start3A_94 = tpu.memref_slice %arg6[%add3A_6, %dma_start3A] : memref<10240x128xf32, #tpu.memory_space<vmem_shared>> -> memref<128x128xf32, #tpu.memory_space<vmem_shared>>
      %dma_start3A_95 = arith.constant 0 : i32
      %dma_start3A_96 = tpu.memref_slice %arg6[%add3A_6, %dma_start3A_95] : memref<10240x128xf32, #tpu.memory_space<vmem_shared>> -> memref<128x128xf32, #tpu.memory_space<vmem_shared>>
      tpu.enqueue_dma source(%arg9 : memref<128x128xf32, #tpu.memory_space<vmem>>) target(%dma_start3A_96 : memref<128x128xf32, #tpu.memory_space<vmem_shared>>) target_semaphore(%run_scoped3A : memref<!tpu.dma_semaphore, #tpu.memory_space<semaphore_mem>>)
      %dma_wait3A = arith.constant 0 : i32
      %dma_wait3A_97 = tpu.memref_slice %arg6[%add3A_6, %dma_wait3A] : memref<10240x128xf32, #tpu.memory_space<vmem_shared>> -> memref<128x128xf32, #tpu.memory_space<vmem_shared>>
      %dma_wait3A_98 = arith.constant 0 : i32
      %dma_wait3A_99 = tpu.memref_slice %arg6[%add3A_6, %dma_wait3A_98] : memref<10240x128xf32, #tpu.memory_space<vmem_shared>> -> memref<128x128xf32, #tpu.memory_space<vmem_shared>>
      tpu.wait_dma2 semaphore(%run_scoped3A : memref<!tpu.dma_semaphore, #tpu.memory_space<semaphore_mem>>) src(%arg9 : memref<128x128xf32, #tpu.memory_space<vmem>>) dst(%dma_wait3A_99 : memref<128x128xf32, #tpu.memory_space<vmem_shared>>)
      tpu.yield
    }) : () -> ()
    %mul3A_7 = arith.constant 10240 : i32
    %mul3A_8 = arith.muli %arg0, %mul3A_7 : i32
    %add3A_9 = arith.addi %mul3A_8, %mul3A_0 : i32
    %add3A_10 = arith.constant 128 : i32
    %add3A_11 = arith.addi %add3A_9, %add3A_10 : i32
    "tpu.region"() ({
      %run_scoped3A = tpu.sem_alloc : memref<!tpu.dma_semaphore, #tpu.memory_space<semaphore_mem>>
      %dma_start3A = arith.constant 0 : i32
      %dma_start3A_94 = tpu.memref_slice %arg2[%add3A_11, %dma_start3A] : memref<20480x128xf32, #tpu.memory_space<hbm>> -> memref<128x128xf32, #tpu.memory_space<hbm>>
      %dma_start3A_95 = arith.constant 0 : i32
      %dma_start3A_96 = tpu.memref_slice %arg2[%add3A_11, %dma_start3A_95] : memref<20480x128xf32, #tpu.memory_space<hbm>> -> memref<128x128xf32, #tpu.memory_space<hbm>>
      tpu.enqueue_dma source(%dma_start3A_96 : memref<128x128xf32, #tpu.memory_space<hbm>>) target(%arg9 : memref<128x128xf32, #tpu.memory_space<vmem>>) target_semaphore(%run_scoped3A : memref<!tpu.dma_semaphore, #tpu.memory_space<semaphore_mem>>)
      %dma_wait3A = arith.constant 0 : i32
      %dma_wait3A_97 = tpu.memref_slice %arg2[%add3A_11, %dma_wait3A] : memref<20480x128xf32, #tpu.memory_space<hbm>> -> memref<128x128xf32, #tpu.memory_space<hbm>>
      %dma_wait3A_98 = arith.constant 0 : i32
      %dma_wait3A_99 = tpu.memref_slice %arg2[%add3A_11, %dma_wait3A_98] : memref<20480x128xf32, #tpu.memory_space<hbm>> -> memref<128x128xf32, #tpu.memory_space<hbm>>
      tpu.wait_dma2 semaphore(%run_scoped3A : memref<!tpu.dma_semaphore, #tpu.memory_space<semaphore_mem>>) src(%dma_wait3A_99 : memref<128x128xf32, #tpu.memory_space<hbm>>) dst(%arg9 : memref<128x128xf32, #tpu.memory_space<vmem>>)
      tpu.yield
    }) : () -> ()
    %add3A_12 = arith.constant 128 : i32
    %add3A_13 = arith.addi %mul3A_0, %add3A_12 : i32
    "tpu.region"() ({
      %run_scoped3A = tpu.sem_alloc : memref<!tpu.dma_semaphore, #tpu.memory_space<semaphore_mem>>
      %dma_start3A = arith.constant 0 : i32
      %dma_start3A_94 = tpu.memref_slice %arg6[%add3A_13, %dma_start3A] : memref<10240x128xf32, #tpu.memory_space<vmem_shared>> -> memref<128x128xf32, #tpu.memory_space<vmem_shared>>
      %dma_start3A_95 = arith.constant 0 : i32
      %dma_start3A_96 = tpu.memref_slice %arg6[%add3A_13, %dma_start3A_95] : memref<10240x128xf32, #tpu.memory_space<vmem_shared>> -> memref<128x128xf32, #tpu.memory_space<vmem_shared>>
      tpu.enqueue_dma source(%arg9 : memref<128x128xf32, #tpu.memory_space<vmem>>) target(%dma_start3A_96 : memref<128x128xf32, #tpu.memory_space<vmem_shared>>) target_semaphore(%run_scoped3A : memref<!tpu.dma_semaphore, #tpu.memory_space<semaphore_mem>>)
      %dma_wait3A = arith.constant 0 : i32
      %dma_wait3A_97 = tpu.memref_slice %arg6[%add3A_13, %dma_wait3A] : memref<10240x128xf32, #tpu.memory_space<vmem_shared>> -> memref<128x128xf32, #tpu.memory_space<vmem_shared>>
      %dma_wait3A_98 = arith.constant 0 : i32
      %dma_wait3A_99 = tpu.memref_slice %arg6[%add3A_13, %dma_wait3A_98] : memref<10240x128xf32, #tpu.memory_space<vmem_shared>> -> memref<128x128xf32, #tpu.memory_space<vmem_shared>>
      tpu.wait_dma2 semaphore(%run_scoped3A : memref<!tpu.dma_semaphore, #tpu.memory_space<semaphore_mem>>) src(%arg9 : memref<128x128xf32, #tpu.memory_space<vmem>>) dst(%dma_wait3A_99 : memref<128x128xf32, #tpu.memory_space<vmem_shared>>)
      tpu.yield
    }) : () -> ()
    %mul3A_14 = arith.constant 10240 : i32
    %mul3A_15 = arith.muli %arg0, %mul3A_14 : i32
    %add3A_16 = arith.addi %mul3A_15, %mul3A_0 : i32
    %add3A_17 = arith.constant 256 : i32
    %add3A_18 = arith.addi %add3A_16, %add3A_17 : i32
    "tpu.region"() ({
      %run_scoped3A = tpu.sem_alloc : memref<!tpu.dma_semaphore, #tpu.memory_space<semaphore_mem>>
      %dma_start3A = arith.constant 0 : i32
      %dma_start3A_94 = tpu.memref_slice %arg2[%add3A_18, %dma_start3A] : memref<20480x128xf32, #tpu.memory_space<hbm>> -> memref<128x128xf32, #tpu.memory_space<hbm>>
      %dma_start3A_95 = arith.constant 0 : i32
      %dma_start3A_96 = tpu.memref_slice %arg2[%add3A_18, %dma_start3A_95] : memref<20480x128xf32, #tpu.memory_space<hbm>> -> memref<128x128xf32, #tpu.memory_space<hbm>>
      tpu.enqueue_dma source(%dma_start3A_96 : memref<128x128xf32, #tpu.memory_space<hbm>>) target(%arg9 : memref<128x128xf32, #tpu.memory_space<vmem>>) target_semaphore(%run_scoped3A : memref<!tpu.dma_semaphore, #tpu.memory_space<semaphore_mem>>)
      %dma_wait3A = arith.constant 0 : i32
      %dma_wait3A_97 = tpu.memref_slice %arg2[%add3A_18, %dma_wait3A] : memref<20480x128xf32, #tpu.memory_space<hbm>> -> memref<128x128xf32, #tpu.memory_space<hbm>>
      %dma_wait3A_98 = arith.constant 0 : i32
      %dma_wait3A_99 = tpu.memref_slice %arg2[%add3A_18, %dma_wait3A_98] : memref<20480x128xf32, #tpu.memory_space<hbm>> -> memref<128x128xf32, #tpu.memory_space<hbm>>
      tpu.wait_dma2 semaphore(%run_scoped3A : memref<!tpu.dma_semaphore, #tpu.memory_space<semaphore_mem>>) src(%dma_wait3A_99 : memref<128x128xf32, #tpu.memory_space<hbm>>) dst(%arg9 : memref<128x128xf32, #tpu.memory_space<vmem>>)
      tpu.yield
    }) : () -> ()
    %add3A_19 = arith.constant 256 : i32
    %add3A_20 = arith.addi %mul3A_0, %add3A_19 : i32
    "tpu.region"() ({
      %run_scoped3A = tpu.sem_alloc : memref<!tpu.dma_semaphore, #tpu.memory_space<semaphore_mem>>
      %dma_start3A = arith.constant 0 : i32
      %dma_start3A_94 = tpu.memref_slice %arg6[%add3A_20, %dma_start3A] : memref<10240x128xf32, #tpu.memory_space<vmem_shared>> -> memref<128x128xf32, #tpu.memory_space<vmem_shared>>
      %dma_start3A_95 = arith.constant 0 : i32
      %dma_start3A_96 = tpu.memref_slice %arg6[%add3A_20, %dma_start3A_95] : memref<10240x128xf32, #tpu.memory_space<vmem_shared>> -> memref<128x128xf32, #tpu.memory_space<vmem_shared>>
      tpu.enqueue_dma source(%arg9 : memref<128x128xf32, #tpu.memory_space<vmem>>) target(%dma_start3A_96 : memref<128x128xf32, #tpu.memory_space<vmem_shared>>) target_semaphore(%run_scoped3A : memref<!tpu.dma_semaphore, #tpu.memory_space<semaphore_mem>>)
      %dma_wait3A = arith.constant 0 : i32
      %dma_wait3A_97 = tpu.memref_slice %arg6[%add3A_20, %dma_wait3A] : memref<10240x128xf32, #tpu.memory_space<vmem_shared>> -> memref<128x128xf32, #tpu.memory_space<vmem_shared>>
      %dma_wait3A_98 = arith.constant 0 : i32
      %dma_wait3A_99 = tpu.memref_slice %arg6[%add3A_20, %dma_wait3A_98] : memref<10240x128xf32, #tpu.memory_space<vmem_shared>> -> memref<128x128xf32, #tpu.memory_space<vmem_shared>>
      tpu.wait_dma2 semaphore(%run_scoped3A : memref<!tpu.dma_semaphore, #tpu.memory_space<semaphore_mem>>) src(%arg9 : memref<128x128xf32, #tpu.memory_space<vmem>>) dst(%dma_wait3A_99 : memref<128x128xf32, #tpu.memory_space<vmem_shared>>)
      tpu.yield
    }) : () -> ()
    %mul3A_21 = arith.constant 10240 : i32
    %mul3A_22 = arith.muli %arg0, %mul3A_21 : i32
    %add3A_23 = arith.addi %mul3A_22, %mul3A_0 : i32
    %add3A_24 = arith.constant 384 : i32
    %add3A_25 = arith.addi %add3A_23, %add3A_24 : i32
    "tpu.region"() ({
      %run_scoped3A = tpu.sem_alloc : memref<!tpu.dma_semaphore, #tpu.memory_space<semaphore_mem>>
      %dma_start3A = arith.constant 0 : i32
      %dma_start3A_94 = tpu.memref_slice %arg2[%add3A_25, %dma_start3A] : memref<20480x128xf32, #tpu.memory_space<hbm>> -> memref<128x128xf32, #tpu.memory_space<hbm>>
      %dma_start3A_95 = arith.constant 0 : i32
      %dma_start3A_96 = tpu.memref_slice %arg2[%add3A_25, %dma_start3A_95] : memref<20480x128xf32, #tpu.memory_space<hbm>> -> memref<128x128xf32, #tpu.memory_space<hbm>>
      tpu.enqueue_dma source(%dma_start3A_96 : memref<128x128xf32, #tpu.memory_space<hbm>>) target(%arg9 : memref<128x128xf32, #tpu.memory_space<vmem>>) target_semaphore(%run_scoped3A : memref<!tpu.dma_semaphore, #tpu.memory_space<semaphore_mem>>)
      %dma_wait3A = arith.constant 0 : i32
      %dma_wait3A_97 = tpu.memref_slice %arg2[%add3A_25, %dma_wait3A] : memref<20480x128xf32, #tpu.memory_space<hbm>> -> memref<128x128xf32, #tpu.memory_space<hbm>>
      %dma_wait3A_98 = arith.constant 0 : i32
      %dma_wait3A_99 = tpu.memref_slice %arg2[%add3A_25, %dma_wait3A_98] : memref<20480x128xf32, #tpu.memory_space<hbm>> -> memref<128x128xf32, #tpu.memory_space<hbm>>
      tpu.wait_dma2 semaphore(%run_scoped3A : memref<!tpu.dma_semaphore, #tpu.memory_space<semaphore_mem>>) src(%dma_wait3A_99 : memref<128x128xf32, #tpu.memory_space<hbm>>) dst(%arg9 : memref<128x128xf32, #tpu.memory_space<vmem>>)
      tpu.yield
    }) : () -> ()
    %add3A_26 = arith.constant 384 : i32
    %add3A_27 = arith.addi %mul3A_0, %add3A_26 : i32
    "tpu.region"() ({
      %run_scoped3A = tpu.sem_alloc : memref<!tpu.dma_semaphore, #tpu.memory_space<semaphore_mem>>
      %dma_start3A = arith.constant 0 : i32
      %dma_start3A_94 = tpu.memref_slice %arg6[%add3A_27, %dma_start3A] : memref<10240x128xf32, #tpu.memory_space<vmem_shared>> -> memref<128x128xf32, #tpu.memory_space<vmem_shared>>
      %dma_start3A_95 = arith.constant 0 : i32
      %dma_start3A_96 = tpu.memref_slice %arg6[%add3A_27, %dma_start3A_95] : memref<10240x128xf32, #tpu.memory_space<vmem_shared>> -> memref<128x128xf32, #tpu.memory_space<vmem_shared>>
      tpu.enqueue_dma source(%arg9 : memref<128x128xf32, #tpu.memory_space<vmem>>) target(%dma_start3A_96 : memref<128x128xf32, #tpu.memory_space<vmem_shared>>) target_semaphore(%run_scoped3A : memref<!tpu.dma_semaphore, #tpu.memory_space<semaphore_mem>>)
      %dma_wait3A = arith.constant 0 : i32
      %dma_wait3A_97 = tpu.memref_slice %arg6[%add3A_27, %dma_wait3A] : memref<10240x128xf32, #tpu.memory_space<vmem_shared>> -> memref<128x128xf32, #tpu.memory_space<vmem_shared>>
      %dma_wait3A_98 = arith.constant 0 : i32
      %dma_wait3A_99 = tpu.memref_slice %arg6[%add3A_27, %dma_wait3A_98] : memref<10240x128xf32, #tpu.memory_space<vmem_shared>> -> memref<128x128xf32, #tpu.memory_space<vmem_shared>>
      tpu.wait_dma2 semaphore(%run_scoped3A : memref<!tpu.dma_semaphore, #tpu.memory_space<semaphore_mem>>) src(%arg9 : memref<128x128xf32, #tpu.memory_space<vmem>>) dst(%dma_wait3A_99 : memref<128x128xf32, #tpu.memory_space<vmem_shared>>)
      tpu.yield
    }) : () -> ()
    %mul3A_28 = arith.constant 10240 : i32
    %mul3A_29 = arith.muli %arg0, %mul3A_28 : i32
    %add3A_30 = arith.addi %mul3A_29, %mul3A_0 : i32
    %add3A_31 = arith.constant 512 : i32
    %add3A_32 = arith.addi %add3A_30, %add3A_31 : i32
    "tpu.region"() ({
      %run_scoped3A = tpu.sem_alloc : memref<!tpu.dma_semaphore, #tpu.memory_space<semaphore_mem>>
      %dma_start3A = arith.constant 0 : i32
      %dma_start3A_94 = tpu.memref_slice %arg2[%add3A_32, %dma_start3A] : memref<20480x128xf32, #tpu.memory_space<hbm>> -> memref<128x128xf32, #tpu.memory_space<hbm>>
      %dma_start3A_95 = arith.constant 0 : i32
      %dma_start3A_96 = tpu.memref_slice %arg2[%add3A_32, %dma_start3A_95] : memref<20480x128xf32, #tpu.memory_space<hbm>> -> memref<128x128xf32, #tpu.memory_space<hbm>>
      tpu.enqueue_dma source(%dma_start3A_96 : memref<128x128xf32, #tpu.memory_space<hbm>>) target(%arg9 : memref<128x128xf32, #tpu.memory_space<vmem>>) target_semaphore(%run_scoped3A : memref<!tpu.dma_semaphore, #tpu.memory_space<semaphore_mem>>)
      %dma_wait3A = arith.constant 0 : i32
      %dma_wait3A_97 = tpu.memref_slice %arg2[%add3A_32, %dma_wait3A] : memref<20480x128xf32, #tpu.memory_space<hbm>> -> memref<128x128xf32, #tpu.memory_space<hbm>>
      %dma_wait3A_98 = arith.constant 0 : i32
      %dma_wait3A_99 = tpu.memref_slice %arg2[%add3A_32, %dma_wait3A_98] : memref<20480x128xf32, #tpu.memory_space<hbm>> -> memref<128x128xf32, #tpu.memory_space<hbm>>
      tpu.wait_dma2 semaphore(%run_scoped3A : memref<!tpu.dma_semaphore, #tpu.memory_space<semaphore_mem>>) src(%dma_wait3A_99 : memref<128x128xf32, #tpu.memory_space<hbm>>) dst(%arg9 : memref<128x128xf32, #tpu.memory_space<vmem>>)
      tpu.yield
    }) : () -> ()
    %add3A_33 = arith.constant 512 : i32
    %add3A_34 = arith.addi %mul3A_0, %add3A_33 : i32
    "tpu.region"() ({
      %run_scoped3A = tpu.sem_alloc : memref<!tpu.dma_semaphore, #tpu.memory_space<semaphore_mem>>
      %dma_start3A = arith.constant 0 : i32
      %dma_start3A_94 = tpu.memref_slice %arg6[%add3A_34, %dma_start3A] : memref<10240x128xf32, #tpu.memory_space<vmem_shared>> -> memref<128x128xf32, #tpu.memory_space<vmem_shared>>
      %dma_start3A_95 = arith.constant 0 : i32
      %dma_start3A_96 = tpu.memref_slice %arg6[%add3A_34, %dma_start3A_95] : memref<10240x128xf32, #tpu.memory_space<vmem_shared>> -> memref<128x128xf32, #tpu.memory_space<vmem_shared>>
      tpu.enqueue_dma source(%arg9 : memref<128x128xf32, #tpu.memory_space<vmem>>) target(%dma_start3A_96 : memref<128x128xf32, #tpu.memory_space<vmem_shared>>) target_semaphore(%run_scoped3A : memref<!tpu.dma_semaphore, #tpu.memory_space<semaphore_mem>>)
      %dma_wait3A = arith.constant 0 : i32
      %dma_wait3A_97 = tpu.memref_slice %arg6[%add3A_34, %dma_wait3A] : memref<10240x128xf32, #tpu.memory_space<vmem_shared>> -> memref<128x128xf32, #tpu.memory_space<vmem_shared>>
      %dma_wait3A_98 = arith.constant 0 : i32
      %dma_wait3A_99 = tpu.memref_slice %arg6[%add3A_34, %dma_wait3A_98] : memref<10240x128xf32, #tpu.memory_space<vmem_shared>> -> memref<128x128xf32, #tpu.memory_space<vmem_shared>>
      tpu.wait_dma2 semaphore(%run_scoped3A : memref<!tpu.dma_semaphore, #tpu.memory_space<semaphore_mem>>) src(%arg9 : memref<128x128xf32, #tpu.memory_space<vmem>>) dst(%dma_wait3A_99 : memref<128x128xf32, #tpu.memory_space<vmem_shared>>)
      tpu.yield
    }) : () -> ()
    %barrier3A = arith.constant 0 : index
    tpu.barrier barrier_id(%barrier3A)
    "tpu.region"() ({
      %run_scoped3A = tpu.sem_alloc : memref<!tpu.dma_semaphore, #tpu.memory_space<semaphore_mem>>
      %dma_start3A = arith.constant 0 : i32
      %dma_start3A_94 = arith.constant 0 : i32
      %dma_start3A_95 = tpu.memref_slice %arg3[%arg0, %arg1, %dma_start3A, %dma_start3A_94] : memref<2x16x160x128xi32, #tpu.memory_space<hbm>> -> memref<1x1x40x128xi32, #tpu.memory_space<hbm>>
      %dma_start3A_96 = tpu.memref_squeeze %dma_start3A_95 : memref<1x1x40x128xi32, #tpu.memory_space<hbm>> -> memref<40x128xi32, #tpu.memory_space<hbm>>
      %dma_start3A_97 = arith.constant 0 : i32
      %dma_start3A_98 = arith.constant 0 : i32
      %dma_start3A_99 = tpu.memref_slice %arg3[%arg0, %arg1, %dma_start3A_97, %dma_start3A_98] : memref<2x16x160x128xi32, #tpu.memory_space<hbm>> -> memref<1x1x40x128xi32, #tpu.memory_space<hbm>>
      %dma_start3A_100 = tpu.memref_squeeze %dma_start3A_99 : memref<1x1x40x128xi32, #tpu.memory_space<hbm>> -> memref<40x128xi32, #tpu.memory_space<hbm>>
      tpu.enqueue_dma source(%dma_start3A_100 : memref<40x128xi32, #tpu.memory_space<hbm>>) target(%arg7 : memref<40x128xi32, #tpu.memory_space<vmem>>) target_semaphore(%run_scoped3A : memref<!tpu.dma_semaphore, #tpu.memory_space<semaphore_mem>>)
      %dma_wait3A = arith.constant 0 : i32
      %dma_wait3A_101 = arith.constant 0 : i32
      %dma_wait3A_102 = tpu.memref_slice %arg3[%arg0, %arg1, %dma_wait3A, %dma_wait3A_101] : memref<2x16x160x128xi32, #tpu.memory_space<hbm>> -> memref<1x1x40x128xi32, #tpu.memory_space<hbm>>
      %dma_wait3A_103 = tpu.memref_squeeze %dma_wait3A_102 : memref<1x1x40x128xi32, #tpu.memory_space<hbm>> -> memref<40x128xi32, #tpu.memory_space<hbm>>
      %dma_wait3A_104 = arith.constant 0 : i32
      %dma_wait3A_105 = arith.constant 0 : i32
      %dma_wait3A_106 = tpu.memref_slice %arg3[%arg0, %arg1, %dma_wait3A_104, %dma_wait3A_105] : memref<2x16x160x128xi32, #tpu.memory_space<hbm>> -> memref<1x1x40x128xi32, #tpu.memory_space<hbm>>
      %dma_wait3A_107 = tpu.memref_squeeze %dma_wait3A_106 : memref<1x1x40x128xi32, #tpu.memory_space<hbm>> -> memref<40x128xi32, #tpu.memory_space<hbm>>
      tpu.wait_dma2 semaphore(%run_scoped3A : memref<!tpu.dma_semaphore, #tpu.memory_space<semaphore_mem>>) src(%dma_wait3A_107 : memref<40x128xi32, #tpu.memory_space<hbm>>) dst(%arg7 : memref<40x128xi32, #tpu.memory_space<vmem>>)
      tpu.yield
    }) : () -> ()
    "tpu.region"() ({
      %run_scoped3A = tpu.sem_alloc : memref<!tpu.dma_semaphore, #tpu.memory_space<semaphore_mem>>
      %dma_start3A = arith.constant 0 : i32
      %dma_start3A_94 = arith.constant 0 : i32
      %dma_start3A_95 = tpu.memref_slice %arg4[%arg0, %arg1, %dma_start3A, %dma_start3A_94] : memref<2x16x160x128xi32, #tpu.memory_space<hbm>> -> memref<1x1x40x128xi32, #tpu.memory_space<hbm>>
      %dma_start3A_96 = tpu.memref_squeeze %dma_start3A_95 : memref<1x1x40x128xi32, #tpu.memory_space<hbm>> -> memref<40x128xi32, #tpu.memory_space<hbm>>
      %dma_start3A_97 = arith.constant 0 : i32
      %dma_start3A_98 = arith.constant 0 : i32
      %dma_start3A_99 = tpu.memref_slice %arg4[%arg0, %arg1, %dma_start3A_97, %dma_start3A_98] : memref<2x16x160x128xi32, #tpu.memory_space<hbm>> -> memref<1x1x40x128xi32, #tpu.memory_space<hbm>>
      %dma_start3A_100 = tpu.memref_squeeze %dma_start3A_99 : memref<1x1x40x128xi32, #tpu.memory_space<hbm>> -> memref<40x128xi32, #tpu.memory_space<hbm>>
      tpu.enqueue_dma source(%dma_start3A_100 : memref<40x128xi32, #tpu.memory_space<hbm>>) target(%arg8 : memref<40x128xi32, #tpu.memory_space<vmem>>) target_semaphore(%run_scoped3A : memref<!tpu.dma_semaphore, #tpu.memory_space<semaphore_mem>>)
      %dma_wait3A = arith.constant 0 : i32
      %dma_wait3A_101 = arith.constant 0 : i32
      %dma_wait3A_102 = tpu.memref_slice %arg4[%arg0, %arg1, %dma_wait3A, %dma_wait3A_101] : memref<2x16x160x128xi32, #tpu.memory_space<hbm>> -> memref<1x1x40x128xi32, #tpu.memory_space<hbm>>
      %dma_wait3A_103 = tpu.memref_squeeze %dma_wait3A_102 : memref<1x1x40x128xi32, #tpu.memory_space<hbm>> -> memref<40x128xi32, #tpu.memory_space<hbm>>
      %dma_wait3A_104 = arith.constant 0 : i32
      %dma_wait3A_105 = arith.constant 0 : i32
      %dma_wait3A_106 = tpu.memref_slice %arg4[%arg0, %arg1, %dma_wait3A_104, %dma_wait3A_105] : memref<2x16x160x128xi32, #tpu.memory_space<hbm>> -> memref<1x1x40x128xi32, #tpu.memory_space<hbm>>
      %dma_wait3A_107 = tpu.memref_squeeze %dma_wait3A_106 : memref<1x1x40x128xi32, #tpu.memory_space<hbm>> -> memref<40x128xi32, #tpu.memory_space<hbm>>
      tpu.wait_dma2 semaphore(%run_scoped3A : memref<!tpu.dma_semaphore, #tpu.memory_space<semaphore_mem>>) src(%dma_wait3A_107 : memref<40x128xi32, #tpu.memory_space<hbm>>) dst(%arg8 : memref<40x128xi32, #tpu.memory_space<vmem>>)
      tpu.yield
    }) : () -> ()
    %scan3A = arith.constant 0 : i32
    %scan3A_35 = arith.constant 0 : i32
    %scan3A_36 = arith.constant 40 : i32
    %scan3A_37 = arith.addi %scan3A_35, %scan3A_36 : i32
    %scan3A_38 = arith.constant 1 : i32
    scf.for %scan3A_94 = %scan3A_35 to %scan3A_37 step %scan3A_38  : i32 {
      %dma_start3A = arith.constant 0 : i32
      %dma_start3A_95 = tpu.memref_slice %arg7[%scan3A_94, %dma_start3A] : memref<40x128xi32, #tpu.memory_space<vmem>> -> memref<1x128xi32, #tpu.memory_space<vmem>>
      %dma_start3A_96 = tpu.memref_squeeze %dma_start3A_95 : memref<1x128xi32, #tpu.memory_space<vmem>> -> memref<128xi32, #tpu.memory_space<vmem>>
      %dma_start3A_97 = arith.constant 0 : i32
      %dma_start3A_98 = arith.constant 0 : i32
      %dma_start3A_99 = tpu.memref_slice %arg2[%dma_start3A_97, %dma_start3A_98] : memref<20480x128xf32, #tpu.memory_space<hbm>> -> memref<20480x128xf32, #tpu.memory_space<hbm>>
      tpu.enqueue_indirect_dma source(%dma_start3A_99 : memref<20480x128xf32, #tpu.memory_space<hbm>>) target(%arg9 : memref<128x128xf32, #tpu.memory_space<vmem>>) offsets(%dma_start3A_96 : memref<128xi32, #tpu.memory_space<vmem>>) semaphore(%arg10 : memref<!tpu.dma_semaphore, #tpu.memory_space<semaphore_mem>>)
      %dma_wait3A = arith.constant 0 : i32
      %dma_wait3A_100 = tpu.memref_slice %arg7[%scan3A_94, %dma_wait3A] : memref<40x128xi32, #tpu.memory_space<vmem>> -> memref<1x128xi32, #tpu.memory_space<vmem>>
      %dma_wait3A_101 = tpu.memref_squeeze %dma_wait3A_100 : memref<1x128xi32, #tpu.memory_space<vmem>> -> memref<128xi32, #tpu.memory_space<vmem>>
      %dma_wait3A_102 = arith.constant 0 : i32
      %dma_wait3A_103 = arith.constant 0 : i32
      %dma_wait3A_104 = tpu.memref_slice %arg2[%dma_wait3A_102, %dma_wait3A_103] : memref<20480x128xf32, #tpu.memory_space<hbm>> -> memref<20480x128xf32, #tpu.memory_space<hbm>>
      tpu.wait_indirect_dma semaphore(%arg10 : memref<!tpu.dma_semaphore, #tpu.memory_space<semaphore_mem>>) src(%dma_wait3A_104 : memref<20480x128xf32, #tpu.memory_space<hbm>>) dst(%arg9 : memref<128x128xf32, #tpu.memory_space<vmem>>)
      "tpu.region"() ({
        %run_scoped3A = tpu.sem_alloc : memref<!tpu.dma_semaphore, #tpu.memory_space<semaphore_mem>>
        %dma_start3A_105 = arith.constant 0 : i32
        %dma_start3A_106 = tpu.memref_slice %arg8[%scan3A_94, %dma_start3A_105] : memref<40x128xi32, #tpu.memory_space<vmem>> -> memref<1x128xi32, #tpu.memory_space<vmem>>
        %dma_start3A_107 = tpu.memref_squeeze %dma_start3A_106 : memref<1x128xi32, #tpu.memory_space<vmem>> -> memref<128xi32, #tpu.memory_space<vmem>>
        %dma_start3A_108 = arith.constant 0 : i32
        %dma_start3A_109 = arith.constant 0 : i32
        %dma_start3A_110 = tpu.memref_slice %arg6[%dma_start3A_108, %dma_start3A_109] : memref<10240x128xf32, #tpu.memory_space<vmem_shared>> -> memref<10240x128xf32, #tpu.memory_space<vmem_shared>>
        tpu.enqueue_indirect_dma source(%arg9 : memref<128x128xf32, #tpu.memory_space<vmem>>) target(%dma_start3A_110 : memref<10240x128xf32, #tpu.memory_space<vmem_shared>>) offsets(%dma_start3A_107 : memref<128xi32, #tpu.memory_space<vmem>>) semaphore(%run_scoped3A : memref<!tpu.dma_semaphore, #tpu.memory_space<semaphore_mem>>) {add = true}
        %dma_wait3A_111 = arith.constant 0 : i32
        %dma_wait3A_112 = tpu.memref_slice %arg8[%scan3A_94, %dma_wait3A_111] : memref<40x128xi32, #tpu.memory_space<vmem>> -> memref<1x128xi32, #tpu.memory_space<vmem>>
        %dma_wait3A_113 = tpu.memref_squeeze %dma_wait3A_112 : memref<1x128xi32, #tpu.memory_space<vmem>> -> memref<128xi32, #tpu.memory_space<vmem>>
        %dma_wait3A_114 = arith.constant 0 : i32
        %dma_wait3A_115 = arith.constant 0 : i32
        %dma_wait3A_116 = tpu.memref_slice %arg6[%dma_wait3A_114, %dma_wait3A_115] : memref<10240x128xf32, #tpu.memory_space<vmem_shared>> -> memref<10240x128xf32, #tpu.memory_space<vmem_shared>>
        tpu.wait_indirect_dma semaphore(%run_scoped3A : memref<!tpu.dma_semaphore, #tpu.memory_space<semaphore_mem>>) src(%arg9 : memref<128x128xf32, #tpu.memory_space<vmem>>) dst(%dma_wait3A_116 : memref<10240x128xf32, #tpu.memory_space<vmem_shared>>)
        tpu.yield
      }) : () -> ()
    }
    %scan3A_39 = arith.constant 40 : i32
    "tpu.region"() ({
      %run_scoped3A = tpu.sem_alloc : memref<!tpu.dma_semaphore, #tpu.memory_space<semaphore_mem>>
      %dma_start3A = arith.constant 40 : i32
      %dma_start3A_94 = arith.constant 0 : i32
      %dma_start3A_95 = tpu.memref_slice %arg3[%arg0, %arg1, %dma_start3A, %dma_start3A_94] : memref<2x16x160x128xi32, #tpu.memory_space<hbm>> -> memref<1x1x40x128xi32, #tpu.memory_space<hbm>>
      %dma_start3A_96 = tpu.memref_squeeze %dma_start3A_95 : memref<1x1x40x128xi32, #tpu.memory_space<hbm>> -> memref<40x128xi32, #tpu.memory_space<hbm>>
      %dma_start3A_97 = arith.constant 40 : i32
      %dma_start3A_98 = arith.constant 0 : i32
      %dma_start3A_99 = tpu.memref_slice %arg3[%arg0, %arg1, %dma_start3A_97, %dma_start3A_98] : memref<2x16x160x128xi32, #tpu.memory_space<hbm>> -> memref<1x1x40x128xi32, #tpu.memory_space<hbm>>
      %dma_start3A_100 = tpu.memref_squeeze %dma_start3A_99 : memref<1x1x40x128xi32, #tpu.memory_space<hbm>> -> memref<40x128xi32, #tpu.memory_space<hbm>>
      tpu.enqueue_dma source(%dma_start3A_100 : memref<40x128xi32, #tpu.memory_space<hbm>>) target(%arg7 : memref<40x128xi32, #tpu.memory_space<vmem>>) target_semaphore(%run_scoped3A : memref<!tpu.dma_semaphore, #tpu.memory_space<semaphore_mem>>)
      %dma_wait3A = arith.constant 40 : i32
      %dma_wait3A_101 = arith.constant 0 : i32
      %dma_wait3A_102 = tpu.memref_slice %arg3[%arg0, %arg1, %dma_wait3A, %dma_wait3A_101] : memref<2x16x160x128xi32, #tpu.memory_space<hbm>> -> memref<1x1x40x128xi32, #tpu.memory_space<hbm>>
      %dma_wait3A_103 = tpu.memref_squeeze %dma_wait3A_102 : memref<1x1x40x128xi32, #tpu.memory_space<hbm>> -> memref<40x128xi32, #tpu.memory_space<hbm>>
      %dma_wait3A_104 = arith.constant 40 : i32
      %dma_wait3A_105 = arith.constant 0 : i32
      %dma_wait3A_106 = tpu.memref_slice %arg3[%arg0, %arg1, %dma_wait3A_104, %dma_wait3A_105] : memref<2x16x160x128xi32, #tpu.memory_space<hbm>> -> memref<1x1x40x128xi32, #tpu.memory_space<hbm>>
      %dma_wait3A_107 = tpu.memref_squeeze %dma_wait3A_106 : memref<1x1x40x128xi32, #tpu.memory_space<hbm>> -> memref<40x128xi32, #tpu.memory_space<hbm>>
      tpu.wait_dma2 semaphore(%run_scoped3A : memref<!tpu.dma_semaphore, #tpu.memory_space<semaphore_mem>>) src(%dma_wait3A_107 : memref<40x128xi32, #tpu.memory_space<hbm>>) dst(%arg7 : memref<40x128xi32, #tpu.memory_space<vmem>>)
      tpu.yield
    }) : () -> ()
    "tpu.region"() ({
      %run_scoped3A = tpu.sem_alloc : memref<!tpu.dma_semaphore, #tpu.memory_space<semaphore_mem>>
      %dma_start3A = arith.constant 40 : i32
      %dma_start3A_94 = arith.constant 0 : i32
      %dma_start3A_95 = tpu.memref_slice %arg4[%arg0, %arg1, %dma_start3A, %dma_start3A_94] : memref<2x16x160x128xi32, #tpu.memory_space<hbm>> -> memref<1x1x40x128xi32, #tpu.memory_space<hbm>>
      %dma_start3A_96 = tpu.memref_squeeze %dma_start3A_95 : memref<1x1x40x128xi32, #tpu.memory_space<hbm>> -> memref<40x128xi32, #tpu.memory_space<hbm>>
      %dma_start3A_97 = arith.constant 40 : i32
      %dma_start3A_98 = arith.constant 0 : i32
      %dma_start3A_99 = tpu.memref_slice %arg4[%arg0, %arg1, %dma_start3A_97, %dma_start3A_98] : memref<2x16x160x128xi32, #tpu.memory_space<hbm>> -> memref<1x1x40x128xi32, #tpu.memory_space<hbm>>
      %dma_start3A_100 = tpu.memref_squeeze %dma_start3A_99 : memref<1x1x40x128xi32, #tpu.memory_space<hbm>> -> memref<40x128xi32, #tpu.memory_space<hbm>>
      tpu.enqueue_dma source(%dma_start3A_100 : memref<40x128xi32, #tpu.memory_space<hbm>>) target(%arg8 : memref<40x128xi32, #tpu.memory_space<vmem>>) target_semaphore(%run_scoped3A : memref<!tpu.dma_semaphore, #tpu.memory_space<semaphore_mem>>)
      %dma_wait3A = arith.constant 40 : i32
      %dma_wait3A_101 = arith.constant 0 : i32
      %dma_wait3A_102 = tpu.memref_slice %arg4[%arg0, %arg1, %dma_wait3A, %dma_wait3A_101] : memref<2x16x160x128xi32, #tpu.memory_space<hbm>> -> memref<1x1x40x128xi32, #tpu.memory_space<hbm>>
      %dma_wait3A_103 = tpu.memref_squeeze %dma_wait3A_102 : memref<1x1x40x128xi32, #tpu.memory_space<hbm>> -> memref<40x128xi32, #tpu.memory_space<hbm>>
      %dma_wait3A_104 = arith.constant 40 : i32
      %dma_wait3A_105 = arith.constant 0 : i32
      %dma_wait3A_106 = tpu.memref_slice %arg4[%arg0, %arg1, %dma_wait3A_104, %dma_wait3A_105] : memref<2x16x160x128xi32, #tpu.memory_space<hbm>> -> memref<1x1x40x128xi32, #tpu.memory_space<hbm>>
      %dma_wait3A_107 = tpu.memref_squeeze %dma_wait3A_106 : memref<1x1x40x128xi32, #tpu.memory_space<hbm>> -> memref<40x128xi32, #tpu.memory_space<hbm>>
      tpu.wait_dma2 semaphore(%run_scoped3A : memref<!tpu.dma_semaphore, #tpu.memory_space<semaphore_mem>>) src(%dma_wait3A_107 : memref<40x128xi32, #tpu.memory_space<hbm>>) dst(%arg8 : memref<40x128xi32, #tpu.memory_space<vmem>>)
      tpu.yield
    }) : () -> ()
    %scan3A_40 = arith.constant 0 : i32
    %scan3A_41 = arith.constant 0 : i32
    %scan3A_42 = arith.constant 40 : i32
    %scan3A_43 = arith.addi %scan3A_41, %scan3A_42 : i32
    %scan3A_44 = arith.constant 1 : i32
    scf.for %scan3A_94 = %scan3A_41 to %scan3A_43 step %scan3A_44  : i32 {
      %dma_start3A = arith.constant 0 : i32
      %dma_start3A_95 = tpu.memref_slice %arg7[%scan3A_94, %dma_start3A] : memref<40x128xi32, #tpu.memory_space<vmem>> -> memref<1x128xi32, #tpu.memory_space<vmem>>
      %dma_start3A_96 = tpu.memref_squeeze %dma_start3A_95 : memref<1x128xi32, #tpu.memory_space<vmem>> -> memref<128xi32, #tpu.memory_space<vmem>>
      %dma_start3A_97 = arith.constant 0 : i32
      %dma_start3A_98 = arith.constant 0 : i32
      %dma_start3A_99 = tpu.memref_slice %arg2[%dma_start3A_97, %dma_start3A_98] : memref<20480x128xf32, #tpu.memory_space<hbm>> -> memref<20480x128xf32, #tpu.memory_space<hbm>>
      tpu.enqueue_indirect_dma source(%dma_start3A_99 : memref<20480x128xf32, #tpu.memory_space<hbm>>) target(%arg9 : memref<128x128xf32, #tpu.memory_space<vmem>>) offsets(%dma_start3A_96 : memref<128xi32, #tpu.memory_space<vmem>>) semaphore(%arg10 : memref<!tpu.dma_semaphore, #tpu.memory_space<semaphore_mem>>)
      %dma_wait3A = arith.constant 0 : i32
      %dma_wait3A_100 = tpu.memref_slice %arg7[%scan3A_94, %dma_wait3A] : memref<40x128xi32, #tpu.memory_space<vmem>> -> memref<1x128xi32, #tpu.memory_space<vmem>>
      %dma_wait3A_101 = tpu.memref_squeeze %dma_wait3A_100 : memref<1x128xi32, #tpu.memory_space<vmem>> -> memref<128xi32, #tpu.memory_space<vmem>>
      %dma_wait3A_102 = arith.constant 0 : i32
      %dma_wait3A_103 = arith.constant 0 : i32
      %dma_wait3A_104 = tpu.memref_slice %arg2[%dma_wait3A_102, %dma_wait3A_103] : memref<20480x128xf32, #tpu.memory_space<hbm>> -> memref<20480x128xf32, #tpu.memory_space<hbm>>
      tpu.wait_indirect_dma semaphore(%arg10 : memref<!tpu.dma_semaphore, #tpu.memory_space<semaphore_mem>>) src(%dma_wait3A_104 : memref<20480x128xf32, #tpu.memory_space<hbm>>) dst(%arg9 : memref<128x128xf32, #tpu.memory_space<vmem>>)
      "tpu.region"() ({
        %run_scoped3A = tpu.sem_alloc : memref<!tpu.dma_semaphore, #tpu.memory_space<semaphore_mem>>
        %dma_start3A_105 = arith.constant 0 : i32
        %dma_start3A_106 = tpu.memref_slice %arg8[%scan3A_94, %dma_start3A_105] : memref<40x128xi32, #tpu.memory_space<vmem>> -> memref<1x128xi32, #tpu.memory_space<vmem>>
        %dma_start3A_107 = tpu.memref_squeeze %dma_start3A_106 : memref<1x128xi32, #tpu.memory_space<vmem>> -> memref<128xi32, #tpu.memory_space<vmem>>
        %dma_start3A_108 = arith.constant 0 : i32
        %dma_start3A_109 = arith.constant 0 : i32
        %dma_start3A_110 = tpu.memref_slice %arg6[%dma_start3A_108, %dma_start3A_109] : memref<10240x128xf32, #tpu.memory_space<vmem_shared>> -> memref<10240x128xf32, #tpu.memory_space<vmem_shared>>
        tpu.enqueue_indirect_dma source(%arg9 : memref<128x128xf32, #tpu.memory_space<vmem>>) target(%dma_start3A_110 : memref<10240x128xf32, #tpu.memory_space<vmem_shared>>) offsets(%dma_start3A_107 : memref<128xi32, #tpu.memory_space<vmem>>) semaphore(%run_scoped3A : memref<!tpu.dma_semaphore, #tpu.memory_space<semaphore_mem>>) {add = true}
        %dma_wait3A_111 = arith.constant 0 : i32
        %dma_wait3A_112 = tpu.memref_slice %arg8[%scan3A_94, %dma_wait3A_111] : memref<40x128xi32, #tpu.memory_space<vmem>> -> memref<1x128xi32, #tpu.memory_space<vmem>>
        %dma_wait3A_113 = tpu.memref_squeeze %dma_wait3A_112 : memref<1x128xi32, #tpu.memory_space<vmem>> -> memref<128xi32, #tpu.memory_space<vmem>>
        %dma_wait3A_114 = arith.constant 0 : i32
        %dma_wait3A_115 = arith.constant 0 : i32
        %dma_wait3A_116 = tpu.memref_slice %arg6[%dma_wait3A_114, %dma_wait3A_115] : memref<10240x128xf32, #tpu.memory_space<vmem_shared>> -> memref<10240x128xf32, #tpu.memory_space<vmem_shared>>
        tpu.wait_indirect_dma semaphore(%run_scoped3A : memref<!tpu.dma_semaphore, #tpu.memory_space<semaphore_mem>>) src(%arg9 : memref<128x128xf32, #tpu.memory_space<vmem>>) dst(%dma_wait3A_116 : memref<10240x128xf32, #tpu.memory_space<vmem_shared>>)
        tpu.yield
      }) : () -> ()
    }
    %scan3A_45 = arith.constant 40 : i32
    "tpu.region"() ({
      %run_scoped3A = tpu.sem_alloc : memref<!tpu.dma_semaphore, #tpu.memory_space<semaphore_mem>>
      %dma_start3A = arith.constant 80 : i32
      %dma_start3A_94 = arith.constant 0 : i32
      %dma_start3A_95 = tpu.memref_slice %arg3[%arg0, %arg1, %dma_start3A, %dma_start3A_94] : memref<2x16x160x128xi32, #tpu.memory_space<hbm>> -> memref<1x1x40x128xi32, #tpu.memory_space<hbm>>
      %dma_start3A_96 = tpu.memref_squeeze %dma_start3A_95 : memref<1x1x40x128xi32, #tpu.memory_space<hbm>> -> memref<40x128xi32, #tpu.memory_space<hbm>>
      %dma_start3A_97 = arith.constant 80 : i32
      %dma_start3A_98 = arith.constant 0 : i32
      %dma_start3A_99 = tpu.memref_slice %arg3[%arg0, %arg1, %dma_start3A_97, %dma_start3A_98] : memref<2x16x160x128xi32, #tpu.memory_space<hbm>> -> memref<1x1x40x128xi32, #tpu.memory_space<hbm>>
      %dma_start3A_100 = tpu.memref_squeeze %dma_start3A_99 : memref<1x1x40x128xi32, #tpu.memory_space<hbm>> -> memref<40x128xi32, #tpu.memory_space<hbm>>
      tpu.enqueue_dma source(%dma_start3A_100 : memref<40x128xi32, #tpu.memory_space<hbm>>) target(%arg7 : memref<40x128xi32, #tpu.memory_space<vmem>>) target_semaphore(%run_scoped3A : memref<!tpu.dma_semaphore, #tpu.memory_space<semaphore_mem>>)
      %dma_wait3A = arith.constant 80 : i32
      %dma_wait3A_101 = arith.constant 0 : i32
      %dma_wait3A_102 = tpu.memref_slice %arg3[%arg0, %arg1, %dma_wait3A, %dma_wait3A_101] : memref<2x16x160x128xi32, #tpu.memory_space<hbm>> -> memref<1x1x40x128xi32, #tpu.memory_space<hbm>>
      %dma_wait3A_103 = tpu.memref_squeeze %dma_wait3A_102 : memref<1x1x40x128xi32, #tpu.memory_space<hbm>> -> memref<40x128xi32, #tpu.memory_space<hbm>>
      %dma_wait3A_104 = arith.constant 80 : i32
      %dma_wait3A_105 = arith.constant 0 : i32
      %dma_wait3A_106 = tpu.memref_slice %arg3[%arg0, %arg1, %dma_wait3A_104, %dma_wait3A_105] : memref<2x16x160x128xi32, #tpu.memory_space<hbm>> -> memref<1x1x40x128xi32, #tpu.memory_space<hbm>>
      %dma_wait3A_107 = tpu.memref_squeeze %dma_wait3A_106 : memref<1x1x40x128xi32, #tpu.memory_space<hbm>> -> memref<40x128xi32, #tpu.memory_space<hbm>>
      tpu.wait_dma2 semaphore(%run_scoped3A : memref<!tpu.dma_semaphore, #tpu.memory_space<semaphore_mem>>) src(%dma_wait3A_107 : memref<40x128xi32, #tpu.memory_space<hbm>>) dst(%arg7 : memref<40x128xi32, #tpu.memory_space<vmem>>)
      tpu.yield
    }) : () -> ()
    "tpu.region"() ({
      %run_scoped3A = tpu.sem_alloc : memref<!tpu.dma_semaphore, #tpu.memory_space<semaphore_mem>>
      %dma_start3A = arith.constant 80 : i32
      %dma_start3A_94 = arith.constant 0 : i32
      %dma_start3A_95 = tpu.memref_slice %arg4[%arg0, %arg1, %dma_start3A, %dma_start3A_94] : memref<2x16x160x128xi32, #tpu.memory_space<hbm>> -> memref<1x1x40x128xi32, #tpu.memory_space<hbm>>
      %dma_start3A_96 = tpu.memref_squeeze %dma_start3A_95 : memref<1x1x40x128xi32, #tpu.memory_space<hbm>> -> memref<40x128xi32, #tpu.memory_space<hbm>>
      %dma_start3A_97 = arith.constant 80 : i32
      %dma_start3A_98 = arith.constant 0 : i32
      %dma_start3A_99 = tpu.memref_slice %arg4[%arg0, %arg1, %dma_start3A_97, %dma_start3A_98] : memref<2x16x160x128xi32, #tpu.memory_space<hbm>> -> memref<1x1x40x128xi32, #tpu.memory_space<hbm>>
      %dma_start3A_100 = tpu.memref_squeeze %dma_start3A_99 : memref<1x1x40x128xi32, #tpu.memory_space<hbm>> -> memref<40x128xi32, #tpu.memory_space<hbm>>
      tpu.enqueue_dma source(%dma_start3A_100 : memref<40x128xi32, #tpu.memory_space<hbm>>) target(%arg8 : memref<40x128xi32, #tpu.memory_space<vmem>>) target_semaphore(%run_scoped3A : memref<!tpu.dma_semaphore, #tpu.memory_space<semaphore_mem>>)
      %dma_wait3A = arith.constant 80 : i32
      %dma_wait3A_101 = arith.constant 0 : i32
      %dma_wait3A_102 = tpu.memref_slice %arg4[%arg0, %arg1, %dma_wait3A, %dma_wait3A_101] : memref<2x16x160x128xi32, #tpu.memory_space<hbm>> -> memref<1x1x40x128xi32, #tpu.memory_space<hbm>>
      %dma_wait3A_103 = tpu.memref_squeeze %dma_wait3A_102 : memref<1x1x40x128xi32, #tpu.memory_space<hbm>> -> memref<40x128xi32, #tpu.memory_space<hbm>>
      %dma_wait3A_104 = arith.constant 80 : i32
      %dma_wait3A_105 = arith.constant 0 : i32
      %dma_wait3A_106 = tpu.memref_slice %arg4[%arg0, %arg1, %dma_wait3A_104, %dma_wait3A_105] : memref<2x16x160x128xi32, #tpu.memory_space<hbm>> -> memref<1x1x40x128xi32, #tpu.memory_space<hbm>>
      %dma_wait3A_107 = tpu.memref_squeeze %dma_wait3A_106 : memref<1x1x40x128xi32, #tpu.memory_space<hbm>> -> memref<40x128xi32, #tpu.memory_space<hbm>>
      tpu.wait_dma2 semaphore(%run_scoped3A : memref<!tpu.dma_semaphore, #tpu.memory_space<semaphore_mem>>) src(%dma_wait3A_107 : memref<40x128xi32, #tpu.memory_space<hbm>>) dst(%arg8 : memref<40x128xi32, #tpu.memory_space<vmem>>)
      tpu.yield
    }) : () -> ()
    %scan3A_46 = arith.constant 0 : i32
    %scan3A_47 = arith.constant 0 : i32
    %scan3A_48 = arith.constant 40 : i32
    %scan3A_49 = arith.addi %scan3A_47, %scan3A_48 : i32
    %scan3A_50 = arith.constant 1 : i32
    scf.for %scan3A_94 = %scan3A_47 to %scan3A_49 step %scan3A_50  : i32 {
      %dma_start3A = arith.constant 0 : i32
      %dma_start3A_95 = tpu.memref_slice %arg7[%scan3A_94, %dma_start3A] : memref<40x128xi32, #tpu.memory_space<vmem>> -> memref<1x128xi32, #tpu.memory_space<vmem>>
      %dma_start3A_96 = tpu.memref_squeeze %dma_start3A_95 : memref<1x128xi32, #tpu.memory_space<vmem>> -> memref<128xi32, #tpu.memory_space<vmem>>
      %dma_start3A_97 = arith.constant 0 : i32
      %dma_start3A_98 = arith.constant 0 : i32
      %dma_start3A_99 = tpu.memref_slice %arg2[%dma_start3A_97, %dma_start3A_98] : memref<20480x128xf32, #tpu.memory_space<hbm>> -> memref<20480x128xf32, #tpu.memory_space<hbm>>
      tpu.enqueue_indirect_dma source(%dma_start3A_99 : memref<20480x128xf32, #tpu.memory_space<hbm>>) target(%arg9 : memref<128x128xf32, #tpu.memory_space<vmem>>) offsets(%dma_start3A_96 : memref<128xi32, #tpu.memory_space<vmem>>) semaphore(%arg10 : memref<!tpu.dma_semaphore, #tpu.memory_space<semaphore_mem>>)
      %dma_wait3A = arith.constant 0 : i32
      %dma_wait3A_100 = tpu.memref_slice %arg7[%scan3A_94, %dma_wait3A] : memref<40x128xi32, #tpu.memory_space<vmem>> -> memref<1x128xi32, #tpu.memory_space<vmem>>
      %dma_wait3A_101 = tpu.memref_squeeze %dma_wait3A_100 : memref<1x128xi32, #tpu.memory_space<vmem>> -> memref<128xi32, #tpu.memory_space<vmem>>
      %dma_wait3A_102 = arith.constant 0 : i32
      %dma_wait3A_103 = arith.constant 0 : i32
      %dma_wait3A_104 = tpu.memref_slice %arg2[%dma_wait3A_102, %dma_wait3A_103] : memref<20480x128xf32, #tpu.memory_space<hbm>> -> memref<20480x128xf32, #tpu.memory_space<hbm>>
      tpu.wait_indirect_dma semaphore(%arg10 : memref<!tpu.dma_semaphore, #tpu.memory_space<semaphore_mem>>) src(%dma_wait3A_104 : memref<20480x128xf32, #tpu.memory_space<hbm>>) dst(%arg9 : memref<128x128xf32, #tpu.memory_space<vmem>>)
      "tpu.region"() ({
        %run_scoped3A = tpu.sem_alloc : memref<!tpu.dma_semaphore, #tpu.memory_space<semaphore_mem>>
        %dma_start3A_105 = arith.constant 0 : i32
        %dma_start3A_106 = tpu.memref_slice %arg8[%scan3A_94, %dma_start3A_105] : memref<40x128xi32, #tpu.memory_space<vmem>> -> memref<1x128xi32, #tpu.memory_space<vmem>>
        %dma_start3A_107 = tpu.memref_squeeze %dma_start3A_106 : memref<1x128xi32, #tpu.memory_space<vmem>> -> memref<128xi32, #tpu.memory_space<vmem>>
        %dma_start3A_108 = arith.constant 0 : i32
        %dma_start3A_109 = arith.constant 0 : i32
        %dma_start3A_110 = tpu.memref_slice %arg6[%dma_start3A_108, %dma_start3A_109] : memref<10240x128xf32, #tpu.memory_space<vmem_shared>> -> memref<10240x128xf32, #tpu.memory_space<vmem_shared>>
        tpu.enqueue_indirect_dma source(%arg9 : memref<128x128xf32, #tpu.memory_space<vmem>>) target(%dma_start3A_110 : memref<10240x128xf32, #tpu.memory_space<vmem_shared>>) offsets(%dma_start3A_107 : memref<128xi32, #tpu.memory_space<vmem>>) semaphore(%run_scoped3A : memref<!tpu.dma_semaphore, #tpu.memory_space<semaphore_mem>>) {add = true}
        %dma_wait3A_111 = arith.constant 0 : i32
        %dma_wait3A_112 = tpu.memref_slice %arg8[%scan3A_94, %dma_wait3A_111] : memref<40x128xi32, #tpu.memory_space<vmem>> -> memref<1x128xi32, #tpu.memory_space<vmem>>
        %dma_wait3A_113 = tpu.memref_squeeze %dma_wait3A_112 : memref<1x128xi32, #tpu.memory_space<vmem>> -> memref<128xi32, #tpu.memory_space<vmem>>
        %dma_wait3A_114 = arith.constant 0 : i32
        %dma_wait3A_115 = arith.constant 0 : i32
        %dma_wait3A_116 = tpu.memref_slice %arg6[%dma_wait3A_114, %dma_wait3A_115] : memref<10240x128xf32, #tpu.memory_space<vmem_shared>> -> memref<10240x128xf32, #tpu.memory_space<vmem_shared>>
        tpu.wait_indirect_dma semaphore(%run_scoped3A : memref<!tpu.dma_semaphore, #tpu.memory_space<semaphore_mem>>) src(%arg9 : memref<128x128xf32, #tpu.memory_space<vmem>>) dst(%dma_wait3A_116 : memref<10240x128xf32, #tpu.memory_space<vmem_shared>>)
        tpu.yield
      }) : () -> ()
    }
    %scan3A_51 = arith.constant 40 : i32
    "tpu.region"() ({
      %run_scoped3A = tpu.sem_alloc : memref<!tpu.dma_semaphore, #tpu.memory_space<semaphore_mem>>
      %dma_start3A = arith.constant 120 : i32
      %dma_start3A_94 = arith.constant 0 : i32
      %dma_start3A_95 = tpu.memref_slice %arg3[%arg0, %arg1, %dma_start3A, %dma_start3A_94] : memref<2x16x160x128xi32, #tpu.memory_space<hbm>> -> memref<1x1x40x128xi32, #tpu.memory_space<hbm>>
      %dma_start3A_96 = tpu.memref_squeeze %dma_start3A_95 : memref<1x1x40x128xi32, #tpu.memory_space<hbm>> -> memref<40x128xi32, #tpu.memory_space<hbm>>
      %dma_start3A_97 = arith.constant 120 : i32
      %dma_start3A_98 = arith.constant 0 : i32
      %dma_start3A_99 = tpu.memref_slice %arg3[%arg0, %arg1, %dma_start3A_97, %dma_start3A_98] : memref<2x16x160x128xi32, #tpu.memory_space<hbm>> -> memref<1x1x40x128xi32, #tpu.memory_space<hbm>>
      %dma_start3A_100 = tpu.memref_squeeze %dma_start3A_99 : memref<1x1x40x128xi32, #tpu.memory_space<hbm>> -> memref<40x128xi32, #tpu.memory_space<hbm>>
      tpu.enqueue_dma source(%dma_start3A_100 : memref<40x128xi32, #tpu.memory_space<hbm>>) target(%arg7 : memref<40x128xi32, #tpu.memory_space<vmem>>) target_semaphore(%run_scoped3A : memref<!tpu.dma_semaphore, #tpu.memory_space<semaphore_mem>>)
      %dma_wait3A = arith.constant 120 : i32
      %dma_wait3A_101 = arith.constant 0 : i32
      %dma_wait3A_102 = tpu.memref_slice %arg3[%arg0, %arg1, %dma_wait3A, %dma_wait3A_101] : memref<2x16x160x128xi32, #tpu.memory_space<hbm>> -> memref<1x1x40x128xi32, #tpu.memory_space<hbm>>
      %dma_wait3A_103 = tpu.memref_squeeze %dma_wait3A_102 : memref<1x1x40x128xi32, #tpu.memory_space<hbm>> -> memref<40x128xi32, #tpu.memory_space<hbm>>
      %dma_wait3A_104 = arith.constant 120 : i32
      %dma_wait3A_105 = arith.constant 0 : i32
      %dma_wait3A_106 = tpu.memref_slice %arg3[%arg0, %arg1, %dma_wait3A_104, %dma_wait3A_105] : memref<2x16x160x128xi32, #tpu.memory_space<hbm>> -> memref<1x1x40x128xi32, #tpu.memory_space<hbm>>
      %dma_wait3A_107 = tpu.memref_squeeze %dma_wait3A_106 : memref<1x1x40x128xi32, #tpu.memory_space<hbm>> -> memref<40x128xi32, #tpu.memory_space<hbm>>
      tpu.wait_dma2 semaphore(%run_scoped3A : memref<!tpu.dma_semaphore, #tpu.memory_space<semaphore_mem>>) src(%dma_wait3A_107 : memref<40x128xi32, #tpu.memory_space<hbm>>) dst(%arg7 : memref<40x128xi32, #tpu.memory_space<vmem>>)
      tpu.yield
    }) : () -> ()
    "tpu.region"() ({
      %run_scoped3A = tpu.sem_alloc : memref<!tpu.dma_semaphore, #tpu.memory_space<semaphore_mem>>
      %dma_start3A = arith.constant 120 : i32
      %dma_start3A_94 = arith.constant 0 : i32
      %dma_start3A_95 = tpu.memref_slice %arg4[%arg0, %arg1, %dma_start3A, %dma_start3A_94] : memref<2x16x160x128xi32, #tpu.memory_space<hbm>> -> memref<1x1x40x128xi32, #tpu.memory_space<hbm>>
      %dma_start3A_96 = tpu.memref_squeeze %dma_start3A_95 : memref<1x1x40x128xi32, #tpu.memory_space<hbm>> -> memref<40x128xi32, #tpu.memory_space<hbm>>
      %dma_start3A_97 = arith.constant 120 : i32
      %dma_start3A_98 = arith.constant 0 : i32
      %dma_start3A_99 = tpu.memref_slice %arg4[%arg0, %arg1, %dma_start3A_97, %dma_start3A_98] : memref<2x16x160x128xi32, #tpu.memory_space<hbm>> -> memref<1x1x40x128xi32, #tpu.memory_space<hbm>>
      %dma_start3A_100 = tpu.memref_squeeze %dma_start3A_99 : memref<1x1x40x128xi32, #tpu.memory_space<hbm>> -> memref<40x128xi32, #tpu.memory_space<hbm>>
      tpu.enqueue_dma source(%dma_start3A_100 : memref<40x128xi32, #tpu.memory_space<hbm>>) target(%arg8 : memref<40x128xi32, #tpu.memory_space<vmem>>) target_semaphore(%run_scoped3A : memref<!tpu.dma_semaphore, #tpu.memory_space<semaphore_mem>>)
      %dma_wait3A = arith.constant 120 : i32
      %dma_wait3A_101 = arith.constant 0 : i32
      %dma_wait3A_102 = tpu.memref_slice %arg4[%arg0, %arg1, %dma_wait3A, %dma_wait3A_101] : memref<2x16x160x128xi32, #tpu.memory_space<hbm>> -> memref<1x1x40x128xi32, #tpu.memory_space<hbm>>
      %dma_wait3A_103 = tpu.memref_squeeze %dma_wait3A_102 : memref<1x1x40x128xi32, #tpu.memory_space<hbm>> -> memref<40x128xi32, #tpu.memory_space<hbm>>
      %dma_wait3A_104 = arith.constant 120 : i32
      %dma_wait3A_105 = arith.constant 0 : i32
      %dma_wait3A_106 = tpu.memref_slice %arg4[%arg0, %arg1, %dma_wait3A_104, %dma_wait3A_105] : memref<2x16x160x128xi32, #tpu.memory_space<hbm>> -> memref<1x1x40x128xi32, #tpu.memory_space<hbm>>
      %dma_wait3A_107 = tpu.memref_squeeze %dma_wait3A_106 : memref<1x1x40x128xi32, #tpu.memory_space<hbm>> -> memref<40x128xi32, #tpu.memory_space<hbm>>
      tpu.wait_dma2 semaphore(%run_scoped3A : memref<!tpu.dma_semaphore, #tpu.memory_space<semaphore_mem>>) src(%dma_wait3A_107 : memref<40x128xi32, #tpu.memory_space<hbm>>) dst(%arg8 : memref<40x128xi32, #tpu.memory_space<vmem>>)
      tpu.yield
    }) : () -> ()
    %scan3A_52 = arith.constant 0 : i32
    %scan3A_53 = arith.constant 0 : i32
    %scan3A_54 = arith.constant 40 : i32
    %scan3A_55 = arith.addi %scan3A_53, %scan3A_54 : i32
    %scan3A_56 = arith.constant 1 : i32
    scf.for %scan3A_94 = %scan3A_53 to %scan3A_55 step %scan3A_56  : i32 {
      %dma_start3A = arith.constant 0 : i32
      %dma_start3A_95 = tpu.memref_slice %arg7[%scan3A_94, %dma_start3A] : memref<40x128xi32, #tpu.memory_space<vmem>> -> memref<1x128xi32, #tpu.memory_space<vmem>>
      %dma_start3A_96 = tpu.memref_squeeze %dma_start3A_95 : memref<1x128xi32, #tpu.memory_space<vmem>> -> memref<128xi32, #tpu.memory_space<vmem>>
      %dma_start3A_97 = arith.constant 0 : i32
      %dma_start3A_98 = arith.constant 0 : i32
      %dma_start3A_99 = tpu.memref_slice %arg2[%dma_start3A_97, %dma_start3A_98] : memref<20480x128xf32, #tpu.memory_space<hbm>> -> memref<20480x128xf32, #tpu.memory_space<hbm>>
      tpu.enqueue_indirect_dma source(%dma_start3A_99 : memref<20480x128xf32, #tpu.memory_space<hbm>>) target(%arg9 : memref<128x128xf32, #tpu.memory_space<vmem>>) offsets(%dma_start3A_96 : memref<128xi32, #tpu.memory_space<vmem>>) semaphore(%arg10 : memref<!tpu.dma_semaphore, #tpu.memory_space<semaphore_mem>>)
      %dma_wait3A = arith.constant 0 : i32
      %dma_wait3A_100 = tpu.memref_slice %arg7[%scan3A_94, %dma_wait3A] : memref<40x128xi32, #tpu.memory_space<vmem>> -> memref<1x128xi32, #tpu.memory_space<vmem>>
      %dma_wait3A_101 = tpu.memref_squeeze %dma_wait3A_100 : memref<1x128xi32, #tpu.memory_space<vmem>> -> memref<128xi32, #tpu.memory_space<vmem>>
      %dma_wait3A_102 = arith.constant 0 : i32
      %dma_wait3A_103 = arith.constant 0 : i32
      %dma_wait3A_104 = tpu.memref_slice %arg2[%dma_wait3A_102, %dma_wait3A_103] : memref<20480x128xf32, #tpu.memory_space<hbm>> -> memref<20480x128xf32, #tpu.memory_space<hbm>>
      tpu.wait_indirect_dma semaphore(%arg10 : memref<!tpu.dma_semaphore, #tpu.memory_space<semaphore_mem>>) src(%dma_wait3A_104 : memref<20480x128xf32, #tpu.memory_space<hbm>>) dst(%arg9 : memref<128x128xf32, #tpu.memory_space<vmem>>)
      "tpu.region"() ({
        %run_scoped3A = tpu.sem_alloc : memref<!tpu.dma_semaphore, #tpu.memory_space<semaphore_mem>>
        %dma_start3A_105 = arith.constant 0 : i32
        %dma_start3A_106 = tpu.memref_slice %arg8[%scan3A_94, %dma_start3A_105] : memref<40x128xi32, #tpu.memory_space<vmem>> -> memref<1x128xi32, #tpu.memory_space<vmem>>
        %dma_start3A_107 = tpu.memref_squeeze %dma_start3A_106 : memref<1x128xi32, #tpu.memory_space<vmem>> -> memref<128xi32, #tpu.memory_space<vmem>>
        %dma_start3A_108 = arith.constant 0 : i32
        %dma_start3A_109 = arith.constant 0 : i32
        %dma_start3A_110 = tpu.memref_slice %arg6[%dma_start3A_108, %dma_start3A_109] : memref<10240x128xf32, #tpu.memory_space<vmem_shared>> -> memref<10240x128xf32, #tpu.memory_space<vmem_shared>>
        tpu.enqueue_indirect_dma source(%arg9 : memref<128x128xf32, #tpu.memory_space<vmem>>) target(%dma_start3A_110 : memref<10240x128xf32, #tpu.memory_space<vmem_shared>>) offsets(%dma_start3A_107 : memref<128xi32, #tpu.memory_space<vmem>>) semaphore(%run_scoped3A : memref<!tpu.dma_semaphore, #tpu.memory_space<semaphore_mem>>) {add = true}
        %dma_wait3A_111 = arith.constant 0 : i32
        %dma_wait3A_112 = tpu.memref_slice %arg8[%scan3A_94, %dma_wait3A_111] : memref<40x128xi32, #tpu.memory_space<vmem>> -> memref<1x128xi32, #tpu.memory_space<vmem>>
        %dma_wait3A_113 = tpu.memref_squeeze %dma_wait3A_112 : memref<1x128xi32, #tpu.memory_space<vmem>> -> memref<128xi32, #tpu.memory_space<vmem>>
        %dma_wait3A_114 = arith.constant 0 : i32
        %dma_wait3A_115 = arith.constant 0 : i32
        %dma_wait3A_116 = tpu.memref_slice %arg6[%dma_wait3A_114, %dma_wait3A_115] : memref<10240x128xf32, #tpu.memory_space<vmem_shared>> -> memref<10240x128xf32, #tpu.memory_space<vmem_shared>>
        tpu.wait_indirect_dma semaphore(%run_scoped3A : memref<!tpu.dma_semaphore, #tpu.memory_space<semaphore_mem>>) src(%arg9 : memref<128x128xf32, #tpu.memory_space<vmem>>) dst(%dma_wait3A_116 : memref<10240x128xf32, #tpu.memory_space<vmem_shared>>)
        tpu.yield
      }) : () -> ()
    }
    %scan3A_57 = arith.constant 40 : i32
    %barrier3A_58 = arith.constant 0 : index
    tpu.barrier barrier_id(%barrier3A_58)
    %add3A_59 = arith.constant 0 : i32
    %add3A_60 = arith.addi %mul3A_0, %add3A_59 : i32
    "tpu.region"() ({
      %run_scoped3A = tpu.sem_alloc : memref<!tpu.dma_semaphore, #tpu.memory_space<semaphore_mem>>
      %dma_start3A = arith.constant 0 : i32
      %dma_start3A_94 = tpu.memref_slice %arg6[%add3A_60, %dma_start3A] : memref<10240x128xf32, #tpu.memory_space<vmem_shared>> -> memref<128x128xf32, #tpu.memory_space<vmem_shared>>
      %dma_start3A_95 = arith.constant 0 : i32
      %dma_start3A_96 = tpu.memref_slice %arg6[%add3A_60, %dma_start3A_95] : memref<10240x128xf32, #tpu.memory_space<vmem_shared>> -> memref<128x128xf32, #tpu.memory_space<vmem_shared>>
      tpu.enqueue_dma source(%dma_start3A_96 : memref<128x128xf32, #tpu.memory_space<vmem_shared>>) target(%arg9 : memref<128x128xf32, #tpu.memory_space<vmem>>) target_semaphore(%run_scoped3A : memref<!tpu.dma_semaphore, #tpu.memory_space<semaphore_mem>>)
      %dma_wait3A = arith.constant 0 : i32
      %dma_wait3A_97 = tpu.memref_slice %arg6[%add3A_60, %dma_wait3A] : memref<10240x128xf32, #tpu.memory_space<vmem_shared>> -> memref<128x128xf32, #tpu.memory_space<vmem_shared>>
      %dma_wait3A_98 = arith.constant 0 : i32
      %dma_wait3A_99 = tpu.memref_slice %arg6[%add3A_60, %dma_wait3A_98] : memref<10240x128xf32, #tpu.memory_space<vmem_shared>> -> memref<128x128xf32, #tpu.memory_space<vmem_shared>>
      tpu.wait_dma2 semaphore(%run_scoped3A : memref<!tpu.dma_semaphore, #tpu.memory_space<semaphore_mem>>) src(%dma_wait3A_99 : memref<128x128xf32, #tpu.memory_space<vmem_shared>>) dst(%arg9 : memref<128x128xf32, #tpu.memory_space<vmem>>)
      tpu.yield
    }) : () -> ()
    %mul3A_61 = arith.constant 10240 : i32
    %mul3A_62 = arith.muli %arg0, %mul3A_61 : i32
    %add3A_63 = arith.addi %mul3A_62, %mul3A_0 : i32
    %add3A_64 = arith.constant 0 : i32
    %add3A_65 = arith.addi %add3A_63, %add3A_64 : i32
    "tpu.region"() ({
      %run_scoped3A = tpu.sem_alloc : memref<!tpu.dma_semaphore, #tpu.memory_space<semaphore_mem>>
      %dma_start3A = arith.constant 0 : i32
      %dma_start3A_94 = tpu.memref_slice %arg5[%add3A_65, %dma_start3A] : memref<20480x128xf32, #tpu.memory_space<hbm>> -> memref<128x128xf32, #tpu.memory_space<hbm>>
      %dma_start3A_95 = arith.constant 0 : i32
      %dma_start3A_96 = tpu.memref_slice %arg5[%add3A_65, %dma_start3A_95] : memref<20480x128xf32, #tpu.memory_space<hbm>> -> memref<128x128xf32, #tpu.memory_space<hbm>>
      tpu.enqueue_dma source(%arg9 : memref<128x128xf32, #tpu.memory_space<vmem>>) target(%dma_start3A_96 : memref<128x128xf32, #tpu.memory_space<hbm>>) target_semaphore(%run_scoped3A : memref<!tpu.dma_semaphore, #tpu.memory_space<semaphore_mem>>)
      %dma_wait3A = arith.constant 0 : i32
      %dma_wait3A_97 = tpu.memref_slice %arg5[%add3A_65, %dma_wait3A] : memref<20480x128xf32, #tpu.memory_space<hbm>> -> memref<128x128xf32, #tpu.memory_space<hbm>>
      %dma_wait3A_98 = arith.constant 0 : i32
      %dma_wait3A_99 = tpu.memref_slice %arg5[%add3A_65, %dma_wait3A_98] : memref<20480x128xf32, #tpu.memory_space<hbm>> -> memref<128x128xf32, #tpu.memory_space<hbm>>
      tpu.wait_dma2 semaphore(%run_scoped3A : memref<!tpu.dma_semaphore, #tpu.memory_space<semaphore_mem>>) src(%arg9 : memref<128x128xf32, #tpu.memory_space<vmem>>) dst(%dma_wait3A_99 : memref<128x128xf32, #tpu.memory_space<hbm>>)
      tpu.yield
    }) : () -> ()
    %add3A_66 = arith.constant 128 : i32
    %add3A_67 = arith.addi %mul3A_0, %add3A_66 : i32
    "tpu.region"() ({
      %run_scoped3A = tpu.sem_alloc : memref<!tpu.dma_semaphore, #tpu.memory_space<semaphore_mem>>
      %dma_start3A = arith.constant 0 : i32
      %dma_start3A_94 = tpu.memref_slice %arg6[%add3A_67, %dma_start3A] : memref<10240x128xf32, #tpu.memory_space<vmem_shared>> -> memref<128x128xf32, #tpu.memory_space<vmem_shared>>
      %dma_start3A_95 = arith.constant 0 : i32
      %dma_start3A_96 = tpu.memref_slice %arg6[%add3A_67, %dma_start3A_95] : memref<10240x128xf32, #tpu.memory_space<vmem_shared>> -> memref<128x128xf32, #tpu.memory_space<vmem_shared>>
      tpu.enqueue_dma source(%dma_start3A_96 : memref<128x128xf32, #tpu.memory_space<vmem_shared>>) target(%arg9 : memref<128x128xf32, #tpu.memory_space<vmem>>) target_semaphore(%run_scoped3A : memref<!tpu.dma_semaphore, #tpu.memory_space<semaphore_mem>>)
      %dma_wait3A = arith.constant 0 : i32
      %dma_wait3A_97 = tpu.memref_slice %arg6[%add3A_67, %dma_wait3A] : memref<10240x128xf32, #tpu.memory_space<vmem_shared>> -> memref<128x128xf32, #tpu.memory_space<vmem_shared>>
      %dma_wait3A_98 = arith.constant 0 : i32
      %dma_wait3A_99 = tpu.memref_slice %arg6[%add3A_67, %dma_wait3A_98] : memref<10240x128xf32, #tpu.memory_space<vmem_shared>> -> memref<128x128xf32, #tpu.memory_space<vmem_shared>>
      tpu.wait_dma2 semaphore(%run_scoped3A : memref<!tpu.dma_semaphore, #tpu.memory_space<semaphore_mem>>) src(%dma_wait3A_99 : memref<128x128xf32, #tpu.memory_space<vmem_shared>>) dst(%arg9 : memref<128x128xf32, #tpu.memory_space<vmem>>)
      tpu.yield
    }) : () -> ()
    %mul3A_68 = arith.constant 10240 : i32
    %mul3A_69 = arith.muli %arg0, %mul3A_68 : i32
    %add3A_70 = arith.addi %mul3A_69, %mul3A_0 : i32
    %add3A_71 = arith.constant 128 : i32
    %add3A_72 = arith.addi %add3A_70, %add3A_71 : i32
    "tpu.region"() ({
      %run_scoped3A = tpu.sem_alloc : memref<!tpu.dma_semaphore, #tpu.memory_space<semaphore_mem>>
      %dma_start3A = arith.constant 0 : i32
      %dma_start3A_94 = tpu.memref_slice %arg5[%add3A_72, %dma_start3A] : memref<20480x128xf32, #tpu.memory_space<hbm>> -> memref<128x128xf32, #tpu.memory_space<hbm>>
      %dma_start3A_95 = arith.constant 0 : i32
      %dma_start3A_96 = tpu.memref_slice %arg5[%add3A_72, %dma_start3A_95] : memref<20480x128xf32, #tpu.memory_space<hbm>> -> memref<128x128xf32, #tpu.memory_space<hbm>>
      tpu.enqueue_dma source(%arg9 : memref<128x128xf32, #tpu.memory_space<vmem>>) target(%dma_start3A_96 : memref<128x128xf32, #tpu.memory_space<hbm>>) target_semaphore(%run_scoped3A : memref<!tpu.dma_semaphore, #tpu.memory_space<semaphore_mem>>)
      %dma_wait3A = arith.constant 0 : i32
      %dma_wait3A_97 = tpu.memref_slice %arg5[%add3A_72, %dma_wait3A] : memref<20480x128xf32, #tpu.memory_space<hbm>> -> memref<128x128xf32, #tpu.memory_space<hbm>>
      %dma_wait3A_98 = arith.constant 0 : i32
      %dma_wait3A_99 = tpu.memref_slice %arg5[%add3A_72, %dma_wait3A_98] : memref<20480x128xf32, #tpu.memory_space<hbm>> -> memref<128x128xf32, #tpu.memory_space<hbm>>
      tpu.wait_dma2 semaphore(%run_scoped3A : memref<!tpu.dma_semaphore, #tpu.memory_space<semaphore_mem>>) src(%arg9 : memref<128x128xf32, #tpu.memory_space<vmem>>) dst(%dma_wait3A_99 : memref<128x128xf32, #tpu.memory_space<hbm>>)
      tpu.yield
    }) : () -> ()
    %add3A_73 = arith.constant 256 : i32
    %add3A_74 = arith.addi %mul3A_0, %add3A_73 : i32
    "tpu.region"() ({
      %run_scoped3A = tpu.sem_alloc : memref<!tpu.dma_semaphore, #tpu.memory_space<semaphore_mem>>
      %dma_start3A = arith.constant 0 : i32
      %dma_start3A_94 = tpu.memref_slice %arg6[%add3A_74, %dma_start3A] : memref<10240x128xf32, #tpu.memory_space<vmem_shared>> -> memref<128x128xf32, #tpu.memory_space<vmem_shared>>
      %dma_start3A_95 = arith.constant 0 : i32
      %dma_start3A_96 = tpu.memref_slice %arg6[%add3A_74, %dma_start3A_95] : memref<10240x128xf32, #tpu.memory_space<vmem_shared>> -> memref<128x128xf32, #tpu.memory_space<vmem_shared>>
      tpu.enqueue_dma source(%dma_start3A_96 : memref<128x128xf32, #tpu.memory_space<vmem_shared>>) target(%arg9 : memref<128x128xf32, #tpu.memory_space<vmem>>) target_semaphore(%run_scoped3A : memref<!tpu.dma_semaphore, #tpu.memory_space<semaphore_mem>>)
      %dma_wait3A = arith.constant 0 : i32
      %dma_wait3A_97 = tpu.memref_slice %arg6[%add3A_74, %dma_wait3A] : memref<10240x128xf32, #tpu.memory_space<vmem_shared>> -> memref<128x128xf32, #tpu.memory_space<vmem_shared>>
      %dma_wait3A_98 = arith.constant 0 : i32
      %dma_wait3A_99 = tpu.memref_slice %arg6[%add3A_74, %dma_wait3A_98] : memref<10240x128xf32, #tpu.memory_space<vmem_shared>> -> memref<128x128xf32, #tpu.memory_space<vmem_shared>>
      tpu.wait_dma2 semaphore(%run_scoped3A : memref<!tpu.dma_semaphore, #tpu.memory_space<semaphore_mem>>) src(%dma_wait3A_99 : memref<128x128xf32, #tpu.memory_space<vmem_shared>>) dst(%arg9 : memref<128x128xf32, #tpu.memory_space<vmem>>)
      tpu.yield
    }) : () -> ()
    %mul3A_75 = arith.constant 10240 : i32
    %mul3A_76 = arith.muli %arg0, %mul3A_75 : i32
    %add3A_77 = arith.addi %mul3A_76, %mul3A_0 : i32
    %add3A_78 = arith.constant 256 : i32
    %add3A_79 = arith.addi %add3A_77, %add3A_78 : i32
    "tpu.region"() ({
      %run_scoped3A = tpu.sem_alloc : memref<!tpu.dma_semaphore, #tpu.memory_space<semaphore_mem>>
      %dma_start3A = arith.constant 0 : i32
      %dma_start3A_94 = tpu.memref_slice %arg5[%add3A_79, %dma_start3A] : memref<20480x128xf32, #tpu.memory_space<hbm>> -> memref<128x128xf32, #tpu.memory_space<hbm>>
      %dma_start3A_95 = arith.constant 0 : i32
      %dma_start3A_96 = tpu.memref_slice %arg5[%add3A_79, %dma_start3A_95] : memref<20480x128xf32, #tpu.memory_space<hbm>> -> memref<128x128xf32, #tpu.memory_space<hbm>>
      tpu.enqueue_dma source(%arg9 : memref<128x128xf32, #tpu.memory_space<vmem>>) target(%dma_start3A_96 : memref<128x128xf32, #tpu.memory_space<hbm>>) target_semaphore(%run_scoped3A : memref<!tpu.dma_semaphore, #tpu.memory_space<semaphore_mem>>)
      %dma_wait3A = arith.constant 0 : i32
      %dma_wait3A_97 = tpu.memref_slice %arg5[%add3A_79, %dma_wait3A] : memref<20480x128xf32, #tpu.memory_space<hbm>> -> memref<128x128xf32, #tpu.memory_space<hbm>>
      %dma_wait3A_98 = arith.constant 0 : i32
      %dma_wait3A_99 = tpu.memref_slice %arg5[%add3A_79, %dma_wait3A_98] : memref<20480x128xf32, #tpu.memory_space<hbm>> -> memref<128x128xf32, #tpu.memory_space<hbm>>
      tpu.wait_dma2 semaphore(%run_scoped3A : memref<!tpu.dma_semaphore, #tpu.memory_space<semaphore_mem>>) src(%arg9 : memref<128x128xf32, #tpu.memory_space<vmem>>) dst(%dma_wait3A_99 : memref<128x128xf32, #tpu.memory_space<hbm>>)
      tpu.yield
    }) : () -> ()
    %add3A_80 = arith.constant 384 : i32
    %add3A_81 = arith.addi %mul3A_0, %add3A_80 : i32
    "tpu.region"() ({
      %run_scoped3A = tpu.sem_alloc : memref<!tpu.dma_semaphore, #tpu.memory_space<semaphore_mem>>
      %dma_start3A = arith.constant 0 : i32
      %dma_start3A_94 = tpu.memref_slice %arg6[%add3A_81, %dma_start3A] : memref<10240x128xf32, #tpu.memory_space<vmem_shared>> -> memref<128x128xf32, #tpu.memory_space<vmem_shared>>
      %dma_start3A_95 = arith.constant 0 : i32
      %dma_start3A_96 = tpu.memref_slice %arg6[%add3A_81, %dma_start3A_95] : memref<10240x128xf32, #tpu.memory_space<vmem_shared>> -> memref<128x128xf32, #tpu.memory_space<vmem_shared>>
      tpu.enqueue_dma source(%dma_start3A_96 : memref<128x128xf32, #tpu.memory_space<vmem_shared>>) target(%arg9 : memref<128x128xf32, #tpu.memory_space<vmem>>) target_semaphore(%run_scoped3A : memref<!tpu.dma_semaphore, #tpu.memory_space<semaphore_mem>>)
      %dma_wait3A = arith.constant 0 : i32
      %dma_wait3A_97 = tpu.memref_slice %arg6[%add3A_81, %dma_wait3A] : memref<10240x128xf32, #tpu.memory_space<vmem_shared>> -> memref<128x128xf32, #tpu.memory_space<vmem_shared>>
      %dma_wait3A_98 = arith.constant 0 : i32
      %dma_wait3A_99 = tpu.memref_slice %arg6[%add3A_81, %dma_wait3A_98] : memref<10240x128xf32, #tpu.memory_space<vmem_shared>> -> memref<128x128xf32, #tpu.memory_space<vmem_shared>>
      tpu.wait_dma2 semaphore(%run_scoped3A : memref<!tpu.dma_semaphore, #tpu.memory_space<semaphore_mem>>) src(%dma_wait3A_99 : memref<128x128xf32, #tpu.memory_space<vmem_shared>>) dst(%arg9 : memref<128x128xf32, #tpu.memory_space<vmem>>)
      tpu.yield
    }) : () -> ()
    %mul3A_82 = arith.constant 10240 : i32
    %mul3A_83 = arith.muli %arg0, %mul3A_82 : i32
    %add3A_84 = arith.addi %mul3A_83, %mul3A_0 : i32
    %add3A_85 = arith.constant 384 : i32
    %add3A_86 = arith.addi %add3A_84, %add3A_85 : i32
    "tpu.region"() ({
      %run_scoped3A = tpu.sem_alloc : memref<!tpu.dma_semaphore, #tpu.memory_space<semaphore_mem>>
      %dma_start3A = arith.constant 0 : i32
      %dma_start3A_94 = tpu.memref_slice %arg5[%add3A_86, %dma_start3A] : memref<20480x128xf32, #tpu.memory_space<hbm>> -> memref<128x128xf32, #tpu.memory_space<hbm>>
      %dma_start3A_95 = arith.constant 0 : i32
      %dma_start3A_96 = tpu.memref_slice %arg5[%add3A_86, %dma_start3A_95] : memref<20480x128xf32, #tpu.memory_space<hbm>> -> memref<128x128xf32, #tpu.memory_space<hbm>>
      tpu.enqueue_dma source(%arg9 : memref<128x128xf32, #tpu.memory_space<vmem>>) target(%dma_start3A_96 : memref<128x128xf32, #tpu.memory_space<hbm>>) target_semaphore(%run_scoped3A : memref<!tpu.dma_semaphore, #tpu.memory_space<semaphore_mem>>)
      %dma_wait3A = arith.constant 0 : i32
      %dma_wait3A_97 = tpu.memref_slice %arg5[%add3A_86, %dma_wait3A] : memref<20480x128xf32, #tpu.memory_space<hbm>> -> memref<128x128xf32, #tpu.memory_space<hbm>>
      %dma_wait3A_98 = arith.constant 0 : i32
      %dma_wait3A_99 = tpu.memref_slice %arg5[%add3A_86, %dma_wait3A_98] : memref<20480x128xf32, #tpu.memory_space<hbm>> -> memref<128x128xf32, #tpu.memory_space<hbm>>
      tpu.wait_dma2 semaphore(%run_scoped3A : memref<!tpu.dma_semaphore, #tpu.memory_space<semaphore_mem>>) src(%arg9 : memref<128x128xf32, #tpu.memory_space<vmem>>) dst(%dma_wait3A_99 : memref<128x128xf32, #tpu.memory_space<hbm>>)
      tpu.yield
    }) : () -> ()
    %add3A_87 = arith.constant 512 : i32
    %add3A_88 = arith.addi %mul3A_0, %add3A_87 : i32
    "tpu.region"() ({
      %run_scoped3A = tpu.sem_alloc : memref<!tpu.dma_semaphore, #tpu.memory_space<semaphore_mem>>
      %dma_start3A = arith.constant 0 : i32
      %dma_start3A_94 = tpu.memref_slice %arg6[%add3A_88, %dma_start3A] : memref<10240x128xf32, #tpu.memory_space<vmem_shared>> -> memref<128x128xf32, #tpu.memory_space<vmem_shared>>
      %dma_start3A_95 = arith.constant 0 : i32
      %dma_start3A_96 = tpu.memref_slice %arg6[%add3A_88, %dma_start3A_95] : memref<10240x128xf32, #tpu.memory_space<vmem_shared>> -> memref<128x128xf32, #tpu.memory_space<vmem_shared>>
      tpu.enqueue_dma source(%dma_start3A_96 : memref<128x128xf32, #tpu.memory_space<vmem_shared>>) target(%arg9 : memref<128x128xf32, #tpu.memory_space<vmem>>) target_semaphore(%run_scoped3A : memref<!tpu.dma_semaphore, #tpu.memory_space<semaphore_mem>>)
      %dma_wait3A = arith.constant 0 : i32
      %dma_wait3A_97 = tpu.memref_slice %arg6[%add3A_88, %dma_wait3A] : memref<10240x128xf32, #tpu.memory_space<vmem_shared>> -> memref<128x128xf32, #tpu.memory_space<vmem_shared>>
      %dma_wait3A_98 = arith.constant 0 : i32
      %dma_wait3A_99 = tpu.memref_slice %arg6[%add3A_88, %dma_wait3A_98] : memref<10240x128xf32, #tpu.memory_space<vmem_shared>> -> memref<128x128xf32, #tpu.memory_space<vmem_shared>>
      tpu.wait_dma2 semaphore(%run_scoped3A : memref<!tpu.dma_semaphore, #tpu.memory_space<semaphore_mem>>) src(%dma_wait3A_99 : memref<128x128xf32, #tpu.memory_space<vmem_shared>>) dst(%arg9 : memref<128x128xf32, #tpu.memory_space<vmem>>)
      tpu.yield
    }) : () -> ()
    %mul3A_89 = arith.constant 10240 : i32
    %mul3A_90 = arith.muli %arg0, %mul3A_89 : i32
    %add3A_91 = arith.addi %mul3A_90, %mul3A_0 : i32
    %add3A_92 = arith.constant 512 : i32
    %add3A_93 = arith.addi %add3A_91, %add3A_92 : i32
    "tpu.region"() ({
      %run_scoped3A = tpu.sem_alloc : memref<!tpu.dma_semaphore, #tpu.memory_space<semaphore_mem>>
      %dma_start3A = arith.constant 0 : i32
      %dma_start3A_94 = tpu.memref_slice %arg5[%add3A_93, %dma_start3A] : memref<20480x128xf32, #tpu.memory_space<hbm>> -> memref<128x128xf32, #tpu.memory_space<hbm>>
      %dma_start3A_95 = arith.constant 0 : i32
      %dma_start3A_96 = tpu.memref_slice %arg5[%add3A_93, %dma_start3A_95] : memref<20480x128xf32, #tpu.memory_space<hbm>> -> memref<128x128xf32, #tpu.memory_space<hbm>>
      tpu.enqueue_dma source(%arg9 : memref<128x128xf32, #tpu.memory_space<vmem>>) target(%dma_start3A_96 : memref<128x128xf32, #tpu.memory_space<hbm>>) target_semaphore(%run_scoped3A : memref<!tpu.dma_semaphore, #tpu.memory_space<semaphore_mem>>)
      %dma_wait3A = arith.constant 0 : i32
      %dma_wait3A_97 = tpu.memref_slice %arg5[%add3A_93, %dma_wait3A] : memref<20480x128xf32, #tpu.memory_space<hbm>> -> memref<128x128xf32, #tpu.memory_space<hbm>>
      %dma_wait3A_98 = arith.constant 0 : i32
      %dma_wait3A_99 = tpu.memref_slice %arg5[%add3A_93, %dma_wait3A_98] : memref<20480x128xf32, #tpu.memory_space<hbm>> -> memref<128x128xf32, #tpu.memory_space<hbm>>
      tpu.wait_dma2 semaphore(%run_scoped3A : memref<!tpu.dma_semaphore, #tpu.memory_space<semaphore_mem>>) src(%arg9 : memref<128x128xf32, #tpu.memory_space<vmem>>) dst(%dma_wait3A_99 : memref<128x128xf32, #tpu.memory_space<hbm>>)
      tpu.yield
    }) : () -> ()
    return
  }
}

#map = affine_map<(d0, d1) -> (0, 0, 0, 0)>
#map1 = affine_map<(d0, d1) -> (0, 0)>
module attributes {stable_mosaic.version = 14 : i64} {
  func.func @_sc_degree(%arg0: i32, %arg1: i32, %arg2: memref<2x16x160x128xi32, #tpu.memory_space<hbm>>, %arg3: memref<128x16xf32, #tpu.memory_space<hbm>>, %arg4: memref<128x16xf32, #tpu.memory_space<hbm>>, %arg5: memref<20480x16xf32, #tpu.memory_space<hbm>>, %arg6: memref<10240x16xf32, #tpu.memory_space<vmem_shared>>, %arg7: memref<160x128xi32, #tpu.memory_space<vmem>>, %arg8: memref<128x16xf32, #tpu.memory_space<vmem>>, %arg9: memref<128x16xf32, #tpu.memory_space<vmem>>) attributes {dimension_semantics = [#tpu.dimension_semantics<core_parallel>, #tpu.dimension_semantics<subcore_parallel>], iteration_bounds = array<i64: 2, 16>, scalar_prefetch = 0 : i64, scratch_operands = 4 : i64, tpu.core_type = #tpu.core_type<sc_vector_subcore>, window_params = [{transform_indices = #map}, {transform_indices = #map1}, {transform_indices = #map1}, {transform_indices = #map1}]} {
    %mul3A = arith.constant 640 : i32
    %mul3A_0 = arith.muli %arg1, %mul3A : i32
    "tpu.region"() ({
      %run_scoped3A = tpu.sem_alloc : memref<!tpu.dma_semaphore, #tpu.memory_space<semaphore_mem>>
      tpu.enqueue_dma source(%arg3 : memref<128x16xf32, #tpu.memory_space<hbm>>) target(%arg9 : memref<128x16xf32, #tpu.memory_space<vmem>>) target_semaphore(%run_scoped3A : memref<!tpu.dma_semaphore, #tpu.memory_space<semaphore_mem>>)
      tpu.wait_dma2 semaphore(%run_scoped3A : memref<!tpu.dma_semaphore, #tpu.memory_space<semaphore_mem>>) src(%arg3 : memref<128x16xf32, #tpu.memory_space<hbm>>) dst(%arg9 : memref<128x16xf32, #tpu.memory_space<vmem>>)
      tpu.yield
    }) : () -> ()
    "tpu.region"() ({
      %run_scoped3A = tpu.sem_alloc : memref<!tpu.dma_semaphore, #tpu.memory_space<semaphore_mem>>
      tpu.enqueue_dma source(%arg4 : memref<128x16xf32, #tpu.memory_space<hbm>>) target(%arg8 : memref<128x16xf32, #tpu.memory_space<vmem>>) target_semaphore(%run_scoped3A : memref<!tpu.dma_semaphore, #tpu.memory_space<semaphore_mem>>)
      tpu.wait_dma2 semaphore(%run_scoped3A : memref<!tpu.dma_semaphore, #tpu.memory_space<semaphore_mem>>) src(%arg4 : memref<128x16xf32, #tpu.memory_space<hbm>>) dst(%arg8 : memref<128x16xf32, #tpu.memory_space<vmem>>)
      tpu.yield
    }) : () -> ()
    "tpu.region"() ({
      %run_scoped3A = tpu.sem_alloc : memref<!tpu.dma_semaphore, #tpu.memory_space<semaphore_mem>>
      %dma_start3A = arith.constant 0 : i32
      %dma_start3A_51 = arith.constant 0 : i32
      %dma_start3A_52 = tpu.memref_slice %arg2[%arg0, %arg1, %dma_start3A, %dma_start3A_51] : memref<2x16x160x128xi32, #tpu.memory_space<hbm>> -> memref<1x1x160x128xi32, #tpu.memory_space<hbm>>
      %dma_start3A_53 = tpu.memref_squeeze %dma_start3A_52 : memref<1x1x160x128xi32, #tpu.memory_space<hbm>> -> memref<160x128xi32, #tpu.memory_space<hbm>>
      %dma_start3A_54 = arith.constant 0 : i32
      %dma_start3A_55 = arith.constant 0 : i32
      %dma_start3A_56 = tpu.memref_slice %arg2[%arg0, %arg1, %dma_start3A_54, %dma_start3A_55] : memref<2x16x160x128xi32, #tpu.memory_space<hbm>> -> memref<1x1x160x128xi32, #tpu.memory_space<hbm>>
      %dma_start3A_57 = tpu.memref_squeeze %dma_start3A_56 : memref<1x1x160x128xi32, #tpu.memory_space<hbm>> -> memref<160x128xi32, #tpu.memory_space<hbm>>
      tpu.enqueue_dma source(%dma_start3A_57 : memref<160x128xi32, #tpu.memory_space<hbm>>) target(%arg7 : memref<160x128xi32, #tpu.memory_space<vmem>>) target_semaphore(%run_scoped3A : memref<!tpu.dma_semaphore, #tpu.memory_space<semaphore_mem>>)
      %dma_wait3A = arith.constant 0 : i32
      %dma_wait3A_58 = arith.constant 0 : i32
      %dma_wait3A_59 = tpu.memref_slice %arg2[%arg0, %arg1, %dma_wait3A, %dma_wait3A_58] : memref<2x16x160x128xi32, #tpu.memory_space<hbm>> -> memref<1x1x160x128xi32, #tpu.memory_space<hbm>>
      %dma_wait3A_60 = tpu.memref_squeeze %dma_wait3A_59 : memref<1x1x160x128xi32, #tpu.memory_space<hbm>> -> memref<160x128xi32, #tpu.memory_space<hbm>>
      %dma_wait3A_61 = arith.constant 0 : i32
      %dma_wait3A_62 = arith.constant 0 : i32
      %dma_wait3A_63 = tpu.memref_slice %arg2[%arg0, %arg1, %dma_wait3A_61, %dma_wait3A_62] : memref<2x16x160x128xi32, #tpu.memory_space<hbm>> -> memref<1x1x160x128xi32, #tpu.memory_space<hbm>>
      %dma_wait3A_64 = tpu.memref_squeeze %dma_wait3A_63 : memref<1x1x160x128xi32, #tpu.memory_space<hbm>> -> memref<160x128xi32, #tpu.memory_space<hbm>>
      tpu.wait_dma2 semaphore(%run_scoped3A : memref<!tpu.dma_semaphore, #tpu.memory_space<semaphore_mem>>) src(%dma_wait3A_64 : memref<160x128xi32, #tpu.memory_space<hbm>>) dst(%arg7 : memref<160x128xi32, #tpu.memory_space<vmem>>)
      tpu.yield
    }) : () -> ()
    %add3A = arith.constant 0 : i32
    %add3A_1 = arith.addi %mul3A_0, %add3A : i32
    "tpu.region"() ({
      %run_scoped3A = tpu.sem_alloc : memref<!tpu.dma_semaphore, #tpu.memory_space<semaphore_mem>>
      %dma_start3A = arith.constant 0 : i32
      %dma_start3A_51 = tpu.memref_slice %arg6[%add3A_1, %dma_start3A] : memref<10240x16xf32, #tpu.memory_space<vmem_shared>> -> memref<128x16xf32, #tpu.memory_space<vmem_shared>>
      %dma_start3A_52 = arith.constant 0 : i32
      %dma_start3A_53 = tpu.memref_slice %arg6[%add3A_1, %dma_start3A_52] : memref<10240x16xf32, #tpu.memory_space<vmem_shared>> -> memref<128x16xf32, #tpu.memory_space<vmem_shared>>
      tpu.enqueue_dma source(%arg9 : memref<128x16xf32, #tpu.memory_space<vmem>>) target(%dma_start3A_53 : memref<128x16xf32, #tpu.memory_space<vmem_shared>>) target_semaphore(%run_scoped3A : memref<!tpu.dma_semaphore, #tpu.memory_space<semaphore_mem>>)
      %dma_wait3A = arith.constant 0 : i32
      %dma_wait3A_54 = tpu.memref_slice %arg6[%add3A_1, %dma_wait3A] : memref<10240x16xf32, #tpu.memory_space<vmem_shared>> -> memref<128x16xf32, #tpu.memory_space<vmem_shared>>
      %dma_wait3A_55 = arith.constant 0 : i32
      %dma_wait3A_56 = tpu.memref_slice %arg6[%add3A_1, %dma_wait3A_55] : memref<10240x16xf32, #tpu.memory_space<vmem_shared>> -> memref<128x16xf32, #tpu.memory_space<vmem_shared>>
      tpu.wait_dma2 semaphore(%run_scoped3A : memref<!tpu.dma_semaphore, #tpu.memory_space<semaphore_mem>>) src(%arg9 : memref<128x16xf32, #tpu.memory_space<vmem>>) dst(%dma_wait3A_56 : memref<128x16xf32, #tpu.memory_space<vmem_shared>>)
      tpu.yield
    }) : () -> ()
    %add3A_2 = arith.constant 128 : i32
    %add3A_3 = arith.addi %mul3A_0, %add3A_2 : i32
    "tpu.region"() ({
      %run_scoped3A = tpu.sem_alloc : memref<!tpu.dma_semaphore, #tpu.memory_space<semaphore_mem>>
      %dma_start3A = arith.constant 0 : i32
      %dma_start3A_51 = tpu.memref_slice %arg6[%add3A_3, %dma_start3A] : memref<10240x16xf32, #tpu.memory_space<vmem_shared>> -> memref<128x16xf32, #tpu.memory_space<vmem_shared>>
      %dma_start3A_52 = arith.constant 0 : i32
      %dma_start3A_53 = tpu.memref_slice %arg6[%add3A_3, %dma_start3A_52] : memref<10240x16xf32, #tpu.memory_space<vmem_shared>> -> memref<128x16xf32, #tpu.memory_space<vmem_shared>>
      tpu.enqueue_dma source(%arg9 : memref<128x16xf32, #tpu.memory_space<vmem>>) target(%dma_start3A_53 : memref<128x16xf32, #tpu.memory_space<vmem_shared>>) target_semaphore(%run_scoped3A : memref<!tpu.dma_semaphore, #tpu.memory_space<semaphore_mem>>)
      %dma_wait3A = arith.constant 0 : i32
      %dma_wait3A_54 = tpu.memref_slice %arg6[%add3A_3, %dma_wait3A] : memref<10240x16xf32, #tpu.memory_space<vmem_shared>> -> memref<128x16xf32, #tpu.memory_space<vmem_shared>>
      %dma_wait3A_55 = arith.constant 0 : i32
      %dma_wait3A_56 = tpu.memref_slice %arg6[%add3A_3, %dma_wait3A_55] : memref<10240x16xf32, #tpu.memory_space<vmem_shared>> -> memref<128x16xf32, #tpu.memory_space<vmem_shared>>
      tpu.wait_dma2 semaphore(%run_scoped3A : memref<!tpu.dma_semaphore, #tpu.memory_space<semaphore_mem>>) src(%arg9 : memref<128x16xf32, #tpu.memory_space<vmem>>) dst(%dma_wait3A_56 : memref<128x16xf32, #tpu.memory_space<vmem_shared>>)
      tpu.yield
    }) : () -> ()
    %add3A_4 = arith.constant 256 : i32
    %add3A_5 = arith.addi %mul3A_0, %add3A_4 : i32
    "tpu.region"() ({
      %run_scoped3A = tpu.sem_alloc : memref<!tpu.dma_semaphore, #tpu.memory_space<semaphore_mem>>
      %dma_start3A = arith.constant 0 : i32
      %dma_start3A_51 = tpu.memref_slice %arg6[%add3A_5, %dma_start3A] : memref<10240x16xf32, #tpu.memory_space<vmem_shared>> -> memref<128x16xf32, #tpu.memory_space<vmem_shared>>
      %dma_start3A_52 = arith.constant 0 : i32
      %dma_start3A_53 = tpu.memref_slice %arg6[%add3A_5, %dma_start3A_52] : memref<10240x16xf32, #tpu.memory_space<vmem_shared>> -> memref<128x16xf32, #tpu.memory_space<vmem_shared>>
      tpu.enqueue_dma source(%arg9 : memref<128x16xf32, #tpu.memory_space<vmem>>) target(%dma_start3A_53 : memref<128x16xf32, #tpu.memory_space<vmem_shared>>) target_semaphore(%run_scoped3A : memref<!tpu.dma_semaphore, #tpu.memory_space<semaphore_mem>>)
      %dma_wait3A = arith.constant 0 : i32
      %dma_wait3A_54 = tpu.memref_slice %arg6[%add3A_5, %dma_wait3A] : memref<10240x16xf32, #tpu.memory_space<vmem_shared>> -> memref<128x16xf32, #tpu.memory_space<vmem_shared>>
      %dma_wait3A_55 = arith.constant 0 : i32
      %dma_wait3A_56 = tpu.memref_slice %arg6[%add3A_5, %dma_wait3A_55] : memref<10240x16xf32, #tpu.memory_space<vmem_shared>> -> memref<128x16xf32, #tpu.memory_space<vmem_shared>>
      tpu.wait_dma2 semaphore(%run_scoped3A : memref<!tpu.dma_semaphore, #tpu.memory_space<semaphore_mem>>) src(%arg9 : memref<128x16xf32, #tpu.memory_space<vmem>>) dst(%dma_wait3A_56 : memref<128x16xf32, #tpu.memory_space<vmem_shared>>)
      tpu.yield
    }) : () -> ()
    %add3A_6 = arith.constant 384 : i32
    %add3A_7 = arith.addi %mul3A_0, %add3A_6 : i32
    "tpu.region"() ({
      %run_scoped3A = tpu.sem_alloc : memref<!tpu.dma_semaphore, #tpu.memory_space<semaphore_mem>>
      %dma_start3A = arith.constant 0 : i32
      %dma_start3A_51 = tpu.memref_slice %arg6[%add3A_7, %dma_start3A] : memref<10240x16xf32, #tpu.memory_space<vmem_shared>> -> memref<128x16xf32, #tpu.memory_space<vmem_shared>>
      %dma_start3A_52 = arith.constant 0 : i32
      %dma_start3A_53 = tpu.memref_slice %arg6[%add3A_7, %dma_start3A_52] : memref<10240x16xf32, #tpu.memory_space<vmem_shared>> -> memref<128x16xf32, #tpu.memory_space<vmem_shared>>
      tpu.enqueue_dma source(%arg9 : memref<128x16xf32, #tpu.memory_space<vmem>>) target(%dma_start3A_53 : memref<128x16xf32, #tpu.memory_space<vmem_shared>>) target_semaphore(%run_scoped3A : memref<!tpu.dma_semaphore, #tpu.memory_space<semaphore_mem>>)
      %dma_wait3A = arith.constant 0 : i32
      %dma_wait3A_54 = tpu.memref_slice %arg6[%add3A_7, %dma_wait3A] : memref<10240x16xf32, #tpu.memory_space<vmem_shared>> -> memref<128x16xf32, #tpu.memory_space<vmem_shared>>
      %dma_wait3A_55 = arith.constant 0 : i32
      %dma_wait3A_56 = tpu.memref_slice %arg6[%add3A_7, %dma_wait3A_55] : memref<10240x16xf32, #tpu.memory_space<vmem_shared>> -> memref<128x16xf32, #tpu.memory_space<vmem_shared>>
      tpu.wait_dma2 semaphore(%run_scoped3A : memref<!tpu.dma_semaphore, #tpu.memory_space<semaphore_mem>>) src(%arg9 : memref<128x16xf32, #tpu.memory_space<vmem>>) dst(%dma_wait3A_56 : memref<128x16xf32, #tpu.memory_space<vmem_shared>>)
      tpu.yield
    }) : () -> ()
    %add3A_8 = arith.constant 512 : i32
    %add3A_9 = arith.addi %mul3A_0, %add3A_8 : i32
    "tpu.region"() ({
      %run_scoped3A = tpu.sem_alloc : memref<!tpu.dma_semaphore, #tpu.memory_space<semaphore_mem>>
      %dma_start3A = arith.constant 0 : i32
      %dma_start3A_51 = tpu.memref_slice %arg6[%add3A_9, %dma_start3A] : memref<10240x16xf32, #tpu.memory_space<vmem_shared>> -> memref<128x16xf32, #tpu.memory_space<vmem_shared>>
      %dma_start3A_52 = arith.constant 0 : i32
      %dma_start3A_53 = tpu.memref_slice %arg6[%add3A_9, %dma_start3A_52] : memref<10240x16xf32, #tpu.memory_space<vmem_shared>> -> memref<128x16xf32, #tpu.memory_space<vmem_shared>>
      tpu.enqueue_dma source(%arg9 : memref<128x16xf32, #tpu.memory_space<vmem>>) target(%dma_start3A_53 : memref<128x16xf32, #tpu.memory_space<vmem_shared>>) target_semaphore(%run_scoped3A : memref<!tpu.dma_semaphore, #tpu.memory_space<semaphore_mem>>)
      %dma_wait3A = arith.constant 0 : i32
      %dma_wait3A_54 = tpu.memref_slice %arg6[%add3A_9, %dma_wait3A] : memref<10240x16xf32, #tpu.memory_space<vmem_shared>> -> memref<128x16xf32, #tpu.memory_space<vmem_shared>>
      %dma_wait3A_55 = arith.constant 0 : i32
      %dma_wait3A_56 = tpu.memref_slice %arg6[%add3A_9, %dma_wait3A_55] : memref<10240x16xf32, #tpu.memory_space<vmem_shared>> -> memref<128x16xf32, #tpu.memory_space<vmem_shared>>
      tpu.wait_dma2 semaphore(%run_scoped3A : memref<!tpu.dma_semaphore, #tpu.memory_space<semaphore_mem>>) src(%arg9 : memref<128x16xf32, #tpu.memory_space<vmem>>) dst(%dma_wait3A_56 : memref<128x16xf32, #tpu.memory_space<vmem_shared>>)
      tpu.yield
    }) : () -> ()
    %barrier3A = arith.constant 0 : index
    tpu.barrier barrier_id(%barrier3A)
    %scan3A = arith.constant 0 : i32
    %scan3A_10 = arith.constant 0 : i32
    %scan3A_11 = arith.constant 160 : i32
    %scan3A_12 = arith.addi %scan3A_10, %scan3A_11 : i32
    %scan3A_13 = arith.constant 1 : i32
    scf.for %scan3A_51 = %scan3A_10 to %scan3A_12 step %scan3A_13  : i32 {
      "tpu.region"() ({
        %run_scoped3A = tpu.sem_alloc : memref<!tpu.dma_semaphore, #tpu.memory_space<semaphore_mem>>
        %dma_start3A = arith.constant 0 : i32
        %dma_start3A_52 = tpu.memref_slice %arg7[%scan3A_51, %dma_start3A] : memref<160x128xi32, #tpu.memory_space<vmem>> -> memref<1x128xi32, #tpu.memory_space<vmem>>
        %dma_start3A_53 = tpu.memref_squeeze %dma_start3A_52 : memref<1x128xi32, #tpu.memory_space<vmem>> -> memref<128xi32, #tpu.memory_space<vmem>>
        %dma_start3A_54 = arith.constant 0 : i32
        %dma_start3A_55 = arith.constant 0 : i32
        %dma_start3A_56 = tpu.memref_slice %arg6[%dma_start3A_54, %dma_start3A_55] : memref<10240x16xf32, #tpu.memory_space<vmem_shared>> -> memref<10240x16xf32, #tpu.memory_space<vmem_shared>>
        tpu.enqueue_indirect_dma source(%arg8 : memref<128x16xf32, #tpu.memory_space<vmem>>) target(%dma_start3A_56 : memref<10240x16xf32, #tpu.memory_space<vmem_shared>>) offsets(%dma_start3A_53 : memref<128xi32, #tpu.memory_space<vmem>>) semaphore(%run_scoped3A : memref<!tpu.dma_semaphore, #tpu.memory_space<semaphore_mem>>) {add = true}
        %dma_wait3A = arith.constant 0 : i32
        %dma_wait3A_57 = tpu.memref_slice %arg7[%scan3A_51, %dma_wait3A] : memref<160x128xi32, #tpu.memory_space<vmem>> -> memref<1x128xi32, #tpu.memory_space<vmem>>
        %dma_wait3A_58 = tpu.memref_squeeze %dma_wait3A_57 : memref<1x128xi32, #tpu.memory_space<vmem>> -> memref<128xi32, #tpu.memory_space<vmem>>
        %dma_wait3A_59 = arith.constant 0 : i32
        %dma_wait3A_60 = arith.constant 0 : i32
        %dma_wait3A_61 = tpu.memref_slice %arg6[%dma_wait3A_59, %dma_wait3A_60] : memref<10240x16xf32, #tpu.memory_space<vmem_shared>> -> memref<10240x16xf32, #tpu.memory_space<vmem_shared>>
        tpu.wait_indirect_dma semaphore(%run_scoped3A : memref<!tpu.dma_semaphore, #tpu.memory_space<semaphore_mem>>) src(%arg8 : memref<128x16xf32, #tpu.memory_space<vmem>>) dst(%dma_wait3A_61 : memref<10240x16xf32, #tpu.memory_space<vmem_shared>>)
        tpu.yield
      }) : () -> ()
    }
    %scan3A_14 = arith.constant 160 : i32
    %barrier3A_15 = arith.constant 0 : index
    tpu.barrier barrier_id(%barrier3A_15)
    %add3A_16 = arith.constant 0 : i32
    %add3A_17 = arith.addi %mul3A_0, %add3A_16 : i32
    "tpu.region"() ({
      %run_scoped3A = tpu.sem_alloc : memref<!tpu.dma_semaphore, #tpu.memory_space<semaphore_mem>>
      %dma_start3A = arith.constant 0 : i32
      %dma_start3A_51 = tpu.memref_slice %arg6[%add3A_17, %dma_start3A] : memref<10240x16xf32, #tpu.memory_space<vmem_shared>> -> memref<128x16xf32, #tpu.memory_space<vmem_shared>>
      %dma_start3A_52 = arith.constant 0 : i32
      %dma_start3A_53 = tpu.memref_slice %arg6[%add3A_17, %dma_start3A_52] : memref<10240x16xf32, #tpu.memory_space<vmem_shared>> -> memref<128x16xf32, #tpu.memory_space<vmem_shared>>
      tpu.enqueue_dma source(%dma_start3A_53 : memref<128x16xf32, #tpu.memory_space<vmem_shared>>) target(%arg9 : memref<128x16xf32, #tpu.memory_space<vmem>>) target_semaphore(%run_scoped3A : memref<!tpu.dma_semaphore, #tpu.memory_space<semaphore_mem>>)
      %dma_wait3A = arith.constant 0 : i32
      %dma_wait3A_54 = tpu.memref_slice %arg6[%add3A_17, %dma_wait3A] : memref<10240x16xf32, #tpu.memory_space<vmem_shared>> -> memref<128x16xf32, #tpu.memory_space<vmem_shared>>
      %dma_wait3A_55 = arith.constant 0 : i32
      %dma_wait3A_56 = tpu.memref_slice %arg6[%add3A_17, %dma_wait3A_55] : memref<10240x16xf32, #tpu.memory_space<vmem_shared>> -> memref<128x16xf32, #tpu.memory_space<vmem_shared>>
      tpu.wait_dma2 semaphore(%run_scoped3A : memref<!tpu.dma_semaphore, #tpu.memory_space<semaphore_mem>>) src(%dma_wait3A_56 : memref<128x16xf32, #tpu.memory_space<vmem_shared>>) dst(%arg9 : memref<128x16xf32, #tpu.memory_space<vmem>>)
      tpu.yield
    }) : () -> ()
    %mul3A_18 = arith.constant 10240 : i32
    %mul3A_19 = arith.muli %arg0, %mul3A_18 : i32
    %add3A_20 = arith.addi %mul3A_19, %mul3A_0 : i32
    %add3A_21 = arith.constant 0 : i32
    %add3A_22 = arith.addi %add3A_20, %add3A_21 : i32
    "tpu.region"() ({
      %run_scoped3A = tpu.sem_alloc : memref<!tpu.dma_semaphore, #tpu.memory_space<semaphore_mem>>
      %dma_start3A = arith.constant 0 : i32
      %dma_start3A_51 = tpu.memref_slice %arg5[%add3A_22, %dma_start3A] : memref<20480x16xf32, #tpu.memory_space<hbm>> -> memref<128x16xf32, #tpu.memory_space<hbm>>
      %dma_start3A_52 = arith.constant 0 : i32
      %dma_start3A_53 = tpu.memref_slice %arg5[%add3A_22, %dma_start3A_52] : memref<20480x16xf32, #tpu.memory_space<hbm>> -> memref<128x16xf32, #tpu.memory_space<hbm>>
      tpu.enqueue_dma source(%arg9 : memref<128x16xf32, #tpu.memory_space<vmem>>) target(%dma_start3A_53 : memref<128x16xf32, #tpu.memory_space<hbm>>) target_semaphore(%run_scoped3A : memref<!tpu.dma_semaphore, #tpu.memory_space<semaphore_mem>>)
      %dma_wait3A = arith.constant 0 : i32
      %dma_wait3A_54 = tpu.memref_slice %arg5[%add3A_22, %dma_wait3A] : memref<20480x16xf32, #tpu.memory_space<hbm>> -> memref<128x16xf32, #tpu.memory_space<hbm>>
      %dma_wait3A_55 = arith.constant 0 : i32
      %dma_wait3A_56 = tpu.memref_slice %arg5[%add3A_22, %dma_wait3A_55] : memref<20480x16xf32, #tpu.memory_space<hbm>> -> memref<128x16xf32, #tpu.memory_space<hbm>>
      tpu.wait_dma2 semaphore(%run_scoped3A : memref<!tpu.dma_semaphore, #tpu.memory_space<semaphore_mem>>) src(%arg9 : memref<128x16xf32, #tpu.memory_space<vmem>>) dst(%dma_wait3A_56 : memref<128x16xf32, #tpu.memory_space<hbm>>)
      tpu.yield
    }) : () -> ()
    %add3A_23 = arith.constant 128 : i32
    %add3A_24 = arith.addi %mul3A_0, %add3A_23 : i32
    "tpu.region"() ({
      %run_scoped3A = tpu.sem_alloc : memref<!tpu.dma_semaphore, #tpu.memory_space<semaphore_mem>>
      %dma_start3A = arith.constant 0 : i32
      %dma_start3A_51 = tpu.memref_slice %arg6[%add3A_24, %dma_start3A] : memref<10240x16xf32, #tpu.memory_space<vmem_shared>> -> memref<128x16xf32, #tpu.memory_space<vmem_shared>>
      %dma_start3A_52 = arith.constant 0 : i32
      %dma_start3A_53 = tpu.memref_slice %arg6[%add3A_24, %dma_start3A_52] : memref<10240x16xf32, #tpu.memory_space<vmem_shared>> -> memref<128x16xf32, #tpu.memory_space<vmem_shared>>
      tpu.enqueue_dma source(%dma_start3A_53 : memref<128x16xf32, #tpu.memory_space<vmem_shared>>) target(%arg9 : memref<128x16xf32, #tpu.memory_space<vmem>>) target_semaphore(%run_scoped3A : memref<!tpu.dma_semaphore, #tpu.memory_space<semaphore_mem>>)
      %dma_wait3A = arith.constant 0 : i32
      %dma_wait3A_54 = tpu.memref_slice %arg6[%add3A_24, %dma_wait3A] : memref<10240x16xf32, #tpu.memory_space<vmem_shared>> -> memref<128x16xf32, #tpu.memory_space<vmem_shared>>
      %dma_wait3A_55 = arith.constant 0 : i32
      %dma_wait3A_56 = tpu.memref_slice %arg6[%add3A_24, %dma_wait3A_55] : memref<10240x16xf32, #tpu.memory_space<vmem_shared>> -> memref<128x16xf32, #tpu.memory_space<vmem_shared>>
      tpu.wait_dma2 semaphore(%run_scoped3A : memref<!tpu.dma_semaphore, #tpu.memory_space<semaphore_mem>>) src(%dma_wait3A_56 : memref<128x16xf32, #tpu.memory_space<vmem_shared>>) dst(%arg9 : memref<128x16xf32, #tpu.memory_space<vmem>>)
      tpu.yield
    }) : () -> ()
    %mul3A_25 = arith.constant 10240 : i32
    %mul3A_26 = arith.muli %arg0, %mul3A_25 : i32
    %add3A_27 = arith.addi %mul3A_26, %mul3A_0 : i32
    %add3A_28 = arith.constant 128 : i32
    %add3A_29 = arith.addi %add3A_27, %add3A_28 : i32
    "tpu.region"() ({
      %run_scoped3A = tpu.sem_alloc : memref<!tpu.dma_semaphore, #tpu.memory_space<semaphore_mem>>
      %dma_start3A = arith.constant 0 : i32
      %dma_start3A_51 = tpu.memref_slice %arg5[%add3A_29, %dma_start3A] : memref<20480x16xf32, #tpu.memory_space<hbm>> -> memref<128x16xf32, #tpu.memory_space<hbm>>
      %dma_start3A_52 = arith.constant 0 : i32
      %dma_start3A_53 = tpu.memref_slice %arg5[%add3A_29, %dma_start3A_52] : memref<20480x16xf32, #tpu.memory_space<hbm>> -> memref<128x16xf32, #tpu.memory_space<hbm>>
      tpu.enqueue_dma source(%arg9 : memref<128x16xf32, #tpu.memory_space<vmem>>) target(%dma_start3A_53 : memref<128x16xf32, #tpu.memory_space<hbm>>) target_semaphore(%run_scoped3A : memref<!tpu.dma_semaphore, #tpu.memory_space<semaphore_mem>>)
      %dma_wait3A = arith.constant 0 : i32
      %dma_wait3A_54 = tpu.memref_slice %arg5[%add3A_29, %dma_wait3A] : memref<20480x16xf32, #tpu.memory_space<hbm>> -> memref<128x16xf32, #tpu.memory_space<hbm>>
      %dma_wait3A_55 = arith.constant 0 : i32
      %dma_wait3A_56 = tpu.memref_slice %arg5[%add3A_29, %dma_wait3A_55] : memref<20480x16xf32, #tpu.memory_space<hbm>> -> memref<128x16xf32, #tpu.memory_space<hbm>>
      tpu.wait_dma2 semaphore(%run_scoped3A : memref<!tpu.dma_semaphore, #tpu.memory_space<semaphore_mem>>) src(%arg9 : memref<128x16xf32, #tpu.memory_space<vmem>>) dst(%dma_wait3A_56 : memref<128x16xf32, #tpu.memory_space<hbm>>)
      tpu.yield
    }) : () -> ()
    %add3A_30 = arith.constant 256 : i32
    %add3A_31 = arith.addi %mul3A_0, %add3A_30 : i32
    "tpu.region"() ({
      %run_scoped3A = tpu.sem_alloc : memref<!tpu.dma_semaphore, #tpu.memory_space<semaphore_mem>>
      %dma_start3A = arith.constant 0 : i32
      %dma_start3A_51 = tpu.memref_slice %arg6[%add3A_31, %dma_start3A] : memref<10240x16xf32, #tpu.memory_space<vmem_shared>> -> memref<128x16xf32, #tpu.memory_space<vmem_shared>>
      %dma_start3A_52 = arith.constant 0 : i32
      %dma_start3A_53 = tpu.memref_slice %arg6[%add3A_31, %dma_start3A_52] : memref<10240x16xf32, #tpu.memory_space<vmem_shared>> -> memref<128x16xf32, #tpu.memory_space<vmem_shared>>
      tpu.enqueue_dma source(%dma_start3A_53 : memref<128x16xf32, #tpu.memory_space<vmem_shared>>) target(%arg9 : memref<128x16xf32, #tpu.memory_space<vmem>>) target_semaphore(%run_scoped3A : memref<!tpu.dma_semaphore, #tpu.memory_space<semaphore_mem>>)
      %dma_wait3A = arith.constant 0 : i32
      %dma_wait3A_54 = tpu.memref_slice %arg6[%add3A_31, %dma_wait3A] : memref<10240x16xf32, #tpu.memory_space<vmem_shared>> -> memref<128x16xf32, #tpu.memory_space<vmem_shared>>
      %dma_wait3A_55 = arith.constant 0 : i32
      %dma_wait3A_56 = tpu.memref_slice %arg6[%add3A_31, %dma_wait3A_55] : memref<10240x16xf32, #tpu.memory_space<vmem_shared>> -> memref<128x16xf32, #tpu.memory_space<vmem_shared>>
      tpu.wait_dma2 semaphore(%run_scoped3A : memref<!tpu.dma_semaphore, #tpu.memory_space<semaphore_mem>>) src(%dma_wait3A_56 : memref<128x16xf32, #tpu.memory_space<vmem_shared>>) dst(%arg9 : memref<128x16xf32, #tpu.memory_space<vmem>>)
      tpu.yield
    }) : () -> ()
    %mul3A_32 = arith.constant 10240 : i32
    %mul3A_33 = arith.muli %arg0, %mul3A_32 : i32
    %add3A_34 = arith.addi %mul3A_33, %mul3A_0 : i32
    %add3A_35 = arith.constant 256 : i32
    %add3A_36 = arith.addi %add3A_34, %add3A_35 : i32
    "tpu.region"() ({
      %run_scoped3A = tpu.sem_alloc : memref<!tpu.dma_semaphore, #tpu.memory_space<semaphore_mem>>
      %dma_start3A = arith.constant 0 : i32
      %dma_start3A_51 = tpu.memref_slice %arg5[%add3A_36, %dma_start3A] : memref<20480x16xf32, #tpu.memory_space<hbm>> -> memref<128x16xf32, #tpu.memory_space<hbm>>
      %dma_start3A_52 = arith.constant 0 : i32
      %dma_start3A_53 = tpu.memref_slice %arg5[%add3A_36, %dma_start3A_52] : memref<20480x16xf32, #tpu.memory_space<hbm>> -> memref<128x16xf32, #tpu.memory_space<hbm>>
      tpu.enqueue_dma source(%arg9 : memref<128x16xf32, #tpu.memory_space<vmem>>) target(%dma_start3A_53 : memref<128x16xf32, #tpu.memory_space<hbm>>) target_semaphore(%run_scoped3A : memref<!tpu.dma_semaphore, #tpu.memory_space<semaphore_mem>>)
      %dma_wait3A = arith.constant 0 : i32
      %dma_wait3A_54 = tpu.memref_slice %arg5[%add3A_36, %dma_wait3A] : memref<20480x16xf32, #tpu.memory_space<hbm>> -> memref<128x16xf32, #tpu.memory_space<hbm>>
      %dma_wait3A_55 = arith.constant 0 : i32
      %dma_wait3A_56 = tpu.memref_slice %arg5[%add3A_36, %dma_wait3A_55] : memref<20480x16xf32, #tpu.memory_space<hbm>> -> memref<128x16xf32, #tpu.memory_space<hbm>>
      tpu.wait_dma2 semaphore(%run_scoped3A : memref<!tpu.dma_semaphore, #tpu.memory_space<semaphore_mem>>) src(%arg9 : memref<128x16xf32, #tpu.memory_space<vmem>>) dst(%dma_wait3A_56 : memref<128x16xf32, #tpu.memory_space<hbm>>)
      tpu.yield
    }) : () -> ()
    %add3A_37 = arith.constant 384 : i32
    %add3A_38 = arith.addi %mul3A_0, %add3A_37 : i32
    "tpu.region"() ({
      %run_scoped3A = tpu.sem_alloc : memref<!tpu.dma_semaphore, #tpu.memory_space<semaphore_mem>>
      %dma_start3A = arith.constant 0 : i32
      %dma_start3A_51 = tpu.memref_slice %arg6[%add3A_38, %dma_start3A] : memref<10240x16xf32, #tpu.memory_space<vmem_shared>> -> memref<128x16xf32, #tpu.memory_space<vmem_shared>>
      %dma_start3A_52 = arith.constant 0 : i32
      %dma_start3A_53 = tpu.memref_slice %arg6[%add3A_38, %dma_start3A_52] : memref<10240x16xf32, #tpu.memory_space<vmem_shared>> -> memref<128x16xf32, #tpu.memory_space<vmem_shared>>
      tpu.enqueue_dma source(%dma_start3A_53 : memref<128x16xf32, #tpu.memory_space<vmem_shared>>) target(%arg9 : memref<128x16xf32, #tpu.memory_space<vmem>>) target_semaphore(%run_scoped3A : memref<!tpu.dma_semaphore, #tpu.memory_space<semaphore_mem>>)
      %dma_wait3A = arith.constant 0 : i32
      %dma_wait3A_54 = tpu.memref_slice %arg6[%add3A_38, %dma_wait3A] : memref<10240x16xf32, #tpu.memory_space<vmem_shared>> -> memref<128x16xf32, #tpu.memory_space<vmem_shared>>
      %dma_wait3A_55 = arith.constant 0 : i32
      %dma_wait3A_56 = tpu.memref_slice %arg6[%add3A_38, %dma_wait3A_55] : memref<10240x16xf32, #tpu.memory_space<vmem_shared>> -> memref<128x16xf32, #tpu.memory_space<vmem_shared>>
      tpu.wait_dma2 semaphore(%run_scoped3A : memref<!tpu.dma_semaphore, #tpu.memory_space<semaphore_mem>>) src(%dma_wait3A_56 : memref<128x16xf32, #tpu.memory_space<vmem_shared>>) dst(%arg9 : memref<128x16xf32, #tpu.memory_space<vmem>>)
      tpu.yield
    }) : () -> ()
    %mul3A_39 = arith.constant 10240 : i32
    %mul3A_40 = arith.muli %arg0, %mul3A_39 : i32
    %add3A_41 = arith.addi %mul3A_40, %mul3A_0 : i32
    %add3A_42 = arith.constant 384 : i32
    %add3A_43 = arith.addi %add3A_41, %add3A_42 : i32
    "tpu.region"() ({
      %run_scoped3A = tpu.sem_alloc : memref<!tpu.dma_semaphore, #tpu.memory_space<semaphore_mem>>
      %dma_start3A = arith.constant 0 : i32
      %dma_start3A_51 = tpu.memref_slice %arg5[%add3A_43, %dma_start3A] : memref<20480x16xf32, #tpu.memory_space<hbm>> -> memref<128x16xf32, #tpu.memory_space<hbm>>
      %dma_start3A_52 = arith.constant 0 : i32
      %dma_start3A_53 = tpu.memref_slice %arg5[%add3A_43, %dma_start3A_52] : memref<20480x16xf32, #tpu.memory_space<hbm>> -> memref<128x16xf32, #tpu.memory_space<hbm>>
      tpu.enqueue_dma source(%arg9 : memref<128x16xf32, #tpu.memory_space<vmem>>) target(%dma_start3A_53 : memref<128x16xf32, #tpu.memory_space<hbm>>) target_semaphore(%run_scoped3A : memref<!tpu.dma_semaphore, #tpu.memory_space<semaphore_mem>>)
      %dma_wait3A = arith.constant 0 : i32
      %dma_wait3A_54 = tpu.memref_slice %arg5[%add3A_43, %dma_wait3A] : memref<20480x16xf32, #tpu.memory_space<hbm>> -> memref<128x16xf32, #tpu.memory_space<hbm>>
      %dma_wait3A_55 = arith.constant 0 : i32
      %dma_wait3A_56 = tpu.memref_slice %arg5[%add3A_43, %dma_wait3A_55] : memref<20480x16xf32, #tpu.memory_space<hbm>> -> memref<128x16xf32, #tpu.memory_space<hbm>>
      tpu.wait_dma2 semaphore(%run_scoped3A : memref<!tpu.dma_semaphore, #tpu.memory_space<semaphore_mem>>) src(%arg9 : memref<128x16xf32, #tpu.memory_space<vmem>>) dst(%dma_wait3A_56 : memref<128x16xf32, #tpu.memory_space<hbm>>)
      tpu.yield
    }) : () -> ()
    %add3A_44 = arith.constant 512 : i32
    %add3A_45 = arith.addi %mul3A_0, %add3A_44 : i32
    "tpu.region"() ({
      %run_scoped3A = tpu.sem_alloc : memref<!tpu.dma_semaphore, #tpu.memory_space<semaphore_mem>>
      %dma_start3A = arith.constant 0 : i32
      %dma_start3A_51 = tpu.memref_slice %arg6[%add3A_45, %dma_start3A] : memref<10240x16xf32, #tpu.memory_space<vmem_shared>> -> memref<128x16xf32, #tpu.memory_space<vmem_shared>>
      %dma_start3A_52 = arith.constant 0 : i32
      %dma_start3A_53 = tpu.memref_slice %arg6[%add3A_45, %dma_start3A_52] : memref<10240x16xf32, #tpu.memory_space<vmem_shared>> -> memref<128x16xf32, #tpu.memory_space<vmem_shared>>
      tpu.enqueue_dma source(%dma_start3A_53 : memref<128x16xf32, #tpu.memory_space<vmem_shared>>) target(%arg9 : memref<128x16xf32, #tpu.memory_space<vmem>>) target_semaphore(%run_scoped3A : memref<!tpu.dma_semaphore, #tpu.memory_space<semaphore_mem>>)
      %dma_wait3A = arith.constant 0 : i32
      %dma_wait3A_54 = tpu.memref_slice %arg6[%add3A_45, %dma_wait3A] : memref<10240x16xf32, #tpu.memory_space<vmem_shared>> -> memref<128x16xf32, #tpu.memory_space<vmem_shared>>
      %dma_wait3A_55 = arith.constant 0 : i32
      %dma_wait3A_56 = tpu.memref_slice %arg6[%add3A_45, %dma_wait3A_55] : memref<10240x16xf32, #tpu.memory_space<vmem_shared>> -> memref<128x16xf32, #tpu.memory_space<vmem_shared>>
      tpu.wait_dma2 semaphore(%run_scoped3A : memref<!tpu.dma_semaphore, #tpu.memory_space<semaphore_mem>>) src(%dma_wait3A_56 : memref<128x16xf32, #tpu.memory_space<vmem_shared>>) dst(%arg9 : memref<128x16xf32, #tpu.memory_space<vmem>>)
      tpu.yield
    }) : () -> ()
    %mul3A_46 = arith.constant 10240 : i32
    %mul3A_47 = arith.muli %arg0, %mul3A_46 : i32
    %add3A_48 = arith.addi %mul3A_47, %mul3A_0 : i32
    %add3A_49 = arith.constant 512 : i32
    %add3A_50 = arith.addi %add3A_48, %add3A_49 : i32
    "tpu.region"() ({
      %run_scoped3A = tpu.sem_alloc : memref<!tpu.dma_semaphore, #tpu.memory_space<semaphore_mem>>
      %dma_start3A = arith.constant 0 : i32
      %dma_start3A_51 = tpu.memref_slice %arg5[%add3A_50, %dma_start3A] : memref<20480x16xf32, #tpu.memory_space<hbm>> -> memref<128x16xf32, #tpu.memory_space<hbm>>
      %dma_start3A_52 = arith.constant 0 : i32
      %dma_start3A_53 = tpu.memref_slice %arg5[%add3A_50, %dma_start3A_52] : memref<20480x16xf32, #tpu.memory_space<hbm>> -> memref<128x16xf32, #tpu.memory_space<hbm>>
      tpu.enqueue_dma source(%arg9 : memref<128x16xf32, #tpu.memory_space<vmem>>) target(%dma_start3A_53 : memref<128x16xf32, #tpu.memory_space<hbm>>) target_semaphore(%run_scoped3A : memref<!tpu.dma_semaphore, #tpu.memory_space<semaphore_mem>>)
      %dma_wait3A = arith.constant 0 : i32
      %dma_wait3A_54 = tpu.memref_slice %arg5[%add3A_50, %dma_wait3A] : memref<20480x16xf32, #tpu.memory_space<hbm>> -> memref<128x16xf32, #tpu.memory_space<hbm>>
      %dma_wait3A_55 = arith.constant 0 : i32
      %dma_wait3A_56 = tpu.memref_slice %arg5[%add3A_50, %dma_wait3A_55] : memref<20480x16xf32, #tpu.memory_space<hbm>> -> memref<128x16xf32, #tpu.memory_space<hbm>>
      tpu.wait_dma2 semaphore(%run_scoped3A : memref<!tpu.dma_semaphore, #tpu.memory_space<semaphore_mem>>) src(%arg9 : memref<128x16xf32, #tpu.memory_space<vmem>>) dst(%dma_wait3A_56 : memref<128x16xf32, #tpu.memory_space<hbm>>)
      tpu.yield
    }) : () -> ()
    return
  }
}

#map = affine_map<(d0, d1) -> (0, 0)>
#map1 = affine_map<(d0, d1) -> (0, 0, 0, 0)>
module attributes {stable_mosaic.version = 14 : i64} {
  func.func @_sc_aggregate(%arg0: i32, %arg1: i32, %arg2: memref<20480x128xf32, #tpu.memory_space<hbm>>, %arg3: memref<2x16x160x128xi32, #tpu.memory_space<hbm>>, %arg4: memref<2x16x160x128xi32, #tpu.memory_space<hbm>>, %arg5: memref<20480x128xf32, #tpu.memory_space<hbm>>, %arg6: memref<10240x128xf32, #tpu.memory_space<vmem_shared>>, %arg7: memref<40x128xi32, #tpu.memory_space<vmem>>, %arg8: memref<40x128xi32, #tpu.memory_space<vmem>>, %arg9: memref<128x128xf32, #tpu.memory_space<vmem>>, %arg10: memref<!tpu.dma_semaphore, #tpu.memory_space<semaphore_mem>>) attributes {dimension_semantics = [#tpu.dimension_semantics<core_parallel>, #tpu.dimension_semantics<subcore_parallel>], iteration_bounds = array<i64: 2, 16>, scalar_prefetch = 0 : i64, scratch_operands = 5 : i64, tpu.core_type = #tpu.core_type<sc_vector_subcore>, window_params = [{transform_indices = #map}, {transform_indices = #map1}, {transform_indices = #map1}, {transform_indices = #map}]} {
    %mul3A = arith.constant 640 : i32
    %mul3A_0 = arith.muli %arg1, %mul3A : i32
    %mul3A_1 = arith.constant 10240 : i32
    %mul3A_2 = arith.muli %arg0, %mul3A_1 : i32
    %add3A = arith.addi %mul3A_2, %mul3A_0 : i32
    %add3A_3 = arith.constant 0 : i32
    %add3A_4 = arith.addi %add3A, %add3A_3 : i32
    "tpu.region"() ({
      %run_scoped3A = tpu.sem_alloc : memref<!tpu.dma_semaphore, #tpu.memory_space<semaphore_mem>>
      %dma_start3A = arith.constant 0 : i32
      %dma_start3A_94 = tpu.memref_slice %arg2[%add3A_4, %dma_start3A] : memref<20480x128xf32, #tpu.memory_space<hbm>> -> memref<128x128xf32, #tpu.memory_space<hbm>>
      %dma_start3A_95 = arith.constant 0 : i32
      %dma_start3A_96 = tpu.memref_slice %arg2[%add3A_4, %dma_start3A_95] : memref<20480x128xf32, #tpu.memory_space<hbm>> -> memref<128x128xf32, #tpu.memory_space<hbm>>
      tpu.enqueue_dma source(%dma_start3A_96 : memref<128x128xf32, #tpu.memory_space<hbm>>) target(%arg9 : memref<128x128xf32, #tpu.memory_space<vmem>>) target_semaphore(%run_scoped3A : memref<!tpu.dma_semaphore, #tpu.memory_space<semaphore_mem>>)
      %dma_wait3A = arith.constant 0 : i32
      %dma_wait3A_97 = tpu.memref_slice %arg2[%add3A_4, %dma_wait3A] : memref<20480x128xf32, #tpu.memory_space<hbm>> -> memref<128x128xf32, #tpu.memory_space<hbm>>
      %dma_wait3A_98 = arith.constant 0 : i32
      %dma_wait3A_99 = tpu.memref_slice %arg2[%add3A_4, %dma_wait3A_98] : memref<20480x128xf32, #tpu.memory_space<hbm>> -> memref<128x128xf32, #tpu.memory_space<hbm>>
      tpu.wait_dma2 semaphore(%run_scoped3A : memref<!tpu.dma_semaphore, #tpu.memory_space<semaphore_mem>>) src(%dma_wait3A_99 : memref<128x128xf32, #tpu.memory_space<hbm>>) dst(%arg9 : memref<128x128xf32, #tpu.memory_space<vmem>>)
      tpu.yield
    }) : () -> ()
    %add3A_5 = arith.constant 0 : i32
    %add3A_6 = arith.addi %mul3A_0, %add3A_5 : i32
    "tpu.region"() ({
      %run_scoped3A = tpu.sem_alloc : memref<!tpu.dma_semaphore, #tpu.memory_space<semaphore_mem>>
      %dma_start3A = arith.constant 0 : i32
      %dma_start3A_94 = tpu.memref_slice %arg6[%add3A_6, %dma_start3A] : memref<10240x128xf32, #tpu.memory_space<vmem_shared>> -> memref<128x128xf32, #tpu.memory_space<vmem_shared>>
      %dma_start3A_95 = arith.constant 0 : i32
      %dma_start3A_96 = tpu.memref_slice %arg6[%add3A_6, %dma_start3A_95] : memref<10240x128xf32, #tpu.memory_space<vmem_shared>> -> memref<128x128xf32, #tpu.memory_space<vmem_shared>>
      tpu.enqueue_dma source(%arg9 : memref<128x128xf32, #tpu.memory_space<vmem>>) target(%dma_start3A_96 : memref<128x128xf32, #tpu.memory_space<vmem_shared>>) target_semaphore(%run_scoped3A : memref<!tpu.dma_semaphore, #tpu.memory_space<semaphore_mem>>)
      %dma_wait3A = arith.constant 0 : i32
      %dma_wait3A_97 = tpu.memref_slice %arg6[%add3A_6, %dma_wait3A] : memref<10240x128xf32, #tpu.memory_space<vmem_shared>> -> memref<128x128xf32, #tpu.memory_space<vmem_shared>>
      %dma_wait3A_98 = arith.constant 0 : i32
      %dma_wait3A_99 = tpu.memref_slice %arg6[%add3A_6, %dma_wait3A_98] : memref<10240x128xf32, #tpu.memory_space<vmem_shared>> -> memref<128x128xf32, #tpu.memory_space<vmem_shared>>
      tpu.wait_dma2 semaphore(%run_scoped3A : memref<!tpu.dma_semaphore, #tpu.memory_space<semaphore_mem>>) src(%arg9 : memref<128x128xf32, #tpu.memory_space<vmem>>) dst(%dma_wait3A_99 : memref<128x128xf32, #tpu.memory_space<vmem_shared>>)
      tpu.yield
    }) : () -> ()
    %mul3A_7 = arith.constant 10240 : i32
    %mul3A_8 = arith.muli %arg0, %mul3A_7 : i32
    %add3A_9 = arith.addi %mul3A_8, %mul3A_0 : i32
    %add3A_10 = arith.constant 128 : i32
    %add3A_11 = arith.addi %add3A_9, %add3A_10 : i32
    "tpu.region"() ({
      %run_scoped3A = tpu.sem_alloc : memref<!tpu.dma_semaphore, #tpu.memory_space<semaphore_mem>>
      %dma_start3A = arith.constant 0 : i32
      %dma_start3A_94 = tpu.memref_slice %arg2[%add3A_11, %dma_start3A] : memref<20480x128xf32, #tpu.memory_space<hbm>> -> memref<128x128xf32, #tpu.memory_space<hbm>>
      %dma_start3A_95 = arith.constant 0 : i32
      %dma_start3A_96 = tpu.memref_slice %arg2[%add3A_11, %dma_start3A_95] : memref<20480x128xf32, #tpu.memory_space<hbm>> -> memref<128x128xf32, #tpu.memory_space<hbm>>
      tpu.enqueue_dma source(%dma_start3A_96 : memref<128x128xf32, #tpu.memory_space<hbm>>) target(%arg9 : memref<128x128xf32, #tpu.memory_space<vmem>>) target_semaphore(%run_scoped3A : memref<!tpu.dma_semaphore, #tpu.memory_space<semaphore_mem>>)
      %dma_wait3A = arith.constant 0 : i32
      %dma_wait3A_97 = tpu.memref_slice %arg2[%add3A_11, %dma_wait3A] : memref<20480x128xf32, #tpu.memory_space<hbm>> -> memref<128x128xf32, #tpu.memory_space<hbm>>
      %dma_wait3A_98 = arith.constant 0 : i32
      %dma_wait3A_99 = tpu.memref_slice %arg2[%add3A_11, %dma_wait3A_98] : memref<20480x128xf32, #tpu.memory_space<hbm>> -> memref<128x128xf32, #tpu.memory_space<hbm>>
      tpu.wait_dma2 semaphore(%run_scoped3A : memref<!tpu.dma_semaphore, #tpu.memory_space<semaphore_mem>>) src(%dma_wait3A_99 : memref<128x128xf32, #tpu.memory_space<hbm>>) dst(%arg9 : memref<128x128xf32, #tpu.memory_space<vmem>>)
      tpu.yield
    }) : () -> ()
    %add3A_12 = arith.constant 128 : i32
    %add3A_13 = arith.addi %mul3A_0, %add3A_12 : i32
    "tpu.region"() ({
      %run_scoped3A = tpu.sem_alloc : memref<!tpu.dma_semaphore, #tpu.memory_space<semaphore_mem>>
      %dma_start3A = arith.constant 0 : i32
      %dma_start3A_94 = tpu.memref_slice %arg6[%add3A_13, %dma_start3A] : memref<10240x128xf32, #tpu.memory_space<vmem_shared>> -> memref<128x128xf32, #tpu.memory_space<vmem_shared>>
      %dma_start3A_95 = arith.constant 0 : i32
      %dma_start3A_96 = tpu.memref_slice %arg6[%add3A_13, %dma_start3A_95] : memref<10240x128xf32, #tpu.memory_space<vmem_shared>> -> memref<128x128xf32, #tpu.memory_space<vmem_shared>>
      tpu.enqueue_dma source(%arg9 : memref<128x128xf32, #tpu.memory_space<vmem>>) target(%dma_start3A_96 : memref<128x128xf32, #tpu.memory_space<vmem_shared>>) target_semaphore(%run_scoped3A : memref<!tpu.dma_semaphore, #tpu.memory_space<semaphore_mem>>)
      %dma_wait3A = arith.constant 0 : i32
      %dma_wait3A_97 = tpu.memref_slice %arg6[%add3A_13, %dma_wait3A] : memref<10240x128xf32, #tpu.memory_space<vmem_shared>> -> memref<128x128xf32, #tpu.memory_space<vmem_shared>>
      %dma_wait3A_98 = arith.constant 0 : i32
      %dma_wait3A_99 = tpu.memref_slice %arg6[%add3A_13, %dma_wait3A_98] : memref<10240x128xf32, #tpu.memory_space<vmem_shared>> -> memref<128x128xf32, #tpu.memory_space<vmem_shared>>
      tpu.wait_dma2 semaphore(%run_scoped3A : memref<!tpu.dma_semaphore, #tpu.memory_space<semaphore_mem>>) src(%arg9 : memref<128x128xf32, #tpu.memory_space<vmem>>) dst(%dma_wait3A_99 : memref<128x128xf32, #tpu.memory_space<vmem_shared>>)
      tpu.yield
    }) : () -> ()
    %mul3A_14 = arith.constant 10240 : i32
    %mul3A_15 = arith.muli %arg0, %mul3A_14 : i32
    %add3A_16 = arith.addi %mul3A_15, %mul3A_0 : i32
    %add3A_17 = arith.constant 256 : i32
    %add3A_18 = arith.addi %add3A_16, %add3A_17 : i32
    "tpu.region"() ({
      %run_scoped3A = tpu.sem_alloc : memref<!tpu.dma_semaphore, #tpu.memory_space<semaphore_mem>>
      %dma_start3A = arith.constant 0 : i32
      %dma_start3A_94 = tpu.memref_slice %arg2[%add3A_18, %dma_start3A] : memref<20480x128xf32, #tpu.memory_space<hbm>> -> memref<128x128xf32, #tpu.memory_space<hbm>>
      %dma_start3A_95 = arith.constant 0 : i32
      %dma_start3A_96 = tpu.memref_slice %arg2[%add3A_18, %dma_start3A_95] : memref<20480x128xf32, #tpu.memory_space<hbm>> -> memref<128x128xf32, #tpu.memory_space<hbm>>
      tpu.enqueue_dma source(%dma_start3A_96 : memref<128x128xf32, #tpu.memory_space<hbm>>) target(%arg9 : memref<128x128xf32, #tpu.memory_space<vmem>>) target_semaphore(%run_scoped3A : memref<!tpu.dma_semaphore, #tpu.memory_space<semaphore_mem>>)
      %dma_wait3A = arith.constant 0 : i32
      %dma_wait3A_97 = tpu.memref_slice %arg2[%add3A_18, %dma_wait3A] : memref<20480x128xf32, #tpu.memory_space<hbm>> -> memref<128x128xf32, #tpu.memory_space<hbm>>
      %dma_wait3A_98 = arith.constant 0 : i32
      %dma_wait3A_99 = tpu.memref_slice %arg2[%add3A_18, %dma_wait3A_98] : memref<20480x128xf32, #tpu.memory_space<hbm>> -> memref<128x128xf32, #tpu.memory_space<hbm>>
      tpu.wait_dma2 semaphore(%run_scoped3A : memref<!tpu.dma_semaphore, #tpu.memory_space<semaphore_mem>>) src(%dma_wait3A_99 : memref<128x128xf32, #tpu.memory_space<hbm>>) dst(%arg9 : memref<128x128xf32, #tpu.memory_space<vmem>>)
      tpu.yield
    }) : () -> ()
    %add3A_19 = arith.constant 256 : i32
    %add3A_20 = arith.addi %mul3A_0, %add3A_19 : i32
    "tpu.region"() ({
      %run_scoped3A = tpu.sem_alloc : memref<!tpu.dma_semaphore, #tpu.memory_space<semaphore_mem>>
      %dma_start3A = arith.constant 0 : i32
      %dma_start3A_94 = tpu.memref_slice %arg6[%add3A_20, %dma_start3A] : memref<10240x128xf32, #tpu.memory_space<vmem_shared>> -> memref<128x128xf32, #tpu.memory_space<vmem_shared>>
      %dma_start3A_95 = arith.constant 0 : i32
      %dma_start3A_96 = tpu.memref_slice %arg6[%add3A_20, %dma_start3A_95] : memref<10240x128xf32, #tpu.memory_space<vmem_shared>> -> memref<128x128xf32, #tpu.memory_space<vmem_shared>>
      tpu.enqueue_dma source(%arg9 : memref<128x128xf32, #tpu.memory_space<vmem>>) target(%dma_start3A_96 : memref<128x128xf32, #tpu.memory_space<vmem_shared>>) target_semaphore(%run_scoped3A : memref<!tpu.dma_semaphore, #tpu.memory_space<semaphore_mem>>)
      %dma_wait3A = arith.constant 0 : i32
      %dma_wait3A_97 = tpu.memref_slice %arg6[%add3A_20, %dma_wait3A] : memref<10240x128xf32, #tpu.memory_space<vmem_shared>> -> memref<128x128xf32, #tpu.memory_space<vmem_shared>>
      %dma_wait3A_98 = arith.constant 0 : i32
      %dma_wait3A_99 = tpu.memref_slice %arg6[%add3A_20, %dma_wait3A_98] : memref<10240x128xf32, #tpu.memory_space<vmem_shared>> -> memref<128x128xf32, #tpu.memory_space<vmem_shared>>
      tpu.wait_dma2 semaphore(%run_scoped3A : memref<!tpu.dma_semaphore, #tpu.memory_space<semaphore_mem>>) src(%arg9 : memref<128x128xf32, #tpu.memory_space<vmem>>) dst(%dma_wait3A_99 : memref<128x128xf32, #tpu.memory_space<vmem_shared>>)
      tpu.yield
    }) : () -> ()
    %mul3A_21 = arith.constant 10240 : i32
    %mul3A_22 = arith.muli %arg0, %mul3A_21 : i32
    %add3A_23 = arith.addi %mul3A_22, %mul3A_0 : i32
    %add3A_24 = arith.constant 384 : i32
    %add3A_25 = arith.addi %add3A_23, %add3A_24 : i32
    "tpu.region"() ({
      %run_scoped3A = tpu.sem_alloc : memref<!tpu.dma_semaphore, #tpu.memory_space<semaphore_mem>>
      %dma_start3A = arith.constant 0 : i32
      %dma_start3A_94 = tpu.memref_slice %arg2[%add3A_25, %dma_start3A] : memref<20480x128xf32, #tpu.memory_space<hbm>> -> memref<128x128xf32, #tpu.memory_space<hbm>>
      %dma_start3A_95 = arith.constant 0 : i32
      %dma_start3A_96 = tpu.memref_slice %arg2[%add3A_25, %dma_start3A_95] : memref<20480x128xf32, #tpu.memory_space<hbm>> -> memref<128x128xf32, #tpu.memory_space<hbm>>
      tpu.enqueue_dma source(%dma_start3A_96 : memref<128x128xf32, #tpu.memory_space<hbm>>) target(%arg9 : memref<128x128xf32, #tpu.memory_space<vmem>>) target_semaphore(%run_scoped3A : memref<!tpu.dma_semaphore, #tpu.memory_space<semaphore_mem>>)
      %dma_wait3A = arith.constant 0 : i32
      %dma_wait3A_97 = tpu.memref_slice %arg2[%add3A_25, %dma_wait3A] : memref<20480x128xf32, #tpu.memory_space<hbm>> -> memref<128x128xf32, #tpu.memory_space<hbm>>
      %dma_wait3A_98 = arith.constant 0 : i32
      %dma_wait3A_99 = tpu.memref_slice %arg2[%add3A_25, %dma_wait3A_98] : memref<20480x128xf32, #tpu.memory_space<hbm>> -> memref<128x128xf32, #tpu.memory_space<hbm>>
      tpu.wait_dma2 semaphore(%run_scoped3A : memref<!tpu.dma_semaphore, #tpu.memory_space<semaphore_mem>>) src(%dma_wait3A_99 : memref<128x128xf32, #tpu.memory_space<hbm>>) dst(%arg9 : memref<128x128xf32, #tpu.memory_space<vmem>>)
      tpu.yield
    }) : () -> ()
    %add3A_26 = arith.constant 384 : i32
    %add3A_27 = arith.addi %mul3A_0, %add3A_26 : i32
    "tpu.region"() ({
      %run_scoped3A = tpu.sem_alloc : memref<!tpu.dma_semaphore, #tpu.memory_space<semaphore_mem>>
      %dma_start3A = arith.constant 0 : i32
      %dma_start3A_94 = tpu.memref_slice %arg6[%add3A_27, %dma_start3A] : memref<10240x128xf32, #tpu.memory_space<vmem_shared>> -> memref<128x128xf32, #tpu.memory_space<vmem_shared>>
      %dma_start3A_95 = arith.constant 0 : i32
      %dma_start3A_96 = tpu.memref_slice %arg6[%add3A_27, %dma_start3A_95] : memref<10240x128xf32, #tpu.memory_space<vmem_shared>> -> memref<128x128xf32, #tpu.memory_space<vmem_shared>>
      tpu.enqueue_dma source(%arg9 : memref<128x128xf32, #tpu.memory_space<vmem>>) target(%dma_start3A_96 : memref<128x128xf32, #tpu.memory_space<vmem_shared>>) target_semaphore(%run_scoped3A : memref<!tpu.dma_semaphore, #tpu.memory_space<semaphore_mem>>)
      %dma_wait3A = arith.constant 0 : i32
      %dma_wait3A_97 = tpu.memref_slice %arg6[%add3A_27, %dma_wait3A] : memref<10240x128xf32, #tpu.memory_space<vmem_shared>> -> memref<128x128xf32, #tpu.memory_space<vmem_shared>>
      %dma_wait3A_98 = arith.constant 0 : i32
      %dma_wait3A_99 = tpu.memref_slice %arg6[%add3A_27, %dma_wait3A_98] : memref<10240x128xf32, #tpu.memory_space<vmem_shared>> -> memref<128x128xf32, #tpu.memory_space<vmem_shared>>
      tpu.wait_dma2 semaphore(%run_scoped3A : memref<!tpu.dma_semaphore, #tpu.memory_space<semaphore_mem>>) src(%arg9 : memref<128x128xf32, #tpu.memory_space<vmem>>) dst(%dma_wait3A_99 : memref<128x128xf32, #tpu.memory_space<vmem_shared>>)
      tpu.yield
    }) : () -> ()
    %mul3A_28 = arith.constant 10240 : i32
    %mul3A_29 = arith.muli %arg0, %mul3A_28 : i32
    %add3A_30 = arith.addi %mul3A_29, %mul3A_0 : i32
    %add3A_31 = arith.constant 512 : i32
    %add3A_32 = arith.addi %add3A_30, %add3A_31 : i32
    "tpu.region"() ({
      %run_scoped3A = tpu.sem_alloc : memref<!tpu.dma_semaphore, #tpu.memory_space<semaphore_mem>>
      %dma_start3A = arith.constant 0 : i32
      %dma_start3A_94 = tpu.memref_slice %arg2[%add3A_32, %dma_start3A] : memref<20480x128xf32, #tpu.memory_space<hbm>> -> memref<128x128xf32, #tpu.memory_space<hbm>>
      %dma_start3A_95 = arith.constant 0 : i32
      %dma_start3A_96 = tpu.memref_slice %arg2[%add3A_32, %dma_start3A_95] : memref<20480x128xf32, #tpu.memory_space<hbm>> -> memref<128x128xf32, #tpu.memory_space<hbm>>
      tpu.enqueue_dma source(%dma_start3A_96 : memref<128x128xf32, #tpu.memory_space<hbm>>) target(%arg9 : memref<128x128xf32, #tpu.memory_space<vmem>>) target_semaphore(%run_scoped3A : memref<!tpu.dma_semaphore, #tpu.memory_space<semaphore_mem>>)
      %dma_wait3A = arith.constant 0 : i32
      %dma_wait3A_97 = tpu.memref_slice %arg2[%add3A_32, %dma_wait3A] : memref<20480x128xf32, #tpu.memory_space<hbm>> -> memref<128x128xf32, #tpu.memory_space<hbm>>
      %dma_wait3A_98 = arith.constant 0 : i32
      %dma_wait3A_99 = tpu.memref_slice %arg2[%add3A_32, %dma_wait3A_98] : memref<20480x128xf32, #tpu.memory_space<hbm>> -> memref<128x128xf32, #tpu.memory_space<hbm>>
      tpu.wait_dma2 semaphore(%run_scoped3A : memref<!tpu.dma_semaphore, #tpu.memory_space<semaphore_mem>>) src(%dma_wait3A_99 : memref<128x128xf32, #tpu.memory_space<hbm>>) dst(%arg9 : memref<128x128xf32, #tpu.memory_space<vmem>>)
      tpu.yield
    }) : () -> ()
    %add3A_33 = arith.constant 512 : i32
    %add3A_34 = arith.addi %mul3A_0, %add3A_33 : i32
    "tpu.region"() ({
      %run_scoped3A = tpu.sem_alloc : memref<!tpu.dma_semaphore, #tpu.memory_space<semaphore_mem>>
      %dma_start3A = arith.constant 0 : i32
      %dma_start3A_94 = tpu.memref_slice %arg6[%add3A_34, %dma_start3A] : memref<10240x128xf32, #tpu.memory_space<vmem_shared>> -> memref<128x128xf32, #tpu.memory_space<vmem_shared>>
      %dma_start3A_95 = arith.constant 0 : i32
      %dma_start3A_96 = tpu.memref_slice %arg6[%add3A_34, %dma_start3A_95] : memref<10240x128xf32, #tpu.memory_space<vmem_shared>> -> memref<128x128xf32, #tpu.memory_space<vmem_shared>>
      tpu.enqueue_dma source(%arg9 : memref<128x128xf32, #tpu.memory_space<vmem>>) target(%dma_start3A_96 : memref<128x128xf32, #tpu.memory_space<vmem_shared>>) target_semaphore(%run_scoped3A : memref<!tpu.dma_semaphore, #tpu.memory_space<semaphore_mem>>)
      %dma_wait3A = arith.constant 0 : i32
      %dma_wait3A_97 = tpu.memref_slice %arg6[%add3A_34, %dma_wait3A] : memref<10240x128xf32, #tpu.memory_space<vmem_shared>> -> memref<128x128xf32, #tpu.memory_space<vmem_shared>>
      %dma_wait3A_98 = arith.constant 0 : i32
      %dma_wait3A_99 = tpu.memref_slice %arg6[%add3A_34, %dma_wait3A_98] : memref<10240x128xf32, #tpu.memory_space<vmem_shared>> -> memref<128x128xf32, #tpu.memory_space<vmem_shared>>
      tpu.wait_dma2 semaphore(%run_scoped3A : memref<!tpu.dma_semaphore, #tpu.memory_space<semaphore_mem>>) src(%arg9 : memref<128x128xf32, #tpu.memory_space<vmem>>) dst(%dma_wait3A_99 : memref<128x128xf32, #tpu.memory_space<vmem_shared>>)
      tpu.yield
    }) : () -> ()
    %barrier3A = arith.constant 0 : index
    tpu.barrier barrier_id(%barrier3A)
    "tpu.region"() ({
      %run_scoped3A = tpu.sem_alloc : memref<!tpu.dma_semaphore, #tpu.memory_space<semaphore_mem>>
      %dma_start3A = arith.constant 0 : i32
      %dma_start3A_94 = arith.constant 0 : i32
      %dma_start3A_95 = tpu.memref_slice %arg3[%arg0, %arg1, %dma_start3A, %dma_start3A_94] : memref<2x16x160x128xi32, #tpu.memory_space<hbm>> -> memref<1x1x40x128xi32, #tpu.memory_space<hbm>>
      %dma_start3A_96 = tpu.memref_squeeze %dma_start3A_95 : memref<1x1x40x128xi32, #tpu.memory_space<hbm>> -> memref<40x128xi32, #tpu.memory_space<hbm>>
      %dma_start3A_97 = arith.constant 0 : i32
      %dma_start3A_98 = arith.constant 0 : i32
      %dma_start3A_99 = tpu.memref_slice %arg3[%arg0, %arg1, %dma_start3A_97, %dma_start3A_98] : memref<2x16x160x128xi32, #tpu.memory_space<hbm>> -> memref<1x1x40x128xi32, #tpu.memory_space<hbm>>
      %dma_start3A_100 = tpu.memref_squeeze %dma_start3A_99 : memref<1x1x40x128xi32, #tpu.memory_space<hbm>> -> memref<40x128xi32, #tpu.memory_space<hbm>>
      tpu.enqueue_dma source(%dma_start3A_100 : memref<40x128xi32, #tpu.memory_space<hbm>>) target(%arg7 : memref<40x128xi32, #tpu.memory_space<vmem>>) target_semaphore(%run_scoped3A : memref<!tpu.dma_semaphore, #tpu.memory_space<semaphore_mem>>)
      %dma_wait3A = arith.constant 0 : i32
      %dma_wait3A_101 = arith.constant 0 : i32
      %dma_wait3A_102 = tpu.memref_slice %arg3[%arg0, %arg1, %dma_wait3A, %dma_wait3A_101] : memref<2x16x160x128xi32, #tpu.memory_space<hbm>> -> memref<1x1x40x128xi32, #tpu.memory_space<hbm>>
      %dma_wait3A_103 = tpu.memref_squeeze %dma_wait3A_102 : memref<1x1x40x128xi32, #tpu.memory_space<hbm>> -> memref<40x128xi32, #tpu.memory_space<hbm>>
      %dma_wait3A_104 = arith.constant 0 : i32
      %dma_wait3A_105 = arith.constant 0 : i32
      %dma_wait3A_106 = tpu.memref_slice %arg3[%arg0, %arg1, %dma_wait3A_104, %dma_wait3A_105] : memref<2x16x160x128xi32, #tpu.memory_space<hbm>> -> memref<1x1x40x128xi32, #tpu.memory_space<hbm>>
      %dma_wait3A_107 = tpu.memref_squeeze %dma_wait3A_106 : memref<1x1x40x128xi32, #tpu.memory_space<hbm>> -> memref<40x128xi32, #tpu.memory_space<hbm>>
      tpu.wait_dma2 semaphore(%run_scoped3A : memref<!tpu.dma_semaphore, #tpu.memory_space<semaphore_mem>>) src(%dma_wait3A_107 : memref<40x128xi32, #tpu.memory_space<hbm>>) dst(%arg7 : memref<40x128xi32, #tpu.memory_space<vmem>>)
      tpu.yield
    }) : () -> ()
    "tpu.region"() ({
      %run_scoped3A = tpu.sem_alloc : memref<!tpu.dma_semaphore, #tpu.memory_space<semaphore_mem>>
      %dma_start3A = arith.constant 0 : i32
      %dma_start3A_94 = arith.constant 0 : i32
      %dma_start3A_95 = tpu.memref_slice %arg4[%arg0, %arg1, %dma_start3A, %dma_start3A_94] : memref<2x16x160x128xi32, #tpu.memory_space<hbm>> -> memref<1x1x40x128xi32, #tpu.memory_space<hbm>>
      %dma_start3A_96 = tpu.memref_squeeze %dma_start3A_95 : memref<1x1x40x128xi32, #tpu.memory_space<hbm>> -> memref<40x128xi32, #tpu.memory_space<hbm>>
      %dma_start3A_97 = arith.constant 0 : i32
      %dma_start3A_98 = arith.constant 0 : i32
      %dma_start3A_99 = tpu.memref_slice %arg4[%arg0, %arg1, %dma_start3A_97, %dma_start3A_98] : memref<2x16x160x128xi32, #tpu.memory_space<hbm>> -> memref<1x1x40x128xi32, #tpu.memory_space<hbm>>
      %dma_start3A_100 = tpu.memref_squeeze %dma_start3A_99 : memref<1x1x40x128xi32, #tpu.memory_space<hbm>> -> memref<40x128xi32, #tpu.memory_space<hbm>>
      tpu.enqueue_dma source(%dma_start3A_100 : memref<40x128xi32, #tpu.memory_space<hbm>>) target(%arg8 : memref<40x128xi32, #tpu.memory_space<vmem>>) target_semaphore(%run_scoped3A : memref<!tpu.dma_semaphore, #tpu.memory_space<semaphore_mem>>)
      %dma_wait3A = arith.constant 0 : i32
      %dma_wait3A_101 = arith.constant 0 : i32
      %dma_wait3A_102 = tpu.memref_slice %arg4[%arg0, %arg1, %dma_wait3A, %dma_wait3A_101] : memref<2x16x160x128xi32, #tpu.memory_space<hbm>> -> memref<1x1x40x128xi32, #tpu.memory_space<hbm>>
      %dma_wait3A_103 = tpu.memref_squeeze %dma_wait3A_102 : memref<1x1x40x128xi32, #tpu.memory_space<hbm>> -> memref<40x128xi32, #tpu.memory_space<hbm>>
      %dma_wait3A_104 = arith.constant 0 : i32
      %dma_wait3A_105 = arith.constant 0 : i32
      %dma_wait3A_106 = tpu.memref_slice %arg4[%arg0, %arg1, %dma_wait3A_104, %dma_wait3A_105] : memref<2x16x160x128xi32, #tpu.memory_space<hbm>> -> memref<1x1x40x128xi32, #tpu.memory_space<hbm>>
      %dma_wait3A_107 = tpu.memref_squeeze %dma_wait3A_106 : memref<1x1x40x128xi32, #tpu.memory_space<hbm>> -> memref<40x128xi32, #tpu.memory_space<hbm>>
      tpu.wait_dma2 semaphore(%run_scoped3A : memref<!tpu.dma_semaphore, #tpu.memory_space<semaphore_mem>>) src(%dma_wait3A_107 : memref<40x128xi32, #tpu.memory_space<hbm>>) dst(%arg8 : memref<40x128xi32, #tpu.memory_space<vmem>>)
      tpu.yield
    }) : () -> ()
    %scan3A = arith.constant 0 : i32
    %scan3A_35 = arith.constant 0 : i32
    %scan3A_36 = arith.constant 40 : i32
    %scan3A_37 = arith.addi %scan3A_35, %scan3A_36 : i32
    %scan3A_38 = arith.constant 1 : i32
    scf.for %scan3A_94 = %scan3A_35 to %scan3A_37 step %scan3A_38  : i32 {
      %dma_start3A = arith.constant 0 : i32
      %dma_start3A_95 = tpu.memref_slice %arg7[%scan3A_94, %dma_start3A] : memref<40x128xi32, #tpu.memory_space<vmem>> -> memref<1x128xi32, #tpu.memory_space<vmem>>
      %dma_start3A_96 = tpu.memref_squeeze %dma_start3A_95 : memref<1x128xi32, #tpu.memory_space<vmem>> -> memref<128xi32, #tpu.memory_space<vmem>>
      %dma_start3A_97 = arith.constant 0 : i32
      %dma_start3A_98 = arith.constant 0 : i32
      %dma_start3A_99 = tpu.memref_slice %arg2[%dma_start3A_97, %dma_start3A_98] : memref<20480x128xf32, #tpu.memory_space<hbm>> -> memref<20480x128xf32, #tpu.memory_space<hbm>>
      tpu.enqueue_indirect_dma source(%dma_start3A_99 : memref<20480x128xf32, #tpu.memory_space<hbm>>) target(%arg9 : memref<128x128xf32, #tpu.memory_space<vmem>>) offsets(%dma_start3A_96 : memref<128xi32, #tpu.memory_space<vmem>>) semaphore(%arg10 : memref<!tpu.dma_semaphore, #tpu.memory_space<semaphore_mem>>)
      %dma_wait3A = arith.constant 0 : i32
      %dma_wait3A_100 = tpu.memref_slice %arg7[%scan3A_94, %dma_wait3A] : memref<40x128xi32, #tpu.memory_space<vmem>> -> memref<1x128xi32, #tpu.memory_space<vmem>>
      %dma_wait3A_101 = tpu.memref_squeeze %dma_wait3A_100 : memref<1x128xi32, #tpu.memory_space<vmem>> -> memref<128xi32, #tpu.memory_space<vmem>>
      %dma_wait3A_102 = arith.constant 0 : i32
      %dma_wait3A_103 = arith.constant 0 : i32
      %dma_wait3A_104 = tpu.memref_slice %arg2[%dma_wait3A_102, %dma_wait3A_103] : memref<20480x128xf32, #tpu.memory_space<hbm>> -> memref<20480x128xf32, #tpu.memory_space<hbm>>
      tpu.wait_indirect_dma semaphore(%arg10 : memref<!tpu.dma_semaphore, #tpu.memory_space<semaphore_mem>>) src(%dma_wait3A_104 : memref<20480x128xf32, #tpu.memory_space<hbm>>) dst(%arg9 : memref<128x128xf32, #tpu.memory_space<vmem>>)
      "tpu.region"() ({
        %run_scoped3A = tpu.sem_alloc : memref<!tpu.dma_semaphore, #tpu.memory_space<semaphore_mem>>
        %dma_start3A_105 = arith.constant 0 : i32
        %dma_start3A_106 = tpu.memref_slice %arg8[%scan3A_94, %dma_start3A_105] : memref<40x128xi32, #tpu.memory_space<vmem>> -> memref<1x128xi32, #tpu.memory_space<vmem>>
        %dma_start3A_107 = tpu.memref_squeeze %dma_start3A_106 : memref<1x128xi32, #tpu.memory_space<vmem>> -> memref<128xi32, #tpu.memory_space<vmem>>
        %dma_start3A_108 = arith.constant 0 : i32
        %dma_start3A_109 = arith.constant 0 : i32
        %dma_start3A_110 = tpu.memref_slice %arg6[%dma_start3A_108, %dma_start3A_109] : memref<10240x128xf32, #tpu.memory_space<vmem_shared>> -> memref<10240x128xf32, #tpu.memory_space<vmem_shared>>
        tpu.enqueue_indirect_dma source(%arg9 : memref<128x128xf32, #tpu.memory_space<vmem>>) target(%dma_start3A_110 : memref<10240x128xf32, #tpu.memory_space<vmem_shared>>) offsets(%dma_start3A_107 : memref<128xi32, #tpu.memory_space<vmem>>) semaphore(%run_scoped3A : memref<!tpu.dma_semaphore, #tpu.memory_space<semaphore_mem>>) {add = true}
        %dma_wait3A_111 = arith.constant 0 : i32
        %dma_wait3A_112 = tpu.memref_slice %arg8[%scan3A_94, %dma_wait3A_111] : memref<40x128xi32, #tpu.memory_space<vmem>> -> memref<1x128xi32, #tpu.memory_space<vmem>>
        %dma_wait3A_113 = tpu.memref_squeeze %dma_wait3A_112 : memref<1x128xi32, #tpu.memory_space<vmem>> -> memref<128xi32, #tpu.memory_space<vmem>>
        %dma_wait3A_114 = arith.constant 0 : i32
        %dma_wait3A_115 = arith.constant 0 : i32
        %dma_wait3A_116 = tpu.memref_slice %arg6[%dma_wait3A_114, %dma_wait3A_115] : memref<10240x128xf32, #tpu.memory_space<vmem_shared>> -> memref<10240x128xf32, #tpu.memory_space<vmem_shared>>
        tpu.wait_indirect_dma semaphore(%run_scoped3A : memref<!tpu.dma_semaphore, #tpu.memory_space<semaphore_mem>>) src(%arg9 : memref<128x128xf32, #tpu.memory_space<vmem>>) dst(%dma_wait3A_116 : memref<10240x128xf32, #tpu.memory_space<vmem_shared>>)
        tpu.yield
      }) : () -> ()
    }
    %scan3A_39 = arith.constant 40 : i32
    "tpu.region"() ({
      %run_scoped3A = tpu.sem_alloc : memref<!tpu.dma_semaphore, #tpu.memory_space<semaphore_mem>>
      %dma_start3A = arith.constant 40 : i32
      %dma_start3A_94 = arith.constant 0 : i32
      %dma_start3A_95 = tpu.memref_slice %arg3[%arg0, %arg1, %dma_start3A, %dma_start3A_94] : memref<2x16x160x128xi32, #tpu.memory_space<hbm>> -> memref<1x1x40x128xi32, #tpu.memory_space<hbm>>
      %dma_start3A_96 = tpu.memref_squeeze %dma_start3A_95 : memref<1x1x40x128xi32, #tpu.memory_space<hbm>> -> memref<40x128xi32, #tpu.memory_space<hbm>>
      %dma_start3A_97 = arith.constant 40 : i32
      %dma_start3A_98 = arith.constant 0 : i32
      %dma_start3A_99 = tpu.memref_slice %arg3[%arg0, %arg1, %dma_start3A_97, %dma_start3A_98] : memref<2x16x160x128xi32, #tpu.memory_space<hbm>> -> memref<1x1x40x128xi32, #tpu.memory_space<hbm>>
      %dma_start3A_100 = tpu.memref_squeeze %dma_start3A_99 : memref<1x1x40x128xi32, #tpu.memory_space<hbm>> -> memref<40x128xi32, #tpu.memory_space<hbm>>
      tpu.enqueue_dma source(%dma_start3A_100 : memref<40x128xi32, #tpu.memory_space<hbm>>) target(%arg7 : memref<40x128xi32, #tpu.memory_space<vmem>>) target_semaphore(%run_scoped3A : memref<!tpu.dma_semaphore, #tpu.memory_space<semaphore_mem>>)
      %dma_wait3A = arith.constant 40 : i32
      %dma_wait3A_101 = arith.constant 0 : i32
      %dma_wait3A_102 = tpu.memref_slice %arg3[%arg0, %arg1, %dma_wait3A, %dma_wait3A_101] : memref<2x16x160x128xi32, #tpu.memory_space<hbm>> -> memref<1x1x40x128xi32, #tpu.memory_space<hbm>>
      %dma_wait3A_103 = tpu.memref_squeeze %dma_wait3A_102 : memref<1x1x40x128xi32, #tpu.memory_space<hbm>> -> memref<40x128xi32, #tpu.memory_space<hbm>>
      %dma_wait3A_104 = arith.constant 40 : i32
      %dma_wait3A_105 = arith.constant 0 : i32
      %dma_wait3A_106 = tpu.memref_slice %arg3[%arg0, %arg1, %dma_wait3A_104, %dma_wait3A_105] : memref<2x16x160x128xi32, #tpu.memory_space<hbm>> -> memref<1x1x40x128xi32, #tpu.memory_space<hbm>>
      %dma_wait3A_107 = tpu.memref_squeeze %dma_wait3A_106 : memref<1x1x40x128xi32, #tpu.memory_space<hbm>> -> memref<40x128xi32, #tpu.memory_space<hbm>>
      tpu.wait_dma2 semaphore(%run_scoped3A : memref<!tpu.dma_semaphore, #tpu.memory_space<semaphore_mem>>) src(%dma_wait3A_107 : memref<40x128xi32, #tpu.memory_space<hbm>>) dst(%arg7 : memref<40x128xi32, #tpu.memory_space<vmem>>)
      tpu.yield
    }) : () -> ()
    "tpu.region"() ({
      %run_scoped3A = tpu.sem_alloc : memref<!tpu.dma_semaphore, #tpu.memory_space<semaphore_mem>>
      %dma_start3A = arith.constant 40 : i32
      %dma_start3A_94 = arith.constant 0 : i32
      %dma_start3A_95 = tpu.memref_slice %arg4[%arg0, %arg1, %dma_start3A, %dma_start3A_94] : memref<2x16x160x128xi32, #tpu.memory_space<hbm>> -> memref<1x1x40x128xi32, #tpu.memory_space<hbm>>
      %dma_start3A_96 = tpu.memref_squeeze %dma_start3A_95 : memref<1x1x40x128xi32, #tpu.memory_space<hbm>> -> memref<40x128xi32, #tpu.memory_space<hbm>>
      %dma_start3A_97 = arith.constant 40 : i32
      %dma_start3A_98 = arith.constant 0 : i32
      %dma_start3A_99 = tpu.memref_slice %arg4[%arg0, %arg1, %dma_start3A_97, %dma_start3A_98] : memref<2x16x160x128xi32, #tpu.memory_space<hbm>> -> memref<1x1x40x128xi32, #tpu.memory_space<hbm>>
      %dma_start3A_100 = tpu.memref_squeeze %dma_start3A_99 : memref<1x1x40x128xi32, #tpu.memory_space<hbm>> -> memref<40x128xi32, #tpu.memory_space<hbm>>
      tpu.enqueue_dma source(%dma_start3A_100 : memref<40x128xi32, #tpu.memory_space<hbm>>) target(%arg8 : memref<40x128xi32, #tpu.memory_space<vmem>>) target_semaphore(%run_scoped3A : memref<!tpu.dma_semaphore, #tpu.memory_space<semaphore_mem>>)
      %dma_wait3A = arith.constant 40 : i32
      %dma_wait3A_101 = arith.constant 0 : i32
      %dma_wait3A_102 = tpu.memref_slice %arg4[%arg0, %arg1, %dma_wait3A, %dma_wait3A_101] : memref<2x16x160x128xi32, #tpu.memory_space<hbm>> -> memref<1x1x40x128xi32, #tpu.memory_space<hbm>>
      %dma_wait3A_103 = tpu.memref_squeeze %dma_wait3A_102 : memref<1x1x40x128xi32, #tpu.memory_space<hbm>> -> memref<40x128xi32, #tpu.memory_space<hbm>>
      %dma_wait3A_104 = arith.constant 40 : i32
      %dma_wait3A_105 = arith.constant 0 : i32
      %dma_wait3A_106 = tpu.memref_slice %arg4[%arg0, %arg1, %dma_wait3A_104, %dma_wait3A_105] : memref<2x16x160x128xi32, #tpu.memory_space<hbm>> -> memref<1x1x40x128xi32, #tpu.memory_space<hbm>>
      %dma_wait3A_107 = tpu.memref_squeeze %dma_wait3A_106 : memref<1x1x40x128xi32, #tpu.memory_space<hbm>> -> memref<40x128xi32, #tpu.memory_space<hbm>>
      tpu.wait_dma2 semaphore(%run_scoped3A : memref<!tpu.dma_semaphore, #tpu.memory_space<semaphore_mem>>) src(%dma_wait3A_107 : memref<40x128xi32, #tpu.memory_space<hbm>>) dst(%arg8 : memref<40x128xi32, #tpu.memory_space<vmem>>)
      tpu.yield
    }) : () -> ()
    %scan3A_40 = arith.constant 0 : i32
    %scan3A_41 = arith.constant 0 : i32
    %scan3A_42 = arith.constant 40 : i32
    %scan3A_43 = arith.addi %scan3A_41, %scan3A_42 : i32
    %scan3A_44 = arith.constant 1 : i32
    scf.for %scan3A_94 = %scan3A_41 to %scan3A_43 step %scan3A_44  : i32 {
      %dma_start3A = arith.constant 0 : i32
      %dma_start3A_95 = tpu.memref_slice %arg7[%scan3A_94, %dma_start3A] : memref<40x128xi32, #tpu.memory_space<vmem>> -> memref<1x128xi32, #tpu.memory_space<vmem>>
      %dma_start3A_96 = tpu.memref_squeeze %dma_start3A_95 : memref<1x128xi32, #tpu.memory_space<vmem>> -> memref<128xi32, #tpu.memory_space<vmem>>
      %dma_start3A_97 = arith.constant 0 : i32
      %dma_start3A_98 = arith.constant 0 : i32
      %dma_start3A_99 = tpu.memref_slice %arg2[%dma_start3A_97, %dma_start3A_98] : memref<20480x128xf32, #tpu.memory_space<hbm>> -> memref<20480x128xf32, #tpu.memory_space<hbm>>
      tpu.enqueue_indirect_dma source(%dma_start3A_99 : memref<20480x128xf32, #tpu.memory_space<hbm>>) target(%arg9 : memref<128x128xf32, #tpu.memory_space<vmem>>) offsets(%dma_start3A_96 : memref<128xi32, #tpu.memory_space<vmem>>) semaphore(%arg10 : memref<!tpu.dma_semaphore, #tpu.memory_space<semaphore_mem>>)
      %dma_wait3A = arith.constant 0 : i32
      %dma_wait3A_100 = tpu.memref_slice %arg7[%scan3A_94, %dma_wait3A] : memref<40x128xi32, #tpu.memory_space<vmem>> -> memref<1x128xi32, #tpu.memory_space<vmem>>
      %dma_wait3A_101 = tpu.memref_squeeze %dma_wait3A_100 : memref<1x128xi32, #tpu.memory_space<vmem>> -> memref<128xi32, #tpu.memory_space<vmem>>
      %dma_wait3A_102 = arith.constant 0 : i32
      %dma_wait3A_103 = arith.constant 0 : i32
      %dma_wait3A_104 = tpu.memref_slice %arg2[%dma_wait3A_102, %dma_wait3A_103] : memref<20480x128xf32, #tpu.memory_space<hbm>> -> memref<20480x128xf32, #tpu.memory_space<hbm>>
      tpu.wait_indirect_dma semaphore(%arg10 : memref<!tpu.dma_semaphore, #tpu.memory_space<semaphore_mem>>) src(%dma_wait3A_104 : memref<20480x128xf32, #tpu.memory_space<hbm>>) dst(%arg9 : memref<128x128xf32, #tpu.memory_space<vmem>>)
      "tpu.region"() ({
        %run_scoped3A = tpu.sem_alloc : memref<!tpu.dma_semaphore, #tpu.memory_space<semaphore_mem>>
        %dma_start3A_105 = arith.constant 0 : i32
        %dma_start3A_106 = tpu.memref_slice %arg8[%scan3A_94, %dma_start3A_105] : memref<40x128xi32, #tpu.memory_space<vmem>> -> memref<1x128xi32, #tpu.memory_space<vmem>>
        %dma_start3A_107 = tpu.memref_squeeze %dma_start3A_106 : memref<1x128xi32, #tpu.memory_space<vmem>> -> memref<128xi32, #tpu.memory_space<vmem>>
        %dma_start3A_108 = arith.constant 0 : i32
        %dma_start3A_109 = arith.constant 0 : i32
        %dma_start3A_110 = tpu.memref_slice %arg6[%dma_start3A_108, %dma_start3A_109] : memref<10240x128xf32, #tpu.memory_space<vmem_shared>> -> memref<10240x128xf32, #tpu.memory_space<vmem_shared>>
        tpu.enqueue_indirect_dma source(%arg9 : memref<128x128xf32, #tpu.memory_space<vmem>>) target(%dma_start3A_110 : memref<10240x128xf32, #tpu.memory_space<vmem_shared>>) offsets(%dma_start3A_107 : memref<128xi32, #tpu.memory_space<vmem>>) semaphore(%run_scoped3A : memref<!tpu.dma_semaphore, #tpu.memory_space<semaphore_mem>>) {add = true}
        %dma_wait3A_111 = arith.constant 0 : i32
        %dma_wait3A_112 = tpu.memref_slice %arg8[%scan3A_94, %dma_wait3A_111] : memref<40x128xi32, #tpu.memory_space<vmem>> -> memref<1x128xi32, #tpu.memory_space<vmem>>
        %dma_wait3A_113 = tpu.memref_squeeze %dma_wait3A_112 : memref<1x128xi32, #tpu.memory_space<vmem>> -> memref<128xi32, #tpu.memory_space<vmem>>
        %dma_wait3A_114 = arith.constant 0 : i32
        %dma_wait3A_115 = arith.constant 0 : i32
        %dma_wait3A_116 = tpu.memref_slice %arg6[%dma_wait3A_114, %dma_wait3A_115] : memref<10240x128xf32, #tpu.memory_space<vmem_shared>> -> memref<10240x128xf32, #tpu.memory_space<vmem_shared>>
        tpu.wait_indirect_dma semaphore(%run_scoped3A : memref<!tpu.dma_semaphore, #tpu.memory_space<semaphore_mem>>) src(%arg9 : memref<128x128xf32, #tpu.memory_space<vmem>>) dst(%dma_wait3A_116 : memref<10240x128xf32, #tpu.memory_space<vmem_shared>>)
        tpu.yield
      }) : () -> ()
    }
    %scan3A_45 = arith.constant 40 : i32
    "tpu.region"() ({
      %run_scoped3A = tpu.sem_alloc : memref<!tpu.dma_semaphore, #tpu.memory_space<semaphore_mem>>
      %dma_start3A = arith.constant 80 : i32
      %dma_start3A_94 = arith.constant 0 : i32
      %dma_start3A_95 = tpu.memref_slice %arg3[%arg0, %arg1, %dma_start3A, %dma_start3A_94] : memref<2x16x160x128xi32, #tpu.memory_space<hbm>> -> memref<1x1x40x128xi32, #tpu.memory_space<hbm>>
      %dma_start3A_96 = tpu.memref_squeeze %dma_start3A_95 : memref<1x1x40x128xi32, #tpu.memory_space<hbm>> -> memref<40x128xi32, #tpu.memory_space<hbm>>
      %dma_start3A_97 = arith.constant 80 : i32
      %dma_start3A_98 = arith.constant 0 : i32
      %dma_start3A_99 = tpu.memref_slice %arg3[%arg0, %arg1, %dma_start3A_97, %dma_start3A_98] : memref<2x16x160x128xi32, #tpu.memory_space<hbm>> -> memref<1x1x40x128xi32, #tpu.memory_space<hbm>>
      %dma_start3A_100 = tpu.memref_squeeze %dma_start3A_99 : memref<1x1x40x128xi32, #tpu.memory_space<hbm>> -> memref<40x128xi32, #tpu.memory_space<hbm>>
      tpu.enqueue_dma source(%dma_start3A_100 : memref<40x128xi32, #tpu.memory_space<hbm>>) target(%arg7 : memref<40x128xi32, #tpu.memory_space<vmem>>) target_semaphore(%run_scoped3A : memref<!tpu.dma_semaphore, #tpu.memory_space<semaphore_mem>>)
      %dma_wait3A = arith.constant 80 : i32
      %dma_wait3A_101 = arith.constant 0 : i32
      %dma_wait3A_102 = tpu.memref_slice %arg3[%arg0, %arg1, %dma_wait3A, %dma_wait3A_101] : memref<2x16x160x128xi32, #tpu.memory_space<hbm>> -> memref<1x1x40x128xi32, #tpu.memory_space<hbm>>
      %dma_wait3A_103 = tpu.memref_squeeze %dma_wait3A_102 : memref<1x1x40x128xi32, #tpu.memory_space<hbm>> -> memref<40x128xi32, #tpu.memory_space<hbm>>
      %dma_wait3A_104 = arith.constant 80 : i32
      %dma_wait3A_105 = arith.constant 0 : i32
      %dma_wait3A_106 = tpu.memref_slice %arg3[%arg0, %arg1, %dma_wait3A_104, %dma_wait3A_105] : memref<2x16x160x128xi32, #tpu.memory_space<hbm>> -> memref<1x1x40x128xi32, #tpu.memory_space<hbm>>
      %dma_wait3A_107 = tpu.memref_squeeze %dma_wait3A_106 : memref<1x1x40x128xi32, #tpu.memory_space<hbm>> -> memref<40x128xi32, #tpu.memory_space<hbm>>
      tpu.wait_dma2 semaphore(%run_scoped3A : memref<!tpu.dma_semaphore, #tpu.memory_space<semaphore_mem>>) src(%dma_wait3A_107 : memref<40x128xi32, #tpu.memory_space<hbm>>) dst(%arg7 : memref<40x128xi32, #tpu.memory_space<vmem>>)
      tpu.yield
    }) : () -> ()
    "tpu.region"() ({
      %run_scoped3A = tpu.sem_alloc : memref<!tpu.dma_semaphore, #tpu.memory_space<semaphore_mem>>
      %dma_start3A = arith.constant 80 : i32
      %dma_start3A_94 = arith.constant 0 : i32
      %dma_start3A_95 = tpu.memref_slice %arg4[%arg0, %arg1, %dma_start3A, %dma_start3A_94] : memref<2x16x160x128xi32, #tpu.memory_space<hbm>> -> memref<1x1x40x128xi32, #tpu.memory_space<hbm>>
      %dma_start3A_96 = tpu.memref_squeeze %dma_start3A_95 : memref<1x1x40x128xi32, #tpu.memory_space<hbm>> -> memref<40x128xi32, #tpu.memory_space<hbm>>
      %dma_start3A_97 = arith.constant 80 : i32
      %dma_start3A_98 = arith.constant 0 : i32
      %dma_start3A_99 = tpu.memref_slice %arg4[%arg0, %arg1, %dma_start3A_97, %dma_start3A_98] : memref<2x16x160x128xi32, #tpu.memory_space<hbm>> -> memref<1x1x40x128xi32, #tpu.memory_space<hbm>>
      %dma_start3A_100 = tpu.memref_squeeze %dma_start3A_99 : memref<1x1x40x128xi32, #tpu.memory_space<hbm>> -> memref<40x128xi32, #tpu.memory_space<hbm>>
      tpu.enqueue_dma source(%dma_start3A_100 : memref<40x128xi32, #tpu.memory_space<hbm>>) target(%arg8 : memref<40x128xi32, #tpu.memory_space<vmem>>) target_semaphore(%run_scoped3A : memref<!tpu.dma_semaphore, #tpu.memory_space<semaphore_mem>>)
      %dma_wait3A = arith.constant 80 : i32
      %dma_wait3A_101 = arith.constant 0 : i32
      %dma_wait3A_102 = tpu.memref_slice %arg4[%arg0, %arg1, %dma_wait3A, %dma_wait3A_101] : memref<2x16x160x128xi32, #tpu.memory_space<hbm>> -> memref<1x1x40x128xi32, #tpu.memory_space<hbm>>
      %dma_wait3A_103 = tpu.memref_squeeze %dma_wait3A_102 : memref<1x1x40x128xi32, #tpu.memory_space<hbm>> -> memref<40x128xi32, #tpu.memory_space<hbm>>
      %dma_wait3A_104 = arith.constant 80 : i32
      %dma_wait3A_105 = arith.constant 0 : i32
      %dma_wait3A_106 = tpu.memref_slice %arg4[%arg0, %arg1, %dma_wait3A_104, %dma_wait3A_105] : memref<2x16x160x128xi32, #tpu.memory_space<hbm>> -> memref<1x1x40x128xi32, #tpu.memory_space<hbm>>
      %dma_wait3A_107 = tpu.memref_squeeze %dma_wait3A_106 : memref<1x1x40x128xi32, #tpu.memory_space<hbm>> -> memref<40x128xi32, #tpu.memory_space<hbm>>
      tpu.wait_dma2 semaphore(%run_scoped3A : memref<!tpu.dma_semaphore, #tpu.memory_space<semaphore_mem>>) src(%dma_wait3A_107 : memref<40x128xi32, #tpu.memory_space<hbm>>) dst(%arg8 : memref<40x128xi32, #tpu.memory_space<vmem>>)
      tpu.yield
    }) : () -> ()
    %scan3A_46 = arith.constant 0 : i32
    %scan3A_47 = arith.constant 0 : i32
    %scan3A_48 = arith.constant 40 : i32
    %scan3A_49 = arith.addi %scan3A_47, %scan3A_48 : i32
    %scan3A_50 = arith.constant 1 : i32
    scf.for %scan3A_94 = %scan3A_47 to %scan3A_49 step %scan3A_50  : i32 {
      %dma_start3A = arith.constant 0 : i32
      %dma_start3A_95 = tpu.memref_slice %arg7[%scan3A_94, %dma_start3A] : memref<40x128xi32, #tpu.memory_space<vmem>> -> memref<1x128xi32, #tpu.memory_space<vmem>>
      %dma_start3A_96 = tpu.memref_squeeze %dma_start3A_95 : memref<1x128xi32, #tpu.memory_space<vmem>> -> memref<128xi32, #tpu.memory_space<vmem>>
      %dma_start3A_97 = arith.constant 0 : i32
      %dma_start3A_98 = arith.constant 0 : i32
      %dma_start3A_99 = tpu.memref_slice %arg2[%dma_start3A_97, %dma_start3A_98] : memref<20480x128xf32, #tpu.memory_space<hbm>> -> memref<20480x128xf32, #tpu.memory_space<hbm>>
      tpu.enqueue_indirect_dma source(%dma_start3A_99 : memref<20480x128xf32, #tpu.memory_space<hbm>>) target(%arg9 : memref<128x128xf32, #tpu.memory_space<vmem>>) offsets(%dma_start3A_96 : memref<128xi32, #tpu.memory_space<vmem>>) semaphore(%arg10 : memref<!tpu.dma_semaphore, #tpu.memory_space<semaphore_mem>>)
      %dma_wait3A = arith.constant 0 : i32
      %dma_wait3A_100 = tpu.memref_slice %arg7[%scan3A_94, %dma_wait3A] : memref<40x128xi32, #tpu.memory_space<vmem>> -> memref<1x128xi32, #tpu.memory_space<vmem>>
      %dma_wait3A_101 = tpu.memref_squeeze %dma_wait3A_100 : memref<1x128xi32, #tpu.memory_space<vmem>> -> memref<128xi32, #tpu.memory_space<vmem>>
      %dma_wait3A_102 = arith.constant 0 : i32
      %dma_wait3A_103 = arith.constant 0 : i32
      %dma_wait3A_104 = tpu.memref_slice %arg2[%dma_wait3A_102, %dma_wait3A_103] : memref<20480x128xf32, #tpu.memory_space<hbm>> -> memref<20480x128xf32, #tpu.memory_space<hbm>>
      tpu.wait_indirect_dma semaphore(%arg10 : memref<!tpu.dma_semaphore, #tpu.memory_space<semaphore_mem>>) src(%dma_wait3A_104 : memref<20480x128xf32, #tpu.memory_space<hbm>>) dst(%arg9 : memref<128x128xf32, #tpu.memory_space<vmem>>)
      "tpu.region"() ({
        %run_scoped3A = tpu.sem_alloc : memref<!tpu.dma_semaphore, #tpu.memory_space<semaphore_mem>>
        %dma_start3A_105 = arith.constant 0 : i32
        %dma_start3A_106 = tpu.memref_slice %arg8[%scan3A_94, %dma_start3A_105] : memref<40x128xi32, #tpu.memory_space<vmem>> -> memref<1x128xi32, #tpu.memory_space<vmem>>
        %dma_start3A_107 = tpu.memref_squeeze %dma_start3A_106 : memref<1x128xi32, #tpu.memory_space<vmem>> -> memref<128xi32, #tpu.memory_space<vmem>>
        %dma_start3A_108 = arith.constant 0 : i32
        %dma_start3A_109 = arith.constant 0 : i32
        %dma_start3A_110 = tpu.memref_slice %arg6[%dma_start3A_108, %dma_start3A_109] : memref<10240x128xf32, #tpu.memory_space<vmem_shared>> -> memref<10240x128xf32, #tpu.memory_space<vmem_shared>>
        tpu.enqueue_indirect_dma source(%arg9 : memref<128x128xf32, #tpu.memory_space<vmem>>) target(%dma_start3A_110 : memref<10240x128xf32, #tpu.memory_space<vmem_shared>>) offsets(%dma_start3A_107 : memref<128xi32, #tpu.memory_space<vmem>>) semaphore(%run_scoped3A : memref<!tpu.dma_semaphore, #tpu.memory_space<semaphore_mem>>) {add = true}
        %dma_wait3A_111 = arith.constant 0 : i32
        %dma_wait3A_112 = tpu.memref_slice %arg8[%scan3A_94, %dma_wait3A_111] : memref<40x128xi32, #tpu.memory_space<vmem>> -> memref<1x128xi32, #tpu.memory_space<vmem>>
        %dma_wait3A_113 = tpu.memref_squeeze %dma_wait3A_112 : memref<1x128xi32, #tpu.memory_space<vmem>> -> memref<128xi32, #tpu.memory_space<vmem>>
        %dma_wait3A_114 = arith.constant 0 : i32
        %dma_wait3A_115 = arith.constant 0 : i32
        %dma_wait3A_116 = tpu.memref_slice %arg6[%dma_wait3A_114, %dma_wait3A_115] : memref<10240x128xf32, #tpu.memory_space<vmem_shared>> -> memref<10240x128xf32, #tpu.memory_space<vmem_shared>>
        tpu.wait_indirect_dma semaphore(%run_scoped3A : memref<!tpu.dma_semaphore, #tpu.memory_space<semaphore_mem>>) src(%arg9 : memref<128x128xf32, #tpu.memory_space<vmem>>) dst(%dma_wait3A_116 : memref<10240x128xf32, #tpu.memory_space<vmem_shared>>)
        tpu.yield
      }) : () -> ()
    }
    %scan3A_51 = arith.constant 40 : i32
    "tpu.region"() ({
      %run_scoped3A = tpu.sem_alloc : memref<!tpu.dma_semaphore, #tpu.memory_space<semaphore_mem>>
      %dma_start3A = arith.constant 120 : i32
      %dma_start3A_94 = arith.constant 0 : i32
      %dma_start3A_95 = tpu.memref_slice %arg3[%arg0, %arg1, %dma_start3A, %dma_start3A_94] : memref<2x16x160x128xi32, #tpu.memory_space<hbm>> -> memref<1x1x40x128xi32, #tpu.memory_space<hbm>>
      %dma_start3A_96 = tpu.memref_squeeze %dma_start3A_95 : memref<1x1x40x128xi32, #tpu.memory_space<hbm>> -> memref<40x128xi32, #tpu.memory_space<hbm>>
      %dma_start3A_97 = arith.constant 120 : i32
      %dma_start3A_98 = arith.constant 0 : i32
      %dma_start3A_99 = tpu.memref_slice %arg3[%arg0, %arg1, %dma_start3A_97, %dma_start3A_98] : memref<2x16x160x128xi32, #tpu.memory_space<hbm>> -> memref<1x1x40x128xi32, #tpu.memory_space<hbm>>
      %dma_start3A_100 = tpu.memref_squeeze %dma_start3A_99 : memref<1x1x40x128xi32, #tpu.memory_space<hbm>> -> memref<40x128xi32, #tpu.memory_space<hbm>>
      tpu.enqueue_dma source(%dma_start3A_100 : memref<40x128xi32, #tpu.memory_space<hbm>>) target(%arg7 : memref<40x128xi32, #tpu.memory_space<vmem>>) target_semaphore(%run_scoped3A : memref<!tpu.dma_semaphore, #tpu.memory_space<semaphore_mem>>)
      %dma_wait3A = arith.constant 120 : i32
      %dma_wait3A_101 = arith.constant 0 : i32
      %dma_wait3A_102 = tpu.memref_slice %arg3[%arg0, %arg1, %dma_wait3A, %dma_wait3A_101] : memref<2x16x160x128xi32, #tpu.memory_space<hbm>> -> memref<1x1x40x128xi32, #tpu.memory_space<hbm>>
      %dma_wait3A_103 = tpu.memref_squeeze %dma_wait3A_102 : memref<1x1x40x128xi32, #tpu.memory_space<hbm>> -> memref<40x128xi32, #tpu.memory_space<hbm>>
      %dma_wait3A_104 = arith.constant 120 : i32
      %dma_wait3A_105 = arith.constant 0 : i32
      %dma_wait3A_106 = tpu.memref_slice %arg3[%arg0, %arg1, %dma_wait3A_104, %dma_wait3A_105] : memref<2x16x160x128xi32, #tpu.memory_space<hbm>> -> memref<1x1x40x128xi32, #tpu.memory_space<hbm>>
      %dma_wait3A_107 = tpu.memref_squeeze %dma_wait3A_106 : memref<1x1x40x128xi32, #tpu.memory_space<hbm>> -> memref<40x128xi32, #tpu.memory_space<hbm>>
      tpu.wait_dma2 semaphore(%run_scoped3A : memref<!tpu.dma_semaphore, #tpu.memory_space<semaphore_mem>>) src(%dma_wait3A_107 : memref<40x128xi32, #tpu.memory_space<hbm>>) dst(%arg7 : memref<40x128xi32, #tpu.memory_space<vmem>>)
      tpu.yield
    }) : () -> ()
    "tpu.region"() ({
      %run_scoped3A = tpu.sem_alloc : memref<!tpu.dma_semaphore, #tpu.memory_space<semaphore_mem>>
      %dma_start3A = arith.constant 120 : i32
      %dma_start3A_94 = arith.constant 0 : i32
      %dma_start3A_95 = tpu.memref_slice %arg4[%arg0, %arg1, %dma_start3A, %dma_start3A_94] : memref<2x16x160x128xi32, #tpu.memory_space<hbm>> -> memref<1x1x40x128xi32, #tpu.memory_space<hbm>>
      %dma_start3A_96 = tpu.memref_squeeze %dma_start3A_95 : memref<1x1x40x128xi32, #tpu.memory_space<hbm>> -> memref<40x128xi32, #tpu.memory_space<hbm>>
      %dma_start3A_97 = arith.constant 120 : i32
      %dma_start3A_98 = arith.constant 0 : i32
      %dma_start3A_99 = tpu.memref_slice %arg4[%arg0, %arg1, %dma_start3A_97, %dma_start3A_98] : memref<2x16x160x128xi32, #tpu.memory_space<hbm>> -> memref<1x1x40x128xi32, #tpu.memory_space<hbm>>
      %dma_start3A_100 = tpu.memref_squeeze %dma_start3A_99 : memref<1x1x40x128xi32, #tpu.memory_space<hbm>> -> memref<40x128xi32, #tpu.memory_space<hbm>>
      tpu.enqueue_dma source(%dma_start3A_100 : memref<40x128xi32, #tpu.memory_space<hbm>>) target(%arg8 : memref<40x128xi32, #tpu.memory_space<vmem>>) target_semaphore(%run_scoped3A : memref<!tpu.dma_semaphore, #tpu.memory_space<semaphore_mem>>)
      %dma_wait3A = arith.constant 120 : i32
      %dma_wait3A_101 = arith.constant 0 : i32
      %dma_wait3A_102 = tpu.memref_slice %arg4[%arg0, %arg1, %dma_wait3A, %dma_wait3A_101] : memref<2x16x160x128xi32, #tpu.memory_space<hbm>> -> memref<1x1x40x128xi32, #tpu.memory_space<hbm>>
      %dma_wait3A_103 = tpu.memref_squeeze %dma_wait3A_102 : memref<1x1x40x128xi32, #tpu.memory_space<hbm>> -> memref<40x128xi32, #tpu.memory_space<hbm>>
      %dma_wait3A_104 = arith.constant 120 : i32
      %dma_wait3A_105 = arith.constant 0 : i32
      %dma_wait3A_106 = tpu.memref_slice %arg4[%arg0, %arg1, %dma_wait3A_104, %dma_wait3A_105] : memref<2x16x160x128xi32, #tpu.memory_space<hbm>> -> memref<1x1x40x128xi32, #tpu.memory_space<hbm>>
      %dma_wait3A_107 = tpu.memref_squeeze %dma_wait3A_106 : memref<1x1x40x128xi32, #tpu.memory_space<hbm>> -> memref<40x128xi32, #tpu.memory_space<hbm>>
      tpu.wait_dma2 semaphore(%run_scoped3A : memref<!tpu.dma_semaphore, #tpu.memory_space<semaphore_mem>>) src(%dma_wait3A_107 : memref<40x128xi32, #tpu.memory_space<hbm>>) dst(%arg8 : memref<40x128xi32, #tpu.memory_space<vmem>>)
      tpu.yield
    }) : () -> ()
    %scan3A_52 = arith.constant 0 : i32
    %scan3A_53 = arith.constant 0 : i32
    %scan3A_54 = arith.constant 40 : i32
    %scan3A_55 = arith.addi %scan3A_53, %scan3A_54 : i32
    %scan3A_56 = arith.constant 1 : i32
    scf.for %scan3A_94 = %scan3A_53 to %scan3A_55 step %scan3A_56  : i32 {
      %dma_start3A = arith.constant 0 : i32
      %dma_start3A_95 = tpu.memref_slice %arg7[%scan3A_94, %dma_start3A] : memref<40x128xi32, #tpu.memory_space<vmem>> -> memref<1x128xi32, #tpu.memory_space<vmem>>
      %dma_start3A_96 = tpu.memref_squeeze %dma_start3A_95 : memref<1x128xi32, #tpu.memory_space<vmem>> -> memref<128xi32, #tpu.memory_space<vmem>>
      %dma_start3A_97 = arith.constant 0 : i32
      %dma_start3A_98 = arith.constant 0 : i32
      %dma_start3A_99 = tpu.memref_slice %arg2[%dma_start3A_97, %dma_start3A_98] : memref<20480x128xf32, #tpu.memory_space<hbm>> -> memref<20480x128xf32, #tpu.memory_space<hbm>>
      tpu.enqueue_indirect_dma source(%dma_start3A_99 : memref<20480x128xf32, #tpu.memory_space<hbm>>) target(%arg9 : memref<128x128xf32, #tpu.memory_space<vmem>>) offsets(%dma_start3A_96 : memref<128xi32, #tpu.memory_space<vmem>>) semaphore(%arg10 : memref<!tpu.dma_semaphore, #tpu.memory_space<semaphore_mem>>)
      %dma_wait3A = arith.constant 0 : i32
      %dma_wait3A_100 = tpu.memref_slice %arg7[%scan3A_94, %dma_wait3A] : memref<40x128xi32, #tpu.memory_space<vmem>> -> memref<1x128xi32, #tpu.memory_space<vmem>>
      %dma_wait3A_101 = tpu.memref_squeeze %dma_wait3A_100 : memref<1x128xi32, #tpu.memory_space<vmem>> -> memref<128xi32, #tpu.memory_space<vmem>>
      %dma_wait3A_102 = arith.constant 0 : i32
      %dma_wait3A_103 = arith.constant 0 : i32
      %dma_wait3A_104 = tpu.memref_slice %arg2[%dma_wait3A_102, %dma_wait3A_103] : memref<20480x128xf32, #tpu.memory_space<hbm>> -> memref<20480x128xf32, #tpu.memory_space<hbm>>
      tpu.wait_indirect_dma semaphore(%arg10 : memref<!tpu.dma_semaphore, #tpu.memory_space<semaphore_mem>>) src(%dma_wait3A_104 : memref<20480x128xf32, #tpu.memory_space<hbm>>) dst(%arg9 : memref<128x128xf32, #tpu.memory_space<vmem>>)
      "tpu.region"() ({
        %run_scoped3A = tpu.sem_alloc : memref<!tpu.dma_semaphore, #tpu.memory_space<semaphore_mem>>
        %dma_start3A_105 = arith.constant 0 : i32
        %dma_start3A_106 = tpu.memref_slice %arg8[%scan3A_94, %dma_start3A_105] : memref<40x128xi32, #tpu.memory_space<vmem>> -> memref<1x128xi32, #tpu.memory_space<vmem>>
        %dma_start3A_107 = tpu.memref_squeeze %dma_start3A_106 : memref<1x128xi32, #tpu.memory_space<vmem>> -> memref<128xi32, #tpu.memory_space<vmem>>
        %dma_start3A_108 = arith.constant 0 : i32
        %dma_start3A_109 = arith.constant 0 : i32
        %dma_start3A_110 = tpu.memref_slice %arg6[%dma_start3A_108, %dma_start3A_109] : memref<10240x128xf32, #tpu.memory_space<vmem_shared>> -> memref<10240x128xf32, #tpu.memory_space<vmem_shared>>
        tpu.enqueue_indirect_dma source(%arg9 : memref<128x128xf32, #tpu.memory_space<vmem>>) target(%dma_start3A_110 : memref<10240x128xf32, #tpu.memory_space<vmem_shared>>) offsets(%dma_start3A_107 : memref<128xi32, #tpu.memory_space<vmem>>) semaphore(%run_scoped3A : memref<!tpu.dma_semaphore, #tpu.memory_space<semaphore_mem>>) {add = true}
        %dma_wait3A_111 = arith.constant 0 : i32
        %dma_wait3A_112 = tpu.memref_slice %arg8[%scan3A_94, %dma_wait3A_111] : memref<40x128xi32, #tpu.memory_space<vmem>> -> memref<1x128xi32, #tpu.memory_space<vmem>>
        %dma_wait3A_113 = tpu.memref_squeeze %dma_wait3A_112 : memref<1x128xi32, #tpu.memory_space<vmem>> -> memref<128xi32, #tpu.memory_space<vmem>>
        %dma_wait3A_114 = arith.constant 0 : i32
        %dma_wait3A_115 = arith.constant 0 : i32
        %dma_wait3A_116 = tpu.memref_slice %arg6[%dma_wait3A_114, %dma_wait3A_115] : memref<10240x128xf32, #tpu.memory_space<vmem_shared>> -> memref<10240x128xf32, #tpu.memory_space<vmem_shared>>
        tpu.wait_indirect_dma semaphore(%run_scoped3A : memref<!tpu.dma_semaphore, #tpu.memory_space<semaphore_mem>>) src(%arg9 : memref<128x128xf32, #tpu.memory_space<vmem>>) dst(%dma_wait3A_116 : memref<10240x128xf32, #tpu.memory_space<vmem_shared>>)
        tpu.yield
      }) : () -> ()
    }
    %scan3A_57 = arith.constant 40 : i32
    %barrier3A_58 = arith.constant 0 : index
    tpu.barrier barrier_id(%barrier3A_58)
    %add3A_59 = arith.constant 0 : i32
    %add3A_60 = arith.addi %mul3A_0, %add3A_59 : i32
    "tpu.region"() ({
      %run_scoped3A = tpu.sem_alloc : memref<!tpu.dma_semaphore, #tpu.memory_space<semaphore_mem>>
      %dma_start3A = arith.constant 0 : i32
      %dma_start3A_94 = tpu.memref_slice %arg6[%add3A_60, %dma_start3A] : memref<10240x128xf32, #tpu.memory_space<vmem_shared>> -> memref<128x128xf32, #tpu.memory_space<vmem_shared>>
      %dma_start3A_95 = arith.constant 0 : i32
      %dma_start3A_96 = tpu.memref_slice %arg6[%add3A_60, %dma_start3A_95] : memref<10240x128xf32, #tpu.memory_space<vmem_shared>> -> memref<128x128xf32, #tpu.memory_space<vmem_shared>>
      tpu.enqueue_dma source(%dma_start3A_96 : memref<128x128xf32, #tpu.memory_space<vmem_shared>>) target(%arg9 : memref<128x128xf32, #tpu.memory_space<vmem>>) target_semaphore(%run_scoped3A : memref<!tpu.dma_semaphore, #tpu.memory_space<semaphore_mem>>)
      %dma_wait3A = arith.constant 0 : i32
      %dma_wait3A_97 = tpu.memref_slice %arg6[%add3A_60, %dma_wait3A] : memref<10240x128xf32, #tpu.memory_space<vmem_shared>> -> memref<128x128xf32, #tpu.memory_space<vmem_shared>>
      %dma_wait3A_98 = arith.constant 0 : i32
      %dma_wait3A_99 = tpu.memref_slice %arg6[%add3A_60, %dma_wait3A_98] : memref<10240x128xf32, #tpu.memory_space<vmem_shared>> -> memref<128x128xf32, #tpu.memory_space<vmem_shared>>
      tpu.wait_dma2 semaphore(%run_scoped3A : memref<!tpu.dma_semaphore, #tpu.memory_space<semaphore_mem>>) src(%dma_wait3A_99 : memref<128x128xf32, #tpu.memory_space<vmem_shared>>) dst(%arg9 : memref<128x128xf32, #tpu.memory_space<vmem>>)
      tpu.yield
    }) : () -> ()
    %mul3A_61 = arith.constant 10240 : i32
    %mul3A_62 = arith.muli %arg0, %mul3A_61 : i32
    %add3A_63 = arith.addi %mul3A_62, %mul3A_0 : i32
    %add3A_64 = arith.constant 0 : i32
    %add3A_65 = arith.addi %add3A_63, %add3A_64 : i32
    "tpu.region"() ({
      %run_scoped3A = tpu.sem_alloc : memref<!tpu.dma_semaphore, #tpu.memory_space<semaphore_mem>>
      %dma_start3A = arith.constant 0 : i32
      %dma_start3A_94 = tpu.memref_slice %arg5[%add3A_65, %dma_start3A] : memref<20480x128xf32, #tpu.memory_space<hbm>> -> memref<128x128xf32, #tpu.memory_space<hbm>>
      %dma_start3A_95 = arith.constant 0 : i32
      %dma_start3A_96 = tpu.memref_slice %arg5[%add3A_65, %dma_start3A_95] : memref<20480x128xf32, #tpu.memory_space<hbm>> -> memref<128x128xf32, #tpu.memory_space<hbm>>
      tpu.enqueue_dma source(%arg9 : memref<128x128xf32, #tpu.memory_space<vmem>>) target(%dma_start3A_96 : memref<128x128xf32, #tpu.memory_space<hbm>>) target_semaphore(%run_scoped3A : memref<!tpu.dma_semaphore, #tpu.memory_space<semaphore_mem>>)
      %dma_wait3A = arith.constant 0 : i32
      %dma_wait3A_97 = tpu.memref_slice %arg5[%add3A_65, %dma_wait3A] : memref<20480x128xf32, #tpu.memory_space<hbm>> -> memref<128x128xf32, #tpu.memory_space<hbm>>
      %dma_wait3A_98 = arith.constant 0 : i32
      %dma_wait3A_99 = tpu.memref_slice %arg5[%add3A_65, %dma_wait3A_98] : memref<20480x128xf32, #tpu.memory_space<hbm>> -> memref<128x128xf32, #tpu.memory_space<hbm>>
      tpu.wait_dma2 semaphore(%run_scoped3A : memref<!tpu.dma_semaphore, #tpu.memory_space<semaphore_mem>>) src(%arg9 : memref<128x128xf32, #tpu.memory_space<vmem>>) dst(%dma_wait3A_99 : memref<128x128xf32, #tpu.memory_space<hbm>>)
      tpu.yield
    }) : () -> ()
    %add3A_66 = arith.constant 128 : i32
    %add3A_67 = arith.addi %mul3A_0, %add3A_66 : i32
    "tpu.region"() ({
      %run_scoped3A = tpu.sem_alloc : memref<!tpu.dma_semaphore, #tpu.memory_space<semaphore_mem>>
      %dma_start3A = arith.constant 0 : i32
      %dma_start3A_94 = tpu.memref_slice %arg6[%add3A_67, %dma_start3A] : memref<10240x128xf32, #tpu.memory_space<vmem_shared>> -> memref<128x128xf32, #tpu.memory_space<vmem_shared>>
      %dma_start3A_95 = arith.constant 0 : i32
      %dma_start3A_96 = tpu.memref_slice %arg6[%add3A_67, %dma_start3A_95] : memref<10240x128xf32, #tpu.memory_space<vmem_shared>> -> memref<128x128xf32, #tpu.memory_space<vmem_shared>>
      tpu.enqueue_dma source(%dma_start3A_96 : memref<128x128xf32, #tpu.memory_space<vmem_shared>>) target(%arg9 : memref<128x128xf32, #tpu.memory_space<vmem>>) target_semaphore(%run_scoped3A : memref<!tpu.dma_semaphore, #tpu.memory_space<semaphore_mem>>)
      %dma_wait3A = arith.constant 0 : i32
      %dma_wait3A_97 = tpu.memref_slice %arg6[%add3A_67, %dma_wait3A] : memref<10240x128xf32, #tpu.memory_space<vmem_shared>> -> memref<128x128xf32, #tpu.memory_space<vmem_shared>>
      %dma_wait3A_98 = arith.constant 0 : i32
      %dma_wait3A_99 = tpu.memref_slice %arg6[%add3A_67, %dma_wait3A_98] : memref<10240x128xf32, #tpu.memory_space<vmem_shared>> -> memref<128x128xf32, #tpu.memory_space<vmem_shared>>
      tpu.wait_dma2 semaphore(%run_scoped3A : memref<!tpu.dma_semaphore, #tpu.memory_space<semaphore_mem>>) src(%dma_wait3A_99 : memref<128x128xf32, #tpu.memory_space<vmem_shared>>) dst(%arg9 : memref<128x128xf32, #tpu.memory_space<vmem>>)
      tpu.yield
    }) : () -> ()
    %mul3A_68 = arith.constant 10240 : i32
    %mul3A_69 = arith.muli %arg0, %mul3A_68 : i32
    %add3A_70 = arith.addi %mul3A_69, %mul3A_0 : i32
    %add3A_71 = arith.constant 128 : i32
    %add3A_72 = arith.addi %add3A_70, %add3A_71 : i32
    "tpu.region"() ({
      %run_scoped3A = tpu.sem_alloc : memref<!tpu.dma_semaphore, #tpu.memory_space<semaphore_mem>>
      %dma_start3A = arith.constant 0 : i32
      %dma_start3A_94 = tpu.memref_slice %arg5[%add3A_72, %dma_start3A] : memref<20480x128xf32, #tpu.memory_space<hbm>> -> memref<128x128xf32, #tpu.memory_space<hbm>>
      %dma_start3A_95 = arith.constant 0 : i32
      %dma_start3A_96 = tpu.memref_slice %arg5[%add3A_72, %dma_start3A_95] : memref<20480x128xf32, #tpu.memory_space<hbm>> -> memref<128x128xf32, #tpu.memory_space<hbm>>
      tpu.enqueue_dma source(%arg9 : memref<128x128xf32, #tpu.memory_space<vmem>>) target(%dma_start3A_96 : memref<128x128xf32, #tpu.memory_space<hbm>>) target_semaphore(%run_scoped3A : memref<!tpu.dma_semaphore, #tpu.memory_space<semaphore_mem>>)
      %dma_wait3A = arith.constant 0 : i32
      %dma_wait3A_97 = tpu.memref_slice %arg5[%add3A_72, %dma_wait3A] : memref<20480x128xf32, #tpu.memory_space<hbm>> -> memref<128x128xf32, #tpu.memory_space<hbm>>
      %dma_wait3A_98 = arith.constant 0 : i32
      %dma_wait3A_99 = tpu.memref_slice %arg5[%add3A_72, %dma_wait3A_98] : memref<20480x128xf32, #tpu.memory_space<hbm>> -> memref<128x128xf32, #tpu.memory_space<hbm>>
      tpu.wait_dma2 semaphore(%run_scoped3A : memref<!tpu.dma_semaphore, #tpu.memory_space<semaphore_mem>>) src(%arg9 : memref<128x128xf32, #tpu.memory_space<vmem>>) dst(%dma_wait3A_99 : memref<128x128xf32, #tpu.memory_space<hbm>>)
      tpu.yield
    }) : () -> ()
    %add3A_73 = arith.constant 256 : i32
    %add3A_74 = arith.addi %mul3A_0, %add3A_73 : i32
    "tpu.region"() ({
      %run_scoped3A = tpu.sem_alloc : memref<!tpu.dma_semaphore, #tpu.memory_space<semaphore_mem>>
      %dma_start3A = arith.constant 0 : i32
      %dma_start3A_94 = tpu.memref_slice %arg6[%add3A_74, %dma_start3A] : memref<10240x128xf32, #tpu.memory_space<vmem_shared>> -> memref<128x128xf32, #tpu.memory_space<vmem_shared>>
      %dma_start3A_95 = arith.constant 0 : i32
      %dma_start3A_96 = tpu.memref_slice %arg6[%add3A_74, %dma_start3A_95] : memref<10240x128xf32, #tpu.memory_space<vmem_shared>> -> memref<128x128xf32, #tpu.memory_space<vmem_shared>>
      tpu.enqueue_dma source(%dma_start3A_96 : memref<128x128xf32, #tpu.memory_space<vmem_shared>>) target(%arg9 : memref<128x128xf32, #tpu.memory_space<vmem>>) target_semaphore(%run_scoped3A : memref<!tpu.dma_semaphore, #tpu.memory_space<semaphore_mem>>)
      %dma_wait3A = arith.constant 0 : i32
      %dma_wait3A_97 = tpu.memref_slice %arg6[%add3A_74, %dma_wait3A] : memref<10240x128xf32, #tpu.memory_space<vmem_shared>> -> memref<128x128xf32, #tpu.memory_space<vmem_shared>>
      %dma_wait3A_98 = arith.constant 0 : i32
      %dma_wait3A_99 = tpu.memref_slice %arg6[%add3A_74, %dma_wait3A_98] : memref<10240x128xf32, #tpu.memory_space<vmem_shared>> -> memref<128x128xf32, #tpu.memory_space<vmem_shared>>
      tpu.wait_dma2 semaphore(%run_scoped3A : memref<!tpu.dma_semaphore, #tpu.memory_space<semaphore_mem>>) src(%dma_wait3A_99 : memref<128x128xf32, #tpu.memory_space<vmem_shared>>) dst(%arg9 : memref<128x128xf32, #tpu.memory_space<vmem>>)
      tpu.yield
    }) : () -> ()
    %mul3A_75 = arith.constant 10240 : i32
    %mul3A_76 = arith.muli %arg0, %mul3A_75 : i32
    %add3A_77 = arith.addi %mul3A_76, %mul3A_0 : i32
    %add3A_78 = arith.constant 256 : i32
    %add3A_79 = arith.addi %add3A_77, %add3A_78 : i32
    "tpu.region"() ({
      %run_scoped3A = tpu.sem_alloc : memref<!tpu.dma_semaphore, #tpu.memory_space<semaphore_mem>>
      %dma_start3A = arith.constant 0 : i32
      %dma_start3A_94 = tpu.memref_slice %arg5[%add3A_79, %dma_start3A] : memref<20480x128xf32, #tpu.memory_space<hbm>> -> memref<128x128xf32, #tpu.memory_space<hbm>>
      %dma_start3A_95 = arith.constant 0 : i32
      %dma_start3A_96 = tpu.memref_slice %arg5[%add3A_79, %dma_start3A_95] : memref<20480x128xf32, #tpu.memory_space<hbm>> -> memref<128x128xf32, #tpu.memory_space<hbm>>
      tpu.enqueue_dma source(%arg9 : memref<128x128xf32, #tpu.memory_space<vmem>>) target(%dma_start3A_96 : memref<128x128xf32, #tpu.memory_space<hbm>>) target_semaphore(%run_scoped3A : memref<!tpu.dma_semaphore, #tpu.memory_space<semaphore_mem>>)
      %dma_wait3A = arith.constant 0 : i32
      %dma_wait3A_97 = tpu.memref_slice %arg5[%add3A_79, %dma_wait3A] : memref<20480x128xf32, #tpu.memory_space<hbm>> -> memref<128x128xf32, #tpu.memory_space<hbm>>
      %dma_wait3A_98 = arith.constant 0 : i32
      %dma_wait3A_99 = tpu.memref_slice %arg5[%add3A_79, %dma_wait3A_98] : memref<20480x128xf32, #tpu.memory_space<hbm>> -> memref<128x128xf32, #tpu.memory_space<hbm>>
      tpu.wait_dma2 semaphore(%run_scoped3A : memref<!tpu.dma_semaphore, #tpu.memory_space<semaphore_mem>>) src(%arg9 : memref<128x128xf32, #tpu.memory_space<vmem>>) dst(%dma_wait3A_99 : memref<128x128xf32, #tpu.memory_space<hbm>>)
      tpu.yield
    }) : () -> ()
    %add3A_80 = arith.constant 384 : i32
    %add3A_81 = arith.addi %mul3A_0, %add3A_80 : i32
    "tpu.region"() ({
      %run_scoped3A = tpu.sem_alloc : memref<!tpu.dma_semaphore, #tpu.memory_space<semaphore_mem>>
      %dma_start3A = arith.constant 0 : i32
      %dma_start3A_94 = tpu.memref_slice %arg6[%add3A_81, %dma_start3A] : memref<10240x128xf32, #tpu.memory_space<vmem_shared>> -> memref<128x128xf32, #tpu.memory_space<vmem_shared>>
      %dma_start3A_95 = arith.constant 0 : i32
      %dma_start3A_96 = tpu.memref_slice %arg6[%add3A_81, %dma_start3A_95] : memref<10240x128xf32, #tpu.memory_space<vmem_shared>> -> memref<128x128xf32, #tpu.memory_space<vmem_shared>>
      tpu.enqueue_dma source(%dma_start3A_96 : memref<128x128xf32, #tpu.memory_space<vmem_shared>>) target(%arg9 : memref<128x128xf32, #tpu.memory_space<vmem>>) target_semaphore(%run_scoped3A : memref<!tpu.dma_semaphore, #tpu.memory_space<semaphore_mem>>)
      %dma_wait3A = arith.constant 0 : i32
      %dma_wait3A_97 = tpu.memref_slice %arg6[%add3A_81, %dma_wait3A] : memref<10240x128xf32, #tpu.memory_space<vmem_shared>> -> memref<128x128xf32, #tpu.memory_space<vmem_shared>>
      %dma_wait3A_98 = arith.constant 0 : i32
      %dma_wait3A_99 = tpu.memref_slice %arg6[%add3A_81, %dma_wait3A_98] : memref<10240x128xf32, #tpu.memory_space<vmem_shared>> -> memref<128x128xf32, #tpu.memory_space<vmem_shared>>
      tpu.wait_dma2 semaphore(%run_scoped3A : memref<!tpu.dma_semaphore, #tpu.memory_space<semaphore_mem>>) src(%dma_wait3A_99 : memref<128x128xf32, #tpu.memory_space<vmem_shared>>) dst(%arg9 : memref<128x128xf32, #tpu.memory_space<vmem>>)
      tpu.yield
    }) : () -> ()
    %mul3A_82 = arith.constant 10240 : i32
    %mul3A_83 = arith.muli %arg0, %mul3A_82 : i32
    %add3A_84 = arith.addi %mul3A_83, %mul3A_0 : i32
    %add3A_85 = arith.constant 384 : i32
    %add3A_86 = arith.addi %add3A_84, %add3A_85 : i32
    "tpu.region"() ({
      %run_scoped3A = tpu.sem_alloc : memref<!tpu.dma_semaphore, #tpu.memory_space<semaphore_mem>>
      %dma_start3A = arith.constant 0 : i32
      %dma_start3A_94 = tpu.memref_slice %arg5[%add3A_86, %dma_start3A] : memref<20480x128xf32, #tpu.memory_space<hbm>> -> memref<128x128xf32, #tpu.memory_space<hbm>>
      %dma_start3A_95 = arith.constant 0 : i32
      %dma_start3A_96 = tpu.memref_slice %arg5[%add3A_86, %dma_start3A_95] : memref<20480x128xf32, #tpu.memory_space<hbm>> -> memref<128x128xf32, #tpu.memory_space<hbm>>
      tpu.enqueue_dma source(%arg9 : memref<128x128xf32, #tpu.memory_space<vmem>>) target(%dma_start3A_96 : memref<128x128xf32, #tpu.memory_space<hbm>>) target_semaphore(%run_scoped3A : memref<!tpu.dma_semaphore, #tpu.memory_space<semaphore_mem>>)
      %dma_wait3A = arith.constant 0 : i32
      %dma_wait3A_97 = tpu.memref_slice %arg5[%add3A_86, %dma_wait3A] : memref<20480x128xf32, #tpu.memory_space<hbm>> -> memref<128x128xf32, #tpu.memory_space<hbm>>
      %dma_wait3A_98 = arith.constant 0 : i32
      %dma_wait3A_99 = tpu.memref_slice %arg5[%add3A_86, %dma_wait3A_98] : memref<20480x128xf32, #tpu.memory_space<hbm>> -> memref<128x128xf32, #tpu.memory_space<hbm>>
      tpu.wait_dma2 semaphore(%run_scoped3A : memref<!tpu.dma_semaphore, #tpu.memory_space<semaphore_mem>>) src(%arg9 : memref<128x128xf32, #tpu.memory_space<vmem>>) dst(%dma_wait3A_99 : memref<128x128xf32, #tpu.memory_space<hbm>>)
      tpu.yield
    }) : () -> ()
    %add3A_87 = arith.constant 512 : i32
    %add3A_88 = arith.addi %mul3A_0, %add3A_87 : i32
    "tpu.region"() ({
      %run_scoped3A = tpu.sem_alloc : memref<!tpu.dma_semaphore, #tpu.memory_space<semaphore_mem>>
      %dma_start3A = arith.constant 0 : i32
      %dma_start3A_94 = tpu.memref_slice %arg6[%add3A_88, %dma_start3A] : memref<10240x128xf32, #tpu.memory_space<vmem_shared>> -> memref<128x128xf32, #tpu.memory_space<vmem_shared>>
      %dma_start3A_95 = arith.constant 0 : i32
      %dma_start3A_96 = tpu.memref_slice %arg6[%add3A_88, %dma_start3A_95] : memref<10240x128xf32, #tpu.memory_space<vmem_shared>> -> memref<128x128xf32, #tpu.memory_space<vmem_shared>>
      tpu.enqueue_dma source(%dma_start3A_96 : memref<128x128xf32, #tpu.memory_space<vmem_shared>>) target(%arg9 : memref<128x128xf32, #tpu.memory_space<vmem>>) target_semaphore(%run_scoped3A : memref<!tpu.dma_semaphore, #tpu.memory_space<semaphore_mem>>)
      %dma_wait3A = arith.constant 0 : i32
      %dma_wait3A_97 = tpu.memref_slice %arg6[%add3A_88, %dma_wait3A] : memref<10240x128xf32, #tpu.memory_space<vmem_shared>> -> memref<128x128xf32, #tpu.memory_space<vmem_shared>>
      %dma_wait3A_98 = arith.constant 0 : i32
      %dma_wait3A_99 = tpu.memref_slice %arg6[%add3A_88, %dma_wait3A_98] : memref<10240x128xf32, #tpu.memory_space<vmem_shared>> -> memref<128x128xf32, #tpu.memory_space<vmem_shared>>
      tpu.wait_dma2 semaphore(%run_scoped3A : memref<!tpu.dma_semaphore, #tpu.memory_space<semaphore_mem>>) src(%dma_wait3A_99 : memref<128x128xf32, #tpu.memory_space<vmem_shared>>) dst(%arg9 : memref<128x128xf32, #tpu.memory_space<vmem>>)
      tpu.yield
    }) : () -> ()
    %mul3A_89 = arith.constant 10240 : i32
    %mul3A_90 = arith.muli %arg0, %mul3A_89 : i32
    %add3A_91 = arith.addi %mul3A_90, %mul3A_0 : i32
    %add3A_92 = arith.constant 512 : i32
    %add3A_93 = arith.addi %add3A_91, %add3A_92 : i32
    "tpu.region"() ({
      %run_scoped3A = tpu.sem_alloc : memref<!tpu.dma_semaphore, #tpu.memory_space<semaphore_mem>>
      %dma_start3A = arith.constant 0 : i32
      %dma_start3A_94 = tpu.memref_slice %arg5[%add3A_93, %dma_start3A] : memref<20480x128xf32, #tpu.memory_space<hbm>> -> memref<128x128xf32, #tpu.memory_space<hbm>>
      %dma_start3A_95 = arith.constant 0 : i32
      %dma_start3A_96 = tpu.memref_slice %arg5[%add3A_93, %dma_start3A_95] : memref<20480x128xf32, #tpu.memory_space<hbm>> -> memref<128x128xf32, #tpu.memory_space<hbm>>
      tpu.enqueue_dma source(%arg9 : memref<128x128xf32, #tpu.memory_space<vmem>>) target(%dma_start3A_96 : memref<128x128xf32, #tpu.memory_space<hbm>>) target_semaphore(%run_scoped3A : memref<!tpu.dma_semaphore, #tpu.memory_space<semaphore_mem>>)
      %dma_wait3A = arith.constant 0 : i32
      %dma_wait3A_97 = tpu.memref_slice %arg5[%add3A_93, %dma_wait3A] : memref<20480x128xf32, #tpu.memory_space<hbm>> -> memref<128x128xf32, #tpu.memory_space<hbm>>
      %dma_wait3A_98 = arith.constant 0 : i32
      %dma_wait3A_99 = tpu.memref_slice %arg5[%add3A_93, %dma_wait3A_98] : memref<20480x128xf32, #tpu.memory_space<hbm>> -> memref<128x128xf32, #tpu.memory_space<hbm>>
      tpu.wait_dma2 semaphore(%run_scoped3A : memref<!tpu.dma_semaphore, #tpu.memory_space<semaphore_mem>>) src(%arg9 : memref<128x128xf32, #tpu.memory_space<vmem>>) dst(%dma_wait3A_99 : memref<128x128xf32, #tpu.memory_space<hbm>>)
      tpu.yield
    }) : () -> ()
    return
  }
}

#map = affine_map<(d0, d1) -> (0, 0)>
#map1 = affine_map<(d0, d1) -> (0, 0, 0, 0)>
module attributes {stable_mosaic.version = 14 : i64} {
  func.func @_sc_aggregate(%arg0: i32, %arg1: i32, %arg2: memref<20480x128xf32, #tpu.memory_space<hbm>>, %arg3: memref<2x16x160x128xi32, #tpu.memory_space<hbm>>, %arg4: memref<2x16x160x128xi32, #tpu.memory_space<hbm>>, %arg5: memref<20480x128xf32, #tpu.memory_space<hbm>>, %arg6: memref<10240x128xf32, #tpu.memory_space<vmem_shared>>, %arg7: memref<40x128xi32, #tpu.memory_space<vmem>>, %arg8: memref<40x128xi32, #tpu.memory_space<vmem>>, %arg9: memref<128x128xf32, #tpu.memory_space<vmem>>, %arg10: memref<!tpu.dma_semaphore, #tpu.memory_space<semaphore_mem>>) attributes {dimension_semantics = [#tpu.dimension_semantics<core_parallel>, #tpu.dimension_semantics<subcore_parallel>], iteration_bounds = array<i64: 2, 16>, scalar_prefetch = 0 : i64, scratch_operands = 5 : i64, tpu.core_type = #tpu.core_type<sc_vector_subcore>, window_params = [{transform_indices = #map}, {transform_indices = #map1}, {transform_indices = #map1}, {transform_indices = #map}]} {
    %mul3A = arith.constant 640 : i32
    %mul3A_0 = arith.muli %arg1, %mul3A : i32
    %mul3A_1 = arith.constant 10240 : i32
    %mul3A_2 = arith.muli %arg0, %mul3A_1 : i32
    %add3A = arith.addi %mul3A_2, %mul3A_0 : i32
    %add3A_3 = arith.constant 0 : i32
    %add3A_4 = arith.addi %add3A, %add3A_3 : i32
    "tpu.region"() ({
      %run_scoped3A = tpu.sem_alloc : memref<!tpu.dma_semaphore, #tpu.memory_space<semaphore_mem>>
      %dma_start3A = arith.constant 0 : i32
      %dma_start3A_94 = tpu.memref_slice %arg2[%add3A_4, %dma_start3A] : memref<20480x128xf32, #tpu.memory_space<hbm>> -> memref<128x128xf32, #tpu.memory_space<hbm>>
      %dma_start3A_95 = arith.constant 0 : i32
      %dma_start3A_96 = tpu.memref_slice %arg2[%add3A_4, %dma_start3A_95] : memref<20480x128xf32, #tpu.memory_space<hbm>> -> memref<128x128xf32, #tpu.memory_space<hbm>>
      tpu.enqueue_dma source(%dma_start3A_96 : memref<128x128xf32, #tpu.memory_space<hbm>>) target(%arg9 : memref<128x128xf32, #tpu.memory_space<vmem>>) target_semaphore(%run_scoped3A : memref<!tpu.dma_semaphore, #tpu.memory_space<semaphore_mem>>)
      %dma_wait3A = arith.constant 0 : i32
      %dma_wait3A_97 = tpu.memref_slice %arg2[%add3A_4, %dma_wait3A] : memref<20480x128xf32, #tpu.memory_space<hbm>> -> memref<128x128xf32, #tpu.memory_space<hbm>>
      %dma_wait3A_98 = arith.constant 0 : i32
      %dma_wait3A_99 = tpu.memref_slice %arg2[%add3A_4, %dma_wait3A_98] : memref<20480x128xf32, #tpu.memory_space<hbm>> -> memref<128x128xf32, #tpu.memory_space<hbm>>
      tpu.wait_dma2 semaphore(%run_scoped3A : memref<!tpu.dma_semaphore, #tpu.memory_space<semaphore_mem>>) src(%dma_wait3A_99 : memref<128x128xf32, #tpu.memory_space<hbm>>) dst(%arg9 : memref<128x128xf32, #tpu.memory_space<vmem>>)
      tpu.yield
    }) : () -> ()
    %add3A_5 = arith.constant 0 : i32
    %add3A_6 = arith.addi %mul3A_0, %add3A_5 : i32
    "tpu.region"() ({
      %run_scoped3A = tpu.sem_alloc : memref<!tpu.dma_semaphore, #tpu.memory_space<semaphore_mem>>
      %dma_start3A = arith.constant 0 : i32
      %dma_start3A_94 = tpu.memref_slice %arg6[%add3A_6, %dma_start3A] : memref<10240x128xf32, #tpu.memory_space<vmem_shared>> -> memref<128x128xf32, #tpu.memory_space<vmem_shared>>
      %dma_start3A_95 = arith.constant 0 : i32
      %dma_start3A_96 = tpu.memref_slice %arg6[%add3A_6, %dma_start3A_95] : memref<10240x128xf32, #tpu.memory_space<vmem_shared>> -> memref<128x128xf32, #tpu.memory_space<vmem_shared>>
      tpu.enqueue_dma source(%arg9 : memref<128x128xf32, #tpu.memory_space<vmem>>) target(%dma_start3A_96 : memref<128x128xf32, #tpu.memory_space<vmem_shared>>) target_semaphore(%run_scoped3A : memref<!tpu.dma_semaphore, #tpu.memory_space<semaphore_mem>>)
      %dma_wait3A = arith.constant 0 : i32
      %dma_wait3A_97 = tpu.memref_slice %arg6[%add3A_6, %dma_wait3A] : memref<10240x128xf32, #tpu.memory_space<vmem_shared>> -> memref<128x128xf32, #tpu.memory_space<vmem_shared>>
      %dma_wait3A_98 = arith.constant 0 : i32
      %dma_wait3A_99 = tpu.memref_slice %arg6[%add3A_6, %dma_wait3A_98] : memref<10240x128xf32, #tpu.memory_space<vmem_shared>> -> memref<128x128xf32, #tpu.memory_space<vmem_shared>>
      tpu.wait_dma2 semaphore(%run_scoped3A : memref<!tpu.dma_semaphore, #tpu.memory_space<semaphore_mem>>) src(%arg9 : memref<128x128xf32, #tpu.memory_space<vmem>>) dst(%dma_wait3A_99 : memref<128x128xf32, #tpu.memory_space<vmem_shared>>)
      tpu.yield
    }) : () -> ()
    %mul3A_7 = arith.constant 10240 : i32
    %mul3A_8 = arith.muli %arg0, %mul3A_7 : i32
    %add3A_9 = arith.addi %mul3A_8, %mul3A_0 : i32
    %add3A_10 = arith.constant 128 : i32
    %add3A_11 = arith.addi %add3A_9, %add3A_10 : i32
    "tpu.region"() ({
      %run_scoped3A = tpu.sem_alloc : memref<!tpu.dma_semaphore, #tpu.memory_space<semaphore_mem>>
      %dma_start3A = arith.constant 0 : i32
      %dma_start3A_94 = tpu.memref_slice %arg2[%add3A_11, %dma_start3A] : memref<20480x128xf32, #tpu.memory_space<hbm>> -> memref<128x128xf32, #tpu.memory_space<hbm>>
      %dma_start3A_95 = arith.constant 0 : i32
      %dma_start3A_96 = tpu.memref_slice %arg2[%add3A_11, %dma_start3A_95] : memref<20480x128xf32, #tpu.memory_space<hbm>> -> memref<128x128xf32, #tpu.memory_space<hbm>>
      tpu.enqueue_dma source(%dma_start3A_96 : memref<128x128xf32, #tpu.memory_space<hbm>>) target(%arg9 : memref<128x128xf32, #tpu.memory_space<vmem>>) target_semaphore(%run_scoped3A : memref<!tpu.dma_semaphore, #tpu.memory_space<semaphore_mem>>)
      %dma_wait3A = arith.constant 0 : i32
      %dma_wait3A_97 = tpu.memref_slice %arg2[%add3A_11, %dma_wait3A] : memref<20480x128xf32, #tpu.memory_space<hbm>> -> memref<128x128xf32, #tpu.memory_space<hbm>>
      %dma_wait3A_98 = arith.constant 0 : i32
      %dma_wait3A_99 = tpu.memref_slice %arg2[%add3A_11, %dma_wait3A_98] : memref<20480x128xf32, #tpu.memory_space<hbm>> -> memref<128x128xf32, #tpu.memory_space<hbm>>
      tpu.wait_dma2 semaphore(%run_scoped3A : memref<!tpu.dma_semaphore, #tpu.memory_space<semaphore_mem>>) src(%dma_wait3A_99 : memref<128x128xf32, #tpu.memory_space<hbm>>) dst(%arg9 : memref<128x128xf32, #tpu.memory_space<vmem>>)
      tpu.yield
    }) : () -> ()
    %add3A_12 = arith.constant 128 : i32
    %add3A_13 = arith.addi %mul3A_0, %add3A_12 : i32
    "tpu.region"() ({
      %run_scoped3A = tpu.sem_alloc : memref<!tpu.dma_semaphore, #tpu.memory_space<semaphore_mem>>
      %dma_start3A = arith.constant 0 : i32
      %dma_start3A_94 = tpu.memref_slice %arg6[%add3A_13, %dma_start3A] : memref<10240x128xf32, #tpu.memory_space<vmem_shared>> -> memref<128x128xf32, #tpu.memory_space<vmem_shared>>
      %dma_start3A_95 = arith.constant 0 : i32
      %dma_start3A_96 = tpu.memref_slice %arg6[%add3A_13, %dma_start3A_95] : memref<10240x128xf32, #tpu.memory_space<vmem_shared>> -> memref<128x128xf32, #tpu.memory_space<vmem_shared>>
      tpu.enqueue_dma source(%arg9 : memref<128x128xf32, #tpu.memory_space<vmem>>) target(%dma_start3A_96 : memref<128x128xf32, #tpu.memory_space<vmem_shared>>) target_semaphore(%run_scoped3A : memref<!tpu.dma_semaphore, #tpu.memory_space<semaphore_mem>>)
      %dma_wait3A = arith.constant 0 : i32
      %dma_wait3A_97 = tpu.memref_slice %arg6[%add3A_13, %dma_wait3A] : memref<10240x128xf32, #tpu.memory_space<vmem_shared>> -> memref<128x128xf32, #tpu.memory_space<vmem_shared>>
      %dma_wait3A_98 = arith.constant 0 : i32
      %dma_wait3A_99 = tpu.memref_slice %arg6[%add3A_13, %dma_wait3A_98] : memref<10240x128xf32, #tpu.memory_space<vmem_shared>> -> memref<128x128xf32, #tpu.memory_space<vmem_shared>>
      tpu.wait_dma2 semaphore(%run_scoped3A : memref<!tpu.dma_semaphore, #tpu.memory_space<semaphore_mem>>) src(%arg9 : memref<128x128xf32, #tpu.memory_space<vmem>>) dst(%dma_wait3A_99 : memref<128x128xf32, #tpu.memory_space<vmem_shared>>)
      tpu.yield
    }) : () -> ()
    %mul3A_14 = arith.constant 10240 : i32
    %mul3A_15 = arith.muli %arg0, %mul3A_14 : i32
    %add3A_16 = arith.addi %mul3A_15, %mul3A_0 : i32
    %add3A_17 = arith.constant 256 : i32
    %add3A_18 = arith.addi %add3A_16, %add3A_17 : i32
    "tpu.region"() ({
      %run_scoped3A = tpu.sem_alloc : memref<!tpu.dma_semaphore, #tpu.memory_space<semaphore_mem>>
      %dma_start3A = arith.constant 0 : i32
      %dma_start3A_94 = tpu.memref_slice %arg2[%add3A_18, %dma_start3A] : memref<20480x128xf32, #tpu.memory_space<hbm>> -> memref<128x128xf32, #tpu.memory_space<hbm>>
      %dma_start3A_95 = arith.constant 0 : i32
      %dma_start3A_96 = tpu.memref_slice %arg2[%add3A_18, %dma_start3A_95] : memref<20480x128xf32, #tpu.memory_space<hbm>> -> memref<128x128xf32, #tpu.memory_space<hbm>>
      tpu.enqueue_dma source(%dma_start3A_96 : memref<128x128xf32, #tpu.memory_space<hbm>>) target(%arg9 : memref<128x128xf32, #tpu.memory_space<vmem>>) target_semaphore(%run_scoped3A : memref<!tpu.dma_semaphore, #tpu.memory_space<semaphore_mem>>)
      %dma_wait3A = arith.constant 0 : i32
      %dma_wait3A_97 = tpu.memref_slice %arg2[%add3A_18, %dma_wait3A] : memref<20480x128xf32, #tpu.memory_space<hbm>> -> memref<128x128xf32, #tpu.memory_space<hbm>>
      %dma_wait3A_98 = arith.constant 0 : i32
      %dma_wait3A_99 = tpu.memref_slice %arg2[%add3A_18, %dma_wait3A_98] : memref<20480x128xf32, #tpu.memory_space<hbm>> -> memref<128x128xf32, #tpu.memory_space<hbm>>
      tpu.wait_dma2 semaphore(%run_scoped3A : memref<!tpu.dma_semaphore, #tpu.memory_space<semaphore_mem>>) src(%dma_wait3A_99 : memref<128x128xf32, #tpu.memory_space<hbm>>) dst(%arg9 : memref<128x128xf32, #tpu.memory_space<vmem>>)
      tpu.yield
    }) : () -> ()
    %add3A_19 = arith.constant 256 : i32
    %add3A_20 = arith.addi %mul3A_0, %add3A_19 : i32
    "tpu.region"() ({
      %run_scoped3A = tpu.sem_alloc : memref<!tpu.dma_semaphore, #tpu.memory_space<semaphore_mem>>
      %dma_start3A = arith.constant 0 : i32
      %dma_start3A_94 = tpu.memref_slice %arg6[%add3A_20, %dma_start3A] : memref<10240x128xf32, #tpu.memory_space<vmem_shared>> -> memref<128x128xf32, #tpu.memory_space<vmem_shared>>
      %dma_start3A_95 = arith.constant 0 : i32
      %dma_start3A_96 = tpu.memref_slice %arg6[%add3A_20, %dma_start3A_95] : memref<10240x128xf32, #tpu.memory_space<vmem_shared>> -> memref<128x128xf32, #tpu.memory_space<vmem_shared>>
      tpu.enqueue_dma source(%arg9 : memref<128x128xf32, #tpu.memory_space<vmem>>) target(%dma_start3A_96 : memref<128x128xf32, #tpu.memory_space<vmem_shared>>) target_semaphore(%run_scoped3A : memref<!tpu.dma_semaphore, #tpu.memory_space<semaphore_mem>>)
      %dma_wait3A = arith.constant 0 : i32
      %dma_wait3A_97 = tpu.memref_slice %arg6[%add3A_20, %dma_wait3A] : memref<10240x128xf32, #tpu.memory_space<vmem_shared>> -> memref<128x128xf32, #tpu.memory_space<vmem_shared>>
      %dma_wait3A_98 = arith.constant 0 : i32
      %dma_wait3A_99 = tpu.memref_slice %arg6[%add3A_20, %dma_wait3A_98] : memref<10240x128xf32, #tpu.memory_space<vmem_shared>> -> memref<128x128xf32, #tpu.memory_space<vmem_shared>>
      tpu.wait_dma2 semaphore(%run_scoped3A : memref<!tpu.dma_semaphore, #tpu.memory_space<semaphore_mem>>) src(%arg9 : memref<128x128xf32, #tpu.memory_space<vmem>>) dst(%dma_wait3A_99 : memref<128x128xf32, #tpu.memory_space<vmem_shared>>)
      tpu.yield
    }) : () -> ()
    %mul3A_21 = arith.constant 10240 : i32
    %mul3A_22 = arith.muli %arg0, %mul3A_21 : i32
    %add3A_23 = arith.addi %mul3A_22, %mul3A_0 : i32
    %add3A_24 = arith.constant 384 : i32
    %add3A_25 = arith.addi %add3A_23, %add3A_24 : i32
    "tpu.region"() ({
      %run_scoped3A = tpu.sem_alloc : memref<!tpu.dma_semaphore, #tpu.memory_space<semaphore_mem>>
      %dma_start3A = arith.constant 0 : i32
      %dma_start3A_94 = tpu.memref_slice %arg2[%add3A_25, %dma_start3A] : memref<20480x128xf32, #tpu.memory_space<hbm>> -> memref<128x128xf32, #tpu.memory_space<hbm>>
      %dma_start3A_95 = arith.constant 0 : i32
      %dma_start3A_96 = tpu.memref_slice %arg2[%add3A_25, %dma_start3A_95] : memref<20480x128xf32, #tpu.memory_space<hbm>> -> memref<128x128xf32, #tpu.memory_space<hbm>>
      tpu.enqueue_dma source(%dma_start3A_96 : memref<128x128xf32, #tpu.memory_space<hbm>>) target(%arg9 : memref<128x128xf32, #tpu.memory_space<vmem>>) target_semaphore(%run_scoped3A : memref<!tpu.dma_semaphore, #tpu.memory_space<semaphore_mem>>)
      %dma_wait3A = arith.constant 0 : i32
      %dma_wait3A_97 = tpu.memref_slice %arg2[%add3A_25, %dma_wait3A] : memref<20480x128xf32, #tpu.memory_space<hbm>> -> memref<128x128xf32, #tpu.memory_space<hbm>>
      %dma_wait3A_98 = arith.constant 0 : i32
      %dma_wait3A_99 = tpu.memref_slice %arg2[%add3A_25, %dma_wait3A_98] : memref<20480x128xf32, #tpu.memory_space<hbm>> -> memref<128x128xf32, #tpu.memory_space<hbm>>
      tpu.wait_dma2 semaphore(%run_scoped3A : memref<!tpu.dma_semaphore, #tpu.memory_space<semaphore_mem>>) src(%dma_wait3A_99 : memref<128x128xf32, #tpu.memory_space<hbm>>) dst(%arg9 : memref<128x128xf32, #tpu.memory_space<vmem>>)
      tpu.yield
    }) : () -> ()
    %add3A_26 = arith.constant 384 : i32
    %add3A_27 = arith.addi %mul3A_0, %add3A_26 : i32
    "tpu.region"() ({
      %run_scoped3A = tpu.sem_alloc : memref<!tpu.dma_semaphore, #tpu.memory_space<semaphore_mem>>
      %dma_start3A = arith.constant 0 : i32
      %dma_start3A_94 = tpu.memref_slice %arg6[%add3A_27, %dma_start3A] : memref<10240x128xf32, #tpu.memory_space<vmem_shared>> -> memref<128x128xf32, #tpu.memory_space<vmem_shared>>
      %dma_start3A_95 = arith.constant 0 : i32
      %dma_start3A_96 = tpu.memref_slice %arg6[%add3A_27, %dma_start3A_95] : memref<10240x128xf32, #tpu.memory_space<vmem_shared>> -> memref<128x128xf32, #tpu.memory_space<vmem_shared>>
      tpu.enqueue_dma source(%arg9 : memref<128x128xf32, #tpu.memory_space<vmem>>) target(%dma_start3A_96 : memref<128x128xf32, #tpu.memory_space<vmem_shared>>) target_semaphore(%run_scoped3A : memref<!tpu.dma_semaphore, #tpu.memory_space<semaphore_mem>>)
      %dma_wait3A = arith.constant 0 : i32
      %dma_wait3A_97 = tpu.memref_slice %arg6[%add3A_27, %dma_wait3A] : memref<10240x128xf32, #tpu.memory_space<vmem_shared>> -> memref<128x128xf32, #tpu.memory_space<vmem_shared>>
      %dma_wait3A_98 = arith.constant 0 : i32
      %dma_wait3A_99 = tpu.memref_slice %arg6[%add3A_27, %dma_wait3A_98] : memref<10240x128xf32, #tpu.memory_space<vmem_shared>> -> memref<128x128xf32, #tpu.memory_space<vmem_shared>>
      tpu.wait_dma2 semaphore(%run_scoped3A : memref<!tpu.dma_semaphore, #tpu.memory_space<semaphore_mem>>) src(%arg9 : memref<128x128xf32, #tpu.memory_space<vmem>>) dst(%dma_wait3A_99 : memref<128x128xf32, #tpu.memory_space<vmem_shared>>)
      tpu.yield
    }) : () -> ()
    %mul3A_28 = arith.constant 10240 : i32
    %mul3A_29 = arith.muli %arg0, %mul3A_28 : i32
    %add3A_30 = arith.addi %mul3A_29, %mul3A_0 : i32
    %add3A_31 = arith.constant 512 : i32
    %add3A_32 = arith.addi %add3A_30, %add3A_31 : i32
    "tpu.region"() ({
      %run_scoped3A = tpu.sem_alloc : memref<!tpu.dma_semaphore, #tpu.memory_space<semaphore_mem>>
      %dma_start3A = arith.constant 0 : i32
      %dma_start3A_94 = tpu.memref_slice %arg2[%add3A_32, %dma_start3A] : memref<20480x128xf32, #tpu.memory_space<hbm>> -> memref<128x128xf32, #tpu.memory_space<hbm>>
      %dma_start3A_95 = arith.constant 0 : i32
      %dma_start3A_96 = tpu.memref_slice %arg2[%add3A_32, %dma_start3A_95] : memref<20480x128xf32, #tpu.memory_space<hbm>> -> memref<128x128xf32, #tpu.memory_space<hbm>>
      tpu.enqueue_dma source(%dma_start3A_96 : memref<128x128xf32, #tpu.memory_space<hbm>>) target(%arg9 : memref<128x128xf32, #tpu.memory_space<vmem>>) target_semaphore(%run_scoped3A : memref<!tpu.dma_semaphore, #tpu.memory_space<semaphore_mem>>)
      %dma_wait3A = arith.constant 0 : i32
      %dma_wait3A_97 = tpu.memref_slice %arg2[%add3A_32, %dma_wait3A] : memref<20480x128xf32, #tpu.memory_space<hbm>> -> memref<128x128xf32, #tpu.memory_space<hbm>>
      %dma_wait3A_98 = arith.constant 0 : i32
      %dma_wait3A_99 = tpu.memref_slice %arg2[%add3A_32, %dma_wait3A_98] : memref<20480x128xf32, #tpu.memory_space<hbm>> -> memref<128x128xf32, #tpu.memory_space<hbm>>
      tpu.wait_dma2 semaphore(%run_scoped3A : memref<!tpu.dma_semaphore, #tpu.memory_space<semaphore_mem>>) src(%dma_wait3A_99 : memref<128x128xf32, #tpu.memory_space<hbm>>) dst(%arg9 : memref<128x128xf32, #tpu.memory_space<vmem>>)
      tpu.yield
    }) : () -> ()
    %add3A_33 = arith.constant 512 : i32
    %add3A_34 = arith.addi %mul3A_0, %add3A_33 : i32
    "tpu.region"() ({
      %run_scoped3A = tpu.sem_alloc : memref<!tpu.dma_semaphore, #tpu.memory_space<semaphore_mem>>
      %dma_start3A = arith.constant 0 : i32
      %dma_start3A_94 = tpu.memref_slice %arg6[%add3A_34, %dma_start3A] : memref<10240x128xf32, #tpu.memory_space<vmem_shared>> -> memref<128x128xf32, #tpu.memory_space<vmem_shared>>
      %dma_start3A_95 = arith.constant 0 : i32
      %dma_start3A_96 = tpu.memref_slice %arg6[%add3A_34, %dma_start3A_95] : memref<10240x128xf32, #tpu.memory_space<vmem_shared>> -> memref<128x128xf32, #tpu.memory_space<vmem_shared>>
      tpu.enqueue_dma source(%arg9 : memref<128x128xf32, #tpu.memory_space<vmem>>) target(%dma_start3A_96 : memref<128x128xf32, #tpu.memory_space<vmem_shared>>) target_semaphore(%run_scoped3A : memref<!tpu.dma_semaphore, #tpu.memory_space<semaphore_mem>>)
      %dma_wait3A = arith.constant 0 : i32
      %dma_wait3A_97 = tpu.memref_slice %arg6[%add3A_34, %dma_wait3A] : memref<10240x128xf32, #tpu.memory_space<vmem_shared>> -> memref<128x128xf32, #tpu.memory_space<vmem_shared>>
      %dma_wait3A_98 = arith.constant 0 : i32
      %dma_wait3A_99 = tpu.memref_slice %arg6[%add3A_34, %dma_wait3A_98] : memref<10240x128xf32, #tpu.memory_space<vmem_shared>> -> memref<128x128xf32, #tpu.memory_space<vmem_shared>>
      tpu.wait_dma2 semaphore(%run_scoped3A : memref<!tpu.dma_semaphore, #tpu.memory_space<semaphore_mem>>) src(%arg9 : memref<128x128xf32, #tpu.memory_space<vmem>>) dst(%dma_wait3A_99 : memref<128x128xf32, #tpu.memory_space<vmem_shared>>)
      tpu.yield
    }) : () -> ()
    %barrier3A = arith.constant 0 : index
    tpu.barrier barrier_id(%barrier3A)
    "tpu.region"() ({
      %run_scoped3A = tpu.sem_alloc : memref<!tpu.dma_semaphore, #tpu.memory_space<semaphore_mem>>
      %dma_start3A = arith.constant 0 : i32
      %dma_start3A_94 = arith.constant 0 : i32
      %dma_start3A_95 = tpu.memref_slice %arg3[%arg0, %arg1, %dma_start3A, %dma_start3A_94] : memref<2x16x160x128xi32, #tpu.memory_space<hbm>> -> memref<1x1x40x128xi32, #tpu.memory_space<hbm>>
      %dma_start3A_96 = tpu.memref_squeeze %dma_start3A_95 : memref<1x1x40x128xi32, #tpu.memory_space<hbm>> -> memref<40x128xi32, #tpu.memory_space<hbm>>
      %dma_start3A_97 = arith.constant 0 : i32
      %dma_start3A_98 = arith.constant 0 : i32
      %dma_start3A_99 = tpu.memref_slice %arg3[%arg0, %arg1, %dma_start3A_97, %dma_start3A_98] : memref<2x16x160x128xi32, #tpu.memory_space<hbm>> -> memref<1x1x40x128xi32, #tpu.memory_space<hbm>>
      %dma_start3A_100 = tpu.memref_squeeze %dma_start3A_99 : memref<1x1x40x128xi32, #tpu.memory_space<hbm>> -> memref<40x128xi32, #tpu.memory_space<hbm>>
      tpu.enqueue_dma source(%dma_start3A_100 : memref<40x128xi32, #tpu.memory_space<hbm>>) target(%arg7 : memref<40x128xi32, #tpu.memory_space<vmem>>) target_semaphore(%run_scoped3A : memref<!tpu.dma_semaphore, #tpu.memory_space<semaphore_mem>>)
      %dma_wait3A = arith.constant 0 : i32
      %dma_wait3A_101 = arith.constant 0 : i32
      %dma_wait3A_102 = tpu.memref_slice %arg3[%arg0, %arg1, %dma_wait3A, %dma_wait3A_101] : memref<2x16x160x128xi32, #tpu.memory_space<hbm>> -> memref<1x1x40x128xi32, #tpu.memory_space<hbm>>
      %dma_wait3A_103 = tpu.memref_squeeze %dma_wait3A_102 : memref<1x1x40x128xi32, #tpu.memory_space<hbm>> -> memref<40x128xi32, #tpu.memory_space<hbm>>
      %dma_wait3A_104 = arith.constant 0 : i32
      %dma_wait3A_105 = arith.constant 0 : i32
      %dma_wait3A_106 = tpu.memref_slice %arg3[%arg0, %arg1, %dma_wait3A_104, %dma_wait3A_105] : memref<2x16x160x128xi32, #tpu.memory_space<hbm>> -> memref<1x1x40x128xi32, #tpu.memory_space<hbm>>
      %dma_wait3A_107 = tpu.memref_squeeze %dma_wait3A_106 : memref<1x1x40x128xi32, #tpu.memory_space<hbm>> -> memref<40x128xi32, #tpu.memory_space<hbm>>
      tpu.wait_dma2 semaphore(%run_scoped3A : memref<!tpu.dma_semaphore, #tpu.memory_space<semaphore_mem>>) src(%dma_wait3A_107 : memref<40x128xi32, #tpu.memory_space<hbm>>) dst(%arg7 : memref<40x128xi32, #tpu.memory_space<vmem>>)
      tpu.yield
    }) : () -> ()
    "tpu.region"() ({
      %run_scoped3A = tpu.sem_alloc : memref<!tpu.dma_semaphore, #tpu.memory_space<semaphore_mem>>
      %dma_start3A = arith.constant 0 : i32
      %dma_start3A_94 = arith.constant 0 : i32
      %dma_start3A_95 = tpu.memref_slice %arg4[%arg0, %arg1, %dma_start3A, %dma_start3A_94] : memref<2x16x160x128xi32, #tpu.memory_space<hbm>> -> memref<1x1x40x128xi32, #tpu.memory_space<hbm>>
      %dma_start3A_96 = tpu.memref_squeeze %dma_start3A_95 : memref<1x1x40x128xi32, #tpu.memory_space<hbm>> -> memref<40x128xi32, #tpu.memory_space<hbm>>
      %dma_start3A_97 = arith.constant 0 : i32
      %dma_start3A_98 = arith.constant 0 : i32
      %dma_start3A_99 = tpu.memref_slice %arg4[%arg0, %arg1, %dma_start3A_97, %dma_start3A_98] : memref<2x16x160x128xi32, #tpu.memory_space<hbm>> -> memref<1x1x40x128xi32, #tpu.memory_space<hbm>>
      %dma_start3A_100 = tpu.memref_squeeze %dma_start3A_99 : memref<1x1x40x128xi32, #tpu.memory_space<hbm>> -> memref<40x128xi32, #tpu.memory_space<hbm>>
      tpu.enqueue_dma source(%dma_start3A_100 : memref<40x128xi32, #tpu.memory_space<hbm>>) target(%arg8 : memref<40x128xi32, #tpu.memory_space<vmem>>) target_semaphore(%run_scoped3A : memref<!tpu.dma_semaphore, #tpu.memory_space<semaphore_mem>>)
      %dma_wait3A = arith.constant 0 : i32
      %dma_wait3A_101 = arith.constant 0 : i32
      %dma_wait3A_102 = tpu.memref_slice %arg4[%arg0, %arg1, %dma_wait3A, %dma_wait3A_101] : memref<2x16x160x128xi32, #tpu.memory_space<hbm>> -> memref<1x1x40x128xi32, #tpu.memory_space<hbm>>
      %dma_wait3A_103 = tpu.memref_squeeze %dma_wait3A_102 : memref<1x1x40x128xi32, #tpu.memory_space<hbm>> -> memref<40x128xi32, #tpu.memory_space<hbm>>
      %dma_wait3A_104 = arith.constant 0 : i32
      %dma_wait3A_105 = arith.constant 0 : i32
      %dma_wait3A_106 = tpu.memref_slice %arg4[%arg0, %arg1, %dma_wait3A_104, %dma_wait3A_105] : memref<2x16x160x128xi32, #tpu.memory_space<hbm>> -> memref<1x1x40x128xi32, #tpu.memory_space<hbm>>
      %dma_wait3A_107 = tpu.memref_squeeze %dma_wait3A_106 : memref<1x1x40x128xi32, #tpu.memory_space<hbm>> -> memref<40x128xi32, #tpu.memory_space<hbm>>
      tpu.wait_dma2 semaphore(%run_scoped3A : memref<!tpu.dma_semaphore, #tpu.memory_space<semaphore_mem>>) src(%dma_wait3A_107 : memref<40x128xi32, #tpu.memory_space<hbm>>) dst(%arg8 : memref<40x128xi32, #tpu.memory_space<vmem>>)
      tpu.yield
    }) : () -> ()
    %scan3A = arith.constant 0 : i32
    %scan3A_35 = arith.constant 0 : i32
    %scan3A_36 = arith.constant 40 : i32
    %scan3A_37 = arith.addi %scan3A_35, %scan3A_36 : i32
    %scan3A_38 = arith.constant 1 : i32
    scf.for %scan3A_94 = %scan3A_35 to %scan3A_37 step %scan3A_38  : i32 {
      %dma_start3A = arith.constant 0 : i32
      %dma_start3A_95 = tpu.memref_slice %arg7[%scan3A_94, %dma_start3A] : memref<40x128xi32, #tpu.memory_space<vmem>> -> memref<1x128xi32, #tpu.memory_space<vmem>>
      %dma_start3A_96 = tpu.memref_squeeze %dma_start3A_95 : memref<1x128xi32, #tpu.memory_space<vmem>> -> memref<128xi32, #tpu.memory_space<vmem>>
      %dma_start3A_97 = arith.constant 0 : i32
      %dma_start3A_98 = arith.constant 0 : i32
      %dma_start3A_99 = tpu.memref_slice %arg2[%dma_start3A_97, %dma_start3A_98] : memref<20480x128xf32, #tpu.memory_space<hbm>> -> memref<20480x128xf32, #tpu.memory_space<hbm>>
      tpu.enqueue_indirect_dma source(%dma_start3A_99 : memref<20480x128xf32, #tpu.memory_space<hbm>>) target(%arg9 : memref<128x128xf32, #tpu.memory_space<vmem>>) offsets(%dma_start3A_96 : memref<128xi32, #tpu.memory_space<vmem>>) semaphore(%arg10 : memref<!tpu.dma_semaphore, #tpu.memory_space<semaphore_mem>>)
      %dma_wait3A = arith.constant 0 : i32
      %dma_wait3A_100 = tpu.memref_slice %arg7[%scan3A_94, %dma_wait3A] : memref<40x128xi32, #tpu.memory_space<vmem>> -> memref<1x128xi32, #tpu.memory_space<vmem>>
      %dma_wait3A_101 = tpu.memref_squeeze %dma_wait3A_100 : memref<1x128xi32, #tpu.memory_space<vmem>> -> memref<128xi32, #tpu.memory_space<vmem>>
      %dma_wait3A_102 = arith.constant 0 : i32
      %dma_wait3A_103 = arith.constant 0 : i32
      %dma_wait3A_104 = tpu.memref_slice %arg2[%dma_wait3A_102, %dma_wait3A_103] : memref<20480x128xf32, #tpu.memory_space<hbm>> -> memref<20480x128xf32, #tpu.memory_space<hbm>>
      tpu.wait_indirect_dma semaphore(%arg10 : memref<!tpu.dma_semaphore, #tpu.memory_space<semaphore_mem>>) src(%dma_wait3A_104 : memref<20480x128xf32, #tpu.memory_space<hbm>>) dst(%arg9 : memref<128x128xf32, #tpu.memory_space<vmem>>)
      "tpu.region"() ({
        %run_scoped3A = tpu.sem_alloc : memref<!tpu.dma_semaphore, #tpu.memory_space<semaphore_mem>>
        %dma_start3A_105 = arith.constant 0 : i32
        %dma_start3A_106 = tpu.memref_slice %arg8[%scan3A_94, %dma_start3A_105] : memref<40x128xi32, #tpu.memory_space<vmem>> -> memref<1x128xi32, #tpu.memory_space<vmem>>
        %dma_start3A_107 = tpu.memref_squeeze %dma_start3A_106 : memref<1x128xi32, #tpu.memory_space<vmem>> -> memref<128xi32, #tpu.memory_space<vmem>>
        %dma_start3A_108 = arith.constant 0 : i32
        %dma_start3A_109 = arith.constant 0 : i32
        %dma_start3A_110 = tpu.memref_slice %arg6[%dma_start3A_108, %dma_start3A_109] : memref<10240x128xf32, #tpu.memory_space<vmem_shared>> -> memref<10240x128xf32, #tpu.memory_space<vmem_shared>>
        tpu.enqueue_indirect_dma source(%arg9 : memref<128x128xf32, #tpu.memory_space<vmem>>) target(%dma_start3A_110 : memref<10240x128xf32, #tpu.memory_space<vmem_shared>>) offsets(%dma_start3A_107 : memref<128xi32, #tpu.memory_space<vmem>>) semaphore(%run_scoped3A : memref<!tpu.dma_semaphore, #tpu.memory_space<semaphore_mem>>) {add = true}
        %dma_wait3A_111 = arith.constant 0 : i32
        %dma_wait3A_112 = tpu.memref_slice %arg8[%scan3A_94, %dma_wait3A_111] : memref<40x128xi32, #tpu.memory_space<vmem>> -> memref<1x128xi32, #tpu.memory_space<vmem>>
        %dma_wait3A_113 = tpu.memref_squeeze %dma_wait3A_112 : memref<1x128xi32, #tpu.memory_space<vmem>> -> memref<128xi32, #tpu.memory_space<vmem>>
        %dma_wait3A_114 = arith.constant 0 : i32
        %dma_wait3A_115 = arith.constant 0 : i32
        %dma_wait3A_116 = tpu.memref_slice %arg6[%dma_wait3A_114, %dma_wait3A_115] : memref<10240x128xf32, #tpu.memory_space<vmem_shared>> -> memref<10240x128xf32, #tpu.memory_space<vmem_shared>>
        tpu.wait_indirect_dma semaphore(%run_scoped3A : memref<!tpu.dma_semaphore, #tpu.memory_space<semaphore_mem>>) src(%arg9 : memref<128x128xf32, #tpu.memory_space<vmem>>) dst(%dma_wait3A_116 : memref<10240x128xf32, #tpu.memory_space<vmem_shared>>)
        tpu.yield
      }) : () -> ()
    }
    %scan3A_39 = arith.constant 40 : i32
    "tpu.region"() ({
      %run_scoped3A = tpu.sem_alloc : memref<!tpu.dma_semaphore, #tpu.memory_space<semaphore_mem>>
      %dma_start3A = arith.constant 40 : i32
      %dma_start3A_94 = arith.constant 0 : i32
      %dma_start3A_95 = tpu.memref_slice %arg3[%arg0, %arg1, %dma_start3A, %dma_start3A_94] : memref<2x16x160x128xi32, #tpu.memory_space<hbm>> -> memref<1x1x40x128xi32, #tpu.memory_space<hbm>>
      %dma_start3A_96 = tpu.memref_squeeze %dma_start3A_95 : memref<1x1x40x128xi32, #tpu.memory_space<hbm>> -> memref<40x128xi32, #tpu.memory_space<hbm>>
      %dma_start3A_97 = arith.constant 40 : i32
      %dma_start3A_98 = arith.constant 0 : i32
      %dma_start3A_99 = tpu.memref_slice %arg3[%arg0, %arg1, %dma_start3A_97, %dma_start3A_98] : memref<2x16x160x128xi32, #tpu.memory_space<hbm>> -> memref<1x1x40x128xi32, #tpu.memory_space<hbm>>
      %dma_start3A_100 = tpu.memref_squeeze %dma_start3A_99 : memref<1x1x40x128xi32, #tpu.memory_space<hbm>> -> memref<40x128xi32, #tpu.memory_space<hbm>>
      tpu.enqueue_dma source(%dma_start3A_100 : memref<40x128xi32, #tpu.memory_space<hbm>>) target(%arg7 : memref<40x128xi32, #tpu.memory_space<vmem>>) target_semaphore(%run_scoped3A : memref<!tpu.dma_semaphore, #tpu.memory_space<semaphore_mem>>)
      %dma_wait3A = arith.constant 40 : i32
      %dma_wait3A_101 = arith.constant 0 : i32
      %dma_wait3A_102 = tpu.memref_slice %arg3[%arg0, %arg1, %dma_wait3A, %dma_wait3A_101] : memref<2x16x160x128xi32, #tpu.memory_space<hbm>> -> memref<1x1x40x128xi32, #tpu.memory_space<hbm>>
      %dma_wait3A_103 = tpu.memref_squeeze %dma_wait3A_102 : memref<1x1x40x128xi32, #tpu.memory_space<hbm>> -> memref<40x128xi32, #tpu.memory_space<hbm>>
      %dma_wait3A_104 = arith.constant 40 : i32
      %dma_wait3A_105 = arith.constant 0 : i32
      %dma_wait3A_106 = tpu.memref_slice %arg3[%arg0, %arg1, %dma_wait3A_104, %dma_wait3A_105] : memref<2x16x160x128xi32, #tpu.memory_space<hbm>> -> memref<1x1x40x128xi32, #tpu.memory_space<hbm>>
      %dma_wait3A_107 = tpu.memref_squeeze %dma_wait3A_106 : memref<1x1x40x128xi32, #tpu.memory_space<hbm>> -> memref<40x128xi32, #tpu.memory_space<hbm>>
      tpu.wait_dma2 semaphore(%run_scoped3A : memref<!tpu.dma_semaphore, #tpu.memory_space<semaphore_mem>>) src(%dma_wait3A_107 : memref<40x128xi32, #tpu.memory_space<hbm>>) dst(%arg7 : memref<40x128xi32, #tpu.memory_space<vmem>>)
      tpu.yield
    }) : () -> ()
    "tpu.region"() ({
      %run_scoped3A = tpu.sem_alloc : memref<!tpu.dma_semaphore, #tpu.memory_space<semaphore_mem>>
      %dma_start3A = arith.constant 40 : i32
      %dma_start3A_94 = arith.constant 0 : i32
      %dma_start3A_95 = tpu.memref_slice %arg4[%arg0, %arg1, %dma_start3A, %dma_start3A_94] : memref<2x16x160x128xi32, #tpu.memory_space<hbm>> -> memref<1x1x40x128xi32, #tpu.memory_space<hbm>>
      %dma_start3A_96 = tpu.memref_squeeze %dma_start3A_95 : memref<1x1x40x128xi32, #tpu.memory_space<hbm>> -> memref<40x128xi32, #tpu.memory_space<hbm>>
      %dma_start3A_97 = arith.constant 40 : i32
      %dma_start3A_98 = arith.constant 0 : i32
      %dma_start3A_99 = tpu.memref_slice %arg4[%arg0, %arg1, %dma_start3A_97, %dma_start3A_98] : memref<2x16x160x128xi32, #tpu.memory_space<hbm>> -> memref<1x1x40x128xi32, #tpu.memory_space<hbm>>
      %dma_start3A_100 = tpu.memref_squeeze %dma_start3A_99 : memref<1x1x40x128xi32, #tpu.memory_space<hbm>> -> memref<40x128xi32, #tpu.memory_space<hbm>>
      tpu.enqueue_dma source(%dma_start3A_100 : memref<40x128xi32, #tpu.memory_space<hbm>>) target(%arg8 : memref<40x128xi32, #tpu.memory_space<vmem>>) target_semaphore(%run_scoped3A : memref<!tpu.dma_semaphore, #tpu.memory_space<semaphore_mem>>)
      %dma_wait3A = arith.constant 40 : i32
      %dma_wait3A_101 = arith.constant 0 : i32
      %dma_wait3A_102 = tpu.memref_slice %arg4[%arg0, %arg1, %dma_wait3A, %dma_wait3A_101] : memref<2x16x160x128xi32, #tpu.memory_space<hbm>> -> memref<1x1x40x128xi32, #tpu.memory_space<hbm>>
      %dma_wait3A_103 = tpu.memref_squeeze %dma_wait3A_102 : memref<1x1x40x128xi32, #tpu.memory_space<hbm>> -> memref<40x128xi32, #tpu.memory_space<hbm>>
      %dma_wait3A_104 = arith.constant 40 : i32
      %dma_wait3A_105 = arith.constant 0 : i32
      %dma_wait3A_106 = tpu.memref_slice %arg4[%arg0, %arg1, %dma_wait3A_104, %dma_wait3A_105] : memref<2x16x160x128xi32, #tpu.memory_space<hbm>> -> memref<1x1x40x128xi32, #tpu.memory_space<hbm>>
      %dma_wait3A_107 = tpu.memref_squeeze %dma_wait3A_106 : memref<1x1x40x128xi32, #tpu.memory_space<hbm>> -> memref<40x128xi32, #tpu.memory_space<hbm>>
      tpu.wait_dma2 semaphore(%run_scoped3A : memref<!tpu.dma_semaphore, #tpu.memory_space<semaphore_mem>>) src(%dma_wait3A_107 : memref<40x128xi32, #tpu.memory_space<hbm>>) dst(%arg8 : memref<40x128xi32, #tpu.memory_space<vmem>>)
      tpu.yield
    }) : () -> ()
    %scan3A_40 = arith.constant 0 : i32
    %scan3A_41 = arith.constant 0 : i32
    %scan3A_42 = arith.constant 40 : i32
    %scan3A_43 = arith.addi %scan3A_41, %scan3A_42 : i32
    %scan3A_44 = arith.constant 1 : i32
    scf.for %scan3A_94 = %scan3A_41 to %scan3A_43 step %scan3A_44  : i32 {
      %dma_start3A = arith.constant 0 : i32
      %dma_start3A_95 = tpu.memref_slice %arg7[%scan3A_94, %dma_start3A] : memref<40x128xi32, #tpu.memory_space<vmem>> -> memref<1x128xi32, #tpu.memory_space<vmem>>
      %dma_start3A_96 = tpu.memref_squeeze %dma_start3A_95 : memref<1x128xi32, #tpu.memory_space<vmem>> -> memref<128xi32, #tpu.memory_space<vmem>>
      %dma_start3A_97 = arith.constant 0 : i32
      %dma_start3A_98 = arith.constant 0 : i32
      %dma_start3A_99 = tpu.memref_slice %arg2[%dma_start3A_97, %dma_start3A_98] : memref<20480x128xf32, #tpu.memory_space<hbm>> -> memref<20480x128xf32, #tpu.memory_space<hbm>>
      tpu.enqueue_indirect_dma source(%dma_start3A_99 : memref<20480x128xf32, #tpu.memory_space<hbm>>) target(%arg9 : memref<128x128xf32, #tpu.memory_space<vmem>>) offsets(%dma_start3A_96 : memref<128xi32, #tpu.memory_space<vmem>>) semaphore(%arg10 : memref<!tpu.dma_semaphore, #tpu.memory_space<semaphore_mem>>)
      %dma_wait3A = arith.constant 0 : i32
      %dma_wait3A_100 = tpu.memref_slice %arg7[%scan3A_94, %dma_wait3A] : memref<40x128xi32, #tpu.memory_space<vmem>> -> memref<1x128xi32, #tpu.memory_space<vmem>>
      %dma_wait3A_101 = tpu.memref_squeeze %dma_wait3A_100 : memref<1x128xi32, #tpu.memory_space<vmem>> -> memref<128xi32, #tpu.memory_space<vmem>>
      %dma_wait3A_102 = arith.constant 0 : i32
      %dma_wait3A_103 = arith.constant 0 : i32
      %dma_wait3A_104 = tpu.memref_slice %arg2[%dma_wait3A_102, %dma_wait3A_103] : memref<20480x128xf32, #tpu.memory_space<hbm>> -> memref<20480x128xf32, #tpu.memory_space<hbm>>
      tpu.wait_indirect_dma semaphore(%arg10 : memref<!tpu.dma_semaphore, #tpu.memory_space<semaphore_mem>>) src(%dma_wait3A_104 : memref<20480x128xf32, #tpu.memory_space<hbm>>) dst(%arg9 : memref<128x128xf32, #tpu.memory_space<vmem>>)
      "tpu.region"() ({
        %run_scoped3A = tpu.sem_alloc : memref<!tpu.dma_semaphore, #tpu.memory_space<semaphore_mem>>
        %dma_start3A_105 = arith.constant 0 : i32
        %dma_start3A_106 = tpu.memref_slice %arg8[%scan3A_94, %dma_start3A_105] : memref<40x128xi32, #tpu.memory_space<vmem>> -> memref<1x128xi32, #tpu.memory_space<vmem>>
        %dma_start3A_107 = tpu.memref_squeeze %dma_start3A_106 : memref<1x128xi32, #tpu.memory_space<vmem>> -> memref<128xi32, #tpu.memory_space<vmem>>
        %dma_start3A_108 = arith.constant 0 : i32
        %dma_start3A_109 = arith.constant 0 : i32
        %dma_start3A_110 = tpu.memref_slice %arg6[%dma_start3A_108, %dma_start3A_109] : memref<10240x128xf32, #tpu.memory_space<vmem_shared>> -> memref<10240x128xf32, #tpu.memory_space<vmem_shared>>
        tpu.enqueue_indirect_dma source(%arg9 : memref<128x128xf32, #tpu.memory_space<vmem>>) target(%dma_start3A_110 : memref<10240x128xf32, #tpu.memory_space<vmem_shared>>) offsets(%dma_start3A_107 : memref<128xi32, #tpu.memory_space<vmem>>) semaphore(%run_scoped3A : memref<!tpu.dma_semaphore, #tpu.memory_space<semaphore_mem>>) {add = true}
        %dma_wait3A_111 = arith.constant 0 : i32
        %dma_wait3A_112 = tpu.memref_slice %arg8[%scan3A_94, %dma_wait3A_111] : memref<40x128xi32, #tpu.memory_space<vmem>> -> memref<1x128xi32, #tpu.memory_space<vmem>>
        %dma_wait3A_113 = tpu.memref_squeeze %dma_wait3A_112 : memref<1x128xi32, #tpu.memory_space<vmem>> -> memref<128xi32, #tpu.memory_space<vmem>>
        %dma_wait3A_114 = arith.constant 0 : i32
        %dma_wait3A_115 = arith.constant 0 : i32
        %dma_wait3A_116 = tpu.memref_slice %arg6[%dma_wait3A_114, %dma_wait3A_115] : memref<10240x128xf32, #tpu.memory_space<vmem_shared>> -> memref<10240x128xf32, #tpu.memory_space<vmem_shared>>
        tpu.wait_indirect_dma semaphore(%run_scoped3A : memref<!tpu.dma_semaphore, #tpu.memory_space<semaphore_mem>>) src(%arg9 : memref<128x128xf32, #tpu.memory_space<vmem>>) dst(%dma_wait3A_116 : memref<10240x128xf32, #tpu.memory_space<vmem_shared>>)
        tpu.yield
      }) : () -> ()
    }
    %scan3A_45 = arith.constant 40 : i32
    "tpu.region"() ({
      %run_scoped3A = tpu.sem_alloc : memref<!tpu.dma_semaphore, #tpu.memory_space<semaphore_mem>>
      %dma_start3A = arith.constant 80 : i32
      %dma_start3A_94 = arith.constant 0 : i32
      %dma_start3A_95 = tpu.memref_slice %arg3[%arg0, %arg1, %dma_start3A, %dma_start3A_94] : memref<2x16x160x128xi32, #tpu.memory_space<hbm>> -> memref<1x1x40x128xi32, #tpu.memory_space<hbm>>
      %dma_start3A_96 = tpu.memref_squeeze %dma_start3A_95 : memref<1x1x40x128xi32, #tpu.memory_space<hbm>> -> memref<40x128xi32, #tpu.memory_space<hbm>>
      %dma_start3A_97 = arith.constant 80 : i32
      %dma_start3A_98 = arith.constant 0 : i32
      %dma_start3A_99 = tpu.memref_slice %arg3[%arg0, %arg1, %dma_start3A_97, %dma_start3A_98] : memref<2x16x160x128xi32, #tpu.memory_space<hbm>> -> memref<1x1x40x128xi32, #tpu.memory_space<hbm>>
      %dma_start3A_100 = tpu.memref_squeeze %dma_start3A_99 : memref<1x1x40x128xi32, #tpu.memory_space<hbm>> -> memref<40x128xi32, #tpu.memory_space<hbm>>
      tpu.enqueue_dma source(%dma_start3A_100 : memref<40x128xi32, #tpu.memory_space<hbm>>) target(%arg7 : memref<40x128xi32, #tpu.memory_space<vmem>>) target_semaphore(%run_scoped3A : memref<!tpu.dma_semaphore, #tpu.memory_space<semaphore_mem>>)
      %dma_wait3A = arith.constant 80 : i32
      %dma_wait3A_101 = arith.constant 0 : i32
      %dma_wait3A_102 = tpu.memref_slice %arg3[%arg0, %arg1, %dma_wait3A, %dma_wait3A_101] : memref<2x16x160x128xi32, #tpu.memory_space<hbm>> -> memref<1x1x40x128xi32, #tpu.memory_space<hbm>>
      %dma_wait3A_103 = tpu.memref_squeeze %dma_wait3A_102 : memref<1x1x40x128xi32, #tpu.memory_space<hbm>> -> memref<40x128xi32, #tpu.memory_space<hbm>>
      %dma_wait3A_104 = arith.constant 80 : i32
      %dma_wait3A_105 = arith.constant 0 : i32
      %dma_wait3A_106 = tpu.memref_slice %arg3[%arg0, %arg1, %dma_wait3A_104, %dma_wait3A_105] : memref<2x16x160x128xi32, #tpu.memory_space<hbm>> -> memref<1x1x40x128xi32, #tpu.memory_space<hbm>>
      %dma_wait3A_107 = tpu.memref_squeeze %dma_wait3A_106 : memref<1x1x40x128xi32, #tpu.memory_space<hbm>> -> memref<40x128xi32, #tpu.memory_space<hbm>>
      tpu.wait_dma2 semaphore(%run_scoped3A : memref<!tpu.dma_semaphore, #tpu.memory_space<semaphore_mem>>) src(%dma_wait3A_107 : memref<40x128xi32, #tpu.memory_space<hbm>>) dst(%arg7 : memref<40x128xi32, #tpu.memory_space<vmem>>)
      tpu.yield
    }) : () -> ()
    "tpu.region"() ({
      %run_scoped3A = tpu.sem_alloc : memref<!tpu.dma_semaphore, #tpu.memory_space<semaphore_mem>>
      %dma_start3A = arith.constant 80 : i32
      %dma_start3A_94 = arith.constant 0 : i32
      %dma_start3A_95 = tpu.memref_slice %arg4[%arg0, %arg1, %dma_start3A, %dma_start3A_94] : memref<2x16x160x128xi32, #tpu.memory_space<hbm>> -> memref<1x1x40x128xi32, #tpu.memory_space<hbm>>
      %dma_start3A_96 = tpu.memref_squeeze %dma_start3A_95 : memref<1x1x40x128xi32, #tpu.memory_space<hbm>> -> memref<40x128xi32, #tpu.memory_space<hbm>>
      %dma_start3A_97 = arith.constant 80 : i32
      %dma_start3A_98 = arith.constant 0 : i32
      %dma_start3A_99 = tpu.memref_slice %arg4[%arg0, %arg1, %dma_start3A_97, %dma_start3A_98] : memref<2x16x160x128xi32, #tpu.memory_space<hbm>> -> memref<1x1x40x128xi32, #tpu.memory_space<hbm>>
      %dma_start3A_100 = tpu.memref_squeeze %dma_start3A_99 : memref<1x1x40x128xi32, #tpu.memory_space<hbm>> -> memref<40x128xi32, #tpu.memory_space<hbm>>
      tpu.enqueue_dma source(%dma_start3A_100 : memref<40x128xi32, #tpu.memory_space<hbm>>) target(%arg8 : memref<40x128xi32, #tpu.memory_space<vmem>>) target_semaphore(%run_scoped3A : memref<!tpu.dma_semaphore, #tpu.memory_space<semaphore_mem>>)
      %dma_wait3A = arith.constant 80 : i32
      %dma_wait3A_101 = arith.constant 0 : i32
      %dma_wait3A_102 = tpu.memref_slice %arg4[%arg0, %arg1, %dma_wait3A, %dma_wait3A_101] : memref<2x16x160x128xi32, #tpu.memory_space<hbm>> -> memref<1x1x40x128xi32, #tpu.memory_space<hbm>>
      %dma_wait3A_103 = tpu.memref_squeeze %dma_wait3A_102 : memref<1x1x40x128xi32, #tpu.memory_space<hbm>> -> memref<40x128xi32, #tpu.memory_space<hbm>>
      %dma_wait3A_104 = arith.constant 80 : i32
      %dma_wait3A_105 = arith.constant 0 : i32
      %dma_wait3A_106 = tpu.memref_slice %arg4[%arg0, %arg1, %dma_wait3A_104, %dma_wait3A_105] : memref<2x16x160x128xi32, #tpu.memory_space<hbm>> -> memref<1x1x40x128xi32, #tpu.memory_space<hbm>>
      %dma_wait3A_107 = tpu.memref_squeeze %dma_wait3A_106 : memref<1x1x40x128xi32, #tpu.memory_space<hbm>> -> memref<40x128xi32, #tpu.memory_space<hbm>>
      tpu.wait_dma2 semaphore(%run_scoped3A : memref<!tpu.dma_semaphore, #tpu.memory_space<semaphore_mem>>) src(%dma_wait3A_107 : memref<40x128xi32, #tpu.memory_space<hbm>>) dst(%arg8 : memref<40x128xi32, #tpu.memory_space<vmem>>)
      tpu.yield
    }) : () -> ()
    %scan3A_46 = arith.constant 0 : i32
    %scan3A_47 = arith.constant 0 : i32
    %scan3A_48 = arith.constant 40 : i32
    %scan3A_49 = arith.addi %scan3A_47, %scan3A_48 : i32
    %scan3A_50 = arith.constant 1 : i32
    scf.for %scan3A_94 = %scan3A_47 to %scan3A_49 step %scan3A_50  : i32 {
      %dma_start3A = arith.constant 0 : i32
      %dma_start3A_95 = tpu.memref_slice %arg7[%scan3A_94, %dma_start3A] : memref<40x128xi32, #tpu.memory_space<vmem>> -> memref<1x128xi32, #tpu.memory_space<vmem>>
      %dma_start3A_96 = tpu.memref_squeeze %dma_start3A_95 : memref<1x128xi32, #tpu.memory_space<vmem>> -> memref<128xi32, #tpu.memory_space<vmem>>
      %dma_start3A_97 = arith.constant 0 : i32
      %dma_start3A_98 = arith.constant 0 : i32
      %dma_start3A_99 = tpu.memref_slice %arg2[%dma_start3A_97, %dma_start3A_98] : memref<20480x128xf32, #tpu.memory_space<hbm>> -> memref<20480x128xf32, #tpu.memory_space<hbm>>
      tpu.enqueue_indirect_dma source(%dma_start3A_99 : memref<20480x128xf32, #tpu.memory_space<hbm>>) target(%arg9 : memref<128x128xf32, #tpu.memory_space<vmem>>) offsets(%dma_start3A_96 : memref<128xi32, #tpu.memory_space<vmem>>) semaphore(%arg10 : memref<!tpu.dma_semaphore, #tpu.memory_space<semaphore_mem>>)
      %dma_wait3A = arith.constant 0 : i32
      %dma_wait3A_100 = tpu.memref_slice %arg7[%scan3A_94, %dma_wait3A] : memref<40x128xi32, #tpu.memory_space<vmem>> -> memref<1x128xi32, #tpu.memory_space<vmem>>
      %dma_wait3A_101 = tpu.memref_squeeze %dma_wait3A_100 : memref<1x128xi32, #tpu.memory_space<vmem>> -> memref<128xi32, #tpu.memory_space<vmem>>
      %dma_wait3A_102 = arith.constant 0 : i32
      %dma_wait3A_103 = arith.constant 0 : i32
      %dma_wait3A_104 = tpu.memref_slice %arg2[%dma_wait3A_102, %dma_wait3A_103] : memref<20480x128xf32, #tpu.memory_space<hbm>> -> memref<20480x128xf32, #tpu.memory_space<hbm>>
      tpu.wait_indirect_dma semaphore(%arg10 : memref<!tpu.dma_semaphore, #tpu.memory_space<semaphore_mem>>) src(%dma_wait3A_104 : memref<20480x128xf32, #tpu.memory_space<hbm>>) dst(%arg9 : memref<128x128xf32, #tpu.memory_space<vmem>>)
      "tpu.region"() ({
        %run_scoped3A = tpu.sem_alloc : memref<!tpu.dma_semaphore, #tpu.memory_space<semaphore_mem>>
        %dma_start3A_105 = arith.constant 0 : i32
        %dma_start3A_106 = tpu.memref_slice %arg8[%scan3A_94, %dma_start3A_105] : memref<40x128xi32, #tpu.memory_space<vmem>> -> memref<1x128xi32, #tpu.memory_space<vmem>>
        %dma_start3A_107 = tpu.memref_squeeze %dma_start3A_106 : memref<1x128xi32, #tpu.memory_space<vmem>> -> memref<128xi32, #tpu.memory_space<vmem>>
        %dma_start3A_108 = arith.constant 0 : i32
        %dma_start3A_109 = arith.constant 0 : i32
        %dma_start3A_110 = tpu.memref_slice %arg6[%dma_start3A_108, %dma_start3A_109] : memref<10240x128xf32, #tpu.memory_space<vmem_shared>> -> memref<10240x128xf32, #tpu.memory_space<vmem_shared>>
        tpu.enqueue_indirect_dma source(%arg9 : memref<128x128xf32, #tpu.memory_space<vmem>>) target(%dma_start3A_110 : memref<10240x128xf32, #tpu.memory_space<vmem_shared>>) offsets(%dma_start3A_107 : memref<128xi32, #tpu.memory_space<vmem>>) semaphore(%run_scoped3A : memref<!tpu.dma_semaphore, #tpu.memory_space<semaphore_mem>>) {add = true}
        %dma_wait3A_111 = arith.constant 0 : i32
        %dma_wait3A_112 = tpu.memref_slice %arg8[%scan3A_94, %dma_wait3A_111] : memref<40x128xi32, #tpu.memory_space<vmem>> -> memref<1x128xi32, #tpu.memory_space<vmem>>
        %dma_wait3A_113 = tpu.memref_squeeze %dma_wait3A_112 : memref<1x128xi32, #tpu.memory_space<vmem>> -> memref<128xi32, #tpu.memory_space<vmem>>
        %dma_wait3A_114 = arith.constant 0 : i32
        %dma_wait3A_115 = arith.constant 0 : i32
        %dma_wait3A_116 = tpu.memref_slice %arg6[%dma_wait3A_114, %dma_wait3A_115] : memref<10240x128xf32, #tpu.memory_space<vmem_shared>> -> memref<10240x128xf32, #tpu.memory_space<vmem_shared>>
        tpu.wait_indirect_dma semaphore(%run_scoped3A : memref<!tpu.dma_semaphore, #tpu.memory_space<semaphore_mem>>) src(%arg9 : memref<128x128xf32, #tpu.memory_space<vmem>>) dst(%dma_wait3A_116 : memref<10240x128xf32, #tpu.memory_space<vmem_shared>>)
        tpu.yield
      }) : () -> ()
    }
    %scan3A_51 = arith.constant 40 : i32
    "tpu.region"() ({
      %run_scoped3A = tpu.sem_alloc : memref<!tpu.dma_semaphore, #tpu.memory_space<semaphore_mem>>
      %dma_start3A = arith.constant 120 : i32
      %dma_start3A_94 = arith.constant 0 : i32
      %dma_start3A_95 = tpu.memref_slice %arg3[%arg0, %arg1, %dma_start3A, %dma_start3A_94] : memref<2x16x160x128xi32, #tpu.memory_space<hbm>> -> memref<1x1x40x128xi32, #tpu.memory_space<hbm>>
      %dma_start3A_96 = tpu.memref_squeeze %dma_start3A_95 : memref<1x1x40x128xi32, #tpu.memory_space<hbm>> -> memref<40x128xi32, #tpu.memory_space<hbm>>
      %dma_start3A_97 = arith.constant 120 : i32
      %dma_start3A_98 = arith.constant 0 : i32
      %dma_start3A_99 = tpu.memref_slice %arg3[%arg0, %arg1, %dma_start3A_97, %dma_start3A_98] : memref<2x16x160x128xi32, #tpu.memory_space<hbm>> -> memref<1x1x40x128xi32, #tpu.memory_space<hbm>>
      %dma_start3A_100 = tpu.memref_squeeze %dma_start3A_99 : memref<1x1x40x128xi32, #tpu.memory_space<hbm>> -> memref<40x128xi32, #tpu.memory_space<hbm>>
      tpu.enqueue_dma source(%dma_start3A_100 : memref<40x128xi32, #tpu.memory_space<hbm>>) target(%arg7 : memref<40x128xi32, #tpu.memory_space<vmem>>) target_semaphore(%run_scoped3A : memref<!tpu.dma_semaphore, #tpu.memory_space<semaphore_mem>>)
      %dma_wait3A = arith.constant 120 : i32
      %dma_wait3A_101 = arith.constant 0 : i32
      %dma_wait3A_102 = tpu.memref_slice %arg3[%arg0, %arg1, %dma_wait3A, %dma_wait3A_101] : memref<2x16x160x128xi32, #tpu.memory_space<hbm>> -> memref<1x1x40x128xi32, #tpu.memory_space<hbm>>
      %dma_wait3A_103 = tpu.memref_squeeze %dma_wait3A_102 : memref<1x1x40x128xi32, #tpu.memory_space<hbm>> -> memref<40x128xi32, #tpu.memory_space<hbm>>
      %dma_wait3A_104 = arith.constant 120 : i32
      %dma_wait3A_105 = arith.constant 0 : i32
      %dma_wait3A_106 = tpu.memref_slice %arg3[%arg0, %arg1, %dma_wait3A_104, %dma_wait3A_105] : memref<2x16x160x128xi32, #tpu.memory_space<hbm>> -> memref<1x1x40x128xi32, #tpu.memory_space<hbm>>
      %dma_wait3A_107 = tpu.memref_squeeze %dma_wait3A_106 : memref<1x1x40x128xi32, #tpu.memory_space<hbm>> -> memref<40x128xi32, #tpu.memory_space<hbm>>
      tpu.wait_dma2 semaphore(%run_scoped3A : memref<!tpu.dma_semaphore, #tpu.memory_space<semaphore_mem>>) src(%dma_wait3A_107 : memref<40x128xi32, #tpu.memory_space<hbm>>) dst(%arg7 : memref<40x128xi32, #tpu.memory_space<vmem>>)
      tpu.yield
    }) : () -> ()
    "tpu.region"() ({
      %run_scoped3A = tpu.sem_alloc : memref<!tpu.dma_semaphore, #tpu.memory_space<semaphore_mem>>
      %dma_start3A = arith.constant 120 : i32
      %dma_start3A_94 = arith.constant 0 : i32
      %dma_start3A_95 = tpu.memref_slice %arg4[%arg0, %arg1, %dma_start3A, %dma_start3A_94] : memref<2x16x160x128xi32, #tpu.memory_space<hbm>> -> memref<1x1x40x128xi32, #tpu.memory_space<hbm>>
      %dma_start3A_96 = tpu.memref_squeeze %dma_start3A_95 : memref<1x1x40x128xi32, #tpu.memory_space<hbm>> -> memref<40x128xi32, #tpu.memory_space<hbm>>
      %dma_start3A_97 = arith.constant 120 : i32
      %dma_start3A_98 = arith.constant 0 : i32
      %dma_start3A_99 = tpu.memref_slice %arg4[%arg0, %arg1, %dma_start3A_97, %dma_start3A_98] : memref<2x16x160x128xi32, #tpu.memory_space<hbm>> -> memref<1x1x40x128xi32, #tpu.memory_space<hbm>>
      %dma_start3A_100 = tpu.memref_squeeze %dma_start3A_99 : memref<1x1x40x128xi32, #tpu.memory_space<hbm>> -> memref<40x128xi32, #tpu.memory_space<hbm>>
      tpu.enqueue_dma source(%dma_start3A_100 : memref<40x128xi32, #tpu.memory_space<hbm>>) target(%arg8 : memref<40x128xi32, #tpu.memory_space<vmem>>) target_semaphore(%run_scoped3A : memref<!tpu.dma_semaphore, #tpu.memory_space<semaphore_mem>>)
      %dma_wait3A = arith.constant 120 : i32
      %dma_wait3A_101 = arith.constant 0 : i32
      %dma_wait3A_102 = tpu.memref_slice %arg4[%arg0, %arg1, %dma_wait3A, %dma_wait3A_101] : memref<2x16x160x128xi32, #tpu.memory_space<hbm>> -> memref<1x1x40x128xi32, #tpu.memory_space<hbm>>
      %dma_wait3A_103 = tpu.memref_squeeze %dma_wait3A_102 : memref<1x1x40x128xi32, #tpu.memory_space<hbm>> -> memref<40x128xi32, #tpu.memory_space<hbm>>
      %dma_wait3A_104 = arith.constant 120 : i32
      %dma_wait3A_105 = arith.constant 0 : i32
      %dma_wait3A_106 = tpu.memref_slice %arg4[%arg0, %arg1, %dma_wait3A_104, %dma_wait3A_105] : memref<2x16x160x128xi32, #tpu.memory_space<hbm>> -> memref<1x1x40x128xi32, #tpu.memory_space<hbm>>
      %dma_wait3A_107 = tpu.memref_squeeze %dma_wait3A_106 : memref<1x1x40x128xi32, #tpu.memory_space<hbm>> -> memref<40x128xi32, #tpu.memory_space<hbm>>
      tpu.wait_dma2 semaphore(%run_scoped3A : memref<!tpu.dma_semaphore, #tpu.memory_space<semaphore_mem>>) src(%dma_wait3A_107 : memref<40x128xi32, #tpu.memory_space<hbm>>) dst(%arg8 : memref<40x128xi32, #tpu.memory_space<vmem>>)
      tpu.yield
    }) : () -> ()
    %scan3A_52 = arith.constant 0 : i32
    %scan3A_53 = arith.constant 0 : i32
    %scan3A_54 = arith.constant 40 : i32
    %scan3A_55 = arith.addi %scan3A_53, %scan3A_54 : i32
    %scan3A_56 = arith.constant 1 : i32
    scf.for %scan3A_94 = %scan3A_53 to %scan3A_55 step %scan3A_56  : i32 {
      %dma_start3A = arith.constant 0 : i32
      %dma_start3A_95 = tpu.memref_slice %arg7[%scan3A_94, %dma_start3A] : memref<40x128xi32, #tpu.memory_space<vmem>> -> memref<1x128xi32, #tpu.memory_space<vmem>>
      %dma_start3A_96 = tpu.memref_squeeze %dma_start3A_95 : memref<1x128xi32, #tpu.memory_space<vmem>> -> memref<128xi32, #tpu.memory_space<vmem>>
      %dma_start3A_97 = arith.constant 0 : i32
      %dma_start3A_98 = arith.constant 0 : i32
      %dma_start3A_99 = tpu.memref_slice %arg2[%dma_start3A_97, %dma_start3A_98] : memref<20480x128xf32, #tpu.memory_space<hbm>> -> memref<20480x128xf32, #tpu.memory_space<hbm>>
      tpu.enqueue_indirect_dma source(%dma_start3A_99 : memref<20480x128xf32, #tpu.memory_space<hbm>>) target(%arg9 : memref<128x128xf32, #tpu.memory_space<vmem>>) offsets(%dma_start3A_96 : memref<128xi32, #tpu.memory_space<vmem>>) semaphore(%arg10 : memref<!tpu.dma_semaphore, #tpu.memory_space<semaphore_mem>>)
      %dma_wait3A = arith.constant 0 : i32
      %dma_wait3A_100 = tpu.memref_slice %arg7[%scan3A_94, %dma_wait3A] : memref<40x128xi32, #tpu.memory_space<vmem>> -> memref<1x128xi32, #tpu.memory_space<vmem>>
      %dma_wait3A_101 = tpu.memref_squeeze %dma_wait3A_100 : memref<1x128xi32, #tpu.memory_space<vmem>> -> memref<128xi32, #tpu.memory_space<vmem>>
      %dma_wait3A_102 = arith.constant 0 : i32
      %dma_wait3A_103 = arith.constant 0 : i32
      %dma_wait3A_104 = tpu.memref_slice %arg2[%dma_wait3A_102, %dma_wait3A_103] : memref<20480x128xf32, #tpu.memory_space<hbm>> -> memref<20480x128xf32, #tpu.memory_space<hbm>>
      tpu.wait_indirect_dma semaphore(%arg10 : memref<!tpu.dma_semaphore, #tpu.memory_space<semaphore_mem>>) src(%dma_wait3A_104 : memref<20480x128xf32, #tpu.memory_space<hbm>>) dst(%arg9 : memref<128x128xf32, #tpu.memory_space<vmem>>)
      "tpu.region"() ({
        %run_scoped3A = tpu.sem_alloc : memref<!tpu.dma_semaphore, #tpu.memory_space<semaphore_mem>>
        %dma_start3A_105 = arith.constant 0 : i32
        %dma_start3A_106 = tpu.memref_slice %arg8[%scan3A_94, %dma_start3A_105] : memref<40x128xi32, #tpu.memory_space<vmem>> -> memref<1x128xi32, #tpu.memory_space<vmem>>
        %dma_start3A_107 = tpu.memref_squeeze %dma_start3A_106 : memref<1x128xi32, #tpu.memory_space<vmem>> -> memref<128xi32, #tpu.memory_space<vmem>>
        %dma_start3A_108 = arith.constant 0 : i32
        %dma_start3A_109 = arith.constant 0 : i32
        %dma_start3A_110 = tpu.memref_slice %arg6[%dma_start3A_108, %dma_start3A_109] : memref<10240x128xf32, #tpu.memory_space<vmem_shared>> -> memref<10240x128xf32, #tpu.memory_space<vmem_shared>>
        tpu.enqueue_indirect_dma source(%arg9 : memref<128x128xf32, #tpu.memory_space<vmem>>) target(%dma_start3A_110 : memref<10240x128xf32, #tpu.memory_space<vmem_shared>>) offsets(%dma_start3A_107 : memref<128xi32, #tpu.memory_space<vmem>>) semaphore(%run_scoped3A : memref<!tpu.dma_semaphore, #tpu.memory_space<semaphore_mem>>) {add = true}
        %dma_wait3A_111 = arith.constant 0 : i32
        %dma_wait3A_112 = tpu.memref_slice %arg8[%scan3A_94, %dma_wait3A_111] : memref<40x128xi32, #tpu.memory_space<vmem>> -> memref<1x128xi32, #tpu.memory_space<vmem>>
        %dma_wait3A_113 = tpu.memref_squeeze %dma_wait3A_112 : memref<1x128xi32, #tpu.memory_space<vmem>> -> memref<128xi32, #tpu.memory_space<vmem>>
        %dma_wait3A_114 = arith.constant 0 : i32
        %dma_wait3A_115 = arith.constant 0 : i32
        %dma_wait3A_116 = tpu.memref_slice %arg6[%dma_wait3A_114, %dma_wait3A_115] : memref<10240x128xf32, #tpu.memory_space<vmem_shared>> -> memref<10240x128xf32, #tpu.memory_space<vmem_shared>>
        tpu.wait_indirect_dma semaphore(%run_scoped3A : memref<!tpu.dma_semaphore, #tpu.memory_space<semaphore_mem>>) src(%arg9 : memref<128x128xf32, #tpu.memory_space<vmem>>) dst(%dma_wait3A_116 : memref<10240x128xf32, #tpu.memory_space<vmem_shared>>)
        tpu.yield
      }) : () -> ()
    }
    %scan3A_57 = arith.constant 40 : i32
    %barrier3A_58 = arith.constant 0 : index
    tpu.barrier barrier_id(%barrier3A_58)
    %add3A_59 = arith.constant 0 : i32
    %add3A_60 = arith.addi %mul3A_0, %add3A_59 : i32
    "tpu.region"() ({
      %run_scoped3A = tpu.sem_alloc : memref<!tpu.dma_semaphore, #tpu.memory_space<semaphore_mem>>
      %dma_start3A = arith.constant 0 : i32
      %dma_start3A_94 = tpu.memref_slice %arg6[%add3A_60, %dma_start3A] : memref<10240x128xf32, #tpu.memory_space<vmem_shared>> -> memref<128x128xf32, #tpu.memory_space<vmem_shared>>
      %dma_start3A_95 = arith.constant 0 : i32
      %dma_start3A_96 = tpu.memref_slice %arg6[%add3A_60, %dma_start3A_95] : memref<10240x128xf32, #tpu.memory_space<vmem_shared>> -> memref<128x128xf32, #tpu.memory_space<vmem_shared>>
      tpu.enqueue_dma source(%dma_start3A_96 : memref<128x128xf32, #tpu.memory_space<vmem_shared>>) target(%arg9 : memref<128x128xf32, #tpu.memory_space<vmem>>) target_semaphore(%run_scoped3A : memref<!tpu.dma_semaphore, #tpu.memory_space<semaphore_mem>>)
      %dma_wait3A = arith.constant 0 : i32
      %dma_wait3A_97 = tpu.memref_slice %arg6[%add3A_60, %dma_wait3A] : memref<10240x128xf32, #tpu.memory_space<vmem_shared>> -> memref<128x128xf32, #tpu.memory_space<vmem_shared>>
      %dma_wait3A_98 = arith.constant 0 : i32
      %dma_wait3A_99 = tpu.memref_slice %arg6[%add3A_60, %dma_wait3A_98] : memref<10240x128xf32, #tpu.memory_space<vmem_shared>> -> memref<128x128xf32, #tpu.memory_space<vmem_shared>>
      tpu.wait_dma2 semaphore(%run_scoped3A : memref<!tpu.dma_semaphore, #tpu.memory_space<semaphore_mem>>) src(%dma_wait3A_99 : memref<128x128xf32, #tpu.memory_space<vmem_shared>>) dst(%arg9 : memref<128x128xf32, #tpu.memory_space<vmem>>)
      tpu.yield
    }) : () -> ()
    %mul3A_61 = arith.constant 10240 : i32
    %mul3A_62 = arith.muli %arg0, %mul3A_61 : i32
    %add3A_63 = arith.addi %mul3A_62, %mul3A_0 : i32
    %add3A_64 = arith.constant 0 : i32
    %add3A_65 = arith.addi %add3A_63, %add3A_64 : i32
    "tpu.region"() ({
      %run_scoped3A = tpu.sem_alloc : memref<!tpu.dma_semaphore, #tpu.memory_space<semaphore_mem>>
      %dma_start3A = arith.constant 0 : i32
      %dma_start3A_94 = tpu.memref_slice %arg5[%add3A_65, %dma_start3A] : memref<20480x128xf32, #tpu.memory_space<hbm>> -> memref<128x128xf32, #tpu.memory_space<hbm>>
      %dma_start3A_95 = arith.constant 0 : i32
      %dma_start3A_96 = tpu.memref_slice %arg5[%add3A_65, %dma_start3A_95] : memref<20480x128xf32, #tpu.memory_space<hbm>> -> memref<128x128xf32, #tpu.memory_space<hbm>>
      tpu.enqueue_dma source(%arg9 : memref<128x128xf32, #tpu.memory_space<vmem>>) target(%dma_start3A_96 : memref<128x128xf32, #tpu.memory_space<hbm>>) target_semaphore(%run_scoped3A : memref<!tpu.dma_semaphore, #tpu.memory_space<semaphore_mem>>)
      %dma_wait3A = arith.constant 0 : i32
      %dma_wait3A_97 = tpu.memref_slice %arg5[%add3A_65, %dma_wait3A] : memref<20480x128xf32, #tpu.memory_space<hbm>> -> memref<128x128xf32, #tpu.memory_space<hbm>>
      %dma_wait3A_98 = arith.constant 0 : i32
      %dma_wait3A_99 = tpu.memref_slice %arg5[%add3A_65, %dma_wait3A_98] : memref<20480x128xf32, #tpu.memory_space<hbm>> -> memref<128x128xf32, #tpu.memory_space<hbm>>
      tpu.wait_dma2 semaphore(%run_scoped3A : memref<!tpu.dma_semaphore, #tpu.memory_space<semaphore_mem>>) src(%arg9 : memref<128x128xf32, #tpu.memory_space<vmem>>) dst(%dma_wait3A_99 : memref<128x128xf32, #tpu.memory_space<hbm>>)
      tpu.yield
    }) : () -> ()
    %add3A_66 = arith.constant 128 : i32
    %add3A_67 = arith.addi %mul3A_0, %add3A_66 : i32
    "tpu.region"() ({
      %run_scoped3A = tpu.sem_alloc : memref<!tpu.dma_semaphore, #tpu.memory_space<semaphore_mem>>
      %dma_start3A = arith.constant 0 : i32
      %dma_start3A_94 = tpu.memref_slice %arg6[%add3A_67, %dma_start3A] : memref<10240x128xf32, #tpu.memory_space<vmem_shared>> -> memref<128x128xf32, #tpu.memory_space<vmem_shared>>
      %dma_start3A_95 = arith.constant 0 : i32
      %dma_start3A_96 = tpu.memref_slice %arg6[%add3A_67, %dma_start3A_95] : memref<10240x128xf32, #tpu.memory_space<vmem_shared>> -> memref<128x128xf32, #tpu.memory_space<vmem_shared>>
      tpu.enqueue_dma source(%dma_start3A_96 : memref<128x128xf32, #tpu.memory_space<vmem_shared>>) target(%arg9 : memref<128x128xf32, #tpu.memory_space<vmem>>) target_semaphore(%run_scoped3A : memref<!tpu.dma_semaphore, #tpu.memory_space<semaphore_mem>>)
      %dma_wait3A = arith.constant 0 : i32
      %dma_wait3A_97 = tpu.memref_slice %arg6[%add3A_67, %dma_wait3A] : memref<10240x128xf32, #tpu.memory_space<vmem_shared>> -> memref<128x128xf32, #tpu.memory_space<vmem_shared>>
      %dma_wait3A_98 = arith.constant 0 : i32
      %dma_wait3A_99 = tpu.memref_slice %arg6[%add3A_67, %dma_wait3A_98] : memref<10240x128xf32, #tpu.memory_space<vmem_shared>> -> memref<128x128xf32, #tpu.memory_space<vmem_shared>>
      tpu.wait_dma2 semaphore(%run_scoped3A : memref<!tpu.dma_semaphore, #tpu.memory_space<semaphore_mem>>) src(%dma_wait3A_99 : memref<128x128xf32, #tpu.memory_space<vmem_shared>>) dst(%arg9 : memref<128x128xf32, #tpu.memory_space<vmem>>)
      tpu.yield
    }) : () -> ()
    %mul3A_68 = arith.constant 10240 : i32
    %mul3A_69 = arith.muli %arg0, %mul3A_68 : i32
    %add3A_70 = arith.addi %mul3A_69, %mul3A_0 : i32
    %add3A_71 = arith.constant 128 : i32
    %add3A_72 = arith.addi %add3A_70, %add3A_71 : i32
    "tpu.region"() ({
      %run_scoped3A = tpu.sem_alloc : memref<!tpu.dma_semaphore, #tpu.memory_space<semaphore_mem>>
      %dma_start3A = arith.constant 0 : i32
      %dma_start3A_94 = tpu.memref_slice %arg5[%add3A_72, %dma_start3A] : memref<20480x128xf32, #tpu.memory_space<hbm>> -> memref<128x128xf32, #tpu.memory_space<hbm>>
      %dma_start3A_95 = arith.constant 0 : i32
      %dma_start3A_96 = tpu.memref_slice %arg5[%add3A_72, %dma_start3A_95] : memref<20480x128xf32, #tpu.memory_space<hbm>> -> memref<128x128xf32, #tpu.memory_space<hbm>>
      tpu.enqueue_dma source(%arg9 : memref<128x128xf32, #tpu.memory_space<vmem>>) target(%dma_start3A_96 : memref<128x128xf32, #tpu.memory_space<hbm>>) target_semaphore(%run_scoped3A : memref<!tpu.dma_semaphore, #tpu.memory_space<semaphore_mem>>)
      %dma_wait3A = arith.constant 0 : i32
      %dma_wait3A_97 = tpu.memref_slice %arg5[%add3A_72, %dma_wait3A] : memref<20480x128xf32, #tpu.memory_space<hbm>> -> memref<128x128xf32, #tpu.memory_space<hbm>>
      %dma_wait3A_98 = arith.constant 0 : i32
      %dma_wait3A_99 = tpu.memref_slice %arg5[%add3A_72, %dma_wait3A_98] : memref<20480x128xf32, #tpu.memory_space<hbm>> -> memref<128x128xf32, #tpu.memory_space<hbm>>
      tpu.wait_dma2 semaphore(%run_scoped3A : memref<!tpu.dma_semaphore, #tpu.memory_space<semaphore_mem>>) src(%arg9 : memref<128x128xf32, #tpu.memory_space<vmem>>) dst(%dma_wait3A_99 : memref<128x128xf32, #tpu.memory_space<hbm>>)
      tpu.yield
    }) : () -> ()
    %add3A_73 = arith.constant 256 : i32
    %add3A_74 = arith.addi %mul3A_0, %add3A_73 : i32
    "tpu.region"() ({
      %run_scoped3A = tpu.sem_alloc : memref<!tpu.dma_semaphore, #tpu.memory_space<semaphore_mem>>
      %dma_start3A = arith.constant 0 : i32
      %dma_start3A_94 = tpu.memref_slice %arg6[%add3A_74, %dma_start3A] : memref<10240x128xf32, #tpu.memory_space<vmem_shared>> -> memref<128x128xf32, #tpu.memory_space<vmem_shared>>
      %dma_start3A_95 = arith.constant 0 : i32
      %dma_start3A_96 = tpu.memref_slice %arg6[%add3A_74, %dma_start3A_95] : memref<10240x128xf32, #tpu.memory_space<vmem_shared>> -> memref<128x128xf32, #tpu.memory_space<vmem_shared>>
      tpu.enqueue_dma source(%dma_start3A_96 : memref<128x128xf32, #tpu.memory_space<vmem_shared>>) target(%arg9 : memref<128x128xf32, #tpu.memory_space<vmem>>) target_semaphore(%run_scoped3A : memref<!tpu.dma_semaphore, #tpu.memory_space<semaphore_mem>>)
      %dma_wait3A = arith.constant 0 : i32
      %dma_wait3A_97 = tpu.memref_slice %arg6[%add3A_74, %dma_wait3A] : memref<10240x128xf32, #tpu.memory_space<vmem_shared>> -> memref<128x128xf32, #tpu.memory_space<vmem_shared>>
      %dma_wait3A_98 = arith.constant 0 : i32
      %dma_wait3A_99 = tpu.memref_slice %arg6[%add3A_74, %dma_wait3A_98] : memref<10240x128xf32, #tpu.memory_space<vmem_shared>> -> memref<128x128xf32, #tpu.memory_space<vmem_shared>>
      tpu.wait_dma2 semaphore(%run_scoped3A : memref<!tpu.dma_semaphore, #tpu.memory_space<semaphore_mem>>) src(%dma_wait3A_99 : memref<128x128xf32, #tpu.memory_space<vmem_shared>>) dst(%arg9 : memref<128x128xf32, #tpu.memory_space<vmem>>)
      tpu.yield
    }) : () -> ()
    %mul3A_75 = arith.constant 10240 : i32
    %mul3A_76 = arith.muli %arg0, %mul3A_75 : i32
    %add3A_77 = arith.addi %mul3A_76, %mul3A_0 : i32
    %add3A_78 = arith.constant 256 : i32
    %add3A_79 = arith.addi %add3A_77, %add3A_78 : i32
    "tpu.region"() ({
      %run_scoped3A = tpu.sem_alloc : memref<!tpu.dma_semaphore, #tpu.memory_space<semaphore_mem>>
      %dma_start3A = arith.constant 0 : i32
      %dma_start3A_94 = tpu.memref_slice %arg5[%add3A_79, %dma_start3A] : memref<20480x128xf32, #tpu.memory_space<hbm>> -> memref<128x128xf32, #tpu.memory_space<hbm>>
      %dma_start3A_95 = arith.constant 0 : i32
      %dma_start3A_96 = tpu.memref_slice %arg5[%add3A_79, %dma_start3A_95] : memref<20480x128xf32, #tpu.memory_space<hbm>> -> memref<128x128xf32, #tpu.memory_space<hbm>>
      tpu.enqueue_dma source(%arg9 : memref<128x128xf32, #tpu.memory_space<vmem>>) target(%dma_start3A_96 : memref<128x128xf32, #tpu.memory_space<hbm>>) target_semaphore(%run_scoped3A : memref<!tpu.dma_semaphore, #tpu.memory_space<semaphore_mem>>)
      %dma_wait3A = arith.constant 0 : i32
      %dma_wait3A_97 = tpu.memref_slice %arg5[%add3A_79, %dma_wait3A] : memref<20480x128xf32, #tpu.memory_space<hbm>> -> memref<128x128xf32, #tpu.memory_space<hbm>>
      %dma_wait3A_98 = arith.constant 0 : i32
      %dma_wait3A_99 = tpu.memref_slice %arg5[%add3A_79, %dma_wait3A_98] : memref<20480x128xf32, #tpu.memory_space<hbm>> -> memref<128x128xf32, #tpu.memory_space<hbm>>
      tpu.wait_dma2 semaphore(%run_scoped3A : memref<!tpu.dma_semaphore, #tpu.memory_space<semaphore_mem>>) src(%arg9 : memref<128x128xf32, #tpu.memory_space<vmem>>) dst(%dma_wait3A_99 : memref<128x128xf32, #tpu.memory_space<hbm>>)
      tpu.yield
    }) : () -> ()
    %add3A_80 = arith.constant 384 : i32
    %add3A_81 = arith.addi %mul3A_0, %add3A_80 : i32
    "tpu.region"() ({
      %run_scoped3A = tpu.sem_alloc : memref<!tpu.dma_semaphore, #tpu.memory_space<semaphore_mem>>
      %dma_start3A = arith.constant 0 : i32
      %dma_start3A_94 = tpu.memref_slice %arg6[%add3A_81, %dma_start3A] : memref<10240x128xf32, #tpu.memory_space<vmem_shared>> -> memref<128x128xf32, #tpu.memory_space<vmem_shared>>
      %dma_start3A_95 = arith.constant 0 : i32
      %dma_start3A_96 = tpu.memref_slice %arg6[%add3A_81, %dma_start3A_95] : memref<10240x128xf32, #tpu.memory_space<vmem_shared>> -> memref<128x128xf32, #tpu.memory_space<vmem_shared>>
      tpu.enqueue_dma source(%dma_start3A_96 : memref<128x128xf32, #tpu.memory_space<vmem_shared>>) target(%arg9 : memref<128x128xf32, #tpu.memory_space<vmem>>) target_semaphore(%run_scoped3A : memref<!tpu.dma_semaphore, #tpu.memory_space<semaphore_mem>>)
      %dma_wait3A = arith.constant 0 : i32
      %dma_wait3A_97 = tpu.memref_slice %arg6[%add3A_81, %dma_wait3A] : memref<10240x128xf32, #tpu.memory_space<vmem_shared>> -> memref<128x128xf32, #tpu.memory_space<vmem_shared>>
      %dma_wait3A_98 = arith.constant 0 : i32
      %dma_wait3A_99 = tpu.memref_slice %arg6[%add3A_81, %dma_wait3A_98] : memref<10240x128xf32, #tpu.memory_space<vmem_shared>> -> memref<128x128xf32, #tpu.memory_space<vmem_shared>>
      tpu.wait_dma2 semaphore(%run_scoped3A : memref<!tpu.dma_semaphore, #tpu.memory_space<semaphore_mem>>) src(%dma_wait3A_99 : memref<128x128xf32, #tpu.memory_space<vmem_shared>>) dst(%arg9 : memref<128x128xf32, #tpu.memory_space<vmem>>)
      tpu.yield
    }) : () -> ()
    %mul3A_82 = arith.constant 10240 : i32
    %mul3A_83 = arith.muli %arg0, %mul3A_82 : i32
    %add3A_84 = arith.addi %mul3A_83, %mul3A_0 : i32
    %add3A_85 = arith.constant 384 : i32
    %add3A_86 = arith.addi %add3A_84, %add3A_85 : i32
    "tpu.region"() ({
      %run_scoped3A = tpu.sem_alloc : memref<!tpu.dma_semaphore, #tpu.memory_space<semaphore_mem>>
      %dma_start3A = arith.constant 0 : i32
      %dma_start3A_94 = tpu.memref_slice %arg5[%add3A_86, %dma_start3A] : memref<20480x128xf32, #tpu.memory_space<hbm>> -> memref<128x128xf32, #tpu.memory_space<hbm>>
      %dma_start3A_95 = arith.constant 0 : i32
      %dma_start3A_96 = tpu.memref_slice %arg5[%add3A_86, %dma_start3A_95] : memref<20480x128xf32, #tpu.memory_space<hbm>> -> memref<128x128xf32, #tpu.memory_space<hbm>>
      tpu.enqueue_dma source(%arg9 : memref<128x128xf32, #tpu.memory_space<vmem>>) target(%dma_start3A_96 : memref<128x128xf32, #tpu.memory_space<hbm>>) target_semaphore(%run_scoped3A : memref<!tpu.dma_semaphore, #tpu.memory_space<semaphore_mem>>)
      %dma_wait3A = arith.constant 0 : i32
      %dma_wait3A_97 = tpu.memref_slice %arg5[%add3A_86, %dma_wait3A] : memref<20480x128xf32, #tpu.memory_space<hbm>> -> memref<128x128xf32, #tpu.memory_space<hbm>>
      %dma_wait3A_98 = arith.constant 0 : i32
      %dma_wait3A_99 = tpu.memref_slice %arg5[%add3A_86, %dma_wait3A_98] : memref<20480x128xf32, #tpu.memory_space<hbm>> -> memref<128x128xf32, #tpu.memory_space<hbm>>
      tpu.wait_dma2 semaphore(%run_scoped3A : memref<!tpu.dma_semaphore, #tpu.memory_space<semaphore_mem>>) src(%arg9 : memref<128x128xf32, #tpu.memory_space<vmem>>) dst(%dma_wait3A_99 : memref<128x128xf32, #tpu.memory_space<hbm>>)
      tpu.yield
    }) : () -> ()
    %add3A_87 = arith.constant 512 : i32
    %add3A_88 = arith.addi %mul3A_0, %add3A_87 : i32
    "tpu.region"() ({
      %run_scoped3A = tpu.sem_alloc : memref<!tpu.dma_semaphore, #tpu.memory_space<semaphore_mem>>
      %dma_start3A = arith.constant 0 : i32
      %dma_start3A_94 = tpu.memref_slice %arg6[%add3A_88, %dma_start3A] : memref<10240x128xf32, #tpu.memory_space<vmem_shared>> -> memref<128x128xf32, #tpu.memory_space<vmem_shared>>
      %dma_start3A_95 = arith.constant 0 : i32
      %dma_start3A_96 = tpu.memref_slice %arg6[%add3A_88, %dma_start3A_95] : memref<10240x128xf32, #tpu.memory_space<vmem_shared>> -> memref<128x128xf32, #tpu.memory_space<vmem_shared>>
      tpu.enqueue_dma source(%dma_start3A_96 : memref<128x128xf32, #tpu.memory_space<vmem_shared>>) target(%arg9 : memref<128x128xf32, #tpu.memory_space<vmem>>) target_semaphore(%run_scoped3A : memref<!tpu.dma_semaphore, #tpu.memory_space<semaphore_mem>>)
      %dma_wait3A = arith.constant 0 : i32
      %dma_wait3A_97 = tpu.memref_slice %arg6[%add3A_88, %dma_wait3A] : memref<10240x128xf32, #tpu.memory_space<vmem_shared>> -> memref<128x128xf32, #tpu.memory_space<vmem_shared>>
      %dma_wait3A_98 = arith.constant 0 : i32
      %dma_wait3A_99 = tpu.memref_slice %arg6[%add3A_88, %dma_wait3A_98] : memref<10240x128xf32, #tpu.memory_space<vmem_shared>> -> memref<128x128xf32, #tpu.memory_space<vmem_shared>>
      tpu.wait_dma2 semaphore(%run_scoped3A : memref<!tpu.dma_semaphore, #tpu.memory_space<semaphore_mem>>) src(%dma_wait3A_99 : memref<128x128xf32, #tpu.memory_space<vmem_shared>>) dst(%arg9 : memref<128x128xf32, #tpu.memory_space<vmem>>)
      tpu.yield
    }) : () -> ()
    %mul3A_89 = arith.constant 10240 : i32
    %mul3A_90 = arith.muli %arg0, %mul3A_89 : i32
    %add3A_91 = arith.addi %mul3A_90, %mul3A_0 : i32
    %add3A_92 = arith.constant 512 : i32
    %add3A_93 = arith.addi %add3A_91, %add3A_92 : i32
    "tpu.region"() ({
      %run_scoped3A = tpu.sem_alloc : memref<!tpu.dma_semaphore, #tpu.memory_space<semaphore_mem>>
      %dma_start3A = arith.constant 0 : i32
      %dma_start3A_94 = tpu.memref_slice %arg5[%add3A_93, %dma_start3A] : memref<20480x128xf32, #tpu.memory_space<hbm>> -> memref<128x128xf32, #tpu.memory_space<hbm>>
      %dma_start3A_95 = arith.constant 0 : i32
      %dma_start3A_96 = tpu.memref_slice %arg5[%add3A_93, %dma_start3A_95] : memref<20480x128xf32, #tpu.memory_space<hbm>> -> memref<128x128xf32, #tpu.memory_space<hbm>>
      tpu.enqueue_dma source(%arg9 : memref<128x128xf32, #tpu.memory_space<vmem>>) target(%dma_start3A_96 : memref<128x128xf32, #tpu.memory_space<hbm>>) target_semaphore(%run_scoped3A : memref<!tpu.dma_semaphore, #tpu.memory_space<semaphore_mem>>)
      %dma_wait3A = arith.constant 0 : i32
      %dma_wait3A_97 = tpu.memref_slice %arg5[%add3A_93, %dma_wait3A] : memref<20480x128xf32, #tpu.memory_space<hbm>> -> memref<128x128xf32, #tpu.memory_space<hbm>>
      %dma_wait3A_98 = arith.constant 0 : i32
      %dma_wait3A_99 = tpu.memref_slice %arg5[%add3A_93, %dma_wait3A_98] : memref<20480x128xf32, #tpu.memory_space<hbm>> -> memref<128x128xf32, #tpu.memory_space<hbm>>
      tpu.wait_dma2 semaphore(%run_scoped3A : memref<!tpu.dma_semaphore, #tpu.memory_space<semaphore_mem>>) src(%arg9 : memref<128x128xf32, #tpu.memory_space<vmem>>) dst(%dma_wait3A_99 : memref<128x128xf32, #tpu.memory_space<hbm>>)
      tpu.yield
    }) : () -> ()
    return
  }
}

module attributes {stable_mosaic.version = 14 : i64} {
  func.func @_prep_body(%arg0: i32, %arg1: memref<512x128xf32, #tpu.memory_space<vmem>>, %arg2: memref<2x512x16xf32, #tpu.memory_space<vmem>>, %arg3: memref<128x128xf32, #tpu.memory_space<vmem>>, %arg4: memref<128x128xf32, #tpu.memory_space<vmem>>, %arg5: memref<2x512x128xf32, #tpu.memory_space<vmem>>) attributes {dimension_semantics = [#tpu.dimension_semantics<arbitrary>], iteration_bounds = array<i64: 20>, scalar_prefetch = 0 : i64, scratch_operands = 0 : i64, tpu.core_type = #tpu.core_type<tc>, window_params = [{transform_indices = @transform_0, window_bounds = array<i64: 512, 128>}, {transform_indices = @transform_1, window_bounds = array<i64: 2, 512, 16>}, {pipeline_mode = #tpu.pipeline_mode<synchronous>, transform_indices = @transform_2, window_bounds = array<i64: 128, 128>}, {pipeline_mode = #tpu.pipeline_mode<synchronous>, transform_indices = @transform_3, window_bounds = array<i64: 128, 128>}, {transform_indices = @transform_4, window_bounds = array<i64: 2, 512, 128>}]} {
    %get3A = arith.constant 0 : index
    %get3A_0 = arith.constant 0 : index
    %get3A_1 = arith.constant 0 : index
    %get3A_2 = vector.load %arg2[%get3A, %get3A_0, %get3A_1] : memref<2x512x16xf32, #tpu.memory_space<vmem>>, vector<1x512x1xf32>
    %get3A_3 = vector.shape_cast %get3A_2 : vector<1x512x1xf32> to vector<512x1xf32>
    %add3A = arith.constant 1.000000e+00 : f32
    %add3A_4 = vector.broadcast %add3A : f32 to vector<512x1xf32>
    %add3A_5 = arith.addf %get3A_3, %add3A_4 : vector<512x1xf32>
    %rsqrt3A = math.rsqrt %add3A_5 : vector<512x1xf32>
    %get3A_6 = arith.constant 1 : index
    %get3A_7 = arith.constant 0 : index
    %get3A_8 = arith.constant 0 : index
    %get3A_9 = vector.load %arg2[%get3A_6, %get3A_7, %get3A_8] : memref<2x512x16xf32, #tpu.memory_space<vmem>>, vector<1x512x1xf32>
    %get3A_10 = vector.shape_cast %get3A_9 : vector<1x512x1xf32> to vector<512x1xf32>
    %add3A_11 = arith.constant 1.000000e+00 : f32
    %add3A_12 = vector.broadcast %add3A_11 : f32 to vector<512x1xf32>
    %add3A_13 = arith.addf %get3A_10, %add3A_12 : vector<512x1xf32>
    %rsqrt3A_14 = math.rsqrt %add3A_13 : vector<512x1xf32>
    %get3A_15 = arith.constant 0 : index
    %get3A_16 = arith.constant 0 : index
    %get3A_17 = vector.load %arg1[%get3A_15, %get3A_16] : memref<512x128xf32, #tpu.memory_space<vmem>>, vector<512x128xf32>
    %get3A_18 = arith.constant 0 : index
    %get3A_19 = arith.constant 0 : index
    %get3A_20 = vector.load %arg3[%get3A_18, %get3A_19] : memref<128x128xf32, #tpu.memory_space<vmem>>, vector<128x128xf32>
    %dot_general3A = arith.constant dense<0.000000e+00> : vector<512x128xf32>
    %dot_general3A_21 = tpu.matmul %get3A_17, %get3A_20, %dot_general3A {dimension_numbers = #tpu.dot_dimension_numbers<[1], [0], [0], [1], [0, 0, 1, 1], [], []>, transpose_lhs_hint = false} : vector<512x128xf32>, vector<128x128xf32>, vector<512x128xf32> -> vector<512x128xf32>
    %mul3A = vector.broadcast %rsqrt3A : vector<512x1xf32> to vector<512x128xf32>
    %mul3A_22 = arith.mulf %mul3A, %dot_general3A_21 : vector<512x128xf32>
    %swap3A = arith.constant 0 : index
    %swap3A_23 = arith.constant 0 : index
    %swap3A_24 = arith.constant 0 : index
    %swap3A_25 = vector.load %arg5[%swap3A, %swap3A_23, %swap3A_24] : memref<2x512x128xf32, #tpu.memory_space<vmem>>, vector<1x512x128xf32>
    %swap3A_26 = vector.shape_cast %swap3A_25 : vector<1x512x128xf32> to vector<512x128xf32>
    %swap3A_27 = vector.shape_cast %mul3A_22 : vector<512x128xf32> to vector<1x512x128xf32>
    tpu.vector_store %arg5[%swap3A, %swap3A_23, %swap3A_24], %swap3A_27 {strides = array<i32>} : memref<2x512x128xf32, #tpu.memory_space<vmem>>, vector<1x512x128xf32>,
    %get3A_28 = arith.constant 0 : index
    %get3A_29 = arith.constant 0 : index
    %get3A_30 = vector.load %arg4[%get3A_28, %get3A_29] : memref<128x128xf32, #tpu.memory_space<vmem>>, vector<128x128xf32>
    %dot_general3A_31 = arith.constant dense<0.000000e+00> : vector<512x128xf32>
    %dot_general3A_32 = tpu.matmul %get3A_17, %get3A_30, %dot_general3A_31 {dimension_numbers = #tpu.dot_dimension_numbers<[1], [0], [0], [1], [0, 0, 1, 1], [], []>, transpose_lhs_hint = false} : vector<512x128xf32>, vector<128x128xf32>, vector<512x128xf32> -> vector<512x128xf32>
    %mul3A_33 = vector.broadcast %rsqrt3A_14 : vector<512x1xf32> to vector<512x128xf32>
    %mul3A_34 = arith.mulf %mul3A_33, %dot_general3A_32 : vector<512x128xf32>
    %swap3A_35 = arith.constant 1 : index
    %swap3A_36 = arith.constant 0 : index
    %swap3A_37 = arith.constant 0 : index
    %swap3A_38 = vector.load %arg5[%swap3A_35, %swap3A_36, %swap3A_37] : memref<2x512x128xf32, #tpu.memory_space<vmem>>, vector<1x512x128xf32>
    %swap3A_39 = vector.shape_cast %swap3A_38 : vector<1x512x128xf32> to vector<512x128xf32>
    %swap3A_40 = vector.shape_cast %mul3A_34 : vector<512x128xf32> to vector<1x512x128xf32>
    tpu.vector_store %arg5[%swap3A_35, %swap3A_36, %swap3A_37], %swap3A_40 {strides = array<i32>} : memref<2x512x128xf32, #tpu.memory_space<vmem>>, vector<1x512x128xf32>,
    return
  }
  func.func @transform_0(%arg0: i32) -> (i32, i32) {
    %c0_i32 = arith.constant 0 : i32
    %c0_i32_0 = arith.constant 0 : i32
    return %arg0, %c0_i32 : i32, i32
  }
  func.func @transform_1(%arg0: i32) -> (i32, i32, i32) {
    %c0_i32 = arith.constant 0 : i32
    %c0_i32_0 = arith.constant 0 : i32
    %c0_i32_1 = arith.constant 0 : i32
    return %c0_i32, %arg0, %c0_i32_0 : i32, i32, i32
  }
  func.func @transform_2(%arg0: i32) -> (i32, i32) {
    %c0_i32 = arith.constant 0 : i32
    %c0_i32_0 = arith.constant 0 : i32
    %c0_i32_1 = arith.constant 0 : i32
    return %c0_i32, %c0_i32_0 : i32, i32
  }
  func.func @transform_3(%arg0: i32) -> (i32, i32) {
    %c0_i32 = arith.constant 0 : i32
    %c0_i32_0 = arith.constant 0 : i32
    %c0_i32_1 = arith.constant 0 : i32
    return %c0_i32, %c0_i32_0 : i32, i32
  }
  func.func @transform_4(%arg0: i32) -> (i32, i32, i32) {
    %c0_i32 = arith.constant 0 : i32
    %c0_i32_0 = arith.constant 0 : i32
    %c0_i32_1 = arith.constant 0 : i32
    return %c0_i32, %arg0, %c0_i32_0 : i32, i32, i32
  }
}

module attributes {stable_mosaic.version = 14 : i64} {
  func.func @_layer_body(%arg0: i32, %arg1: memref<2x512x128xf32, #tpu.memory_space<vmem>>, %arg2: memref<2x512x16xf32, #tpu.memory_space<vmem>>, %arg3: memref<256x128xf32, #tpu.memory_space<vmem>>, %arg4: memref<256x128xf32, #tpu.memory_space<vmem>>, %arg5: memref<1x128xf32, #tpu.memory_space<vmem>>, %arg6: memref<1x128xf32, #tpu.memory_space<vmem>>, %arg7: memref<2x512x128xf32, #tpu.memory_space<vmem>>) attributes {dimension_semantics = [#tpu.dimension_semantics<arbitrary>], iteration_bounds = array<i64: 20>, scalar_prefetch = 0 : i64, scratch_operands = 0 : i64, tpu.core_type = #tpu.core_type<tc>, window_params = [{transform_indices = @transform_0, window_bounds = array<i64: 2, 512, 128>}, {transform_indices = @transform_1, window_bounds = array<i64: 2, 512, 16>}, {pipeline_mode = #tpu.pipeline_mode<synchronous>, transform_indices = @transform_2, window_bounds = array<i64: 256, 128>}, {pipeline_mode = #tpu.pipeline_mode<synchronous>, transform_indices = @transform_3, window_bounds = array<i64: 256, 128>}, {pipeline_mode = #tpu.pipeline_mode<synchronous>, transform_indices = @transform_4, window_bounds = array<i64: 1, 128>}, {pipeline_mode = #tpu.pipeline_mode<synchronous>, transform_indices = @transform_5, window_bounds = array<i64: 1, 128>}, {transform_indices = @transform_6, window_bounds = array<i64: 2, 512, 128>}]} {
    %get3A = arith.constant 0 : index
    %get3A_0 = arith.constant 0 : index
    %get3A_1 = arith.constant 0 : index
    %get3A_2 = vector.load %arg2[%get3A, %get3A_0, %get3A_1] : memref<2x512x16xf32, #tpu.memory_space<vmem>>, vector<1x512x1xf32>
    %get3A_3 = vector.shape_cast %get3A_2 : vector<1x512x1xf32> to vector<512x1xf32>
    %add3A = arith.constant 1.000000e+00 : f32
    %add3A_4 = vector.broadcast %add3A : f32 to vector<512x1xf32>
    %add3A_5 = arith.addf %get3A_3, %add3A_4 : vector<512x1xf32>
    %rsqrt3A = math.rsqrt %add3A_5 : vector<512x1xf32>
    %get3A_6 = arith.constant 1 : index
    %get3A_7 = arith.constant 0 : index
    %get3A_8 = arith.constant 0 : index
    %get3A_9 = vector.load %arg2[%get3A_6, %get3A_7, %get3A_8] : memref<2x512x16xf32, #tpu.memory_space<vmem>>, vector<1x512x1xf32>
    %get3A_10 = vector.shape_cast %get3A_9 : vector<1x512x1xf32> to vector<512x1xf32>
    %add3A_11 = arith.constant 1.000000e+00 : f32
    %add3A_12 = vector.broadcast %add3A_11 : f32 to vector<512x1xf32>
    %add3A_13 = arith.addf %get3A_10, %add3A_12 : vector<512x1xf32>
    %rsqrt3A_14 = math.rsqrt %add3A_13 : vector<512x1xf32>
    %get3A_15 = arith.constant 0 : index
    %get3A_16 = arith.constant 0 : index
    %get3A_17 = arith.constant 0 : index
    %get3A_18 = vector.load %arg1[%get3A_15, %get3A_16, %get3A_17] : memref<2x512x128xf32, #tpu.memory_space<vmem>>, vector<1x512x128xf32>
    %get3A_19 = vector.shape_cast %get3A_18 : vector<1x512x128xf32> to vector<512x128xf32>
    %mul3A = vector.broadcast %rsqrt3A : vector<512x1xf32> to vector<512x128xf32>
    %mul3A_20 = arith.mulf %mul3A, %get3A_19 : vector<512x128xf32>
    %get3A_21 = arith.constant 0 : index
    %get3A_22 = arith.constant 0 : index
    %get3A_23 = vector.load %arg5[%get3A_21, %get3A_22] : memref<1x128xf32, #tpu.memory_space<vmem>>, vector<1x128xf32>
    %add3A_24 = vector.broadcast %get3A_23 : vector<1x128xf32> to vector<512x128xf32>
    %add3A_25 = arith.addf %mul3A_20, %add3A_24 : vector<512x128xf32>
    %max3A = arith.constant 0.000000e+00 : f32
    %max3A_26 = vector.broadcast %max3A : f32 to vector<512x128xf32>
    %max3A_27 = arith.maximumf %add3A_25, %max3A_26 : vector<512x128xf32>
    %get3A_28 = arith.constant 1 : index
    %get3A_29 = arith.constant 0 : index
    %get3A_30 = arith.constant 0 : index
    %get3A_31 = vector.load %arg1[%get3A_28, %get3A_29, %get3A_30] : memref<2x512x128xf32, #tpu.memory_space<vmem>>, vector<1x512x128xf32>
    %get3A_32 = vector.shape_cast %get3A_31 : vector<1x512x128xf32> to vector<512x128xf32>
    %mul3A_33 = vector.broadcast %rsqrt3A_14 : vector<512x1xf32> to vector<512x128xf32>
    %mul3A_34 = arith.mulf %mul3A_33, %get3A_32 : vector<512x128xf32>
    %get3A_35 = arith.constant 0 : index
    %get3A_36 = arith.constant 0 : index
    %get3A_37 = vector.load %arg6[%get3A_35, %get3A_36] : memref<1x128xf32, #tpu.memory_space<vmem>>, vector<1x128xf32>
    %add3A_38 = vector.broadcast %get3A_37 : vector<1x128xf32> to vector<512x128xf32>
    %add3A_39 = arith.addf %mul3A_34, %add3A_38 : vector<512x128xf32>
    %max3A_40 = arith.constant 0.000000e+00 : f32
    %max3A_41 = vector.broadcast %max3A_40 : f32 to vector<512x128xf32>
    %max3A_42 = arith.maximumf %add3A_39, %max3A_41 : vector<512x128xf32>
    %concatenate3A = tpu.concatenate %max3A_27, %max3A_42 in 1 : vector<512x128xf32>, vector<512x128xf32> -> vector<512x256xf32>
    %get3A_43 = arith.constant 0 : index
    %get3A_44 = arith.constant 0 : index
    %get3A_45 = vector.load %arg3[%get3A_43, %get3A_44] : memref<256x128xf32, #tpu.memory_space<vmem>>, vector<256x128xf32>
    %dot_general3A = arith.constant dense<0.000000e+00> : vector<512x128xf32>
    %dot_general3A_46 = tpu.matmul %concatenate3A, %get3A_45, %dot_general3A {dimension_numbers = #tpu.dot_dimension_numbers<[1], [0], [0], [1], [0, 0, 1, 1], [], []>, transpose_lhs_hint = false} : vector<512x256xf32>, vector<256x128xf32>, vector<512x128xf32> -> vector<512x128xf32>
    %mul3A_47 = vector.broadcast %rsqrt3A : vector<512x1xf32> to vector<512x128xf32>
    %mul3A_48 = arith.mulf %mul3A_47, %dot_general3A_46 : vector<512x128xf32>
    %swap3A = arith.constant 0 : index
    %swap3A_49 = arith.constant 0 : index
    %swap3A_50 = arith.constant 0 : index
    %swap3A_51 = vector.load %arg7[%swap3A, %swap3A_49, %swap3A_50] : memref<2x512x128xf32, #tpu.memory_space<vmem>>, vector<1x512x128xf32>
    %swap3A_52 = vector.shape_cast %swap3A_51 : vector<1x512x128xf32> to vector<512x128xf32>
    %swap3A_53 = vector.shape_cast %mul3A_48 : vector<512x128xf32> to vector<1x512x128xf32>
    tpu.vector_store %arg7[%swap3A, %swap3A_49, %swap3A_50], %swap3A_53 {strides = array<i32>} : memref<2x512x128xf32, #tpu.memory_space<vmem>>, vector<1x512x128xf32>,
    %get3A_54 = arith.constant 0 : index
    %get3A_55 = arith.constant 0 : index
    %get3A_56 = vector.load %arg4[%get3A_54, %get3A_55] : memref<256x128xf32, #tpu.memory_space<vmem>>, vector<256x128xf32>
    %dot_general3A_57 = arith.constant dense<0.000000e+00> : vector<512x128xf32>
    %dot_general3A_58 = tpu.matmul %concatenate3A, %get3A_56, %dot_general3A_57 {dimension_numbers = #tpu.dot_dimension_numbers<[1], [0], [0], [1], [0, 0, 1, 1], [], []>, transpose_lhs_hint = false} : vector<512x256xf32>, vector<256x128xf32>, vector<512x128xf32> -> vector<512x128xf32>
    %mul3A_59 = vector.broadcast %rsqrt3A_14 : vector<512x1xf32> to vector<512x128xf32>
    %mul3A_60 = arith.mulf %mul3A_59, %dot_general3A_58 : vector<512x128xf32>
    %swap3A_61 = arith.constant 1 : index
    %swap3A_62 = arith.constant 0 : index
    %swap3A_63 = arith.constant 0 : index
    %swap3A_64 = vector.load %arg7[%swap3A_61, %swap3A_62, %swap3A_63] : memref<2x512x128xf32, #tpu.memory_space<vmem>>, vector<1x512x128xf32>
    %swap3A_65 = vector.shape_cast %swap3A_64 : vector<1x512x128xf32> to vector<512x128xf32>
    %swap3A_66 = vector.shape_cast %mul3A_60 : vector<512x128xf32> to vector<1x512x128xf32>
    tpu.vector_store %arg7[%swap3A_61, %swap3A_62, %swap3A_63], %swap3A_66 {strides = array<i32>} : memref<2x512x128xf32, #tpu.memory_space<vmem>>, vector<1x512x128xf32>,
    return
  }
  func.func @transform_0(%arg0: i32) -> (i32, i32, i32) {
    %c0_i32 = arith.constant 0 : i32
    %c0_i32_0 = arith.constant 0 : i32
    %c0_i32_1 = arith.constant 0 : i32
    return %c0_i32, %arg0, %c0_i32_0 : i32, i32, i32
  }
  func.func @transform_1(%arg0: i32) -> (i32, i32, i32) {
    %c0_i32 = arith.constant 0 : i32
    %c0_i32_0 = arith.constant 0 : i32
    %c0_i32_1 = arith.constant 0 : i32
    return %c0_i32, %arg0, %c0_i32_0 : i32, i32, i32
  }
  func.func @transform_2(%arg0: i32) -> (i32, i32) {
    %c0_i32 = arith.constant 0 : i32
    %c0_i32_0 = arith.constant 0 : i32
    %c0_i32_1 = arith.constant 0 : i32
    return %c0_i32, %c0_i32_0 : i32, i32
  }
  func.func @transform_3(%arg0: i32) -> (i32, i32) {
    %c0_i32 = arith.constant 0 : i32
    %c0_i32_0 = arith.constant 0 : i32
    %c0_i32_1 = arith.constant 0 : i32
    return %c0_i32, %c0_i32_0 : i32, i32
  }
  func.func @transform_4(%arg0: i32) -> (i32, i32) {
    %c0_i32 = arith.constant 0 : i32
    %c0_i32_0 = arith.constant 0 : i32
    %c0_i32_1 = arith.constant 0 : i32
    return %c0_i32, %c0_i32_0 : i32, i32
  }
  func.func @transform_5(%arg0: i32) -> (i32, i32) {
    %c0_i32 = arith.constant 0 : i32
    %c0_i32_0 = arith.constant 0 : i32
    %c0_i32_1 = arith.constant 0 : i32
    return %c0_i32, %c0_i32_0 : i32, i32
  }
  func.func @transform_6(%arg0: i32) -> (i32, i32, i32) {
    %c0_i32 = arith.constant 0 : i32
    %c0_i32_0 = arith.constant 0 : i32
    %c0_i32_1 = arith.constant 0 : i32
    return %c0_i32, %arg0, %c0_i32_0 : i32, i32, i32
  }
}

module attributes {stable_mosaic.version = 14 : i64} {
  func.func @_final_body(%arg0: i32, %arg1: memref<2x512x128xf32, #tpu.memory_space<vmem>>, %arg2: memref<2x512x16xf32, #tpu.memory_space<vmem>>, %arg3: memref<1x128xf32, #tpu.memory_space<vmem>>, %arg4: memref<1x128xf32, #tpu.memory_space<vmem>>, %arg5: memref<512x256xf32, #tpu.memory_space<vmem>>) attributes {dimension_semantics = [#tpu.dimension_semantics<arbitrary>], iteration_bounds = array<i64: 20>, scalar_prefetch = 0 : i64, scratch_operands = 0 : i64, tpu.core_type = #tpu.core_type<tc>, window_params = [{transform_indices = @transform_0, window_bounds = array<i64: 2, 512, 128>}, {transform_indices = @transform_1, window_bounds = array<i64: 2, 512, 16>}, {pipeline_mode = #tpu.pipeline_mode<synchronous>, transform_indices = @transform_2, window_bounds = array<i64: 1, 128>}, {pipeline_mode = #tpu.pipeline_mode<synchronous>, transform_indices = @transform_3, window_bounds = array<i64: 1, 128>}, {transform_indices = @transform_4, window_bounds = array<i64: 512, 256>}]} {
    %get3A = arith.constant 0 : index
    %get3A_0 = arith.constant 0 : index
    %get3A_1 = arith.constant 0 : index
    %get3A_2 = vector.load %arg2[%get3A, %get3A_0, %get3A_1] : memref<2x512x16xf32, #tpu.memory_space<vmem>>, vector<1x512x1xf32>
    %get3A_3 = vector.shape_cast %get3A_2 : vector<1x512x1xf32> to vector<512x1xf32>
    %add3A = arith.constant 1.000000e+00 : f32
    %add3A_4 = vector.broadcast %add3A : f32 to vector<512x1xf32>
    %add3A_5 = arith.addf %get3A_3, %add3A_4 : vector<512x1xf32>
    %rsqrt3A = math.rsqrt %add3A_5 : vector<512x1xf32>
    %get3A_6 = arith.constant 1 : index
    %get3A_7 = arith.constant 0 : index
    %get3A_8 = arith.constant 0 : index
    %get3A_9 = vector.load %arg2[%get3A_6, %get3A_7, %get3A_8] : memref<2x512x16xf32, #tpu.memory_space<vmem>>, vector<1x512x1xf32>
    %get3A_10 = vector.shape_cast %get3A_9 : vector<1x512x1xf32> to vector<512x1xf32>
    %add3A_11 = arith.constant 1.000000e+00 : f32
    %add3A_12 = vector.broadcast %add3A_11 : f32 to vector<512x1xf32>
    %add3A_13 = arith.addf %get3A_10, %add3A_12 : vector<512x1xf32>
    %rsqrt3A_14 = math.rsqrt %add3A_13 : vector<512x1xf32>
    %get3A_15 = arith.constant 0 : index
    %get3A_16 = arith.constant 0 : index
    %get3A_17 = arith.constant 0 : index
    %get3A_18 = vector.load %arg1[%get3A_15, %get3A_16, %get3A_17] : memref<2x512x128xf32, #tpu.memory_space<vmem>>, vector<1x512x128xf32>
    %get3A_19 = vector.shape_cast %get3A_18 : vector<1x512x128xf32> to vector<512x128xf32>
    %mul3A = vector.broadcast %rsqrt3A : vector<512x1xf32> to vector<512x128xf32>
    %mul3A_20 = arith.mulf %mul3A, %get3A_19 : vector<512x128xf32>
    %get3A_21 = arith.constant 0 : index
    %get3A_22 = arith.constant 0 : index
    %get3A_23 = vector.load %arg3[%get3A_21, %get3A_22] : memref<1x128xf32, #tpu.memory_space<vmem>>, vector<1x128xf32>
    %add3A_24 = vector.broadcast %get3A_23 : vector<1x128xf32> to vector<512x128xf32>
    %add3A_25 = arith.addf %mul3A_20, %add3A_24 : vector<512x128xf32>
    %swap3A = arith.constant 0 : index
    %swap3A_26 = arith.constant 0 : index
    %swap3A_27 = vector.load %arg5[%swap3A, %swap3A_26] : memref<512x256xf32, #tpu.memory_space<vmem>>, vector<512x128xf32>
    tpu.vector_store %arg5[%swap3A, %swap3A_26], %add3A_25 {strides = array<i32>} : memref<512x256xf32, #tpu.memory_space<vmem>>, vector<512x128xf32>,
    %get3A_28 = arith.constant 1 : index
    %get3A_29 = arith.constant 0 : index
    %get3A_30 = arith.constant 0 : index
    %get3A_31 = vector.load %arg1[%get3A_28, %get3A_29, %get3A_30] : memref<2x512x128xf32, #tpu.memory_space<vmem>>, vector<1x512x128xf32>
    %get3A_32 = vector.shape_cast %get3A_31 : vector<1x512x128xf32> to vector<512x128xf32>
    %mul3A_33 = vector.broadcast %rsqrt3A_14 : vector<512x1xf32> to vector<512x128xf32>
    %mul3A_34 = arith.mulf %mul3A_33, %get3A_32 : vector<512x128xf32>
    %get3A_35 = arith.constant 0 : index
    %get3A_36 = arith.constant 0 : index
    %get3A_37 = vector.load %arg4[%get3A_35, %get3A_36] : memref<1x128xf32, #tpu.memory_space<vmem>>, vector<1x128xf32>
    %add3A_38 = vector.broadcast %get3A_37 : vector<1x128xf32> to vector<512x128xf32>
    %add3A_39 = arith.addf %mul3A_34, %add3A_38 : vector<512x128xf32>
    %swap3A_40 = arith.constant 0 : index
    %swap3A_41 = arith.constant 128 : index
    %swap3A_42 = vector.load %arg5[%swap3A_40, %swap3A_41] : memref<512x256xf32, #tpu.memory_space<vmem>>, vector<512x128xf32>
    tpu.vector_store %arg5[%swap3A_40, %swap3A_41], %add3A_39 {strides = array<i32>} : memref<512x256xf32, #tpu.memory_space<vmem>>, vector<512x128xf32>,
    return
  }
  func.func @transform_0(%arg0: i32) -> (i32, i32, i32) {
    %c0_i32 = arith.constant 0 : i32
    %c0_i32_0 = arith.constant 0 : i32
    %c0_i32_1 = arith.constant 0 : i32
    return %c0_i32, %arg0, %c0_i32_0 : i32, i32, i32
  }
  func.func @transform_1(%arg0: i32) -> (i32, i32, i32) {
    %c0_i32 = arith.constant 0 : i32
    %c0_i32_0 = arith.constant 0 : i32
    %c0_i32_1 = arith.constant 0 : i32
    return %c0_i32, %arg0, %c0_i32_0 : i32, i32, i32
  }
  func.func @transform_2(%arg0: i32) -> (i32, i32) {
    %c0_i32 = arith.constant 0 : i32
    %c0_i32_0 = arith.constant 0 : i32
    %c0_i32_1 = arith.constant 0 : i32
    return %c0_i32, %c0_i32_0 : i32, i32
  }
  func.func @transform_3(%arg0: i32) -> (i32, i32) {
    %c0_i32 = arith.constant 0 : i32
    %c0_i32_0 = arith.constant 0 : i32
    %c0_i32_1 = arith.constant 0 : i32
    return %c0_i32, %c0_i32_0 : i32, i32
  }
  func.func @transform_4(%arg0: i32) -> (i32, i32) {
    %c0_i32 = arith.constant 0 : i32
    %c0_i32_0 = arith.constant 0 : i32
    return %arg0, %c0_i32 : i32, i32
  }
}

</mosaic_0001>

<sc_bundles>
// kernel: kernel.10.cloned.1.call-start
scs
__scs_entry_jumppad:
0x0: {  	(pc) =	sbr.rel $0x88, $3  }
0x1: {  	(tag) =	ssettag $0x0;
	lr =	simm.s32 $0x1  }
0x2: {  	[smem:$0x3F93] =	sst lr;
	_ =	strace $0xD0000000  }
0x3: {  	_ = 	snop  }
0x4: {  	_ = 	snop  }
0x5: {  	_ = 	snop  }
0x6: {  	_ = 	snop  }
0x7: {  	_ = 	snop  }
__scs_overlays_trampoline_lowered:
0x8: {  	[smem:$0x3FA2] =	sst s0  }
0x9: {  	[smem:$0x3FA3] =	sst s1  }
0xa: {  	[smem:$0x3FA4] =	sst s2  }
0xb: {  	[smem:$0x3FA5] =	sst s3  }
0xc: {  	[smem:$0x3FA6] =	sst s4  }
0xd: {  	[smem:$0x3FA7] =	sst s5  }
0xe: {  	[smem:$0x3FA8] =	sst s6  }
0xf: {  	[smem:$0x3FA9] =	sst s7  }
0x10: {  	[smem:$0x3FAA] =	sst s8  }
0x11: {  	[smem:$0x3FAB] =	sst s9;
	s0 =	simm.s32 @!p0 $0x0  }
0x12: {  	s1 =	sld [smem:$0x3F91];
	s0 =	simm.s32 @p0 $0x1  }
0x13: {  	[smem:$0x3FAC] =	sst s0;
	s0 =	simm.s32 @!p1 $0x0  }
0x14: {  	s2 =	sld [smem:$0x3F90];
	s0 =	simm.s32 @p1 $0x1  }
0x15: {  	[smem:$0x3FAD] =	sst s0;
	s0 =	simm.s32 @!p2 $0x0  }
0x16: {  	s3 =	sld [smem:$0x3FDB];
	s0 =	simm.s32 @p2 $0x1  }
0x17: {  	s4 =	simm.s32 $0x1BF5;
	[smem:$0x3FAF] =	sst s0  }
0x18: {  	s0 =	sld [smem:$0x3F92];
	_ =	swait.ge [sflag:s4], $0x0  }
0x19: {  	s7 =	sld [smem:$0x3F93]  }
0x1a: {  	s8 =	sadd.s32 $0xFFFFE003, lr  }
0x1b: {  	s9 =	sadd.s32 $0xFFFFFEF7, lr;
	s5 =	simm.s32 $0xFFFFFFFF;
	p2 =	slt.u32 s8, $0xFFFFF086  }
0x1c: {  	p1 =	slt.u32 s9, $0xF7A;
	s5 =	simm.s32 @!p2 $0x0  }
0x1d: {  	s5 =	simm.s32 @p1 $0x1;
	p0 =	seq.s32 s7, s2  }
0x1e: {  	s7 =	smul.u32 @!p0 $0xF7A, s2;
	p2 =	seq.s32 @!p0 s5, $0x0  }
0x1f: {  	s9 =	smul.u32 $0xF7A, s1;
	s8 =	simm.s32 @!p0 $0x1BF5;
	p2 =	por !p2, p0  }
0x20: {  	[sflag:s8] =	ssyncset.s32 @!p0 $0xFFFFF086;
	s6 =	sadd.s32 @!p0 s3, s7;
	s7 =	simm.s32 @!p0 $0x108  }
0x21: {  	s3 =	sadd.s32 s3, s9;
	s6 =	sadd.s32 @!p0 $0x88, s6;
	s7 =	simm.s32 @p2 $0x1082  }
0x22: {  	[simem:s7], [sflag:s8] =	dma.local @!p0 [hbm:s6], $0xF7A  }
0x23: {  	s9 =	sor.u32 $0xD0000000, s2;
	s6 =	simm.s32 $0x108;
	_ =	swait.ge @!p0 [sflag:s8], $0x0  }
0x24: {  	s3 =	sadd.s32 $0x88, s3;
	s6 =	simm.s32 @!p1 $0x1082;
	[sflag:s4] =	ssyncset.s32 $0xFFFFF086  }
0x25: {  	[simem:s6], [sflag:s4] =	dma.local [hbm:s3], $0xF7A  }
0x26: {  	[smem:$0x3F93] =	sst s1;
	(tag) =	ssettag s2;
	_ =	strace s9  }
0x27: {  	s1 =	sld [smem:$0x3FA3]  }
0x28: {  	s2 =	sld [smem:$0x3FA4]  }
0x29: {  	s4 =	sld [smem:$0x3FA6]  }
0x2a: {  	p0 =	seq.s32 s5, $0x0;
	s5 =	sld [smem:$0x3FA7]  }
0x2b: {  	s6 =	sld [smem:$0x3FA8]  }
0x2c: {  	s7 =	sld [smem:$0x3FA9]  }
0x2d: {  	s3 =	simm.s32 $0x108;
	s8 =	sld [smem:$0x3FAA]  }
0x2e: {  	s3 =	simm.s32 @!p0 $0x1082;
	s9 =	sld [smem:$0x3FAB]  }
0x2f: {  	lr =	sadd.s32 s0, s3;
	s0 =	sld [smem:$0x3FA2]  }
0x30: {  	s3 =	sld [smem:$0x3FA5]  }
0x31: {  	[smem:$0x3FAE] =	sst s10  }
0x32: {  	s10 =	sld [smem:$0x3FAC];
	_ =	sdelay $0x3  }
0x33: {  	p0 =	seq.s32 s10, $0x1;
	s10 =	sld [smem:$0x3FAE];
	_ =	sdelay $0x3  }
0x34: {  	[smem:$0x3FAE] =	sst s10  }
0x35: {  	s10 =	sld [smem:$0x3FAD];
	_ =	sdelay $0x3  }
0x36: {  	p1 =	seq.s32 s10, $0x1;
	s10 =	sld [smem:$0x3FAE];
	_ =	sdelay $0x3  }
0x37: {  	[smem:$0x3FAE] =	sst s10  }
0x38: {  	s10 =	sld [smem:$0x3FAF]  }
0x39: {  	_ = 	snop;
	(pc) =	sbr.ind lr, $3  }
0x3a: {  	_ = 	snop  }
0x3b: {  	_ = 	snop  }
0x3c: {  	p2 =	seq.s32 s10, $0x1;
	s10 =	sld [smem:$0x3FAE]  }
0x3d: {  	_ =	shalt  }
0x3e: {  	_ =	shalt  }
0x3f: {  	_ =	shalt  }
0x40: {  	_ =	shalt  }
0x41: {  	_ =	shalt  }
0x42: {  	_ =	shalt  }
0x43: {  	_ =	shalt  }
0x44: {  	_ =	shalt  }
0x45: {  	_ =	shalt  }
0x46: {  	_ =	shalt  }
0x47: {  	_ =	shalt  }
0x48: {  	_ =	shalt  }
0x49: {  	_ =	shalt  }
0x4a: {  	_ =	shalt  }
0x4b: {  	_ =	shalt  }
0x4c: {  	_ =	shalt  }
0x4d: {  	_ =	shalt  }
0x4e: {  	_ =	shalt  }
0x4f: {  	_ =	shalt  }
0x50: {  	_ =	shalt  }
0x51: {  	_ =	shalt  }
0x52: {  	_ =	shalt  }
0x53: {  	_ =	shalt  }
0x54: {  	_ =	shalt  }
0x55: {  	_ =	shalt  }
0x56: {  	_ =	shalt  }
0x57: {  	_ =	shalt  }
0x58: {  	_ =	shalt  }
0x59: {  	_ =	shalt  }
0x5a: {  	_ =	shalt  }
0x5b: {  	_ =	shalt  }
0x5c: {  	_ =	shalt  }
0x5d: {  	_ =	shalt  }
0x5e: {  	_ =	shalt  }
0x5f: {  	_ =	shalt  }
0x60: {  	_ =	shalt  }
0x61: {  	_ =	shalt  }
0x62: {  	_ =	shalt  }
0x63: {  	_ =	shalt  }
0x64: {  	_ =	shalt  }
0x65: {  	_ =	shalt  }
0x66: {  	_ =	shalt  }
0x67: {  	_ =	shalt  }
0x68: {  	_ =	shalt  }
0x69: {  	_ =	shalt  }
0x6a: {  	_ =	shalt  }
0x6b: {  	_ =	shalt  }
0x6c: {  	_ =	shalt  }
0x6d: {  	_ =	shalt  }
0x6e: {  	_ =	shalt  }
0x6f: {  	_ =	shalt  }
0x70: {  	_ =	shalt  }
0x71: {  	_ =	shalt  }
0x72: {  	_ =	shalt  }
0x73: {  	_ =	shalt  }
0x74: {  	_ =	shalt  }
0x75: {  	_ =	shalt  }
0x76: {  	_ =	shalt  }
0x77: {  	_ =	shalt  }
0x78: {  	_ =	shalt  }
0x79: {  	_ =	shalt  }
0x7a: {  	_ =	shalt  }
0x7b: {  	_ =	shalt  }
0x7c: {  	_ =	shalt  }
0x7d: {  	_ =	shalt  }
0x7e: {  	_ =	shalt  }
0x7f: {  	_ =	shalt  }
0x80: {  	_ =	shalt  }
0x81: {  	_ =	shalt  }
0x82: {  	_ =	shalt  }
0x83: {  	_ =	shalt  }
0x84: {  	_ =	shalt  }
0x85: {  	_ =	shalt  }
0x86: {  	_ =	shalt  }
0x87: {  	_ =	shalt  }
.Lfunc_end0:
.L_simem_size_0:
called_computation_lowered:
.L_overlay_start_0:
0x88: {  	s2 =	sld [smem:$0x3FD9]  }
0x89: {  	s3 =	sld [smem:$0x3FFE];
	_ =	sdelay $0x1  }
0x8a: {  	s1 =	srdreg.scid  }
0x8b: {  	s0 =	sand.u32 $0x1, s1  }
0x8c: {  	s16 =	sshll.u32 s0, $0xA;
	s2 =	sadd.s32 s3, s2  }
0x8d: {  	s2 =	sadd.s32 s2, s16  }
0x8e: {  	[smem:$0x3FBA] =	sst s2  }
0x8f: {  	_ = 	snop  }
0x90: {  	(tm) =	ssettm $0x1  }
0x91: {  	s17 =	sld [smem:$0x3FFB];
	_ =	sdelay $0x3  }
0x92: {  	_ =	strace s17  }
0x93: {  	s2 =	sld [smem:$0x3FFC];
	_ =	sdelay $0x3  }
0x94: {  	_ =	strace s2  }
0x95: {  	s2 =	sld [smem:$0x3FFD];
	_ =	sdelay $0x3  }
0x96: {  	_ =	strace s2  }
0x97: {  	_ =	strace $0x8FFFFFFF  }
0x98: {  	s18 =	sld [smem:$0x3FDB];
	_ =	sdelay $0x1  }
0x99: {  	s19 =	simm.s32 $_scs_section_size  }
0x9a: {  	s4 =	simm.s32 $_size__tile_overlayer_lowered;
	s5 =	simm.s32 $_tile_overlayer_lowered  }
0x9b: {  	s22 =	simm.s32 $0x1BFF;
	s21 =	sshll.u32 s5, $0x1;
	s2 =	sadd.s32 s19, s18  }
0x9c: {  	s6 =	simm.s32 $0x0;
	s20 =	sshll.u32 s4, $0x1;
	s4 =	sadd.s32 s21, s2  }
0x9d: {  	[timem:s6], [sflag:s22] =	dma.local [hbm:s4], s20  }
0x9e: {  	_ =	swait.ge [sflag:s22], s20  }
0x9f: {  	s3 =	ssub.s32 $0x0, s20;
	[sflag:s22] =	ssyncset.done $0x0  }
0xa0: {  	[sflag:s22] =	ssyncadd.s32 s3;
	_ =	sdelay $0x1  }
0xa1: {  	s23 =	simm.s32 $0x1B8B  }
0xa2: {  	_ =	swait.ge [sflag:s23], $0x1  }
0xa3: {  	[sflag:s23] =	ssyncset.done $0x0  }
0xa4: {  	s25 =	simm.s32 $0x1B8E;
	s24 =	sld [smem:$0x3FFE];
	[sflag:s23] =	ssyncadd.s32 $0xFFFFFFFF  }
0xa5: {  	s26 =	simm.s32 $execute0_lowered;
	[smem:$0x3FD2] =	sst s25  }
0xa6: {  	s4 =	sshll.u32 s26, $0x1;
	_ =	strace $0x80000046;
	[dreg:$0x1] =	wrdreg $0xFFFFFFFF  }
0xa7: {  	s28 =	simm.s32 $_size_execute0_lowered;
	s2 =	sadd.s32 s2, s4;
	[dreg:$0x0] =	wrdreg $0x0  }
0xa8: {  	s4 =	sshll.u32 s28, $0x1;
	[dreg:$0x2] =	wrdreg s2  }
0xa9: {  	[dreg:$0x3] =	wrdreg s4  }
0xaa: {  	[dreg:$0x4] =	wrdreg $0xC0  }
0xab: {  	_ =	task [dreg:s6], $0x5FFFF  }
0xac: {  	[dreg:$0x1] =	wrdreg $0xFFFFFFFF  }
0xad: {  	[dreg:$0x0] =	wrdreg $0x60  }
0xae: {  	[dreg:$0x2] =	wrdreg s24  }
0xaf: {  	[dreg:$0x3] =	wrdreg $0x0  }
0xb0: {  	[dreg:$0x4] =	wrdreg $0x9  }
0xb1: {  	_ =	task.clear_ibuf [dreg:s6], $0x5FFFF;
	_ =	strace $0x90000046  }
0xb2: {  	s29 =	simm.s32 $0x9;
	_ =	strace $0x80000048  }
0xb3: {  	_ =	swait.ge [sflag:s29], $0x1  }
0xb4: {  	[sflag:s29] =	ssyncadd.s32 $0xFFFFFFFF  }
0xb5: {  	_ =	strace $0x90000048  }
0xb6: {  	_ =	sfence  }
0xb7: {  	s30 =	sld [smem:$0x0];
	_ =	sdelay $0x2  }
0xb8: {  	s31 =	sshll.u32 s1, $0xD;
	s1 =	sshrl.u32 s1, $0x2  }
0xb9: {  	s3 =	sand.u32 $0x4000, s31;
	s1 =	sadd.s32 s1, s30  }
0xba: {  	s0 =	sor.u32 s3, s0;
	s1 =	sshll.u32 s1, $0x11  }
0xbb: {  	s0 =	sor.u32 s1, s0  }
0xbc: {  	s0 =	sadd.s32 $0x8F2B, s0  }
0xbd: {  	[sflag:s0] =	ssyncadd.remote.s32 $0x1  }
0xbe: {  	_ =	sfence.sel $0xFFFF  }
0xbf: {  	[dreg:$0x0] =	wrdreg $0xFFFFFFFF;
	(pc) =	sbr.abs _section_cstart, $3  }
0xc0: {  	[dreg:$0x1] =	wrdreg $0xFFFFFFFF  }
0xc1: {  	_ =	task.clear_ibuf [dreg:s6], $0x2FFFF;
	_ =	strace $0x9FFFFFFF  }
0xc2: {  	(tm) =	ssettm $0x7FFFFFFF  }
0xc3: {  	_ =	shalt  }
tec
execute0_lowered:
.L_overlay_start_1:
0x0: {  	(tag) =	ssettag $0x1  }
0x1: {  	s6 =	rddreg [dreg:$0x0]  }
0x2: {  	s0 =	srdreg.scid;
	s2 =	rddreg [dreg:$0x1]  }
0x3: {  	s1 =	rddreg [dreg:$0x2];
	s7 =	sand.u32 $0x1, s0  }
0x4: {  	s3 =	simm.s32 $0x0;
	s0 =	stileid.u32;
	s4 =	smul.u32 $0x50000, s7  }
0x5: {  	s18 =	simm.s32 $0x8000;
	s19 =	simm.s32 $0x1;
	s5 =	smul.u32 $0x5000, s0  }
0x6: {  	s20 =	simm.s32 $0x7800;
	s21 =	simm.s32 $0x2800;
	s8 =	smul.u32 $0x280, s0  }
0x7: {  	s22 =	simm.s32 $0x80;
	s23 =	simm.s32 $0x0;
	s9 =	smul.u32 $0x2800, s7  }
0x8: {  	[smem:$0x7FF] =	sst s3;
	s11 =	smul.u32 $0xA000, s0;
	s7 =	ssub.s32 $0x2, s7  }
0x9: {  	_ =	strace $0x80000047;
	s31 =	sshrl.u32 s7, $0x1;
	s4 =	sadd.s32 s5, s4  }
0xa: {  	s5 =	sadd.s32 $0x17800, s6;
	s8 =	sadd.s32 s8, s9;
	s30 =	sshrl.u32 s11, $0x2  }
0xb: {  	s17 =	ssub.s32 s7, s31;
	s4 =	sshrl.u32 s4, $0x3;
	s8 =	sshll.u32 s8, $0x1  }
0xc: {  	s17 =	smax.u32 s17, $0x1;
	s10 =	sadd.s32 s4, s6;
	s4 =	sadd.s32 $0x17A00, s6  }
0xd: {  	s16 =	sadd.s32 s8, s6;
	s6 =	sadd.s32 s30, s2;
	s7 =	sadd.s32 $0x3800, s10  }
0xe: {  	s8 =	sadd.s32 $0x800, s6;
	s9 =	sadd.s32 $0x1000, s6;
	s10 =	sadd.s32 $0x1800, s6  }
0xf: {  	s11 =	sadd.s32 $0x2000, s6;
	s12 =	sadd.s32 $0x17C00, s16;
	s13 =	sadd.s32 $0x17D00, s16  }
0x10: {  	s14 =	sadd.s32 $0x17E00, s16;
	s15 =	sadd.s32 $0x17F00, s16;
	s16 =	sadd.s32 $0x18000, s16  }
.LBB2_1:
0x11: {  	[tilespmem:s18], [sflag:$0x1] =	stream.linear.gather [hbm4b:s4+s3], $0x800, $0x38;
	[tilespmem:$0x8800] =	vst v63  }
0x12: {  	_ =	swait.ge [sflag:s19], $0x800  }
0x13: {  	[sflag:s19] =	ssyncset.done $0x0  }
0x14: {  	[sflag:s19] =	ssyncadd.s32 $0xFFFFF800  }
0x15: {  	[tilespmem:s20], [sflag:$0x1] =	stream.linear.gather [hbm4b:s5+s3], $0x800, $0x38;
	[tilespmem:$0x8800] =	vst v63  }
0x16: {  	_ =	swait.ge [sflag:s19], $0x800  }
0x17: {  	[sflag:s19] =	ssyncset.done $0x0  }
0x18: {  	[sflag:s19] =	ssyncadd.s32 $0xFFFFF800  }
0x19: {  	[tilespmem:s21], [sflag:$0x1] =	stream.linear.gather [hbm4b:s7+s3], $0x5000, $0x38;
	[tilespmem:$0x8800] =	vst v63  }
0x1a: {  	_ =	swait.ge [sflag:s19], $0x5000  }
0x1b: {  	[sflag:s19] =	ssyncset.done $0x0  }
0x1c: {  	[sflag:s19] =	ssyncadd.s32 $0xFFFFB000  }
0x1d: {  	[spmem:s6] =	stream.linear.scatter [tilespmem:s18], [sflag:$0x1], $0x800, $0x38;
	[tilespmem:$0x8800] =	vst v63  }
0x1e: {  	_ =	swait.ge [sflag:s19], $0x800  }
0x1f: {  	[sflag:s19] =	ssyncset.done $0x0  }
0x20: {  	[sflag:s19] =	ssyncadd.s32 $0xFFFFF800  }
0x21: {  	[spmem:s8] =	stream.linear.scatter [tilespmem:s18], [sflag:$0x1], $0x800, $0x38;
	[tilespmem:$0x8800] =	vst v63  }
0x22: {  	_ =	swait.ge [sflag:s19], $0x800  }
0x23: {  	[sflag:s19] =	ssyncset.done $0x0  }
0x24: {  	[sflag:s19] =	ssyncadd.s32 $0xFFFFF800  }
0x25: {  	[spmem:s9] =	stream.linear.scatter [tilespmem:s18], [sflag:$0x1], $0x800, $0x38;
	[tilespmem:$0x8800] =	vst v63  }
0x26: {  	_ =	swait.ge [sflag:s19], $0x800  }
0x27: {  	[sflag:s19] =	ssyncset.done $0x0  }
0x28: {  	[sflag:s19] =	ssyncadd.s32 $0xFFFFF800  }
0x29: {  	[spmem:s10] =	stream.linear.scatter [tilespmem:s18], [sflag:$0x1], $0x800, $0x38;
	[tilespmem:$0x8800] =	vst v63  }
0x2a: {  	_ =	swait.ge [sflag:s19], $0x800  }
0x2b: {  	[sflag:s19] =	ssyncset.done $0x0  }
0x2c: {  	[sflag:s19] =	ssyncadd.s32 $0xFFFFF800  }
0x2d: {  	[spmem:s11] =	stream.linear.scatter [tilespmem:s18], [sflag:$0x1], $0x800, $0x38;
	[tilespmem:$0x8800] =	vst v63  }
0x2e: {  	_ =	swait.ge [sflag:s19], $0x800  }
0x2f: {  	[sflag:s19] =	ssyncset.done $0x0  }
0x30: {  	[sflag:s19] =	ssyncadd.s32 $0xFFFFF800  }
0x31: {  	s24 =	simm.s32 $0x2800;
	[bflag:$0x0] =	sbarrier.arrive $0xFFFF  }
0x32: {  	[spmem:s2] =	stream.indirect.scatter.add.f32 [tilespmem:s20], [sflag:$0x1], $0x10, s24, s22, $0xb8;
	[tilespmem:$0x8800] =	vst v63  }
0x33: {  	s24 =	simm.s32 $0x200;
	_ =	swait.ge [sflag:s19], $0x800  }
.LBB2_2:
0x34: {  	s25 =	sshra.s32 s24, $0x2;
	[sflag:s19] =	ssyncset.done $0x0;
	p0 =	sne.s32 s24, $0x13E00  }
.Ltmp0:
0x35: {  	s25 =	sadd.s32 $0x2800, s25;
	[sflag:s19] =	ssyncadd.s32 $0xFFFFF800;
	(pc) =	sbr.rel @p0 .LBB2_2-.Ltmp0, $3  }
0x36: {  	[spmem:s2] =	stream.indirect.scatter.add.f32 [tilespmem:s20], [sflag:$0x1], $0x10, s25, s22, $0xb8;
	[tilespmem:$0x8800] =	vst v63  }
0x37: {  	s24 =	sadd.s32 $0x200, s24;
	_ =	sdelay $0x1  }
0x38: {  	_ =	swait.ge [sflag:s19], $0x800  }
0x39: {  	[sflag:s19] =	ssyncset.done $0x0  }
0x3a: {  	[sflag:s19] =	ssyncadd.s32 $0xFFFFF800  }
0x3b: {  	[bflag:$0x0] =	sbarrier.arrive $0xFFFF  }
0x3c: {  	[tilespmem:s18], [sflag:$0x1] =	stream.linear.gather [spmem:s6], $0x800, $0x38;
	[tilespmem:$0x8800] =	vst v63  }
0x3d: {  	_ =	swait.ge [sflag:s19], $0x800  }
0x3e: {  	[sflag:s19] =	ssyncset.done $0x0  }
0x3f: {  	[sflag:s19] =	ssyncadd.s32 $0xFFFFF800  }
0x40: {  	[hbm4b:s12+s3] =	stream.linear.scatter [tilespmem:s18], [sflag:$0x1], $0x800, $0x38;
	[tilespmem:$0x8800] =	vst v63  }
0x41: {  	_ =	swait.ge [sflag:s19], $0x800  }
0x42: {  	[sflag:s19] =	ssyncset.done $0x0  }
0x43: {  	[sflag:s19] =	ssyncadd.s32 $0xFFFFF800  }
0x44: {  	[tilespmem:s18], [sflag:$0x1] =	stream.linear.gather [spmem:s8], $0x800, $0x38;
	[tilespmem:$0x8800] =	vst v63  }
0x45: {  	_ =	swait.ge [sflag:s19], $0x800  }
0x46: {  	[sflag:s19] =	ssyncset.done $0x0  }
0x47: {  	[sflag:s19] =	ssyncadd.s32 $0xFFFFF800  }
0x48: {  	[hbm4b:s13+s3] =	stream.linear.scatter [tilespmem:s18], [sflag:$0x1], $0x800, $0x38;
	[tilespmem:$0x8800] =	vst v63  }
0x49: {  	_ =	swait.ge [sflag:s19], $0x800  }
0x4a: {  	[sflag:s19] =	ssyncset.done $0x0  }
0x4b: {  	[sflag:s19] =	ssyncadd.s32 $0xFFFFF800  }
0x4c: {  	[tilespmem:s18], [sflag:$0x1] =	stream.linear.gather [spmem:s9], $0x800, $0x38;
	[tilespmem:$0x8800] =	vst v63  }
0x4d: {  	_ =	swait.ge [sflag:s19], $0x800  }
0x4e: {  	[sflag:s19] =	ssyncset.done $0x0  }
0x4f: {  	[sflag:s19] =	ssyncadd.s32 $0xFFFFF800  }
0x50: {  	[hbm4b:s14+s3] =	stream.linear.scatter [tilespmem:s18], [sflag:$0x1], $0x800, $0x38;
	[tilespmem:$0x8800] =	vst v63  }
0x51: {  	_ =	swait.ge [sflag:s19], $0x800  }
0x52: {  	[sflag:s19] =	ssyncset.done $0x0  }
0x53: {  	[sflag:s19] =	ssyncadd.s32 $0xFFFFF800  }
0x54: {  	[tilespmem:s18], [sflag:$0x1] =	stream.linear.gather [spmem:s10], $0x800, $0x38;
	[tilespmem:$0x8800] =	vst v63  }
0x55: {  	_ =	swait.ge [sflag:s19], $0x800  }
0x56: {  	[sflag:s19] =	ssyncset.done $0x0  }
0x57: {  	[sflag:s19] =	ssyncadd.s32 $0xFFFFF800  }
0x58: {  	[hbm4b:s15+s3] =	stream.linear.scatter [tilespmem:s18], [sflag:$0x1], $0x800, $0x38;
	[tilespmem:$0x8800] =	vst v63  }
0x59: {  	_ =	swait.ge [sflag:s19], $0x800  }
0x5a: {  	[sflag:s19] =	ssyncset.done $0x0  }
0x5b: {  	[sflag:s19] =	ssyncadd.s32 $0xFFFFF800  }
0x5c: {  	[tilespmem:s18], [sflag:$0x1] =	stream.linear.gather [spmem:s11], $0x800, $0x38;
	[tilespmem:$0x8800] =	vst v63  }
0x5d: {  	s23 =	sadd.s32 $0x1, s23;
	_ =	swait.ge [sflag:s19], $0x800  }
0x5e: {  	p0 =	sne.s32 s23, s17;
	[sflag:s19] =	ssyncset.done $0x0  }
.Ltmp1:
0x5f: {  	[sflag:s19] =	ssyncadd.s32 $0xFFFFF800;
	(pc) =	sbr.rel @p0 .LBB2_1-.Ltmp1, $4  }
0x60: {  	[hbm4b:s16+s3] =	stream.linear.scatter [tilespmem:s18], [sflag:$0x1], $0x800, $0x38;
	[tilespmem:$0x8800] =	vst v63  }
0x61: {  	_ =	swait.ge [sflag:s19], $0x800  }
0x62: {  	[sflag:s19] =	ssyncset.done $0x0  }
0x63: {  	[sflag:s19] =	ssyncadd.s32 $0xFFFFF800  }
0x64: {  	_ =	sfence.sel $0x180000  }
0x65: {  	[bflag:$0x0] =	sbarrier.arrive $0xFFFF  }
0x66: {  	p0 =	sne.s32 s0, $0x0;
	_ =	strace $0x90000047  }
0x67: {  	s0 =	sadd.s32 @!p0 $0x100000, s1;
	[bflag:$0x2] =	sbarrier.arrive $0xFFFF  }
0x68: {  	[sflag:s0] =	ssyncadd.tile.s32 @!p0 $0x1;
	_ =	shalt  }
.Lfunc_end2:
_tile_overlayer_lowered:
.L_overlay_start_2:
0x69: {  	(tag) =	ssettag $0x2  }
0x6a: {  	s0 =	rddreg [dreg:$0x0];
	s2 =	stileid.u32  }
0x6b: {  	s1 =	rddreg [dreg:$0x1];
	p0 =	sne.s32 s2, $0x0  }
0x6c: {  	s3 =	rddreg [dreg:$0x2];
	[bflag:$0x3] =	sbarrier.arrive $0xFFFF;
	s2 =	simm.s32 @!p0 $0x1C01  }
0x6d: {  	[timem:s3], [sflag:s2] =	dma.local @!p0 [hbm:s0], s1  }
0x6e: {  	s0 =	simm.s32 @!p0 $0x1  }
0x6f: {  	_ =	swait.ge @!p0 [sflag:s0], s1  }
0x70: {  	s1 =	ssub.s32 @!p0 $0x0, s1;
	[sflag:s0] =	ssyncset.done @!p0 $0x0  }
0x71: {  	[sflag:s0] =	ssyncadd.s32 @!p0 s1  }
0x72: {  	[bflag:$0x3] =	sbarrier.arrive $0xFFFF  }
0x73: {  	_ =	shalt  }

// kernel: kernel.13.cloned.1.call-start
scs
__scs_entry_jumppad:
0x0: {  	(pc) =	sbr.rel $0x88, $3  }
0x1: {  	(tag) =	ssettag $0x0;
	lr =	simm.s32 $0x1  }
0x2: {  	[smem:$0x3F93] =	sst lr;
	_ =	strace $0xD0000000  }
0x3: {  	_ = 	snop  }
0x4: {  	_ = 	snop  }
0x5: {  	_ = 	snop  }
0x6: {  	_ = 	snop  }
0x7: {  	_ = 	snop  }
__scs_overlays_trampoline_lowered:
0x8: {  	[smem:$0x3FA2] =	sst s0  }
0x9: {  	[smem:$0x3FA3] =	sst s1  }
0xa: {  	[smem:$0x3FA4] =	sst s2  }
0xb: {  	[smem:$0x3FA5] =	sst s3  }
0xc: {  	[smem:$0x3FA6] =	sst s4  }
0xd: {  	[smem:$0x3FA7] =	sst s5  }
0xe: {  	[smem:$0x3FA8] =	sst s6  }
0xf: {  	[smem:$0x3FA9] =	sst s7  }
0x10: {  	[smem:$0x3FAA] =	sst s8  }
0x11: {  	[smem:$0x3FAB] =	sst s9;
	s0 =	simm.s32 @!p0 $0x0  }
0x12: {  	s1 =	sld [smem:$0x3F91];
	s0 =	simm.s32 @p0 $0x1  }
0x13: {  	[smem:$0x3FAC] =	sst s0;
	s0 =	simm.s32 @!p1 $0x0  }
0x14: {  	s2 =	sld [smem:$0x3F90];
	s0 =	simm.s32 @p1 $0x1  }
0x15: {  	[smem:$0x3FAD] =	sst s0;
	s0 =	simm.s32 @!p2 $0x0  }
0x16: {  	s3 =	sld [smem:$0x3FDB];
	s0 =	simm.s32 @p2 $0x1  }
0x17: {  	s4 =	simm.s32 $0x1BF5;
	[smem:$0x3FAF] =	sst s0  }
0x18: {  	s0 =	sld [smem:$0x3F92];
	_ =	swait.ge [sflag:s4], $0x0  }
0x19: {  	s7 =	sld [smem:$0x3F93]  }
0x1a: {  	s8 =	sadd.s32 $0xFFFFE003, lr  }
0x1b: {  	s9 =	sadd.s32 $0xFFFFFEF7, lr;
	s5 =	simm.s32 $0xFFFFFFFF;
	p2 =	slt.u32 s8, $0xFFFFF086  }
0x1c: {  	p1 =	slt.u32 s9, $0xF7A;
	s5 =	simm.s32 @!p2 $0x0  }
0x1d: {  	s5 =	simm.s32 @p1 $0x1;
	p0 =	seq.s32 s7, s2  }
0x1e: {  	s7 =	smul.u32 @!p0 $0xF7A, s2;
	p2 =	seq.s32 @!p0 s5, $0x0  }
0x1f: {  	s9 =	smul.u32 $0xF7A, s1;
	s8 =	simm.s32 @!p0 $0x1BF5;
	p2 =	por !p2, p0  }
0x20: {  	[sflag:s8] =	ssyncset.s32 @!p0 $0xFFFFF086;
	s6 =	sadd.s32 @!p0 s3, s7;
	s7 =	simm.s32 @!p0 $0x108  }
0x21: {  	s3 =	sadd.s32 s3, s9;
	s6 =	sadd.s32 @!p0 $0x88, s6;
	s7 =	simm.s32 @p2 $0x1082  }
0x22: {  	[simem:s7], [sflag:s8] =	dma.local @!p0 [hbm:s6], $0xF7A  }
0x23: {  	s9 =	sor.u32 $0xD0000000, s2;
	s6 =	simm.s32 $0x108;
	_ =	swait.ge @!p0 [sflag:s8], $0x0  }
0x24: {  	s3 =	sadd.s32 $0x88, s3;
	s6 =	simm.s32 @!p1 $0x1082;
	[sflag:s4] =	ssyncset.s32 $0xFFFFF086  }
0x25: {  	[simem:s6], [sflag:s4] =	dma.local [hbm:s3], $0xF7A  }
0x26: {  	[smem:$0x3F93] =	sst s1;
	(tag) =	ssettag s2;
	_ =	strace s9  }
0x27: {  	s1 =	sld [smem:$0x3FA3]  }
0x28: {  	s2 =	sld [smem:$0x3FA4]  }
0x29: {  	s4 =	sld [smem:$0x3FA6]  }
0x2a: {  	p0 =	seq.s32 s5, $0x0;
	s5 =	sld [smem:$0x3FA7]  }
0x2b: {  	s6 =	sld [smem:$0x3FA8]  }
0x2c: {  	s7 =	sld [smem:$0x3FA9]  }
0x2d: {  	s3 =	simm.s32 $0x108;
	s8 =	sld [smem:$0x3FAA]  }
0x2e: {  	s3 =	simm.s32 @!p0 $0x1082;
	s9 =	sld [smem:$0x3FAB]  }
0x2f: {  	lr =	sadd.s32 s0, s3;
	s0 =	sld [smem:$0x3FA2]  }
0x30: {  	s3 =	sld [smem:$0x3FA5]  }
0x31: {  	[smem:$0x3FAE] =	sst s10  }
0x32: {  	s10 =	sld [smem:$0x3FAC];
	_ =	sdelay $0x3  }
0x33: {  	p0 =	seq.s32 s10, $0x1;
	s10 =	sld [smem:$0x3FAE];
	_ =	sdelay $0x3  }
0x34: {  	[smem:$0x3FAE] =	sst s10  }
0x35: {  	s10 =	sld [smem:$0x3FAD];
	_ =	sdelay $0x3  }
0x36: {  	p1 =	seq.s32 s10, $0x1;
	s10 =	sld [smem:$0x3FAE];
	_ =	sdelay $0x3  }
0x37: {  	[smem:$0x3FAE] =	sst s10  }
0x38: {  	s10 =	sld [smem:$0x3FAF]  }
0x39: {  	_ = 	snop;
	(pc) =	sbr.ind lr, $3  }
0x3a: {  	_ = 	snop  }
0x3b: {  	_ = 	snop  }
0x3c: {  	p2 =	seq.s32 s10, $0x1;
	s10 =	sld [smem:$0x3FAE]  }
0x3d: {  	_ =	shalt  }
0x3e: {  	_ =	shalt  }
0x3f: {  	_ =	shalt  }
0x40: {  	_ =	shalt  }
0x41: {  	_ =	shalt  }
0x42: {  	_ =	shalt  }
0x43: {  	_ =	shalt  }
0x44: {  	_ =	shalt  }
0x45: {  	_ =	shalt  }
0x46: {  	_ =	shalt  }
0x47: {  	_ =	shalt  }
0x48: {  	_ =	shalt  }
0x49: {  	_ =	shalt  }
0x4a: {  	_ =	shalt  }
0x4b: {  	_ =	shalt  }
0x4c: {  	_ =	shalt  }
0x4d: {  	_ =	shalt  }
0x4e: {  	_ =	shalt  }
0x4f: {  	_ =	shalt  }
0x50: {  	_ =	shalt  }
0x51: {  	_ =	shalt  }
0x52: {  	_ =	shalt  }
0x53: {  	_ =	shalt  }
0x54: {  	_ =	shalt  }
0x55: {  	_ =	shalt  }
0x56: {  	_ =	shalt  }
0x57: {  	_ =	shalt  }
0x58: {  	_ =	shalt  }
0x59: {  	_ =	shalt  }
0x5a: {  	_ =	shalt  }
0x5b: {  	_ =	shalt  }
0x5c: {  	_ =	shalt  }
0x5d: {  	_ =	shalt  }
0x5e: {  	_ =	shalt  }
0x5f: {  	_ =	shalt  }
0x60: {  	_ =	shalt  }
0x61: {  	_ =	shalt  }
0x62: {  	_ =	shalt  }
0x63: {  	_ =	shalt  }
0x64: {  	_ =	shalt  }
0x65: {  	_ =	shalt  }
0x66: {  	_ =	shalt  }
0x67: {  	_ =	shalt  }
0x68: {  	_ =	shalt  }
0x69: {  	_ =	shalt  }
0x6a: {  	_ =	shalt  }
0x6b: {  	_ =	shalt  }
0x6c: {  	_ =	shalt  }
0x6d: {  	_ =	shalt  }
0x6e: {  	_ =	shalt  }
0x6f: {  	_ =	shalt  }
0x70: {  	_ =	shalt  }
0x71: {  	_ =	shalt  }
0x72: {  	_ =	shalt  }
0x73: {  	_ =	shalt  }
0x74: {  	_ =	shalt  }
0x75: {  	_ =	shalt  }
0x76: {  	_ =	shalt  }
0x77: {  	_ =	shalt  }
0x78: {  	_ =	shalt  }
0x79: {  	_ =	shalt  }
0x7a: {  	_ =	shalt  }
0x7b: {  	_ =	shalt  }
0x7c: {  	_ =	shalt  }
0x7d: {  	_ =	shalt  }
0x7e: {  	_ =	shalt  }
0x7f: {  	_ =	shalt  }
0x80: {  	_ =	shalt  }
0x81: {  	_ =	shalt  }
0x82: {  	_ =	shalt  }
0x83: {  	_ =	shalt  }
0x84: {  	_ =	shalt  }
0x85: {  	_ =	shalt  }
0x86: {  	_ =	shalt  }
0x87: {  	_ =	shalt  }
.Lfunc_end0:
.L_simem_size_0:
called_computation.1_lowered:
.L_overlay_start_0:
0x88: {  	s2 =	sld [smem:$0x3FD9]  }
0x89: {  	s3 =	sld [smem:$0x3FFE];
	_ =	sdelay $0x1  }
0x8a: {  	s1 =	srdreg.scid  }
0x8b: {  	s0 =	sand.u32 $0x1, s1  }
0x8c: {  	s17 =	sshll.u32 s0, $0xA;
	s2 =	sadd.s32 s3, s2  }
0x8d: {  	s2 =	sadd.s32 s2, s17  }
0x8e: {  	[smem:$0x3FBA] =	sst s2  }
0x8f: {  	_ = 	snop  }
0x90: {  	s2 =	sld [smem:$0x3FD0];
	(tm) =	ssettm $0x1  }
0x91: {  	s18 =	sld [smem:$0x3FFB];
	_ =	sdelay $0x3  }
0x92: {  	_ =	strace s18  }
0x93: {  	s3 =	sld [smem:$0x3FFC];
	_ =	sdelay $0x3  }
0x94: {  	_ =	strace s3  }
0x95: {  	s3 =	sld [smem:$0x3FFD];
	_ =	sdelay $0x3  }
0x96: {  	_ =	strace s3  }
0x97: {  	_ =	strace $0x8FFFFFFF  }
0x98: {  	s19 =	sld [smem:$0x3FDB];
	_ =	sdelay $0x1  }
0x99: {  	s4 =	simm.s32 $_scs_section_size  }
0x9a: {  	s5 =	simm.s32 $_size__tile_overlayer_lowered;
	s6 =	simm.s32 $_tile_overlayer_lowered  }
0x9b: {  	s22 =	simm.s32 $0x1BFF;
	s21 =	sshll.u32 s6, $0x1;
	s3 =	sadd.s32 s4, s19  }
0x9c: {  	s7 =	simm.s32 $0x0;
	s20 =	sshll.u32 s5, $0x1;
	s5 =	sadd.s32 s21, s3  }
0x9d: {  	[timem:s7], [sflag:s22] =	dma.local [hbm:s5], s20  }
0x9e: {  	_ =	swait.ge [sflag:s22], s20  }
0x9f: {  	s4 =	ssub.s32 $0x0, s20;
	[sflag:s22] =	ssyncset.done $0x0  }
0xa0: {  	[sflag:s22] =	ssyncadd.s32 s4;
	_ =	sdelay $0x1  }
0xa1: {  	s23 =	simm.s32 $0x1B8B  }
0xa2: {  	_ =	swait.ge [sflag:s23], $0x1  }
0xa3: {  	[sflag:s23] =	ssyncset.done $0x0  }
0xa4: {  	s25 =	simm.s32 $0x1B8E;
	s24 =	sld [smem:$0x3FFE];
	[sflag:s23] =	ssyncadd.s32 $0xFFFFFFFF  }
0xa5: {  	s26 =	simm.s32 $execute0_lowered;
	[smem:$0x3FD2] =	sst s25  }
0xa6: {  	s5 =	sshll.u32 s26, $0x1;
	_ =	strace $0x80000049;
	[dreg:$0x1] =	wrdreg $0xFFFFFFFF  }
0xa7: {  	s28 =	simm.s32 $_size_execute0_lowered;
	s3 =	sadd.s32 s3, s5;
	[dreg:$0x0] =	wrdreg $0x0  }
0xa8: {  	s5 =	sshll.u32 s28, $0x1;
	[dreg:$0x2] =	wrdreg s3  }
0xa9: {  	[dreg:$0x3] =	wrdreg s5  }
0xaa: {  	[dreg:$0x4] =	wrdreg $0xC0  }
0xab: {  	_ =	task [dreg:s7], $0x5FFFF  }
0xac: {  	[dreg:$0x1] =	wrdreg $0xFFFFFFFF  }
0xad: {  	[dreg:$0x0] =	wrdreg $0x60  }
0xae: {  	[dreg:$0x2] =	wrdreg s24  }
0xaf: {  	[dreg:$0x3] =	wrdreg s2  }
0xb0: {  	[dreg:$0x4] =	wrdreg $0x0  }
0xb1: {  	[dreg:$0x5] =	wrdreg $0x9  }
0xb2: {  	_ =	task.clear_ibuf [dreg:s7], $0x6FFFF;
	_ =	strace $0x90000049  }
0xb3: {  	s29 =	simm.s32 $0x9;
	_ =	strace $0x8000004B  }
0xb4: {  	_ =	swait.ge [sflag:s29], $0x1  }
0xb5: {  	[sflag:s29] =	ssyncadd.s32 $0xFFFFFFFF  }
0xb6: {  	_ =	strace $0x9000004B  }
0xb7: {  	_ =	sfence  }
0xb8: {  	s30 =	sld [smem:$0x0];
	_ =	sdelay $0x2  }
0xb9: {  	s31 =	sshll.u32 s1, $0xD;
	s1 =	sshrl.u32 s1, $0x2  }
0xba: {  	s3 =	sand.u32 $0x4000, s31;
	s1 =	sadd.s32 s1, s30  }
0xbb: {  	s0 =	sor.u32 s3, s0;
	s1 =	sshll.u32 s1, $0x11  }
0xbc: {  	s0 =	sor.u32 s1, s0  }
0xbd: {  	s0 =	sadd.s32 $0x8F2B, s0  }
0xbe: {  	[sflag:s0] =	ssyncadd.remote.s32 $0x1  }
0xbf: {  	_ =	sfence.sel $0xFFFF  }
0xc0: {  	[dreg:$0x0] =	wrdreg $0xFFFFFFFF;
	(pc) =	sbr.abs _section_cstart, $3  }
0xc1: {  	[dreg:$0x1] =	wrdreg $0xFFFFFFFF  }
0xc2: {  	_ =	task.clear_ibuf [dreg:s7], $0x2FFFF;
	_ =	strace $0x9FFFFFFF  }
0xc3: {  	(tm) =	ssettm $0x7FFFFFFF  }
tec
execute0_lowered:
.L_overlay_start_1:
0x0: {  	(tag) =	ssettag $0x1  }
0x1: {  	s0 =	rddreg [dreg:$0x0]  }
0x2: {  	s1 =	rddreg [dreg:$0x1]  }
0x3: {  	s2 =	rddreg [dreg:$0x2];
	s3 =	simm.s32 $0x0;
	s12 =	stileid.u32  }
0x4: {  	s4 =	srdreg.scid;
	s30 =	simm.s32 $0x16800;
	s6 =	smul.u32 $0x280, s12  }
0x5: {  	s31 =	simm.s32 $0x2;
	[smem:$0x7FF] =	sst s3;
	s26 =	smul.u32 $0x50000, s12  }
0x6: {  	s5 =	sand.u32 $0x1, s4;
	s4 =	sadd.s32 $0x71C00, s0;
	s12 =	smul.u32 $0x5000, s12  }
0x7: {  	s9 =	sadd.s32 $0x3800, s0;
	s7 =	smul.u32 $0x2800, s5;
	s8 =	ssub.s32 $0x2, s5  }
0x8: {  	s0 =	sadd.s32 $0xC1C00, s0;
	s5 =	smul.u32 $0x50000, s5;
	s10 =	sshrl.u32 s8, $0x1  }
0x9: {  	_ =	strace $0x8000004A;
	s6 =	sadd.s32 s6, s7;
	s10 =	ssub.s32 s8, s10  }
0xa: {  	s7 =	sshrl.u32 s26, $0x2;
	s5 =	sadd.s32 s12, s5;
	s11 =	sshll.u32 s6, $0x4  }
0xb: {  	s6 =	sadd.s32 s7, s2;
	s5 =	sshrl.u32 s5, $0x3;
	s7 =	simm.s32 $0x1  }
0xc: {  	s13 =	sadd.s32 $0x800, s11;
	s16 =	sadd.s32 s4, s11;
	s8 =	sadd.s32 $0x4000, s6  }
0xd: {  	s21 =	sadd.s32 $0x1000, s11;
	s22 =	sadd.s32 $0x1800, s11;
	s20 =	sadd.s32 s1, s5  }
0xe: {  	s14 =	sadd.s32 $0x280, s5;
	s23 =	sadd.s32 s9, s5;
	[dreg:$0x4] =	wrdreg s16  }
0xf: {  	s26 =	sadd.s32 $0x2000, s11;
	s28 =	sadd.s32 $0xC000, s6;
	[dreg:$0x8] =	wrdreg s20  }
0x10: {  	s29 =	sadd.s32 $0x10000, s6;
	s17 =	sadd.s32 s4, s13;
	[dreg:$0x9] =	wrdreg s23  }
0x11: {  	s18 =	sadd.s32 s4, s21;
	s19 =	sadd.s32 s4, s22;
	[dreg:$0x5] =	wrdreg s17  }
0x12: {  	s24 =	sadd.s32 s1, s14;
	s16 =	sadd.s32 $0x500, s5;
	[dreg:$0x6] =	wrdreg s18  }
0x13: {  	s25 =	sadd.s32 s9, s14;
	s5 =	sadd.s32 $0x780, s5;
	[dreg:$0x7] =	wrdreg s19  }
0x14: {  	s20 =	sadd.s32 s0, s13;
	s21 =	sadd.s32 s0, s21;
	[dreg:$0xa] =	wrdreg s24  }
0x15: {  	s22 =	sadd.s32 s0, s22;
	s23 =	sadd.s32 s0, s26;
	[dreg:$0xb] =	wrdreg s25  }
0x16: {  	s15 =	sadd.s32 s1, s16;
	s16 =	sadd.s32 s9, s16;
	s17 =	sadd.s32 s1, s5  }
0x17: {  	s18 =	sadd.s32 s9, s5;
	s19 =	sadd.s32 s0, s11;
	s24 =	sadd.s32 s4, s26  }
0x18: {  	s25 =	smax.u32 s10, $0x1;
	s26 =	sadd.s32 $0x8000, s6;
	s0 =	simm.s32 $0x14000  }
0x19: {  	s1 =	simm.s32 $0x15400;
	s5 =	simm.s32 $0x80;
	s9 =	simm.s32 $0x0  }
.LBB2_1:
0x1a: {  	s10 =	rddreg [dreg:$0x4]  }
0x1b: {  	[tilespmem:s30], [sflag:$0x2] =	stream.linear.gather [hbm4b:s10+s3], $0x4000, $0x38;
	[tilespmem:$0x1A800] =	vst v63  }
0x1c: {  	_ =	swait.ge [sflag:s31], $0x4000  }
0x1d: {  	[sflag:s31] =	ssyncset.done $0x0  }
0x1e: {  	[sflag:s31] =	ssyncadd.s32 $0xFFFFC000  }
0x1f: {  	[spmem:s6] =	stream.linear.scatter [tilespmem:s30], [sflag:$0x2], $0x4000, $0x38;
	[tilespmem:$0x1A800] =	vst v63  }
0x20: {  	_ =	swait.ge [sflag:s31], $0x4000  }
0x21: {  	[sflag:s31] =	ssyncset.done $0x0  }
0x22: {  	s12 =	rddreg [dreg:$0x5];
	[sflag:s31] =	ssyncadd.s32 $0xFFFFC000  }
0x23: {  	[tilespmem:s30], [sflag:$0x2] =	stream.linear.gather [hbm4b:s12+s3], $0x4000, $0x38;
	[tilespmem:$0x1A800] =	vst v63  }
0x24: {  	_ =	swait.ge [sflag:s31], $0x4000  }
0x25: {  	[sflag:s31] =	ssyncset.done $0x0  }
0x26: {  	[sflag:s31] =	ssyncadd.s32 $0xFFFFC000  }
0x27: {  	[spmem:s8] =	stream.linear.scatter [tilespmem:s30], [sflag:$0x2], $0x4000, $0x38;
	[tilespmem:$0x1A800] =	vst v63  }
0x28: {  	_ =	swait.ge [sflag:s31], $0x4000  }
0x29: {  	[sflag:s31] =	ssyncset.done $0x0  }
0x2a: {  	s13 =	rddreg [dreg:$0x6];
	[sflag:s31] =	ssyncadd.s32 $0xFFFFC000  }
0x2b: {  	[tilespmem:s30], [sflag:$0x2] =	stream.linear.gather [hbm4b:s13+s3], $0x4000, $0x38;
	[tilespmem:$0x1A800] =	vst v63  }
0x2c: {  	_ =	swait.ge [sflag:s31], $0x4000  }
0x2d: {  	[sflag:s31] =	ssyncset.done $0x0  }
0x2e: {  	[sflag:s31] =	ssyncadd.s32 $0xFFFFC000  }
0x2f: {  	[spmem:s26] =	stream.linear.scatter [tilespmem:s30], [sflag:$0x2], $0x4000, $0x38;
	[tilespmem:$0x1A800] =	vst v63  }
0x30: {  	_ =	swait.ge [sflag:s31], $0x4000  }
0x31: {  	[sflag:s31] =	ssyncset.done $0x0  }
0x32: {  	s14 =	rddreg [dreg:$0x7];
	[sflag:s31] =	ssyncadd.s32 $0xFFFFC000  }
0x33: {  	[tilespmem:s30], [sflag:$0x2] =	stream.linear.gather [hbm4b:s14+s3], $0x4000, $0x38;
	[tilespmem:$0x1A800] =	vst v63  }
0x34: {  	_ =	swait.ge [sflag:s31], $0x4000  }
0x35: {  	[sflag:s31] =	ssyncset.done $0x0  }
0x36: {  	[sflag:s31] =	ssyncadd.s32 $0xFFFFC000  }
0x37: {  	[spmem:s28] =	stream.linear.scatter [tilespmem:s30], [sflag:$0x2], $0x4000, $0x38;
	[tilespmem:$0x1A800] =	vst v63  }
0x38: {  	_ =	swait.ge [sflag:s31], $0x4000  }
0x39: {  	[sflag:s31] =	ssyncset.done $0x0  }
0x3a: {  	[sflag:s31] =	ssyncadd.s32 $0xFFFFC000  }
0x3b: {  	[tilespmem:s30], [sflag:$0x2] =	stream.linear.gather [hbm4b:s24+s3], $0x4000, $0x38;
	[tilespmem:$0x1A800] =	vst v63  }
0x3c: {  	_ =	swait.ge [sflag:s31], $0x4000  }
0x3d: {  	[sflag:s31] =	ssyncset.done $0x0  }
0x3e: {  	[sflag:s31] =	ssyncadd.s32 $0xFFFFC000  }
0x3f: {  	[spmem:s29] =	stream.linear.scatter [tilespmem:s30], [sflag:$0x2], $0x4000, $0x38;
	[tilespmem:$0x1A800] =	vst v63  }
0x40: {  	_ =	swait.ge [sflag:s31], $0x4000  }
0x41: {  	[sflag:s31] =	ssyncset.done $0x0  }
0x42: {  	[sflag:s31] =	ssyncadd.s32 $0xFFFFC000  }
0x43: {  	[bflag:$0x0] =	sbarrier.arrive $0xFFFF  }
0x44: {  	s11 =	rddreg [dreg:$0x8]  }
0x45: {  	[tilespmem:s0], [sflag:$0x2] =	stream.linear.gather [hbm4b:s11+s3], $0x1400, $0x38;
	[tilespmem:$0x1A800] =	vst v63  }
0x46: {  	_ =	swait.ge [sflag:s31], $0x1400  }
0x47: {  	[sflag:s31] =	ssyncset.done $0x0  }
0x48: {  	s12 =	rddreg [dreg:$0x9];
	[sflag:s31] =	ssyncadd.s32 $0xFFFFEC00  }
0x49: {  	[tilespmem:s1], [sflag:$0x2] =	stream.linear.gather [hbm4b:s12+s3], $0x1400, $0x38;
	[tilespmem:$0x1A800] =	vst v63  }
0x4a: {  	_ =	swait.ge [sflag:s31], $0x1400  }
0x4b: {  	[sflag:s31] =	ssyncset.done $0x0  }
0x4c: {  	s13 =	simm.s32 $0x14000;
	[sflag:s31] =	ssyncadd.s32 $0xFFFFEC00  }
0x4d: {  	[tilespmem:s30], [sflag:$0x1] =	stream.indirect.gather [hbm4b:s4+s5], $0x80, s13, s5, $0xb8;
	[tilespmem:$0x1A800] =	vst v63  }
0x4e: {  	_ =	swait.ge [sflag:s7], $0x4000  }
0x4f: {  	[sflag:s7] =	ssyncset.done $0x0  }
0x50: {  	s14 =	simm.s32 $0x15400;
	[sflag:s7] =	ssyncadd.s32 $0xFFFFC000  }
0x51: {  	[spmem:s2] =	stream.indirect.scatter.add.f32 [tilespmem:s30], [sflag:$0x2], $0x80, s14, s5, $0xb8;
	[tilespmem:$0x1A800] =	vst v63  }
0x52: {  	_ =	swait.ge [sflag:s31], $0x4000  }
0x53: {  	s10 =	simm.s32 $0x80;
	s11 =	simm.s32 $0x400;
	[sflag:s31] =	ssyncset.done $0x0  }
.LBB2_2:
0x54: {  	s12 =	sadd.s32 $0x14000, s10  }
0x55: {  	[sflag:s31] =	ssyncadd.s32 $0xFFFFC000;
	s13 =	smov.u32 s11;
	s14 =	sadd.s32 $0x200, s11  }
0x56: {  	[tilespmem:s30], [sflag:$0x1] =	stream.indirect.gather [hbm4b:s4+s5], $0x80, s12, s5, $0xb8;
	[tilespmem:$0x1A800] =	vst v63  }
0x57: {  	p0 =	sne.s32 s11, $0x4E00;
	_ =	swait.ge [sflag:s7], $0x4000  }
.Ltmp0:
0x58: {  	[sflag:s7] =	ssyncset.done $0x0;
	(pc) =	sbr.rel @p0 .LBB2_2-.Ltmp0, $4  }
0x59: {  	s10 =	sadd.s32 $0x15400, s10;
	[sflag:s7] =	ssyncadd.s32 $0xFFFFC000  }
0x5a: {  	[spmem:s2] =	stream.indirect.scatter.add.f32 [tilespmem:s30], [sflag:$0x2], $0x80, s10, s5, $0xb8;
	[tilespmem:$0x1A800] =	vst v63  }
0x5b: {  	_ =	swait.ge [sflag:s31], $0x4000  }
0x5c: {  	s11 =	smov.u32 s14;
	s10 =	sshra.s32 s13, $0x2;
	[sflag:s31] =	ssyncset.done $0x0  }
0x5d: {  	s11 =	sadd.s32 $0x14000, s10;
	[sflag:s31] =	ssyncadd.s32 $0xFFFFC000  }
0x5e: {  	[tilespmem:s30], [sflag:$0x1] =	stream.indirect.gather [hbm4b:s4+s5], $0x80, s11, s5, $0xb8;
	[tilespmem:$0x1A800] =	vst v63  }
0x5f: {  	_ =	swait.ge [sflag:s7], $0x4000  }
0x60: {  	[sflag:s7] =	ssyncset.done $0x0  }
0x61: {  	s12 =	sadd.s32 $0x15400, s10;
	[sflag:s7] =	ssyncadd.s32 $0xFFFFC000  }
0x62: {  	[spmem:s2] =	stream.indirect.scatter.add.f32 [tilespmem:s30], [sflag:$0x2], $0x80, s12, s5, $0xb8;
	[tilespmem:$0x1A800] =	vst v63  }
0x63: {  	_ =	swait.ge [sflag:s31], $0x4000  }
0x64: {  	[sflag:s31] =	ssyncset.done $0x0  }
0x65: {  	s13 =	simm.s32 $0x0;
	s14 =	rddreg [dreg:$0xa];
	[sflag:s31] =	ssyncadd.s32 $0xFFFFC000  }
0x66: {  	[tilespmem:s0], [sflag:$0x2] =	stream.linear.gather [hbm4b:s14+s13], $0x1400, $0x38;
	[tilespmem:$0x1A800] =	vst v63  }
0x67: {  	_ =	swait.ge [sflag:s31], $0x1400  }
0x68: {  	[sflag:s31] =	ssyncset.done $0x0  }
0x69: {  	s12 =	rddreg [dreg:$0xb];
	[sflag:s31] =	ssyncadd.s32 $0xFFFFEC00  }
0x6a: {  	[tilespmem:s1], [sflag:$0x2] =	stream.linear.gather [hbm4b:s12+s13], $0x1400, $0x38;
	[tilespmem:$0x1A800] =	vst v63  }
0x6b: {  	_ =	swait.ge [sflag:s31], $0x1400  }
0x6c: {  	[sflag:s31] =	ssyncset.done $0x0  }
0x6d: {  	s13 =	simm.s32 $0x14000;
	[sflag:s31] =	ssyncadd.s32 $0xFFFFEC00  }
0x6e: {  	[tilespmem:s30], [sflag:$0x1] =	stream.indirect.gather [hbm4b:s4+s5], $0x80, s13, s5, $0xb8;
	[tilespmem:$0x1A800] =	vst v63  }
0x6f: {  	_ =	swait.ge [sflag:s7], $0x4000  }
0x70: {  	[sflag:s7] =	ssyncset.done $0x0  }
0x71: {  	s14 =	simm.s32 $0x15400;
	[sflag:s7] =	ssyncadd.s32 $0xFFFFC000  }
0x72: {  	[spmem:s2] =	stream.indirect.scatter.add.f32 [tilespmem:s30], [sflag:$0x2], $0x80, s14, s5, $0xb8;
	[tilespmem:$0x1A800] =	vst v63  }
0x73: {  	_ =	swait.ge [sflag:s31], $0x4000  }
0x74: {  	s10 =	simm.s32 $0x80;
	s11 =	simm.s32 $0x400;
	[sflag:s31] =	ssyncset.done $0x0  }
.LBB2_4:
0x75: {  	s12 =	sadd.s32 $0x14000, s10  }
0x76: {  	[sflag:s31] =	ssyncadd.s32 $0xFFFFC000;
	s13 =	smov.u32 s11;
	s14 =	sadd.s32 $0x200, s11  }
0x77: {  	[tilespmem:s30], [sflag:$0x1] =	stream.indirect.gather [hbm4b:s4+s5], $0x80, s12, s5, $0xb8;
	[tilespmem:$0x1A800] =	vst v63  }
0x78: {  	p0 =	sne.s32 s11, $0x4E00;
	_ =	swait.ge [sflag:s7], $0x4000  }
.Ltmp1:
0x79: {  	[sflag:s7] =	ssyncset.done $0x0;
	(pc) =	sbr.rel @p0 .LBB2_4-.Ltmp1, $4  }
0x7a: {  	s10 =	sadd.s32 $0x15400, s10;
	[sflag:s7] =	ssyncadd.s32 $0xFFFFC000  }
0x7b: {  	[spmem:s2] =	stream.indirect.scatter.add.f32 [tilespmem:s30], [sflag:$0x2], $0x80, s10, s5, $0xb8;
	[tilespmem:$0x1A800] =	vst v63  }
0x7c: {  	_ =	swait.ge [sflag:s31], $0x4000  }
0x7d: {  	s11 =	smov.u32 s14;
	s10 =	sshra.s32 s13, $0x2;
	[sflag:s31] =	ssyncset.done $0x0  }
0x7e: {  	s11 =	sadd.s32 $0x14000, s10;
	[sflag:s31] =	ssyncadd.s32 $0xFFFFC000  }
0x7f: {  	[tilespmem:s30], [sflag:$0x1] =	stream.indirect.gather [hbm4b:s4+s5], $0x80, s11, s5, $0xb8;
	[tilespmem:$0x1A800] =	vst v63  }
0x80: {  	_ =	swait.ge [sflag:s7], $0x4000  }
0x81: {  	[sflag:s7] =	ssyncset.done $0x0  }
0x82: {  	s11 =	sadd.s32 $0x15400, s10;
	[sflag:s7] =	ssyncadd.s32 $0xFFFFC000  }
0x83: {  	[spmem:s2] =	stream.indirect.scatter.add.f32 [tilespmem:s30], [sflag:$0x2], $0x80, s11, s5, $0xb8;
	[tilespmem:$0x1A800] =	vst v63  }
0x84: {  	_ =	swait.ge [sflag:s31], $0x4000  }
0x85: {  	[sflag:s31] =	ssyncset.done $0x0  }
0x86: {  	s12 =	simm.s32 $0x0;
	[sflag:s31] =	ssyncadd.s32 $0xFFFFC000  }
0x87: {  	[tilespmem:s0], [sflag:$0x2] =	stream.linear.gather [hbm4b:s15+s12], $0x1400, $0x38;
	[tilespmem:$0x1A800] =	vst v63  }
0x88: {  	_ =	swait.ge [sflag:s31], $0x1400  }
0x89: {  	[sflag:s31] =	ssyncset.done $0x0  }
0x8a: {  	[sflag:s31] =	ssyncadd.s32 $0xFFFFEC00  }
0x8b: {  	[tilespmem:s1], [sflag:$0x2] =	stream.linear.gather [hbm4b:s16+s12], $0x1400, $0x38;
	[tilespmem:$0x1A800] =	vst v63  }
0x8c: {  	_ =	swait.ge [sflag:s31], $0x1400  }
0x8d: {  	[sflag:s31] =	ssyncset.done $0x0  }
0x8e: {  	s13 =	simm.s32 $0x14000;
	[sflag:s31] =	ssyncadd.s32 $0xFFFFEC00  }
0x8f: {  	[tilespmem:s30], [sflag:$0x1] =	stream.indirect.gather [hbm4b:s4+s5], $0x80, s13, s5, $0xb8;
	[tilespmem:$0x1A800] =	vst v63  }
0x90: {  	_ =	swait.ge [sflag:s7], $0x4000  }
0x91: {  	[sflag:s7] =	ssyncset.done $0x0  }
0x92: {  	s14 =	simm.s32 $0x15400;
	[sflag:s7] =	ssyncadd.s32 $0xFFFFC000  }
0x93: {  	[spmem:s2] =	stream.indirect.scatter.add.f32 [tilespmem:s30], [sflag:$0x2], $0x80, s14, s5, $0xb8;
	[tilespmem:$0x1A800] =	vst v63  }
0x94: {  	_ =	swait.ge [sflag:s31], $0x4000  }
0x95: {  	s10 =	simm.s32 $0x80;
	s11 =	simm.s32 $0x400;
	[sflag:s31] =	ssyncset.done $0x0  }
.LBB2_6:
0x96: {  	s12 =	sadd.s32 $0x14000, s10  }
0x97: {  	[sflag:s31] =	ssyncadd.s32 $0xFFFFC000;
	s13 =	smov.u32 s11;
	s14 =	sadd.s32 $0x200, s11  }
0x98: {  	[tilespmem:s30], [sflag:$0x1] =	stream.indirect.gather [hbm4b:s4+s5], $0x80, s12, s5, $0xb8;
	[tilespmem:$0x1A800] =	vst v63  }
0x99: {  	p0 =	sne.s32 s11, $0x4E00;
	_ =	swait.ge [sflag:s7], $0x4000  }
.Ltmp2:
0x9a: {  	[sflag:s7] =	ssyncset.done $0x0;
	(pc) =	sbr.rel @p0 .LBB2_6-.Ltmp2, $4  }
0x9b: {  	s10 =	sadd.s32 $0x15400, s10;
	[sflag:s7] =	ssyncadd.s32 $0xFFFFC000  }
0x9c: {  	[spmem:s2] =	stream.indirect.scatter.add.f32 [tilespmem:s30], [sflag:$0x2], $0x80, s10, s5, $0xb8;
	[tilespmem:$0x1A800] =	vst v63  }
0x9d: {  	_ =	swait.ge [sflag:s31], $0x4000  }
0x9e: {  	s11 =	smov.u32 s14;
	s10 =	sshra.s32 s13, $0x2;
	[sflag:s31] =	ssyncset.done $0x0  }
0x9f: {  	s11 =	sadd.s32 $0x14000, s10;
	[sflag:s31] =	ssyncadd.s32 $0xFFFFC000  }
0xa0: {  	[tilespmem:s30], [sflag:$0x1] =	stream.indirect.gather [hbm4b:s4+s5], $0x80, s11, s5, $0xb8;
	[tilespmem:$0x1A800] =	vst v63  }
0xa1: {  	_ =	swait.ge [sflag:s7], $0x4000  }
0xa2: {  	[sflag:s7] =	ssyncset.done $0x0  }
0xa3: {  	s11 =	sadd.s32 $0x15400, s10;
	[sflag:s7] =	ssyncadd.s32 $0xFFFFC000  }
0xa4: {  	[spmem:s2] =	stream.indirect.scatter.add.f32 [tilespmem:s30], [sflag:$0x2], $0x80, s11, s5, $0xb8;
	[tilespmem:$0x1A800] =	vst v63  }
0xa5: {  	_ =	swait.ge [sflag:s31], $0x4000  }
0xa6: {  	[sflag:s31] =	ssyncset.done $0x0  }
0xa7: {  	s12 =	simm.s32 $0x0;
	[sflag:s31] =	ssyncadd.s32 $0xFFFFC000  }
0xa8: {  	[tilespmem:s0], [sflag:$0x2] =	stream.linear.gather [hbm4b:s17+s12], $0x1400, $0x38;
	[tilespmem:$0x1A800] =	vst v63  }
0xa9: {  	_ =	swait.ge [sflag:s31], $0x1400  }
0xaa: {  	[sflag:s31] =	ssyncset.done $0x0  }
0xab: {  	[sflag:s31] =	ssyncadd.s32 $0xFFFFEC00  }
0xac: {  	[tilespmem:s1], [sflag:$0x2] =	stream.linear.gather [hbm4b:s18+s12], $0x1400, $0x38;
	[tilespmem:$0x1A800] =	vst v63  }
0xad: {  	_ =	swait.ge [sflag:s31], $0x1400  }
0xae: {  	[sflag:s31] =	ssyncset.done $0x0  }
0xaf: {  	s13 =	simm.s32 $0x14000;
	[sflag:s31] =	ssyncadd.s32 $0xFFFFEC00  }
0xb0: {  	[tilespmem:s30], [sflag:$0x1] =	stream.indirect.gather [hbm4b:s4+s5], $0x80, s13, s5, $0xb8;
	[tilespmem:$0x1A800] =	vst v63  }
0xb1: {  	_ =	swait.ge [sflag:s7], $0x4000  }
0xb2: {  	[sflag:s7] =	ssyncset.done $0x0  }
0xb3: {  	s14 =	simm.s32 $0x15400;
	[sflag:s7] =	ssyncadd.s32 $0xFFFFC000  }
0xb4: {  	[spmem:s2] =	stream.indirect.scatter.add.f32 [tilespmem:s30], [sflag:$0x2], $0x80, s14, s5, $0xb8;
	[tilespmem:$0x1A800] =	vst v63  }
0xb5: {  	_ =	swait.ge [sflag:s31], $0x4000  }
0xb6: {  	s10 =	simm.s32 $0x80;
	s11 =	simm.s32 $0x400;
	[sflag:s31] =	ssyncset.done $0x0  }
.LBB2_8:
0xb7: {  	s12 =	sadd.s32 $0x14000, s10  }
0xb8: {  	[sflag:s31] =	ssyncadd.s32 $0xFFFFC000;
	s13 =	smov.u32 s11;
	s14 =	sadd.s32 $0x200, s11  }
0xb9: {  	[tilespmem:s30], [sflag:$0x1] =	stream.indirect.gather [hbm4b:s4+s5], $0x80, s12, s5, $0xb8;
	[tilespmem:$0x1A800] =	vst v63  }
0xba: {  	p0 =	sne.s32 s11, $0x4E00;
	_ =	swait.ge [sflag:s7], $0x4000  }
.Ltmp3:
0xbb: {  	[sflag:s7] =	ssyncset.done $0x0;
	(pc) =	sbr.rel @p0 .LBB2_8-.Ltmp3, $4  }
0xbc: {  	s10 =	sadd.s32 $0x15400, s10;
	[sflag:s7] =	ssyncadd.s32 $0xFFFFC000  }
0xbd: {  	[spmem:s2] =	stream.indirect.scatter.add.f32 [tilespmem:s30], [sflag:$0x2], $0x80, s10, s5, $0xb8;
	[tilespmem:$0x1A800] =	vst v63  }
0xbe: {  	_ =	swait.ge [sflag:s31], $0x4000  }
0xbf: {  	s11 =	smov.u32 s14;
	s10 =	sshra.s32 s13, $0x2;
	[sflag:s31] =	ssyncset.done $0x0  }
0xc0: {  	s11 =	sadd.s32 $0x14000, s10;
	[sflag:s31] =	ssyncadd.s32 $0xFFFFC000  }
0xc1: {  	[tilespmem:s30], [sflag:$0x1] =	stream.indirect.gather [hbm4b:s4+s5], $0x80, s11, s5, $0xb8;
	[tilespmem:$0x1A800] =	vst v63  }
0xc2: {  	_ =	swait.ge [sflag:s7], $0x4000  }
0xc3: {  	[sflag:s7] =	ssyncset.done $0x0  }
0xc4: {  	s14 =	sadd.s32 $0x15400, s10;
	[sflag:s7] =	ssyncadd.s32 $0xFFFFC000  }
0xc5: {  	[spmem:s2] =	stream.indirect.scatter.add.f32 [tilespmem:s30], [sflag:$0x2], $0x80, s14, s5, $0xb8;
	[tilespmem:$0x1A800] =	vst v63  }
0xc6: {  	_ =	swait.ge [sflag:s31], $0x4000  }
0xc7: {  	[sflag:s31] =	ssyncset.done $0x0  }
0xc8: {  	[sflag:s31] =	ssyncadd.s32 $0xFFFFC000  }
0xc9: {  	[bflag:$0x0] =	sbarrier.arrive $0xFFFF  }
0xca: {  	[tilespmem:s30], [sflag:$0x2] =	stream.linear.gather [spmem:s6], $0x4000, $0x38;
	[tilespmem:$0x1A800] =	vst v63  }
0xcb: {  	_ =	swait.ge [sflag:s31], $0x4000  }
0xcc: {  	[sflag:s31] =	ssyncset.done $0x0  }
0xcd: {  	[sflag:s31] =	ssyncadd.s32 $0xFFFFC000  }
0xce: {  	[hbm4b:s19+s3] =	stream.linear.scatter [tilespmem:s30], [sflag:$0x2], $0x4000, $0x38;
	[tilespmem:$0x1A800] =	vst v63  }
0xcf: {  	_ =	swait.ge [sflag:s31], $0x4000  }
0xd0: {  	[sflag:s31] =	ssyncset.done $0x0  }
0xd1: {  	[sflag:s31] =	ssyncadd.s32 $0xFFFFC000  }
0xd2: {  	[tilespmem:s30], [sflag:$0x2] =	stream.linear.gather [spmem:s8], $0x4000, $0x38;
	[tilespmem:$0x1A800] =	vst v63  }
0xd3: {  	_ =	swait.ge [sflag:s31], $0x4000  }
0xd4: {  	[sflag:s31] =	ssyncset.done $0x0  }
0xd5: {  	[sflag:s31] =	ssyncadd.s32 $0xFFFFC000  }
0xd6: {  	[hbm4b:s20+s3] =	stream.linear.scatter [tilespmem:s30], [sflag:$0x2], $0x4000, $0x38;
	[tilespmem:$0x1A800] =	vst v63  }
0xd7: {  	_ =	swait.ge [sflag:s31], $0x4000  }
0xd8: {  	[sflag:s31] =	ssyncset.done $0x0  }
0xd9: {  	[sflag:s31] =	ssyncadd.s32 $0xFFFFC000  }
0xda: {  	[tilespmem:s30], [sflag:$0x2] =	stream.linear.gather [spmem:s26], $0x4000, $0x38;
	[tilespmem:$0x1A800] =	vst v63  }
0xdb: {  	_ =	swait.ge [sflag:s31], $0x4000  }
0xdc: {  	[sflag:s31] =	ssyncset.done $0x0  }
0xdd: {  	[sflag:s31] =	ssyncadd.s32 $0xFFFFC000  }
0xde: {  	[hbm4b:s21+s3] =	stream.linear.scatter [tilespmem:s30], [sflag:$0x2], $0x4000, $0x38;
	[tilespmem:$0x1A800] =	vst v63  }
0xdf: {  	_ =	swait.ge [sflag:s31], $0x4000  }
0xe0: {  	[sflag:s31] =	ssyncset.done $0x0  }
0xe1: {  	[sflag:s31] =	ssyncadd.s32 $0xFFFFC000  }
0xe2: {  	[tilespmem:s30], [sflag:$0x2] =	stream.linear.gather [spmem:s28], $0x4000, $0x38;
	[tilespmem:$0x1A800] =	vst v63  }
0xe3: {  	_ =	swait.ge [sflag:s31], $0x4000  }
0xe4: {  	[sflag:s31] =	ssyncset.done $0x0  }
0xe5: {  	[sflag:s31] =	ssyncadd.s32 $0xFFFFC000  }
0xe6: {  	[hbm4b:s22+s3] =	stream.linear.scatter [tilespmem:s30], [sflag:$0x2], $0x4000, $0x38;
	[tilespmem:$0x1A800] =	vst v63  }
0xe7: {  	_ =	swait.ge [sflag:s31], $0x4000  }
0xe8: {  	[sflag:s31] =	ssyncset.done $0x0  }
0xe9: {  	[sflag:s31] =	ssyncadd.s32 $0xFFFFC000  }
0xea: {  	[tilespmem:s30], [sflag:$0x2] =	stream.linear.gather [spmem:s29], $0x4000, $0x38;
	[tilespmem:$0x1A800] =	vst v63  }
0xeb: {  	s9 =	sadd.s32 $0x1, s9;
	_ =	swait.ge [sflag:s31], $0x4000  }
0xec: {  	p0 =	sne.s32 s9, s25;
	[sflag:s31] =	ssyncset.done $0x0  }
.Ltmp4:
0xed: {  	[sflag:s31] =	ssyncadd.s32 $0xFFFFC000;
	(pc) =	sbr.rel @p0 .LBB2_1-.Ltmp4, $4  }
0xee: {  	[hbm4b:s23+s3] =	stream.linear.scatter [tilespmem:s30], [sflag:$0x2], $0x4000, $0x38;
	[tilespmem:$0x1A800] =	vst v63  }
0xef: {  	_ =	swait.ge [sflag:s31], $0x4000  }
0xf0: {  	[sflag:s31] =	ssyncset.done $0x0  }
0xf1: {  	[sflag:s31] =	ssyncadd.s32 $0xFFFFC000  }
0xf2: {  	_ =	sfence.sel $0x180000  }
0xf3: {  	[bflag:$0x0] =	sbarrier.arrive $0xFFFF  }
0xf4: {  	_ =	strace $0x9000004A  }
0xf5: {  	s0 =	stileid.u32;
	[bflag:$0x2] =	sbarrier.arrive $0xFFFF  }
0xf6: {  	p0 =	sne.s32 s0, $0x0;
	s0 =	rddreg [dreg:$0x3]  }
0xf7: {  	s0 =	sadd.s32 @!p0 $0x100000, s0  }
0xf8: {  	[sflag:s0] =	ssyncadd.tile.s32 @!p0 $0x1;
	_ =	shalt  }
.Lfunc_end2:
_tile_overlayer_lowered:
.L_overlay_start_2:
0xf9: {  	(tag) =	ssettag $0x2  }
0xfa: {  	s0 =	rddreg [dreg:$0x0];
	s2 =	stileid.u32  }
0xfb: {  	s1 =	rddreg [dreg:$0x1];
	p0 =	sne.s32 s2, $0x0  }
0xfc: {  	s3 =	rddreg [dreg:$0x2];
	[bflag:$0x3] =	sbarrier.arrive $0xFFFF;
	s2 =	simm.s32 @!p0 $0x1C02  }
0xfd: {  	[timem:s3], [sflag:s2] =	dma.local @!p0 [hbm:s0], s1  }
0xfe: {  	s0 =	simm.s32 @!p0 $0x2  }
0xff: {  	_ =	swait.ge @!p0 [sflag:s0], s1  }
0x100: {  	s1 =	ssub.s32 @!p0 $0x0, s1;
	[sflag:s0] =	ssyncset.done @!p0 $0x0  }
0x101: {  	[sflag:s0] =	ssyncadd.s32 @!p0 s1  }
0x102: {  	[bflag:$0x3] =	sbarrier.arrive $0xFFFF  }
0x103: {  	_ =	shalt  }

// kernel: kernel.16.cloned.1.call-start
scs
__scs_entry_jumppad:
0x0: {  	(pc) =	sbr.rel $0x88, $3  }
0x1: {  	(tag) =	ssettag $0x0;
	lr =	simm.s32 $0x1  }
0x2: {  	[smem:$0x3F93] =	sst lr;
	_ =	strace $0xD0000000  }
0x3: {  	_ = 	snop  }
0x4: {  	_ = 	snop  }
0x5: {  	_ = 	snop  }
0x6: {  	_ = 	snop  }
0x7: {  	_ = 	snop  }
__scs_overlays_trampoline_lowered:
0x8: {  	[smem:$0x3FA2] =	sst s0  }
0x9: {  	[smem:$0x3FA3] =	sst s1  }
0xa: {  	[smem:$0x3FA4] =	sst s2  }
0xb: {  	[smem:$0x3FA5] =	sst s3  }
0xc: {  	[smem:$0x3FA6] =	sst s4  }
0xd: {  	[smem:$0x3FA7] =	sst s5  }
0xe: {  	[smem:$0x3FA8] =	sst s6  }
0xf: {  	[smem:$0x3FA9] =	sst s7  }
0x10: {  	[smem:$0x3FAA] =	sst s8  }
0x11: {  	[smem:$0x3FAB] =	sst s9;
	s0 =	simm.s32 @!p0 $0x0  }
0x12: {  	s1 =	sld [smem:$0x3F91];
	s0 =	simm.s32 @p0 $0x1  }
0x13: {  	[smem:$0x3FAC] =	sst s0;
	s0 =	simm.s32 @!p1 $0x0  }
0x14: {  	s2 =	sld [smem:$0x3F90];
	s0 =	simm.s32 @p1 $0x1  }
0x15: {  	[smem:$0x3FAD] =	sst s0;
	s0 =	simm.s32 @!p2 $0x0  }
0x16: {  	s3 =	sld [smem:$0x3FDB];
	s0 =	simm.s32 @p2 $0x1  }
0x17: {  	s4 =	simm.s32 $0x1BF5;
	[smem:$0x3FAF] =	sst s0  }
0x18: {  	s0 =	sld [smem:$0x3F92];
	_ =	swait.ge [sflag:s4], $0x0  }
0x19: {  	s7 =	sld [smem:$0x3F93]  }
0x1a: {  	s8 =	sadd.s32 $0xFFFFE003, lr  }
0x1b: {  	s9 =	sadd.s32 $0xFFFFFEF7, lr;
	s5 =	simm.s32 $0xFFFFFFFF;
	p2 =	slt.u32 s8, $0xFFFFF086  }
0x1c: {  	p1 =	slt.u32 s9, $0xF7A;
	s5 =	simm.s32 @!p2 $0x0  }
0x1d: {  	s5 =	simm.s32 @p1 $0x1;
	p0 =	seq.s32 s7, s2  }
0x1e: {  	s7 =	smul.u32 @!p0 $0xF7A, s2;
	p2 =	seq.s32 @!p0 s5, $0x0  }
0x1f: {  	s9 =	smul.u32 $0xF7A, s1;
	s8 =	simm.s32 @!p0 $0x1BF5;
	p2 =	por !p2, p0  }
0x20: {  	[sflag:s8] =	ssyncset.s32 @!p0 $0xFFFFF086;
	s6 =	sadd.s32 @!p0 s3, s7;
	s7 =	simm.s32 @!p0 $0x108  }
0x21: {  	s3 =	sadd.s32 s3, s9;
	s6 =	sadd.s32 @!p0 $0x88, s6;
	s7 =	simm.s32 @p2 $0x1082  }
0x22: {  	[simem:s7], [sflag:s8] =	dma.local @!p0 [hbm:s6], $0xF7A  }
0x23: {  	s9 =	sor.u32 $0xD0000000, s2;
	s6 =	simm.s32 $0x108;
	_ =	swait.ge @!p0 [sflag:s8], $0x0  }
0x24: {  	s3 =	sadd.s32 $0x88, s3;
	s6 =	simm.s32 @!p1 $0x1082;
	[sflag:s4] =	ssyncset.s32 $0xFFFFF086  }
0x25: {  	[simem:s6], [sflag:s4] =	dma.local [hbm:s3], $0xF7A  }
0x26: {  	[smem:$0x3F93] =	sst s1;
	(tag) =	ssettag s2;
	_ =	strace s9  }
0x27: {  	s1 =	sld [smem:$0x3FA3]  }
0x28: {  	s2 =	sld [smem:$0x3FA4]  }
0x29: {  	s4 =	sld [smem:$0x3FA6]  }
0x2a: {  	p0 =	seq.s32 s5, $0x0;
	s5 =	sld [smem:$0x3FA7]  }
0x2b: {  	s6 =	sld [smem:$0x3FA8]  }
0x2c: {  	s7 =	sld [smem:$0x3FA9]  }
0x2d: {  	s3 =	simm.s32 $0x108;
	s8 =	sld [smem:$0x3FAA]  }
0x2e: {  	s3 =	simm.s32 @!p0 $0x1082;
	s9 =	sld [smem:$0x3FAB]  }
0x2f: {  	lr =	sadd.s32 s0, s3;
	s0 =	sld [smem:$0x3FA2]  }
0x30: {  	s3 =	sld [smem:$0x3FA5]  }
0x31: {  	[smem:$0x3FAE] =	sst s10  }
0x32: {  	s10 =	sld [smem:$0x3FAC];
	_ =	sdelay $0x3  }
0x33: {  	p0 =	seq.s32 s10, $0x1;
	s10 =	sld [smem:$0x3FAE];
	_ =	sdelay $0x3  }
0x34: {  	[smem:$0x3FAE] =	sst s10  }
0x35: {  	s10 =	sld [smem:$0x3FAD];
	_ =	sdelay $0x3  }
0x36: {  	p1 =	seq.s32 s10, $0x1;
	s10 =	sld [smem:$0x3FAE];
	_ =	sdelay $0x3  }
0x37: {  	[smem:$0x3FAE] =	sst s10  }
0x38: {  	s10 =	sld [smem:$0x3FAF]  }
0x39: {  	_ = 	snop;
	(pc) =	sbr.ind lr, $3  }
0x3a: {  	_ = 	snop  }
0x3b: {  	_ = 	snop  }
0x3c: {  	p2 =	seq.s32 s10, $0x1;
	s10 =	sld [smem:$0x3FAE]  }
0x3d: {  	_ =	shalt  }
0x3e: {  	_ =	shalt  }
0x3f: {  	_ =	shalt  }
0x40: {  	_ =	shalt  }
0x41: {  	_ =	shalt  }
0x42: {  	_ =	shalt  }
0x43: {  	_ =	shalt  }
0x44: {  	_ =	shalt  }
0x45: {  	_ =	shalt  }
0x46: {  	_ =	shalt  }
0x47: {  	_ =	shalt  }
0x48: {  	_ =	shalt  }
0x49: {  	_ =	shalt  }
0x4a: {  	_ =	shalt  }
0x4b: {  	_ =	shalt  }
0x4c: {  	_ =	shalt  }
0x4d: {  	_ =	shalt  }
0x4e: {  	_ =	shalt  }
0x4f: {  	_ =	shalt  }
0x50: {  	_ =	shalt  }
0x51: {  	_ =	shalt  }
0x52: {  	_ =	shalt  }
0x53: {  	_ =	shalt  }
0x54: {  	_ =	shalt  }
0x55: {  	_ =	shalt  }
0x56: {  	_ =	shalt  }
0x57: {  	_ =	shalt  }
0x58: {  	_ =	shalt  }
0x59: {  	_ =	shalt  }
0x5a: {  	_ =	shalt  }
0x5b: {  	_ =	shalt  }
0x5c: {  	_ =	shalt  }
0x5d: {  	_ =	shalt  }
0x5e: {  	_ =	shalt  }
0x5f: {  	_ =	shalt  }
0x60: {  	_ =	shalt  }
0x61: {  	_ =	shalt  }
0x62: {  	_ =	shalt  }
0x63: {  	_ =	shalt  }
0x64: {  	_ =	shalt  }
0x65: {  	_ =	shalt  }
0x66: {  	_ =	shalt  }
0x67: {  	_ =	shalt  }
0x68: {  	_ =	shalt  }
0x69: {  	_ =	shalt  }
0x6a: {  	_ =	shalt  }
0x6b: {  	_ =	shalt  }
0x6c: {  	_ =	shalt  }
0x6d: {  	_ =	shalt  }
0x6e: {  	_ =	shalt  }
0x6f: {  	_ =	shalt  }
0x70: {  	_ =	shalt  }
0x71: {  	_ =	shalt  }
0x72: {  	_ =	shalt  }
0x73: {  	_ =	shalt  }
0x74: {  	_ =	shalt  }
0x75: {  	_ =	shalt  }
0x76: {  	_ =	shalt  }
0x77: {  	_ =	shalt  }
0x78: {  	_ =	shalt  }
0x79: {  	_ =	shalt  }
0x7a: {  	_ =	shalt  }
0x7b: {  	_ =	shalt  }
0x7c: {  	_ =	shalt  }
0x7d: {  	_ =	shalt  }
0x7e: {  	_ =	shalt  }
0x7f: {  	_ =	shalt  }
0x80: {  	_ =	shalt  }
0x81: {  	_ =	shalt  }
0x82: {  	_ =	shalt  }
0x83: {  	_ =	shalt  }
0x84: {  	_ =	shalt  }
0x85: {  	_ =	shalt  }
0x86: {  	_ =	shalt  }
0x87: {  	_ =	shalt  }
.Lfunc_end0:
.L_simem_size_0:
called_computation.2_lowered:
.L_overlay_start_0:
0x88: {  	s2 =	sld [smem:$0x3FD9]  }
0x89: {  	s3 =	sld [smem:$0x3FFE];
	_ =	sdelay $0x1  }
0x8a: {  	s1 =	srdreg.scid  }
0x8b: {  	s0 =	sand.u32 $0x1, s1  }
0x8c: {  	s17 =	sshll.u32 s0, $0xA;
	s2 =	sadd.s32 s3, s2  }
0x8d: {  	s2 =	sadd.s32 s2, s17  }
0x8e: {  	[smem:$0x3FBA] =	sst s2  }
0x8f: {  	_ = 	snop  }
0x90: {  	s2 =	sld [smem:$0x3FD0];
	(tm) =	ssettm $0x1  }
0x91: {  	s18 =	sld [smem:$0x3FFB];
	_ =	sdelay $0x3  }
0x92: {  	_ =	strace s18  }
0x93: {  	s3 =	sld [smem:$0x3FFC];
	_ =	sdelay $0x3  }
0x94: {  	_ =	strace s3  }
0x95: {  	s3 =	sld [smem:$0x3FFD];
	_ =	sdelay $0x3  }
0x96: {  	_ =	strace s3  }
0x97: {  	_ =	strace $0x8FFFFFFF  }
0x98: {  	s19 =	sld [smem:$0x3FDB];
	_ =	sdelay $0x1  }
0x99: {  	s4 =	simm.s32 $_scs_section_size  }
0x9a: {  	s5 =	simm.s32 $_size__tile_overlayer_lowered;
	s6 =	simm.s32 $_tile_overlayer_lowered  }
0x9b: {  	s22 =	simm.s32 $0x1BFF;
	s21 =	sshll.u32 s6, $0x1;
	s3 =	sadd.s32 s4, s19  }
0x9c: {  	s7 =	simm.s32 $0x0;
	s20 =	sshll.u32 s5, $0x1;
	s5 =	sadd.s32 s21, s3  }
0x9d: {  	[timem:s7], [sflag:s22] =	dma.local [hbm:s5], s20  }
0x9e: {  	_ =	swait.ge [sflag:s22], s20  }
0x9f: {  	s4 =	ssub.s32 $0x0, s20;
	[sflag:s22] =	ssyncset.done $0x0  }
0xa0: {  	[sflag:s22] =	ssyncadd.s32 s4;
	_ =	sdelay $0x1  }
0xa1: {  	s23 =	simm.s32 $0x1B8B  }
0xa2: {  	_ =	swait.ge [sflag:s23], $0x1  }
0xa3: {  	[sflag:s23] =	ssyncset.done $0x0  }
0xa4: {  	s25 =	simm.s32 $0x1B8E;
	s24 =	sld [smem:$0x3FFE];
	[sflag:s23] =	ssyncadd.s32 $0xFFFFFFFF  }
0xa5: {  	s26 =	simm.s32 $execute0_lowered;
	[smem:$0x3FD2] =	sst s25  }
0xa6: {  	s5 =	sshll.u32 s26, $0x1;
	_ =	strace $0x8000004C;
	[dreg:$0x1] =	wrdreg $0xFFFFFFFF  }
0xa7: {  	s28 =	simm.s32 $_size_execute0_lowered;
	s3 =	sadd.s32 s3, s5;
	[dreg:$0x0] =	wrdreg $0x0  }
0xa8: {  	s5 =	sshll.u32 s28, $0x1;
	[dreg:$0x2] =	wrdreg s3  }
0xa9: {  	[dreg:$0x3] =	wrdreg s5  }
0xaa: {  	[dreg:$0x4] =	wrdreg $0xC0  }
0xab: {  	_ =	task [dreg:s7], $0x5FFFF  }
0xac: {  	[dreg:$0x1] =	wrdreg $0xFFFFFFFF  }
0xad: {  	[dreg:$0x0] =	wrdreg $0x60  }
0xae: {  	[dreg:$0x2] =	wrdreg s24  }
0xaf: {  	[dreg:$0x3] =	wrdreg s2  }
0xb0: {  	[dreg:$0x4] =	wrdreg $0x0  }
0xb1: {  	[dreg:$0x5] =	wrdreg $0x9  }
0xb2: {  	_ =	task.clear_ibuf [dreg:s7], $0x6FFFF;
	_ =	strace $0x9000004C  }
0xb3: {  	s29 =	simm.s32 $0x9;
	_ =	strace $0x8000004E  }
0xb4: {  	_ =	swait.ge [sflag:s29], $0x1  }
0xb5: {  	[sflag:s29] =	ssyncadd.s32 $0xFFFFFFFF  }
0xb6: {  	_ =	strace $0x9000004E  }
0xb7: {  	_ =	sfence  }
0xb8: {  	s30 =	sld [smem:$0x0];
	_ =	sdelay $0x2  }
0xb9: {  	s31 =	sshll.u32 s1, $0xD;
	s1 =	sshrl.u32 s1, $0x2  }
0xba: {  	s3 =	sand.u32 $0x4000, s31;
	s1 =	sadd.s32 s1, s30  }
0xbb: {  	s0 =	sor.u32 s3, s0;
	s1 =	sshll.u32 s1, $0x11  }
0xbc: {  	s0 =	sor.u32 s1, s0  }
0xbd: {  	s0 =	sadd.s32 $0x8F2B, s0  }
0xbe: {  	[sflag:s0] =	ssyncadd.remote.s32 $0x1  }
0xbf: {  	_ =	sfence.sel $0xFFFF  }
0xc0: {  	[dreg:$0x0] =	wrdreg $0xFFFFFFFF;
	(pc) =	sbr.abs _section_cstart, $3  }
0xc1: {  	[dreg:$0x1] =	wrdreg $0xFFFFFFFF  }
0xc2: {  	_ =	task.clear_ibuf [dreg:s7], $0x2FFFF;
	_ =	strace $0x9FFFFFFF  }
0xc3: {  	(tm) =	ssettm $0x7FFFFFFF  }
tec
execute0_lowered:
.L_overlay_start_1:
0x0: {  	(tag) =	ssettag $0x1  }
0x1: {  	s0 =	rddreg [dreg:$0x0]  }
0x2: {  	s1 =	rddreg [dreg:$0x1]  }
0x3: {  	s2 =	rddreg [dreg:$0x2];
	s3 =	simm.s32 $0x0;
	s12 =	stileid.u32  }
0x4: {  	s4 =	srdreg.scid;
	s30 =	simm.s32 $0x16800;
	s6 =	smul.u32 $0x280, s12  }
0x5: {  	s31 =	simm.s32 $0x2;
	[smem:$0x7FF] =	sst s3;
	s26 =	smul.u32 $0x50000, s12  }
0x6: {  	s5 =	sand.u32 $0x1, s4;
	s4 =	sadd.s32 $0x71C00, s0;
	s12 =	smul.u32 $0x5000, s12  }
0x7: {  	s9 =	sadd.s32 $0x3800, s0;
	s7 =	smul.u32 $0x2800, s5;
	s8 =	ssub.s32 $0x2, s5  }
0x8: {  	s0 =	sadd.s32 $0xC1C00, s0;
	s5 =	smul.u32 $0x50000, s5;
	s10 =	sshrl.u32 s8, $0x1  }
0x9: {  	_ =	strace $0x8000004D;
	s6 =	sadd.s32 s6, s7;
	s10 =	ssub.s32 s8, s10  }
0xa: {  	s7 =	sshrl.u32 s26, $0x2;
	s5 =	sadd.s32 s12, s5;
	s11 =	sshll.u32 s6, $0x4  }
0xb: {  	s6 =	sadd.s32 s7, s2;
	s5 =	sshrl.u32 s5, $0x3;
	s7 =	simm.s32 $0x1  }
0xc: {  	s13 =	sadd.s32 $0x800, s11;
	s16 =	sadd.s32 s4, s11;
	s8 =	sadd.s32 $0x4000, s6  }
0xd: {  	s21 =	sadd.s32 $0x1000, s11;
	s22 =	sadd.s32 $0x1800, s11;
	s20 =	sadd.s32 s1, s5  }
0xe: {  	s14 =	sadd.s32 $0x280, s5;
	s23 =	sadd.s32 s9, s5;
	[dreg:$0x4] =	wrdreg s16  }
0xf: {  	s26 =	sadd.s32 $0x2000, s11;
	s28 =	sadd.s32 $0xC000, s6;
	[dreg:$0x8] =	wrdreg s20  }
0x10: {  	s29 =	sadd.s32 $0x10000, s6;
	s17 =	sadd.s32 s4, s13;
	[dreg:$0x9] =	wrdreg s23  }
0x11: {  	s18 =	sadd.s32 s4, s21;
	s19 =	sadd.s32 s4, s22;
	[dreg:$0x5] =	wrdreg s17  }
0x12: {  	s24 =	sadd.s32 s1, s14;
	s16 =	sadd.s32 $0x500, s5;
	[dreg:$0x6] =	wrdreg s18  }
0x13: {  	s25 =	sadd.s32 s9, s14;
	s5 =	sadd.s32 $0x780, s5;
	[dreg:$0x7] =	wrdreg s19  }
0x14: {  	s20 =	sadd.s32 s0, s13;
	s21 =	sadd.s32 s0, s21;
	[dreg:$0xa] =	wrdreg s24  }
0x15: {  	s22 =	sadd.s32 s0, s22;
	s23 =	sadd.s32 s0, s26;
	[dreg:$0xb] =	wrdreg s25  }
0x16: {  	s15 =	sadd.s32 s1, s16;
	s16 =	sadd.s32 s9, s16;
	s17 =	sadd.s32 s1, s5  }
0x17: {  	s18 =	sadd.s32 s9, s5;
	s19 =	sadd.s32 s0, s11;
	s24 =	sadd.s32 s4, s26  }
0x18: {  	s25 =	smax.u32 s10, $0x1;
	s26 =	sadd.s32 $0x8000, s6;
	s0 =	simm.s32 $0x14000  }
0x19: {  	s1 =	simm.s32 $0x15400;
	s5 =	simm.s32 $0x80;
	s9 =	simm.s32 $0x0  }
.LBB2_1:
0x1a: {  	s10 =	rddreg [dreg:$0x4]  }
0x1b: {  	[tilespmem:s30], [sflag:$0x2] =	stream.linear.gather [hbm4b:s10+s3], $0x4000, $0x38;
	[tilespmem:$0x1A800] =	vst v63  }
0x1c: {  	_ =	swait.ge [sflag:s31], $0x4000  }
0x1d: {  	[sflag:s31] =	ssyncset.done $0x0  }
0x1e: {  	[sflag:s31] =	ssyncadd.s32 $0xFFFFC000  }
0x1f: {  	[spmem:s6] =	stream.linear.scatter [tilespmem:s30], [sflag:$0x2], $0x4000, $0x38;
	[tilespmem:$0x1A800] =	vst v63  }
0x20: {  	_ =	swait.ge [sflag:s31], $0x4000  }
0x21: {  	[sflag:s31] =	ssyncset.done $0x0  }
0x22: {  	s12 =	rddreg [dreg:$0x5];
	[sflag:s31] =	ssyncadd.s32 $0xFFFFC000  }
0x23: {  	[tilespmem:s30], [sflag:$0x2] =	stream.linear.gather [hbm4b:s12+s3], $0x4000, $0x38;
	[tilespmem:$0x1A800] =	vst v63  }
0x24: {  	_ =	swait.ge [sflag:s31], $0x4000  }
0x25: {  	[sflag:s31] =	ssyncset.done $0x0  }
0x26: {  	[sflag:s31] =	ssyncadd.s32 $0xFFFFC000  }
0x27: {  	[spmem:s8] =	stream.linear.scatter [tilespmem:s30], [sflag:$0x2], $0x4000, $0x38;
	[tilespmem:$0x1A800] =	vst v63  }
0x28: {  	_ =	swait.ge [sflag:s31], $0x4000  }
0x29: {  	[sflag:s31] =	ssyncset.done $0x0  }
0x2a: {  	s13 =	rddreg [dreg:$0x6];
	[sflag:s31] =	ssyncadd.s32 $0xFFFFC000  }
0x2b: {  	[tilespmem:s30], [sflag:$0x2] =	stream.linear.gather [hbm4b:s13+s3], $0x4000, $0x38;
	[tilespmem:$0x1A800] =	vst v63  }
0x2c: {  	_ =	swait.ge [sflag:s31], $0x4000  }
0x2d: {  	[sflag:s31] =	ssyncset.done $0x0  }
0x2e: {  	[sflag:s31] =	ssyncadd.s32 $0xFFFFC000  }
0x2f: {  	[spmem:s26] =	stream.linear.scatter [tilespmem:s30], [sflag:$0x2], $0x4000, $0x38;
	[tilespmem:$0x1A800] =	vst v63  }
0x30: {  	_ =	swait.ge [sflag:s31], $0x4000  }
0x31: {  	[sflag:s31] =	ssyncset.done $0x0  }
0x32: {  	s14 =	rddreg [dreg:$0x7];
	[sflag:s31] =	ssyncadd.s32 $0xFFFFC000  }
0x33: {  	[tilespmem:s30], [sflag:$0x2] =	stream.linear.gather [hbm4b:s14+s3], $0x4000, $0x38;
	[tilespmem:$0x1A800] =	vst v63  }
0x34: {  	_ =	swait.ge [sflag:s31], $0x4000  }
0x35: {  	[sflag:s31] =	ssyncset.done $0x0  }
0x36: {  	[sflag:s31] =	ssyncadd.s32 $0xFFFFC000  }
0x37: {  	[spmem:s28] =	stream.linear.scatter [tilespmem:s30], [sflag:$0x2], $0x4000, $0x38;
	[tilespmem:$0x1A800] =	vst v63  }
0x38: {  	_ =	swait.ge [sflag:s31], $0x4000  }
0x39: {  	[sflag:s31] =	ssyncset.done $0x0  }
0x3a: {  	[sflag:s31] =	ssyncadd.s32 $0xFFFFC000  }
0x3b: {  	[tilespmem:s30], [sflag:$0x2] =	stream.linear.gather [hbm4b:s24+s3], $0x4000, $0x38;
	[tilespmem:$0x1A800] =	vst v63  }
0x3c: {  	_ =	swait.ge [sflag:s31], $0x4000  }
0x3d: {  	[sflag:s31] =	ssyncset.done $0x0  }
0x3e: {  	[sflag:s31] =	ssyncadd.s32 $0xFFFFC000  }
0x3f: {  	[spmem:s29] =	stream.linear.scatter [tilespmem:s30], [sflag:$0x2], $0x4000, $0x38;
	[tilespmem:$0x1A800] =	vst v63  }
0x40: {  	_ =	swait.ge [sflag:s31], $0x4000  }
0x41: {  	[sflag:s31] =	ssyncset.done $0x0  }
0x42: {  	[sflag:s31] =	ssyncadd.s32 $0xFFFFC000  }
0x43: {  	[bflag:$0x0] =	sbarrier.arrive $0xFFFF  }
0x44: {  	s11 =	rddreg [dreg:$0x8]  }
0x45: {  	[tilespmem:s0], [sflag:$0x2] =	stream.linear.gather [hbm4b:s11+s3], $0x1400, $0x38;
	[tilespmem:$0x1A800] =	vst v63  }
0x46: {  	_ =	swait.ge [sflag:s31], $0x1400  }
0x47: {  	[sflag:s31] =	ssyncset.done $0x0  }
0x48: {  	s12 =	rddreg [dreg:$0x9];
	[sflag:s31] =	ssyncadd.s32 $0xFFFFEC00  }
0x49: {  	[tilespmem:s1], [sflag:$0x2] =	stream.linear.gather [hbm4b:s12+s3], $0x1400, $0x38;
	[tilespmem:$0x1A800] =	vst v63  }
0x4a: {  	_ =	swait.ge [sflag:s31], $0x1400  }
0x4b: {  	[sflag:s31] =	ssyncset.done $0x0  }
0x4c: {  	s13 =	simm.s32 $0x14000;
	[sflag:s31] =	ssyncadd.s32 $0xFFFFEC00  }
0x4d: {  	[tilespmem:s30], [sflag:$0x1] =	stream.indirect.gather [hbm4b:s4+s5], $0x80, s13, s5, $0xb8;
	[tilespmem:$0x1A800] =	vst v63  }
0x4e: {  	_ =	swait.ge [sflag:s7], $0x4000  }
0x4f: {  	[sflag:s7] =	ssyncset.done $0x0  }
0x50: {  	s14 =	simm.s32 $0x15400;
	[sflag:s7] =	ssyncadd.s32 $0xFFFFC000  }
0x51: {  	[spmem:s2] =	stream.indirect.scatter.add.f32 [tilespmem:s30], [sflag:$0x2], $0x80, s14, s5, $0xb8;
	[tilespmem:$0x1A800] =	vst v63  }
0x52: {  	_ =	swait.ge [sflag:s31], $0x4000  }
0x53: {  	s10 =	simm.s32 $0x80;
	s11 =	simm.s32 $0x400;
	[sflag:s31] =	ssyncset.done $0x0  }
.LBB2_2:
0x54: {  	s12 =	sadd.s32 $0x14000, s10  }
0x55: {  	[sflag:s31] =	ssyncadd.s32 $0xFFFFC000;
	s13 =	smov.u32 s11;
	s14 =	sadd.s32 $0x200, s11  }
0x56: {  	[tilespmem:s30], [sflag:$0x1] =	stream.indirect.gather [hbm4b:s4+s5], $0x80, s12, s5, $0xb8;
	[tilespmem:$0x1A800] =	vst v63  }
0x57: {  	p0 =	sne.s32 s11, $0x4E00;
	_ =	swait.ge [sflag:s7], $0x4000  }
.Ltmp0:
0x58: {  	[sflag:s7] =	ssyncset.done $0x0;
	(pc) =	sbr.rel @p0 .LBB2_2-.Ltmp0, $4  }
0x59: {  	s10 =	sadd.s32 $0x15400, s10;
	[sflag:s7] =	ssyncadd.s32 $0xFFFFC000  }
0x5a: {  	[spmem:s2] =	stream.indirect.scatter.add.f32 [tilespmem:s30], [sflag:$0x2], $0x80, s10, s5, $0xb8;
	[tilespmem:$0x1A800] =	vst v63  }
0x5b: {  	_ =	swait.ge [sflag:s31], $0x4000  }
0x5c: {  	s11 =	smov.u32 s14;
	s10 =	sshra.s32 s13, $0x2;
	[sflag:s31] =	ssyncset.done $0x0  }
0x5d: {  	s11 =	sadd.s32 $0x14000, s10;
	[sflag:s31] =	ssyncadd.s32 $0xFFFFC000  }
0x5e: {  	[tilespmem:s30], [sflag:$0x1] =	stream.indirect.gather [hbm4b:s4+s5], $0x80, s11, s5, $0xb8;
	[tilespmem:$0x1A800] =	vst v63  }
0x5f: {  	_ =	swait.ge [sflag:s7], $0x4000  }
0x60: {  	[sflag:s7] =	ssyncset.done $0x0  }
0x61: {  	s12 =	sadd.s32 $0x15400, s10;
	[sflag:s7] =	ssyncadd.s32 $0xFFFFC000  }
0x62: {  	[spmem:s2] =	stream.indirect.scatter.add.f32 [tilespmem:s30], [sflag:$0x2], $0x80, s12, s5, $0xb8;
	[tilespmem:$0x1A800] =	vst v63  }
0x63: {  	_ =	swait.ge [sflag:s31], $0x4000  }
0x64: {  	[sflag:s31] =	ssyncset.done $0x0  }
0x65: {  	s13 =	simm.s32 $0x0;
	s14 =	rddreg [dreg:$0xa];
	[sflag:s31] =	ssyncadd.s32 $0xFFFFC000  }
0x66: {  	[tilespmem:s0], [sflag:$0x2] =	stream.linear.gather [hbm4b:s14+s13], $0x1400, $0x38;
	[tilespmem:$0x1A800] =	vst v63  }
0x67: {  	_ =	swait.ge [sflag:s31], $0x1400  }
0x68: {  	[sflag:s31] =	ssyncset.done $0x0  }
0x69: {  	s12 =	rddreg [dreg:$0xb];
	[sflag:s31] =	ssyncadd.s32 $0xFFFFEC00  }
0x6a: {  	[tilespmem:s1], [sflag:$0x2] =	stream.linear.gather [hbm4b:s12+s13], $0x1400, $0x38;
	[tilespmem:$0x1A800] =	vst v63  }
0x6b: {  	_ =	swait.ge [sflag:s31], $0x1400  }
0x6c: {  	[sflag:s31] =	ssyncset.done $0x0  }
0x6d: {  	s13 =	simm.s32 $0x14000;
	[sflag:s31] =	ssyncadd.s32 $0xFFFFEC00  }
0x6e: {  	[tilespmem:s30], [sflag:$0x1] =	stream.indirect.gather [hbm4b:s4+s5], $0x80, s13, s5, $0xb8;
	[tilespmem:$0x1A800] =	vst v63  }
0x6f: {  	_ =	swait.ge [sflag:s7], $0x4000  }
0x70: {  	[sflag:s7] =	ssyncset.done $0x0  }
0x71: {  	s14 =	simm.s32 $0x15400;
	[sflag:s7] =	ssyncadd.s32 $0xFFFFC000  }
0x72: {  	[spmem:s2] =	stream.indirect.scatter.add.f32 [tilespmem:s30], [sflag:$0x2], $0x80, s14, s5, $0xb8;
	[tilespmem:$0x1A800] =	vst v63  }
0x73: {  	_ =	swait.ge [sflag:s31], $0x4000  }
0x74: {  	s10 =	simm.s32 $0x80;
	s11 =	simm.s32 $0x400;
	[sflag:s31] =	ssyncset.done $0x0  }
.LBB2_4:
0x75: {  	s12 =	sadd.s32 $0x14000, s10  }
0x76: {  	[sflag:s31] =	ssyncadd.s32 $0xFFFFC000;
	s13 =	smov.u32 s11;
	s14 =	sadd.s32 $0x200, s11  }
0x77: {  	[tilespmem:s30], [sflag:$0x1] =	stream.indirect.gather [hbm4b:s4+s5], $0x80, s12, s5, $0xb8;
	[tilespmem:$0x1A800] =	vst v63  }
0x78: {  	p0 =	sne.s32 s11, $0x4E00;
	_ =	swait.ge [sflag:s7], $0x4000  }
.Ltmp1:
0x79: {  	[sflag:s7] =	ssyncset.done $0x0;
	(pc) =	sbr.rel @p0 .LBB2_4-.Ltmp1, $4  }
0x7a: {  	s10 =	sadd.s32 $0x15400, s10;
	[sflag:s7] =	ssyncadd.s32 $0xFFFFC000  }
0x7b: {  	[spmem:s2] =	stream.indirect.scatter.add.f32 [tilespmem:s30], [sflag:$0x2], $0x80, s10, s5, $0xb8;
	[tilespmem:$0x1A800] =	vst v63  }
0x7c: {  	_ =	swait.ge [sflag:s31], $0x4000  }
0x7d: {  	s11 =	smov.u32 s14;
	s10 =	sshra.s32 s13, $0x2;
	[sflag:s31] =	ssyncset.done $0x0  }
0x7e: {  	s11 =	sadd.s32 $0x14000, s10;
	[sflag:s31] =	ssyncadd.s32 $0xFFFFC000  }
0x7f: {  	[tilespmem:s30], [sflag:$0x1] =	stream.indirect.gather [hbm4b:s4+s5], $0x80, s11, s5, $0xb8;
	[tilespmem:$0x1A800] =	vst v63  }
0x80: {  	_ =	swait.ge [sflag:s7], $0x4000  }
0x81: {  	[sflag:s7] =	ssyncset.done $0x0  }
0x82: {  	s11 =	sadd.s32 $0x15400, s10;
	[sflag:s7] =	ssyncadd.s32 $0xFFFFC000  }
0x83: {  	[spmem:s2] =	stream.indirect.scatter.add.f32 [tilespmem:s30], [sflag:$0x2], $0x80, s11, s5, $0xb8;
	[tilespmem:$0x1A800] =	vst v63  }
0x84: {  	_ =	swait.ge [sflag:s31], $0x4000  }
0x85: {  	[sflag:s31] =	ssyncset.done $0x0  }
0x86: {  	s12 =	simm.s32 $0x0;
	[sflag:s31] =	ssyncadd.s32 $0xFFFFC000  }
0x87: {  	[tilespmem:s0], [sflag:$0x2] =	stream.linear.gather [hbm4b:s15+s12], $0x1400, $0x38;
	[tilespmem:$0x1A800] =	vst v63  }
0x88: {  	_ =	swait.ge [sflag:s31], $0x1400  }
0x89: {  	[sflag:s31] =	ssyncset.done $0x0  }
0x8a: {  	[sflag:s31] =	ssyncadd.s32 $0xFFFFEC00  }
0x8b: {  	[tilespmem:s1], [sflag:$0x2] =	stream.linear.gather [hbm4b:s16+s12], $0x1400, $0x38;
	[tilespmem:$0x1A800] =	vst v63  }
0x8c: {  	_ =	swait.ge [sflag:s31], $0x1400  }
0x8d: {  	[sflag:s31] =	ssyncset.done $0x0  }
0x8e: {  	s13 =	simm.s32 $0x14000;
	[sflag:s31] =	ssyncadd.s32 $0xFFFFEC00  }
0x8f: {  	[tilespmem:s30], [sflag:$0x1] =	stream.indirect.gather [hbm4b:s4+s5], $0x80, s13, s5, $0xb8;
	[tilespmem:$0x1A800] =	vst v63  }
0x90: {  	_ =	swait.ge [sflag:s7], $0x4000  }
0x91: {  	[sflag:s7] =	ssyncset.done $0x0  }
0x92: {  	s14 =	simm.s32 $0x15400;
	[sflag:s7] =	ssyncadd.s32 $0xFFFFC000  }
0x93: {  	[spmem:s2] =	stream.indirect.scatter.add.f32 [tilespmem:s30], [sflag:$0x2], $0x80, s14, s5, $0xb8;
	[tilespmem:$0x1A800] =	vst v63  }
0x94: {  	_ =	swait.ge [sflag:s31], $0x4000  }
0x95: {  	s10 =	simm.s32 $0x80;
	s11 =	simm.s32 $0x400;
	[sflag:s31] =	ssyncset.done $0x0  }
.LBB2_6:
0x96: {  	s12 =	sadd.s32 $0x14000, s10  }
0x97: {  	[sflag:s31] =	ssyncadd.s32 $0xFFFFC000;
	s13 =	smov.u32 s11;
	s14 =	sadd.s32 $0x200, s11  }
0x98: {  	[tilespmem:s30], [sflag:$0x1] =	stream.indirect.gather [hbm4b:s4+s5], $0x80, s12, s5, $0xb8;
	[tilespmem:$0x1A800] =	vst v63  }
0x99: {  	p0 =	sne.s32 s11, $0x4E00;
	_ =	swait.ge [sflag:s7], $0x4000  }
.Ltmp2:
0x9a: {  	[sflag:s7] =	ssyncset.done $0x0;
	(pc) =	sbr.rel @p0 .LBB2_6-.Ltmp2, $4  }
0x9b: {  	s10 =	sadd.s32 $0x15400, s10;
	[sflag:s7] =	ssyncadd.s32 $0xFFFFC000  }
0x9c: {  	[spmem:s2] =	stream.indirect.scatter.add.f32 [tilespmem:s30], [sflag:$0x2], $0x80, s10, s5, $0xb8;
	[tilespmem:$0x1A800] =	vst v63  }
0x9d: {  	_ =	swait.ge [sflag:s31], $0x4000  }
0x9e: {  	s11 =	smov.u32 s14;
	s10 =	sshra.s32 s13, $0x2;
	[sflag:s31] =	ssyncset.done $0x0  }
0x9f: {  	s11 =	sadd.s32 $0x14000, s10;
	[sflag:s31] =	ssyncadd.s32 $0xFFFFC000  }
0xa0: {  	[tilespmem:s30], [sflag:$0x1] =	stream.indirect.gather [hbm4b:s4+s5], $0x80, s11, s5, $0xb8;
	[tilespmem:$0x1A800] =	vst v63  }
0xa1: {  	_ =	swait.ge [sflag:s7], $0x4000  }
0xa2: {  	[sflag:s7] =	ssyncset.done $0x0  }
0xa3: {  	s11 =	sadd.s32 $0x15400, s10;
	[sflag:s7] =	ssyncadd.s32 $0xFFFFC000  }
0xa4: {  	[spmem:s2] =	stream.indirect.scatter.add.f32 [tilespmem:s30], [sflag:$0x2], $0x80, s11, s5, $0xb8;
	[tilespmem:$0x1A800] =	vst v63  }
0xa5: {  	_ =	swait.ge [sflag:s31], $0x4000  }
0xa6: {  	[sflag:s31] =	ssyncset.done $0x0  }
0xa7: {  	s12 =	simm.s32 $0x0;
	[sflag:s31] =	ssyncadd.s32 $0xFFFFC000  }
0xa8: {  	[tilespmem:s0], [sflag:$0x2] =	stream.linear.gather [hbm4b:s17+s12], $0x1400, $0x38;
	[tilespmem:$0x1A800] =	vst v63  }
0xa9: {  	_ =	swait.ge [sflag:s31], $0x1400  }
0xaa: {  	[sflag:s31] =	ssyncset.done $0x0  }
0xab: {  	[sflag:s31] =	ssyncadd.s32 $0xFFFFEC00  }
0xac: {  	[tilespmem:s1], [sflag:$0x2] =	stream.linear.gather [hbm4b:s18+s12], $0x1400, $0x38;
	[tilespmem:$0x1A800] =	vst v63  }
0xad: {  	_ =	swait.ge [sflag:s31], $0x1400  }
0xae: {  	[sflag:s31] =	ssyncset.done $0x0  }
0xaf: {  	s13 =	simm.s32 $0x14000;
	[sflag:s31] =	ssyncadd.s32 $0xFFFFEC00  }
0xb0: {  	[tilespmem:s30], [sflag:$0x1] =	stream.indirect.gather [hbm4b:s4+s5], $0x80, s13, s5, $0xb8;
	[tilespmem:$0x1A800] =	vst v63  }
0xb1: {  	_ =	swait.ge [sflag:s7], $0x4000  }
0xb2: {  	[sflag:s7] =	ssyncset.done $0x0  }
0xb3: {  	s14 =	simm.s32 $0x15400;
	[sflag:s7] =	ssyncadd.s32 $0xFFFFC000  }
0xb4: {  	[spmem:s2] =	stream.indirect.scatter.add.f32 [tilespmem:s30], [sflag:$0x2], $0x80, s14, s5, $0xb8;
	[tilespmem:$0x1A800] =	vst v63  }
0xb5: {  	_ =	swait.ge [sflag:s31], $0x4000  }
0xb6: {  	s10 =	simm.s32 $0x80;
	s11 =	simm.s32 $0x400;
	[sflag:s31] =	ssyncset.done $0x0  }
.LBB2_8:
0xb7: {  	s12 =	sadd.s32 $0x14000, s10  }
0xb8: {  	[sflag:s31] =	ssyncadd.s32 $0xFFFFC000;
	s13 =	smov.u32 s11;
	s14 =	sadd.s32 $0x200, s11  }
0xb9: {  	[tilespmem:s30], [sflag:$0x1] =	stream.indirect.gather [hbm4b:s4+s5], $0x80, s12, s5, $0xb8;
	[tilespmem:$0x1A800] =	vst v63  }
0xba: {  	p0 =	sne.s32 s11, $0x4E00;
	_ =	swait.ge [sflag:s7], $0x4000  }
.Ltmp3:
0xbb: {  	[sflag:s7] =	ssyncset.done $0x0;
	(pc) =	sbr.rel @p0 .LBB2_8-.Ltmp3, $4  }
0xbc: {  	s10 =	sadd.s32 $0x15400, s10;
	[sflag:s7] =	ssyncadd.s32 $0xFFFFC000  }
0xbd: {  	[spmem:s2] =	stream.indirect.scatter.add.f32 [tilespmem:s30], [sflag:$0x2], $0x80, s10, s5, $0xb8;
	[tilespmem:$0x1A800] =	vst v63  }
0xbe: {  	_ =	swait.ge [sflag:s31], $0x4000  }
0xbf: {  	s11 =	smov.u32 s14;
	s10 =	sshra.s32 s13, $0x2;
	[sflag:s31] =	ssyncset.done $0x0  }
0xc0: {  	s11 =	sadd.s32 $0x14000, s10;
	[sflag:s31] =	ssyncadd.s32 $0xFFFFC000  }
0xc1: {  	[tilespmem:s30], [sflag:$0x1] =	stream.indirect.gather [hbm4b:s4+s5], $0x80, s11, s5, $0xb8;
	[tilespmem:$0x1A800] =	vst v63  }
0xc2: {  	_ =	swait.ge [sflag:s7], $0x4000  }
0xc3: {  	[sflag:s7] =	ssyncset.done $0x0  }
0xc4: {  	s14 =	sadd.s32 $0x15400, s10;
	[sflag:s7] =	ssyncadd.s32 $0xFFFFC000  }
0xc5: {  	[spmem:s2] =	stream.indirect.scatter.add.f32 [tilespmem:s30], [sflag:$0x2], $0x80, s14, s5, $0xb8;
	[tilespmem:$0x1A800] =	vst v63  }
0xc6: {  	_ =	swait.ge [sflag:s31], $0x4000  }
0xc7: {  	[sflag:s31] =	ssyncset.done $0x0  }
0xc8: {  	[sflag:s31] =	ssyncadd.s32 $0xFFFFC000  }
0xc9: {  	[bflag:$0x0] =	sbarrier.arrive $0xFFFF  }
0xca: {  	[tilespmem:s30], [sflag:$0x2] =	stream.linear.gather [spmem:s6], $0x4000, $0x38;
	[tilespmem:$0x1A800] =	vst v63  }
0xcb: {  	_ =	swait.ge [sflag:s31], $0x4000  }
0xcc: {  	[sflag:s31] =	ssyncset.done $0x0  }
0xcd: {  	[sflag:s31] =	ssyncadd.s32 $0xFFFFC000  }
0xce: {  	[hbm4b:s19+s3] =	stream.linear.scatter [tilespmem:s30], [sflag:$0x2], $0x4000, $0x38;
	[tilespmem:$0x1A800] =	vst v63  }
0xcf: {  	_ =	swait.ge [sflag:s31], $0x4000  }
0xd0: {  	[sflag:s31] =	ssyncset.done $0x0  }
0xd1: {  	[sflag:s31] =	ssyncadd.s32 $0xFFFFC000  }
0xd2: {  	[tilespmem:s30], [sflag:$0x2] =	stream.linear.gather [spmem:s8], $0x4000, $0x38;
	[tilespmem:$0x1A800] =	vst v63  }
0xd3: {  	_ =	swait.ge [sflag:s31], $0x4000  }
0xd4: {  	[sflag:s31] =	ssyncset.done $0x0  }
0xd5: {  	[sflag:s31] =	ssyncadd.s32 $0xFFFFC000  }
0xd6: {  	[hbm4b:s20+s3] =	stream.linear.scatter [tilespmem:s30], [sflag:$0x2], $0x4000, $0x38;
	[tilespmem:$0x1A800] =	vst v63  }
0xd7: {  	_ =	swait.ge [sflag:s31], $0x4000  }
0xd8: {  	[sflag:s31] =	ssyncset.done $0x0  }
0xd9: {  	[sflag:s31] =	ssyncadd.s32 $0xFFFFC000  }
0xda: {  	[tilespmem:s30], [sflag:$0x2] =	stream.linear.gather [spmem:s26], $0x4000, $0x38;
	[tilespmem:$0x1A800] =	vst v63  }
0xdb: {  	_ =	swait.ge [sflag:s31], $0x4000  }
0xdc: {  	[sflag:s31] =	ssyncset.done $0x0  }
0xdd: {  	[sflag:s31] =	ssyncadd.s32 $0xFFFFC000  }
0xde: {  	[hbm4b:s21+s3] =	stream.linear.scatter [tilespmem:s30], [sflag:$0x2], $0x4000, $0x38;
	[tilespmem:$0x1A800] =	vst v63  }
0xdf: {  	_ =	swait.ge [sflag:s31], $0x4000  }
0xe0: {  	[sflag:s31] =	ssyncset.done $0x0  }
0xe1: {  	[sflag:s31] =	ssyncadd.s32 $0xFFFFC000  }
0xe2: {  	[tilespmem:s30], [sflag:$0x2] =	stream.linear.gather [spmem:s28], $0x4000, $0x38;
	[tilespmem:$0x1A800] =	vst v63  }
0xe3: {  	_ =	swait.ge [sflag:s31], $0x4000  }
0xe4: {  	[sflag:s31] =	ssyncset.done $0x0  }
0xe5: {  	[sflag:s31] =	ssyncadd.s32 $0xFFFFC000  }
0xe6: {  	[hbm4b:s22+s3] =	stream.linear.scatter [tilespmem:s30], [sflag:$0x2], $0x4000, $0x38;
	[tilespmem:$0x1A800] =	vst v63  }
0xe7: {  	_ =	swait.ge [sflag:s31], $0x4000  }
0xe8: {  	[sflag:s31] =	ssyncset.done $0x0  }
0xe9: {  	[sflag:s31] =	ssyncadd.s32 $0xFFFFC000  }
0xea: {  	[tilespmem:s30], [sflag:$0x2] =	stream.linear.gather [spmem:s29], $0x4000, $0x38;
	[tilespmem:$0x1A800] =	vst v63  }
0xeb: {  	s9 =	sadd.s32 $0x1, s9;
	_ =	swait.ge [sflag:s31], $0x4000  }
0xec: {  	p0 =	sne.s32 s9, s25;
	[sflag:s31] =	ssyncset.done $0x0  }
.Ltmp4:
0xed: {  	[sflag:s31] =	ssyncadd.s32 $0xFFFFC000;
	(pc) =	sbr.rel @p0 .LBB2_1-.Ltmp4, $4  }
0xee: {  	[hbm4b:s23+s3] =	stream.linear.scatter [tilespmem:s30], [sflag:$0x2], $0x4000, $0x38;
	[tilespmem:$0x1A800] =	vst v63  }
0xef: {  	_ =	swait.ge [sflag:s31], $0x4000  }
0xf0: {  	[sflag:s31] =	ssyncset.done $0x0  }
0xf1: {  	[sflag:s31] =	ssyncadd.s32 $0xFFFFC000  }
0xf2: {  	_ =	sfence.sel $0x180000  }
0xf3: {  	[bflag:$0x0] =	sbarrier.arrive $0xFFFF  }
0xf4: {  	_ =	strace $0x9000004D  }
0xf5: {  	s0 =	stileid.u32;
	[bflag:$0x2] =	sbarrier.arrive $0xFFFF  }
0xf6: {  	p0 =	sne.s32 s0, $0x0;
	s0 =	rddreg [dreg:$0x3]  }
0xf7: {  	s0 =	sadd.s32 @!p0 $0x100000, s0  }
0xf8: {  	[sflag:s0] =	ssyncadd.tile.s32 @!p0 $0x1;
	_ =	shalt  }
.Lfunc_end2:
_tile_overlayer_lowered:
.L_overlay_start_2:
0xf9: {  	(tag) =	ssettag $0x2  }
0xfa: {  	s0 =	rddreg [dreg:$0x0];
	s2 =	stileid.u32  }
0xfb: {  	s1 =	rddreg [dreg:$0x1];
	p0 =	sne.s32 s2, $0x0  }
0xfc: {  	s3 =	rddreg [dreg:$0x2];
	[bflag:$0x3] =	sbarrier.arrive $0xFFFF;
	s2 =	simm.s32 @!p0 $0x1C02  }
0xfd: {  	[timem:s3], [sflag:s2] =	dma.local @!p0 [hbm:s0], s1  }
0xfe: {  	s0 =	simm.s32 @!p0 $0x2  }
0xff: {  	_ =	swait.ge @!p0 [sflag:s0], s1  }
0x100: {  	s1 =	ssub.s32 @!p0 $0x0, s1;
	[sflag:s0] =	ssyncset.done @!p0 $0x0  }
0x101: {  	[sflag:s0] =	ssyncadd.s32 @!p0 s1  }
0x102: {  	[bflag:$0x3] =	sbarrier.arrive $0xFFFF  }
0x103: {  	_ =	shalt  }

// kernel: kernel.19.cloned.1.call-start
scs
__scs_entry_jumppad:
0x0: {  	(pc) =	sbr.rel $0x88, $3  }
0x1: {  	(tag) =	ssettag $0x0;
	lr =	simm.s32 $0x1  }
0x2: {  	[smem:$0x3F93] =	sst lr;
	_ =	strace $0xD0000000  }
0x3: {  	_ = 	snop  }
0x4: {  	_ = 	snop  }
0x5: {  	_ = 	snop  }
0x6: {  	_ = 	snop  }
0x7: {  	_ = 	snop  }
__scs_overlays_trampoline_lowered:
0x8: {  	[smem:$0x3FA2] =	sst s0  }
0x9: {  	[smem:$0x3FA3] =	sst s1  }
0xa: {  	[smem:$0x3FA4] =	sst s2  }
0xb: {  	[smem:$0x3FA5] =	sst s3  }
0xc: {  	[smem:$0x3FA6] =	sst s4  }
0xd: {  	[smem:$0x3FA7] =	sst s5  }
0xe: {  	[smem:$0x3FA8] =	sst s6  }
0xf: {  	[smem:$0x3FA9] =	sst s7  }
0x10: {  	[smem:$0x3FAA] =	sst s8  }
0x11: {  	[smem:$0x3FAB] =	sst s9;
	s0 =	simm.s32 @!p0 $0x0  }
0x12: {  	s1 =	sld [smem:$0x3F91];
	s0 =	simm.s32 @p0 $0x1  }
0x13: {  	[smem:$0x3FAC] =	sst s0;
	s0 =	simm.s32 @!p1 $0x0  }
0x14: {  	s2 =	sld [smem:$0x3F90];
	s0 =	simm.s32 @p1 $0x1  }
0x15: {  	[smem:$0x3FAD] =	sst s0;
	s0 =	simm.s32 @!p2 $0x0  }
0x16: {  	s3 =	sld [smem:$0x3FDB];
	s0 =	simm.s32 @p2 $0x1  }
0x17: {  	s4 =	simm.s32 $0x1BF5;
	[smem:$0x3FAF] =	sst s0  }
0x18: {  	s0 =	sld [smem:$0x3F92];
	_ =	swait.ge [sflag:s4], $0x0  }
0x19: {  	s7 =	sld [smem:$0x3F93]  }
0x1a: {  	s8 =	sadd.s32 $0xFFFFE003, lr  }
0x1b: {  	s9 =	sadd.s32 $0xFFFFFEF7, lr;
	s5 =	simm.s32 $0xFFFFFFFF;
	p2 =	slt.u32 s8, $0xFFFFF086  }
0x1c: {  	p1 =	slt.u32 s9, $0xF7A;
	s5 =	simm.s32 @!p2 $0x0  }
0x1d: {  	s5 =	simm.s32 @p1 $0x1;
	p0 =	seq.s32 s7, s2  }
0x1e: {  	s7 =	smul.u32 @!p0 $0xF7A, s2;
	p2 =	seq.s32 @!p0 s5, $0x0  }
0x1f: {  	s9 =	smul.u32 $0xF7A, s1;
	s8 =	simm.s32 @!p0 $0x1BF5;
	p2 =	por !p2, p0  }
0x20: {  	[sflag:s8] =	ssyncset.s32 @!p0 $0xFFFFF086;
	s6 =	sadd.s32 @!p0 s3, s7;
	s7 =	simm.s32 @!p0 $0x108  }
0x21: {  	s3 =	sadd.s32 s3, s9;
	s6 =	sadd.s32 @!p0 $0x88, s6;
	s7 =	simm.s32 @p2 $0x1082  }
0x22: {  	[simem:s7], [sflag:s8] =	dma.local @!p0 [hbm:s6], $0xF7A  }
0x23: {  	s9 =	sor.u32 $0xD0000000, s2;
	s6 =	simm.s32 $0x108;
	_ =	swait.ge @!p0 [sflag:s8], $0x0  }
0x24: {  	s3 =	sadd.s32 $0x88, s3;
	s6 =	simm.s32 @!p1 $0x1082;
	[sflag:s4] =	ssyncset.s32 $0xFFFFF086  }
0x25: {  	[simem:s6], [sflag:s4] =	dma.local [hbm:s3], $0xF7A  }
0x26: {  	[smem:$0x3F93] =	sst s1;
	(tag) =	ssettag s2;
	_ =	strace s9  }
0x27: {  	s1 =	sld [smem:$0x3FA3]  }
0x28: {  	s2 =	sld [smem:$0x3FA4]  }
0x29: {  	s4 =	sld [smem:$0x3FA6]  }
0x2a: {  	p0 =	seq.s32 s5, $0x0;
	s5 =	sld [smem:$0x3FA7]  }
0x2b: {  	s6 =	sld [smem:$0x3FA8]  }
0x2c: {  	s7 =	sld [smem:$0x3FA9]  }
0x2d: {  	s3 =	simm.s32 $0x108;
	s8 =	sld [smem:$0x3FAA]  }
0x2e: {  	s3 =	simm.s32 @!p0 $0x1082;
	s9 =	sld [smem:$0x3FAB]  }
0x2f: {  	lr =	sadd.s32 s0, s3;
	s0 =	sld [smem:$0x3FA2]  }
0x30: {  	s3 =	sld [smem:$0x3FA5]  }
0x31: {  	[smem:$0x3FAE] =	sst s10  }
0x32: {  	s10 =	sld [smem:$0x3FAC];
	_ =	sdelay $0x3  }
0x33: {  	p0 =	seq.s32 s10, $0x1;
	s10 =	sld [smem:$0x3FAE];
	_ =	sdelay $0x3  }
0x34: {  	[smem:$0x3FAE] =	sst s10  }
0x35: {  	s10 =	sld [smem:$0x3FAD];
	_ =	sdelay $0x3  }
0x36: {  	p1 =	seq.s32 s10, $0x1;
	s10 =	sld [smem:$0x3FAE];
	_ =	sdelay $0x3  }
0x37: {  	[smem:$0x3FAE] =	sst s10  }
0x38: {  	s10 =	sld [smem:$0x3FAF]  }
0x39: {  	_ = 	snop;
	(pc) =	sbr.ind lr, $3  }
0x3a: {  	_ = 	snop  }
0x3b: {  	_ = 	snop  }
0x3c: {  	p2 =	seq.s32 s10, $0x1;
	s10 =	sld [smem:$0x3FAE]  }
0x3d: {  	_ =	shalt  }
0x3e: {  	_ =	shalt  }
0x3f: {  	_ =	shalt  }
0x40: {  	_ =	shalt  }
0x41: {  	_ =	shalt  }
0x42: {  	_ =	shalt  }
0x43: {  	_ =	shalt  }
0x44: {  	_ =	shalt  }
0x45: {  	_ =	shalt  }
0x46: {  	_ =	shalt  }
0x47: {  	_ =	shalt  }
0x48: {  	_ =	shalt  }
0x49: {  	_ =	shalt  }
0x4a: {  	_ =	shalt  }
0x4b: {  	_ =	shalt  }
0x4c: {  	_ =	shalt  }
0x4d: {  	_ =	shalt  }
0x4e: {  	_ =	shalt  }
0x4f: {  	_ =	shalt  }
0x50: {  	_ =	shalt  }
0x51: {  	_ =	shalt  }
0x52: {  	_ =	shalt  }
0x53: {  	_ =	shalt  }
0x54: {  	_ =	shalt  }
0x55: {  	_ =	shalt  }
0x56: {  	_ =	shalt  }
0x57: {  	_ =	shalt  }
0x58: {  	_ =	shalt  }
0x59: {  	_ =	shalt  }
0x5a: {  	_ =	shalt  }
0x5b: {  	_ =	shalt  }
0x5c: {  	_ =	shalt  }
0x5d: {  	_ =	shalt  }
0x5e: {  	_ =	shalt  }
0x5f: {  	_ =	shalt  }
0x60: {  	_ =	shalt  }
0x61: {  	_ =	shalt  }
0x62: {  	_ =	shalt  }
0x63: {  	_ =	shalt  }
0x64: {  	_ =	shalt  }
0x65: {  	_ =	shalt  }
0x66: {  	_ =	shalt  }
0x67: {  	_ =	shalt  }
0x68: {  	_ =	shalt  }
0x69: {  	_ =	shalt  }
0x6a: {  	_ =	shalt  }
0x6b: {  	_ =	shalt  }
0x6c: {  	_ =	shalt  }
0x6d: {  	_ =	shalt  }
0x6e: {  	_ =	shalt  }
0x6f: {  	_ =	shalt  }
0x70: {  	_ =	shalt  }
0x71: {  	_ =	shalt  }
0x72: {  	_ =	shalt  }
0x73: {  	_ =	shalt  }
0x74: {  	_ =	shalt  }
0x75: {  	_ =	shalt  }
0x76: {  	_ =	shalt  }
0x77: {  	_ =	shalt  }
0x78: {  	_ =	shalt  }
0x79: {  	_ =	shalt  }
0x7a: {  	_ =	shalt  }
0x7b: {  	_ =	shalt  }
0x7c: {  	_ =	shalt  }
0x7d: {  	_ =	shalt  }
0x7e: {  	_ =	shalt  }
0x7f: {  	_ =	shalt  }
0x80: {  	_ =	shalt  }
0x81: {  	_ =	shalt  }
0x82: {  	_ =	shalt  }
0x83: {  	_ =	shalt  }
0x84: {  	_ =	shalt  }
0x85: {  	_ =	shalt  }
0x86: {  	_ =	shalt  }
0x87: {  	_ =	shalt  }
.Lfunc_end0:
.L_simem_size_0:
called_computation.3_lowered:
.L_overlay_start_0:
0x88: {  	s2 =	sld [smem:$0x3FD9]  }
0x89: {  	s3 =	sld [smem:$0x3FFE];
	_ =	sdelay $0x1  }
0x8a: {  	s1 =	srdreg.scid  }
0x8b: {  	s0 =	sand.u32 $0x1, s1  }
0x8c: {  	s17 =	sshll.u32 s0, $0xA;
	s2 =	sadd.s32 s3, s2  }
0x8d: {  	s2 =	sadd.s32 s2, s17  }
0x8e: {  	[smem:$0x3FBA] =	sst s2  }
0x8f: {  	_ = 	snop  }
0x90: {  	s2 =	sld [smem:$0x3FD0];
	(tm) =	ssettm $0x1  }
0x91: {  	s18 =	sld [smem:$0x3FFB];
	_ =	sdelay $0x3  }
0x92: {  	_ =	strace s18  }
0x93: {  	s3 =	sld [smem:$0x3FFC];
	_ =	sdelay $0x3  }
0x94: {  	_ =	strace s3  }
0x95: {  	s3 =	sld [smem:$0x3FFD];
	_ =	sdelay $0x3  }
0x96: {  	_ =	strace s3  }
0x97: {  	_ =	strace $0x8FFFFFFF  }
0x98: {  	s19 =	sld [smem:$0x3FDB];
	_ =	sdelay $0x1  }
0x99: {  	s4 =	simm.s32 $_scs_section_size  }
0x9a: {  	s5 =	simm.s32 $_size__tile_overlayer_lowered;
	s6 =	simm.s32 $_tile_overlayer_lowered  }
0x9b: {  	s22 =	simm.s32 $0x1BFF;
	s21 =	sshll.u32 s6, $0x1;
	s3 =	sadd.s32 s4, s19  }
0x9c: {  	s7 =	simm.s32 $0x0;
	s20 =	sshll.u32 s5, $0x1;
	s5 =	sadd.s32 s21, s3  }
0x9d: {  	[timem:s7], [sflag:s22] =	dma.local [hbm:s5], s20  }
0x9e: {  	_ =	swait.ge [sflag:s22], s20  }
0x9f: {  	s4 =	ssub.s32 $0x0, s20;
	[sflag:s22] =	ssyncset.done $0x0  }
0xa0: {  	[sflag:s22] =	ssyncadd.s32 s4;
	_ =	sdelay $0x1  }
0xa1: {  	s23 =	simm.s32 $0x1B8B  }
0xa2: {  	_ =	swait.ge [sflag:s23], $0x1  }
0xa3: {  	[sflag:s23] =	ssyncset.done $0x0  }
0xa4: {  	s25 =	simm.s32 $0x1B8E;
	s24 =	sld [smem:$0x3FFE];
	[sflag:s23] =	ssyncadd.s32 $0xFFFFFFFF  }
0xa5: {  	s26 =	simm.s32 $execute0_lowered;
	[smem:$0x3FD2] =	sst s25  }
0xa6: {  	s5 =	sshll.u32 s26, $0x1;
	_ =	strace $0x8000004F;
	[dreg:$0x1] =	wrdreg $0xFFFFFFFF  }
0xa7: {  	s28 =	simm.s32 $_size_execute0_lowered;
	s3 =	sadd.s32 s3, s5;
	[dreg:$0x0] =	wrdreg $0x0  }
0xa8: {  	s5 =	sshll.u32 s28, $0x1;
	[dreg:$0x2] =	wrdreg s3  }
0xa9: {  	[dreg:$0x3] =	wrdreg s5  }
0xaa: {  	[dreg:$0x4] =	wrdreg $0xC0  }
0xab: {  	_ =	task [dreg:s7], $0x5FFFF  }
0xac: {  	[dreg:$0x1] =	wrdreg $0xFFFFFFFF  }
0xad: {  	[dreg:$0x0] =	wrdreg $0x60  }
0xae: {  	[dreg:$0x2] =	wrdreg s24  }
0xaf: {  	[dreg:$0x3] =	wrdreg s2  }
0xb0: {  	[dreg:$0x4] =	wrdreg $0x0  }
0xb1: {  	[dreg:$0x5] =	wrdreg $0x9  }
0xb2: {  	_ =	task.clear_ibuf [dreg:s7], $0x6FFFF;
	_ =	strace $0x9000004F  }
0xb3: {  	s29 =	simm.s32 $0x9;
	_ =	strace $0x80000051  }
0xb4: {  	_ =	swait.ge [sflag:s29], $0x1  }
0xb5: {  	[sflag:s29] =	ssyncadd.s32 $0xFFFFFFFF  }
0xb6: {  	_ =	strace $0x90000051  }
0xb7: {  	_ =	sfence  }
0xb8: {  	s30 =	sld [smem:$0x0];
	_ =	sdelay $0x2  }
0xb9: {  	s31 =	sshll.u32 s1, $0xD;
	s1 =	sshrl.u32 s1, $0x2  }
0xba: {  	s3 =	sand.u32 $0x4000, s31;
	s1 =	sadd.s32 s1, s30  }
0xbb: {  	s0 =	sor.u32 s3, s0;
	s1 =	sshll.u32 s1, $0x11  }
0xbc: {  	s0 =	sor.u32 s1, s0  }
0xbd: {  	s0 =	sadd.s32 $0x8F2B, s0  }
0xbe: {  	[sflag:s0] =	ssyncadd.remote.s32 $0x1  }
0xbf: {  	_ =	sfence.sel $0xFFFF  }
0xc0: {  	[dreg:$0x0] =	wrdreg $0xFFFFFFFF;
	(pc) =	sbr.abs _section_cstart, $3  }
0xc1: {  	[dreg:$0x1] =	wrdreg $0xFFFFFFFF  }
0xc2: {  	_ =	task.clear_ibuf [dreg:s7], $0x2FFFF;
	_ =	strace $0x9FFFFFFF  }
0xc3: {  	(tm) =	ssettm $0x7FFFFFFF  }
tec
execute0_lowered:
.L_overlay_start_1:
0x0: {  	(tag) =	ssettag $0x1  }
0x1: {  	s0 =	rddreg [dreg:$0x0]  }
0x2: {  	s1 =	rddreg [dreg:$0x1]  }
0x3: {  	s2 =	rddreg [dreg:$0x2];
	s3 =	simm.s32 $0x0;
	s12 =	stileid.u32  }
0x4: {  	s4 =	srdreg.scid;
	s30 =	simm.s32 $0x16800;
	s6 =	smul.u32 $0x280, s12  }
0x5: {  	s31 =	simm.s32 $0x2;
	[smem:$0x7FF] =	sst s3;
	s26 =	smul.u32 $0x50000, s12  }
0x6: {  	s5 =	sand.u32 $0x1, s4;
	s4 =	sadd.s32 $0x71C00, s0;
	s12 =	smul.u32 $0x5000, s12  }
0x7: {  	s9 =	sadd.s32 $0x3800, s0;
	s7 =	smul.u32 $0x2800, s5;
	s8 =	ssub.s32 $0x2, s5  }
0x8: {  	s0 =	sadd.s32 $0xC1C00, s0;
	s5 =	smul.u32 $0x50000, s5;
	s10 =	sshrl.u32 s8, $0x1  }
0x9: {  	_ =	strace $0x80000050;
	s6 =	sadd.s32 s6, s7;
	s10 =	ssub.s32 s8, s10  }
0xa: {  	s7 =	sshrl.u32 s26, $0x2;
	s5 =	sadd.s32 s12, s5;
	s11 =	sshll.u32 s6, $0x4  }
0xb: {  	s6 =	sadd.s32 s7, s2;
	s5 =	sshrl.u32 s5, $0x3;
	s7 =	simm.s32 $0x1  }
0xc: {  	s13 =	sadd.s32 $0x800, s11;
	s16 =	sadd.s32 s4, s11;
	s8 =	sadd.s32 $0x4000, s6  }
0xd: {  	s21 =	sadd.s32 $0x1000, s11;
	s22 =	sadd.s32 $0x1800, s11;
	s20 =	sadd.s32 s1, s5  }
0xe: {  	s14 =	sadd.s32 $0x280, s5;
	s23 =	sadd.s32 s9, s5;
	[dreg:$0x4] =	wrdreg s16  }
0xf: {  	s26 =	sadd.s32 $0x2000, s11;
	s28 =	sadd.s32 $0xC000, s6;
	[dreg:$0x8] =	wrdreg s20  }
0x10: {  	s29 =	sadd.s32 $0x10000, s6;
	s17 =	sadd.s32 s4, s13;
	[dreg:$0x9] =	wrdreg s23  }
0x11: {  	s18 =	sadd.s32 s4, s21;
	s19 =	sadd.s32 s4, s22;
	[dreg:$0x5] =	wrdreg s17  }
0x12: {  	s24 =	sadd.s32 s1, s14;
	s16 =	sadd.s32 $0x500, s5;
	[dreg:$0x6] =	wrdreg s18  }
0x13: {  	s25 =	sadd.s32 s9, s14;
	s5 =	sadd.s32 $0x780, s5;
	[dreg:$0x7] =	wrdreg s19  }
0x14: {  	s20 =	sadd.s32 s0, s13;
	s21 =	sadd.s32 s0, s21;
	[dreg:$0xa] =	wrdreg s24  }
0x15: {  	s22 =	sadd.s32 s0, s22;
	s23 =	sadd.s32 s0, s26;
	[dreg:$0xb] =	wrdreg s25  }
0x16: {  	s15 =	sadd.s32 s1, s16;
	s16 =	sadd.s32 s9, s16;
	s17 =	sadd.s32 s1, s5  }
0x17: {  	s18 =	sadd.s32 s9, s5;
	s19 =	sadd.s32 s0, s11;
	s24 =	sadd.s32 s4, s26  }
0x18: {  	s25 =	smax.u32 s10, $0x1;
	s26 =	sadd.s32 $0x8000, s6;
	s0 =	simm.s32 $0x14000  }
0x19: {  	s1 =	simm.s32 $0x15400;
	s5 =	simm.s32 $0x80;
	s9 =	simm.s32 $0x0  }
.LBB2_1:
0x1a: {  	s10 =	rddreg [dreg:$0x4]  }
0x1b: {  	[tilespmem:s30], [sflag:$0x2] =	stream.linear.gather [hbm4b:s10+s3], $0x4000, $0x38;
	[tilespmem:$0x1A800] =	vst v63  }
0x1c: {  	_ =	swait.ge [sflag:s31], $0x4000  }
0x1d: {  	[sflag:s31] =	ssyncset.done $0x0  }
0x1e: {  	[sflag:s31] =	ssyncadd.s32 $0xFFFFC000  }
0x1f: {  	[spmem:s6] =	stream.linear.scatter [tilespmem:s30], [sflag:$0x2], $0x4000, $0x38;
	[tilespmem:$0x1A800] =	vst v63  }
0x20: {  	_ =	swait.ge [sflag:s31], $0x4000  }
0x21: {  	[sflag:s31] =	ssyncset.done $0x0  }
0x22: {  	s12 =	rddreg [dreg:$0x5];
	[sflag:s31] =	ssyncadd.s32 $0xFFFFC000  }
0x23: {  	[tilespmem:s30], [sflag:$0x2] =	stream.linear.gather [hbm4b:s12+s3], $0x4000, $0x38;
	[tilespmem:$0x1A800] =	vst v63  }
0x24: {  	_ =	swait.ge [sflag:s31], $0x4000  }
0x25: {  	[sflag:s31] =	ssyncset.done $0x0  }
0x26: {  	[sflag:s31] =	ssyncadd.s32 $0xFFFFC000  }
0x27: {  	[spmem:s8] =	stream.linear.scatter [tilespmem:s30], [sflag:$0x2], $0x4000, $0x38;
	[tilespmem:$0x1A800] =	vst v63  }
0x28: {  	_ =	swait.ge [sflag:s31], $0x4000  }
0x29: {  	[sflag:s31] =	ssyncset.done $0x0  }
0x2a: {  	s13 =	rddreg [dreg:$0x6];
	[sflag:s31] =	ssyncadd.s32 $0xFFFFC000  }
0x2b: {  	[tilespmem:s30], [sflag:$0x2] =	stream.linear.gather [hbm4b:s13+s3], $0x4000, $0x38;
	[tilespmem:$0x1A800] =	vst v63  }
0x2c: {  	_ =	swait.ge [sflag:s31], $0x4000  }
0x2d: {  	[sflag:s31] =	ssyncset.done $0x0  }
0x2e: {  	[sflag:s31] =	ssyncadd.s32 $0xFFFFC000  }
0x2f: {  	[spmem:s26] =	stream.linear.scatter [tilespmem:s30], [sflag:$0x2], $0x4000, $0x38;
	[tilespmem:$0x1A800] =	vst v63  }
0x30: {  	_ =	swait.ge [sflag:s31], $0x4000  }
0x31: {  	[sflag:s31] =	ssyncset.done $0x0  }
0x32: {  	s14 =	rddreg [dreg:$0x7];
	[sflag:s31] =	ssyncadd.s32 $0xFFFFC000  }
0x33: {  	[tilespmem:s30], [sflag:$0x2] =	stream.linear.gather [hbm4b:s14+s3], $0x4000, $0x38;
	[tilespmem:$0x1A800] =	vst v63  }
0x34: {  	_ =	swait.ge [sflag:s31], $0x4000  }
0x35: {  	[sflag:s31] =	ssyncset.done $0x0  }
0x36: {  	[sflag:s31] =	ssyncadd.s32 $0xFFFFC000  }
0x37: {  	[spmem:s28] =	stream.linear.scatter [tilespmem:s30], [sflag:$0x2], $0x4000, $0x38;
	[tilespmem:$0x1A800] =	vst v63  }
0x38: {  	_ =	swait.ge [sflag:s31], $0x4000  }
0x39: {  	[sflag:s31] =	ssyncset.done $0x0  }
0x3a: {  	[sflag:s31] =	ssyncadd.s32 $0xFFFFC000  }
0x3b: {  	[tilespmem:s30], [sflag:$0x2] =	stream.linear.gather [hbm4b:s24+s3], $0x4000, $0x38;
	[tilespmem:$0x1A800] =	vst v63  }
0x3c: {  	_ =	swait.ge [sflag:s31], $0x4000  }
0x3d: {  	[sflag:s31] =	ssyncset.done $0x0  }
0x3e: {  	[sflag:s31] =	ssyncadd.s32 $0xFFFFC000  }
0x3f: {  	[spmem:s29] =	stream.linear.scatter [tilespmem:s30], [sflag:$0x2], $0x4000, $0x38;
	[tilespmem:$0x1A800] =	vst v63  }
0x40: {  	_ =	swait.ge [sflag:s31], $0x4000  }
0x41: {  	[sflag:s31] =	ssyncset.done $0x0  }
0x42: {  	[sflag:s31] =	ssyncadd.s32 $0xFFFFC000  }
0x43: {  	[bflag:$0x0] =	sbarrier.arrive $0xFFFF  }
0x44: {  	s11 =	rddreg [dreg:$0x8]  }
0x45: {  	[tilespmem:s0], [sflag:$0x2] =	stream.linear.gather [hbm4b:s11+s3], $0x1400, $0x38;
	[tilespmem:$0x1A800] =	vst v63  }
0x46: {  	_ =	swait.ge [sflag:s31], $0x1400  }
0x47: {  	[sflag:s31] =	ssyncset.done $0x0  }
0x48: {  	s12 =	rddreg [dreg:$0x9];
	[sflag:s31] =	ssyncadd.s32 $0xFFFFEC00  }
0x49: {  	[tilespmem:s1], [sflag:$0x2] =	stream.linear.gather [hbm4b:s12+s3], $0x1400, $0x38;
	[tilespmem:$0x1A800] =	vst v63  }
0x4a: {  	_ =	swait.ge [sflag:s31], $0x1400  }
0x4b: {  	[sflag:s31] =	ssyncset.done $0x0  }
0x4c: {  	s13 =	simm.s32 $0x14000;
	[sflag:s31] =	ssyncadd.s32 $0xFFFFEC00  }
0x4d: {  	[tilespmem:s30], [sflag:$0x1] =	stream.indirect.gather [hbm4b:s4+s5], $0x80, s13, s5, $0xb8;
	[tilespmem:$0x1A800] =	vst v63  }
0x4e: {  	_ =	swait.ge [sflag:s7], $0x4000  }
0x4f: {  	[sflag:s7] =	ssyncset.done $0x0  }
0x50: {  	s14 =	simm.s32 $0x15400;
	[sflag:s7] =	ssyncadd.s32 $0xFFFFC000  }
0x51: {  	[spmem:s2] =	stream.indirect.scatter.add.f32 [tilespmem:s30], [sflag:$0x2], $0x80, s14, s5, $0xb8;
	[tilespmem:$0x1A800] =	vst v63  }
0x52: {  	_ =	swait.ge [sflag:s31], $0x4000  }
0x53: {  	s10 =	simm.s32 $0x80;
	s11 =	simm.s32 $0x400;
	[sflag:s31] =	ssyncset.done $0x0  }
.LBB2_2:
0x54: {  	s12 =	sadd.s32 $0x14000, s10  }
0x55: {  	[sflag:s31] =	ssyncadd.s32 $0xFFFFC000;
	s13 =	smov.u32 s11;
	s14 =	sadd.s32 $0x200, s11  }
0x56: {  	[tilespmem:s30], [sflag:$0x1] =	stream.indirect.gather [hbm4b:s4+s5], $0x80, s12, s5, $0xb8;
	[tilespmem:$0x1A800] =	vst v63  }
0x57: {  	p0 =	sne.s32 s11, $0x4E00;
	_ =	swait.ge [sflag:s7], $0x4000  }
.Ltmp0:
0x58: {  	[sflag:s7] =	ssyncset.done $0x0;
	(pc) =	sbr.rel @p0 .LBB2_2-.Ltmp0, $4  }
0x59: {  	s10 =	sadd.s32 $0x15400, s10;
	[sflag:s7] =	ssyncadd.s32 $0xFFFFC000  }
0x5a: {  	[spmem:s2] =	stream.indirect.scatter.add.f32 [tilespmem:s30], [sflag:$0x2], $0x80, s10, s5, $0xb8;
	[tilespmem:$0x1A800] =	vst v63  }
0x5b: {  	_ =	swait.ge [sflag:s31], $0x4000  }
0x5c: {  	s11 =	smov.u32 s14;
	s10 =	sshra.s32 s13, $0x2;
	[sflag:s31] =	ssyncset.done $0x0  }
0x5d: {  	s11 =	sadd.s32 $0x14000, s10;
	[sflag:s31] =	ssyncadd.s32 $0xFFFFC000  }
0x5e: {  	[tilespmem:s30], [sflag:$0x1] =	stream.indirect.gather [hbm4b:s4+s5], $0x80, s11, s5, $0xb8;
	[tilespmem:$0x1A800] =	vst v63  }
0x5f: {  	_ =	swait.ge [sflag:s7], $0x4000  }
0x60: {  	[sflag:s7] =	ssyncset.done $0x0  }
0x61: {  	s12 =	sadd.s32 $0x15400, s10;
	[sflag:s7] =	ssyncadd.s32 $0xFFFFC000  }
0x62: {  	[spmem:s2] =	stream.indirect.scatter.add.f32 [tilespmem:s30], [sflag:$0x2], $0x80, s12, s5, $0xb8;
	[tilespmem:$0x1A800] =	vst v63  }
0x63: {  	_ =	swait.ge [sflag:s31], $0x4000  }
0x64: {  	[sflag:s31] =	ssyncset.done $0x0  }
0x65: {  	s13 =	simm.s32 $0x0;
	s14 =	rddreg [dreg:$0xa];
	[sflag:s31] =	ssyncadd.s32 $0xFFFFC000  }
0x66: {  	[tilespmem:s0], [sflag:$0x2] =	stream.linear.gather [hbm4b:s14+s13], $0x1400, $0x38;
	[tilespmem:$0x1A800] =	vst v63  }
0x67: {  	_ =	swait.ge [sflag:s31], $0x1400  }
0x68: {  	[sflag:s31] =	ssyncset.done $0x0  }
0x69: {  	s12 =	rddreg [dreg:$0xb];
	[sflag:s31] =	ssyncadd.s32 $0xFFFFEC00  }
0x6a: {  	[tilespmem:s1], [sflag:$0x2] =	stream.linear.gather [hbm4b:s12+s13], $0x1400, $0x38;
	[tilespmem:$0x1A800] =	vst v63  }
0x6b: {  	_ =	swait.ge [sflag:s31], $0x1400  }
0x6c: {  	[sflag:s31] =	ssyncset.done $0x0  }
0x6d: {  	s13 =	simm.s32 $0x14000;
	[sflag:s31] =	ssyncadd.s32 $0xFFFFEC00  }
0x6e: {  	[tilespmem:s30], [sflag:$0x1] =	stream.indirect.gather [hbm4b:s4+s5], $0x80, s13, s5, $0xb8;
	[tilespmem:$0x1A800] =	vst v63  }
0x6f: {  	_ =	swait.ge [sflag:s7], $0x4000  }
0x70: {  	[sflag:s7] =	ssyncset.done $0x0  }
0x71: {  	s14 =	simm.s32 $0x15400;
	[sflag:s7] =	ssyncadd.s32 $0xFFFFC000  }
0x72: {  	[spmem:s2] =	stream.indirect.scatter.add.f32 [tilespmem:s30], [sflag:$0x2], $0x80, s14, s5, $0xb8;
	[tilespmem:$0x1A800] =	vst v63  }
0x73: {  	_ =	swait.ge [sflag:s31], $0x4000  }
0x74: {  	s10 =	simm.s32 $0x80;
	s11 =	simm.s32 $0x400;
	[sflag:s31] =	ssyncset.done $0x0  }
.LBB2_4:
0x75: {  	s12 =	sadd.s32 $0x14000, s10  }
0x76: {  	[sflag:s31] =	ssyncadd.s32 $0xFFFFC000;
	s13 =	smov.u32 s11;
	s14 =	sadd.s32 $0x200, s11  }
0x77: {  	[tilespmem:s30], [sflag:$0x1] =	stream.indirect.gather [hbm4b:s4+s5], $0x80, s12, s5, $0xb8;
	[tilespmem:$0x1A800] =	vst v63  }
0x78: {  	p0 =	sne.s32 s11, $0x4E00;
	_ =	swait.ge [sflag:s7], $0x4000  }
.Ltmp1:
0x79: {  	[sflag:s7] =	ssyncset.done $0x0;
	(pc) =	sbr.rel @p0 .LBB2_4-.Ltmp1, $4  }
0x7a: {  	s10 =	sadd.s32 $0x15400, s10;
	[sflag:s7] =	ssyncadd.s32 $0xFFFFC000  }
0x7b: {  	[spmem:s2] =	stream.indirect.scatter.add.f32 [tilespmem:s30], [sflag:$0x2], $0x80, s10, s5, $0xb8;
	[tilespmem:$0x1A800] =	vst v63  }
0x7c: {  	_ =	swait.ge [sflag:s31], $0x4000  }
0x7d: {  	s11 =	smov.u32 s14;
	s10 =	sshra.s32 s13, $0x2;
	[sflag:s31] =	ssyncset.done $0x0  }
0x7e: {  	s11 =	sadd.s32 $0x14000, s10;
	[sflag:s31] =	ssyncadd.s32 $0xFFFFC000  }
0x7f: {  	[tilespmem:s30], [sflag:$0x1] =	stream.indirect.gather [hbm4b:s4+s5], $0x80, s11, s5, $0xb8;
	[tilespmem:$0x1A800] =	vst v63  }
0x80: {  	_ =	swait.ge [sflag:s7], $0x4000  }
0x81: {  	[sflag:s7] =	ssyncset.done $0x0  }
0x82: {  	s11 =	sadd.s32 $0x15400, s10;
	[sflag:s7] =	ssyncadd.s32 $0xFFFFC000  }
0x83: {  	[spmem:s2] =	stream.indirect.scatter.add.f32 [tilespmem:s30], [sflag:$0x2], $0x80, s11, s5, $0xb8;
	[tilespmem:$0x1A800] =	vst v63  }
0x84: {  	_ =	swait.ge [sflag:s31], $0x4000  }
0x85: {  	[sflag:s31] =	ssyncset.done $0x0  }
0x86: {  	s12 =	simm.s32 $0x0;
	[sflag:s31] =	ssyncadd.s32 $0xFFFFC000  }
0x87: {  	[tilespmem:s0], [sflag:$0x2] =	stream.linear.gather [hbm4b:s15+s12], $0x1400, $0x38;
	[tilespmem:$0x1A800] =	vst v63  }
0x88: {  	_ =	swait.ge [sflag:s31], $0x1400  }
0x89: {  	[sflag:s31] =	ssyncset.done $0x0  }
0x8a: {  	[sflag:s31] =	ssyncadd.s32 $0xFFFFEC00  }
0x8b: {  	[tilespmem:s1], [sflag:$0x2] =	stream.linear.gather [hbm4b:s16+s12], $0x1400, $0x38;
	[tilespmem:$0x1A800] =	vst v63  }
0x8c: {  	_ =	swait.ge [sflag:s31], $0x1400  }
0x8d: {  	[sflag:s31] =	ssyncset.done $0x0  }
0x8e: {  	s13 =	simm.s32 $0x14000;
	[sflag:s31] =	ssyncadd.s32 $0xFFFFEC00  }
0x8f: {  	[tilespmem:s30], [sflag:$0x1] =	stream.indirect.gather [hbm4b:s4+s5], $0x80, s13, s5, $0xb8;
	[tilespmem:$0x1A800] =	vst v63  }
0x90: {  	_ =	swait.ge [sflag:s7], $0x4000  }
0x91: {  	[sflag:s7] =	ssyncset.done $0x0  }
0x92: {  	s14 =	simm.s32 $0x15400;
	[sflag:s7] =	ssyncadd.s32 $0xFFFFC000  }
0x93: {  	[spmem:s2] =	stream.indirect.scatter.add.f32 [tilespmem:s30], [sflag:$0x2], $0x80, s14, s5, $0xb8;
	[tilespmem:$0x1A800] =	vst v63  }
0x94: {  	_ =	swait.ge [sflag:s31], $0x4000  }
0x95: {  	s10 =	simm.s32 $0x80;
	s11 =	simm.s32 $0x400;
	[sflag:s31] =	ssyncset.done $0x0  }
.LBB2_6:
0x96: {  	s12 =	sadd.s32 $0x14000, s10  }
0x97: {  	[sflag:s31] =	ssyncadd.s32 $0xFFFFC000;
	s13 =	smov.u32 s11;
	s14 =	sadd.s32 $0x200, s11  }
0x98: {  	[tilespmem:s30], [sflag:$0x1] =	stream.indirect.gather [hbm4b:s4+s5], $0x80, s12, s5, $0xb8;
	[tilespmem:$0x1A800] =	vst v63  }
0x99: {  	p0 =	sne.s32 s11, $0x4E00;
	_ =	swait.ge [sflag:s7], $0x4000  }
.Ltmp2:
0x9a: {  	[sflag:s7] =	ssyncset.done $0x0;
	(pc) =	sbr.rel @p0 .LBB2_6-.Ltmp2, $4  }
0x9b: {  	s10 =	sadd.s32 $0x15400, s10;
	[sflag:s7] =	ssyncadd.s32 $0xFFFFC000  }
0x9c: {  	[spmem:s2] =	stream.indirect.scatter.add.f32 [tilespmem:s30], [sflag:$0x2], $0x80, s10, s5, $0xb8;
	[tilespmem:$0x1A800] =	vst v63  }
0x9d: {  	_ =	swait.ge [sflag:s31], $0x4000  }
0x9e: {  	s11 =	smov.u32 s14;
	s10 =	sshra.s32 s13, $0x2;
	[sflag:s31] =	ssyncset.done $0x0  }
0x9f: {  	s11 =	sadd.s32 $0x14000, s10;
	[sflag:s31] =	ssyncadd.s32 $0xFFFFC000  }
0xa0: {  	[tilespmem:s30], [sflag:$0x1] =	stream.indirect.gather [hbm4b:s4+s5], $0x80, s11, s5, $0xb8;
	[tilespmem:$0x1A800] =	vst v63  }
0xa1: {  	_ =	swait.ge [sflag:s7], $0x4000  }
0xa2: {  	[sflag:s7] =	ssyncset.done $0x0  }
0xa3: {  	s11 =	sadd.s32 $0x15400, s10;
	[sflag:s7] =	ssyncadd.s32 $0xFFFFC000  }
0xa4: {  	[spmem:s2] =	stream.indirect.scatter.add.f32 [tilespmem:s30], [sflag:$0x2], $0x80, s11, s5, $0xb8;
	[tilespmem:$0x1A800] =	vst v63  }
0xa5: {  	_ =	swait.ge [sflag:s31], $0x4000  }
0xa6: {  	[sflag:s31] =	ssyncset.done $0x0  }
0xa7: {  	s12 =	simm.s32 $0x0;
	[sflag:s31] =	ssyncadd.s32 $0xFFFFC000  }
0xa8: {  	[tilespmem:s0], [sflag:$0x2] =	stream.linear.gather [hbm4b:s17+s12], $0x1400, $0x38;
	[tilespmem:$0x1A800] =	vst v63  }
0xa9: {  	_ =	swait.ge [sflag:s31], $0x1400  }
0xaa: {  	[sflag:s31] =	ssyncset.done $0x0  }
0xab: {  	[sflag:s31] =	ssyncadd.s32 $0xFFFFEC00  }
0xac: {  	[tilespmem:s1], [sflag:$0x2] =	stream.linear.gather [hbm4b:s18+s12], $0x1400, $0x38;
	[tilespmem:$0x1A800] =	vst v63  }
0xad: {  	_ =	swait.ge [sflag:s31], $0x1400  }
0xae: {  	[sflag:s31] =	ssyncset.done $0x0  }
0xaf: {  	s13 =	simm.s32 $0x14000;
	[sflag:s31] =	ssyncadd.s32 $0xFFFFEC00  }
0xb0: {  	[tilespmem:s30], [sflag:$0x1] =	stream.indirect.gather [hbm4b:s4+s5], $0x80, s13, s5, $0xb8;
	[tilespmem:$0x1A800] =	vst v63  }
0xb1: {  	_ =	swait.ge [sflag:s7], $0x4000  }
0xb2: {  	[sflag:s7] =	ssyncset.done $0x0  }
0xb3: {  	s14 =	simm.s32 $0x15400;
	[sflag:s7] =	ssyncadd.s32 $0xFFFFC000  }
0xb4: {  	[spmem:s2] =	stream.indirect.scatter.add.f32 [tilespmem:s30], [sflag:$0x2], $0x80, s14, s5, $0xb8;
	[tilespmem:$0x1A800] =	vst v63  }
0xb5: {  	_ =	swait.ge [sflag:s31], $0x4000  }
0xb6: {  	s10 =	simm.s32 $0x80;
	s11 =	simm.s32 $0x400;
	[sflag:s31] =	ssyncset.done $0x0  }
.LBB2_8:
0xb7: {  	s12 =	sadd.s32 $0x14000, s10  }
0xb8: {  	[sflag:s31] =	ssyncadd.s32 $0xFFFFC000;
	s13 =	smov.u32 s11;
	s14 =	sadd.s32 $0x200, s11  }
0xb9: {  	[tilespmem:s30], [sflag:$0x1] =	stream.indirect.gather [hbm4b:s4+s5], $0x80, s12, s5, $0xb8;
	[tilespmem:$0x1A800] =	vst v63  }
0xba: {  	p0 =	sne.s32 s11, $0x4E00;
	_ =	swait.ge [sflag:s7], $0x4000  }
.Ltmp3:
0xbb: {  	[sflag:s7] =	ssyncset.done $0x0;
	(pc) =	sbr.rel @p0 .LBB2_8-.Ltmp3, $4  }
0xbc: {  	s10 =	sadd.s32 $0x15400, s10;
	[sflag:s7] =	ssyncadd.s32 $0xFFFFC000  }
0xbd: {  	[spmem:s2] =	stream.indirect.scatter.add.f32 [tilespmem:s30], [sflag:$0x2], $0x80, s10, s5, $0xb8;
	[tilespmem:$0x1A800] =	vst v63  }
0xbe: {  	_ =	swait.ge [sflag:s31], $0x4000  }
0xbf: {  	s11 =	smov.u32 s14;
	s10 =	sshra.s32 s13, $0x2;
	[sflag:s31] =	ssyncset.done $0x0  }
0xc0: {  	s11 =	sadd.s32 $0x14000, s10;
	[sflag:s31] =	ssyncadd.s32 $0xFFFFC000  }
0xc1: {  	[tilespmem:s30], [sflag:$0x1] =	stream.indirect.gather [hbm4b:s4+s5], $0x80, s11, s5, $0xb8;
	[tilespmem:$0x1A800] =	vst v63  }
0xc2: {  	_ =	swait.ge [sflag:s7], $0x4000  }
0xc3: {  	[sflag:s7] =	ssyncset.done $0x0  }
0xc4: {  	s14 =	sadd.s32 $0x15400, s10;
	[sflag:s7] =	ssyncadd.s32 $0xFFFFC000  }
0xc5: {  	[spmem:s2] =	stream.indirect.scatter.add.f32 [tilespmem:s30], [sflag:$0x2], $0x80, s14, s5, $0xb8;
	[tilespmem:$0x1A800] =	vst v63  }
0xc6: {  	_ =	swait.ge [sflag:s31], $0x4000  }
0xc7: {  	[sflag:s31] =	ssyncset.done $0x0  }
0xc8: {  	[sflag:s31] =	ssyncadd.s32 $0xFFFFC000  }
0xc9: {  	[bflag:$0x0] =	sbarrier.arrive $0xFFFF  }
0xca: {  	[tilespmem:s30], [sflag:$0x2] =	stream.linear.gather [spmem:s6], $0x4000, $0x38;
	[tilespmem:$0x1A800] =	vst v63  }
0xcb: {  	_ =	swait.ge [sflag:s31], $0x4000  }
0xcc: {  	[sflag:s31] =	ssyncset.done $0x0  }
0xcd: {  	[sflag:s31] =	ssyncadd.s32 $0xFFFFC000  }
0xce: {  	[hbm4b:s19+s3] =	stream.linear.scatter [tilespmem:s30], [sflag:$0x2], $0x4000, $0x38;
	[tilespmem:$0x1A800] =	vst v63  }
0xcf: {  	_ =	swait.ge [sflag:s31], $0x4000  }
0xd0: {  	[sflag:s31] =	ssyncset.done $0x0  }
0xd1: {  	[sflag:s31] =	ssyncadd.s32 $0xFFFFC000  }
0xd2: {  	[tilespmem:s30], [sflag:$0x2] =	stream.linear.gather [spmem:s8], $0x4000, $0x38;
	[tilespmem:$0x1A800] =	vst v63  }
0xd3: {  	_ =	swait.ge [sflag:s31], $0x4000  }
0xd4: {  	[sflag:s31] =	ssyncset.done $0x0  }
0xd5: {  	[sflag:s31] =	ssyncadd.s32 $0xFFFFC000  }
0xd6: {  	[hbm4b:s20+s3] =	stream.linear.scatter [tilespmem:s30], [sflag:$0x2], $0x4000, $0x38;
	[tilespmem:$0x1A800] =	vst v63  }
0xd7: {  	_ =	swait.ge [sflag:s31], $0x4000  }
0xd8: {  	[sflag:s31] =	ssyncset.done $0x0  }
0xd9: {  	[sflag:s31] =	ssyncadd.s32 $0xFFFFC000  }
0xda: {  	[tilespmem:s30], [sflag:$0x2] =	stream.linear.gather [spmem:s26], $0x4000, $0x38;
	[tilespmem:$0x1A800] =	vst v63  }
0xdb: {  	_ =	swait.ge [sflag:s31], $0x4000  }
0xdc: {  	[sflag:s31] =	ssyncset.done $0x0  }
0xdd: {  	[sflag:s31] =	ssyncadd.s32 $0xFFFFC000  }
0xde: {  	[hbm4b:s21+s3] =	stream.linear.scatter [tilespmem:s30], [sflag:$0x2], $0x4000, $0x38;
	[tilespmem:$0x1A800] =	vst v63  }
0xdf: {  	_ =	swait.ge [sflag:s31], $0x4000  }
0xe0: {  	[sflag:s31] =	ssyncset.done $0x0  }
0xe1: {  	[sflag:s31] =	ssyncadd.s32 $0xFFFFC000  }
0xe2: {  	[tilespmem:s30], [sflag:$0x2] =	stream.linear.gather [spmem:s28], $0x4000, $0x38;
	[tilespmem:$0x1A800] =	vst v63  }
0xe3: {  	_ =	swait.ge [sflag:s31], $0x4000  }
0xe4: {  	[sflag:s31] =	ssyncset.done $0x0  }
0xe5: {  	[sflag:s31] =	ssyncadd.s32 $0xFFFFC000  }
0xe6: {  	[hbm4b:s22+s3] =	stream.linear.scatter [tilespmem:s30], [sflag:$0x2], $0x4000, $0x38;
	[tilespmem:$0x1A800] =	vst v63  }
0xe7: {  	_ =	swait.ge [sflag:s31], $0x4000  }
0xe8: {  	[sflag:s31] =	ssyncset.done $0x0  }
0xe9: {  	[sflag:s31] =	ssyncadd.s32 $0xFFFFC000  }
0xea: {  	[tilespmem:s30], [sflag:$0x2] =	stream.linear.gather [spmem:s29], $0x4000, $0x38;
	[tilespmem:$0x1A800] =	vst v63  }
0xeb: {  	s9 =	sadd.s32 $0x1, s9;
	_ =	swait.ge [sflag:s31], $0x4000  }
0xec: {  	p0 =	sne.s32 s9, s25;
	[sflag:s31] =	ssyncset.done $0x0  }
.Ltmp4:
0xed: {  	[sflag:s31] =	ssyncadd.s32 $0xFFFFC000;
	(pc) =	sbr.rel @p0 .LBB2_1-.Ltmp4, $4  }
0xee: {  	[hbm4b:s23+s3] =	stream.linear.scatter [tilespmem:s30], [sflag:$0x2], $0x4000, $0x38;
	[tilespmem:$0x1A800] =	vst v63  }
0xef: {  	_ =	swait.ge [sflag:s31], $0x4000  }
0xf0: {  	[sflag:s31] =	ssyncset.done $0x0  }
0xf1: {  	[sflag:s31] =	ssyncadd.s32 $0xFFFFC000  }
0xf2: {  	_ =	sfence.sel $0x180000  }
0xf3: {  	[bflag:$0x0] =	sbarrier.arrive $0xFFFF  }
0xf4: {  	_ =	strace $0x90000050  }
0xf5: {  	s0 =	stileid.u32;
	[bflag:$0x2] =	sbarrier.arrive $0xFFFF  }
0xf6: {  	p0 =	sne.s32 s0, $0x0;
	s0 =	rddreg [dreg:$0x3]  }
0xf7: {  	s0 =	sadd.s32 @!p0 $0x100000, s0  }
0xf8: {  	[sflag:s0] =	ssyncadd.tile.s32 @!p0 $0x1;
	_ =	shalt  }
.Lfunc_end2:
_tile_overlayer_lowered:
.L_overlay_start_2:
0xf9: {  	(tag) =	ssettag $0x2  }
0xfa: {  	s0 =	rddreg [dreg:$0x0];
	s2 =	stileid.u32  }
0xfb: {  	s1 =	rddreg [dreg:$0x1];
	p0 =	sne.s32 s2, $0x0  }
0xfc: {  	s3 =	rddreg [dreg:$0x2];
	[bflag:$0x3] =	sbarrier.arrive $0xFFFF;
	s2 =	simm.s32 @!p0 $0x1C02  }
0xfd: {  	[timem:s3], [sflag:s2] =	dma.local @!p0 [hbm:s0], s1  }
0xfe: {  	s0 =	simm.s32 @!p0 $0x2  }
0xff: {  	_ =	swait.ge @!p0 [sflag:s0], s1  }
0x100: {  	s1 =	ssub.s32 @!p0 $0x0, s1;
	[sflag:s0] =	ssyncset.done @!p0 $0x0  }
0x101: {  	[sflag:s0] =	ssyncadd.s32 @!p0 s1  }
0x102: {  	[bflag:$0x3] =	sbarrier.arrive $0xFFFF  }
0x103: {  	_ =	shalt  }

</sc_bundles>
